<compile_context>
chip_gen: v7x
topology: tpu7x:2x2x1
jax: 0.10.2.dev20260603
libtpu: 0.0.44.dev20260713+nightly
codegen_flags: <defaults>
</compile_context>

<pallas_src>
import functools
import math

import jax
import jax.numpy as jnp
from jax import lax
from jax.experimental import pallas as pl
from jax.experimental.pallas import tpu as pltpu
from jax.experimental.pallas import tpu_sc as plsc

D_MODEL = 128
SCALE = math.sqrt(float(D_MODEL))

_NC = 2
_NS = 16
_NW = _NC * _NS
_G = 64
_NBUF = 10


def _scale_rows(buf):
    def srow(r, carry):
        for c in range(D_MODEL // 16):
            sl = pl.ds(c * 16, 16)
            buf[r, sl] = buf[r, sl] * SCALE
        return carry
    lax.fori_loop(0, _G, srow, 0)


def _make_lookup(n_rows: int):
    assert n_rows % (_NW * _G) == 0
    per_w = n_rows // _NW
    n_groups = per_w // _G
    assert n_groups % _NBUF == 0
    n_rounds = n_groups // _NBUF
    mesh = plsc.VectorSubcoreMesh(core_axis_name="c", subcore_axis_name="s")

    @functools.partial(
        pl.kernel,
        out_type=jax.ShapeDtypeStruct((n_rows, D_MODEL), jnp.float32),
        mesh=mesh,
        scratch_types=[
            pltpu.VMEM((n_groups, _G), jnp.int32),
            pltpu.VMEM((_NBUF, _G, D_MODEL), jnp.float32),
            pltpu.SemaphoreType.DMA((_NBUF,)),
            pltpu.SemaphoreType.DMA((_NBUF,)),
        ],
    )
    def lookup(table_hbm, idx_hbm, out_hbm, idx_v, rows_v, gsem, osem):
        wid = lax.axis_index("s") * _NC + lax.axis_index("c")
        wbase = wid * per_w
        pltpu.sync_copy(idx_hbm.at[wid, pl.ds(0, 16)], idx_v.at[pl.ds(0, 16)])

        for b in range(_NBUF - 1):
            pltpu.async_copy(table_hbm.at[idx_v.at[b]], rows_v.at[b], gsem.at[b])
        pltpu.sync_copy(
            idx_hbm.at[wid, pl.ds(16, n_groups - 16)],
            idx_v.at[pl.ds(16, n_groups - 16)],
        )

        def round_body(i, carry):
            gbase = i * _NBUF
            for b in range(_NBUF):
                g = gbase + b
                pltpu.make_async_copy(
                    table_hbm.at[idx_v.at[0]], rows_v.at[b], gsem.at[b]
                ).wait()
                _scale_rows(rows_v.at[b])
                pltpu.async_copy(
                    rows_v.at[b], out_hbm.at[pl.ds(wbase + g * _G, _G)], osem.at[b]
                )
                nb = (b - 1) % _NBUF
                ng = g + _NBUF - 1

                @pl.when(ng < n_groups)
                def _issue(nb=nb, ng=ng, g=g):
                    @pl.when(g > 0)
                    def _wait_free():
                        pltpu.make_async_copy(
                            rows_v.at[nb], out_hbm.at[pl.ds(wbase, _G)], osem.at[nb]
                        ).wait()

                    pltpu.async_copy(
                        table_hbm.at[idx_v.at[ng]], rows_v.at[nb], gsem.at[nb]
                    )
            return carry

        lax.fori_loop(0, n_rounds, round_body, 0)
        for b in range(_NBUF):
            pltpu.make_async_copy(
                rows_v.at[b], out_hbm.at[pl.ds(wbase, _G)], osem.at[b]
            ).wait()

    return lookup


def kernel(x, table):
    nb, nt = x.shape
    xt = x.T.reshape(_NW, -1, _G)
    out2d = _make_lookup(x.size)(table, xt)
    return out2d.reshape(nt, nb, D_MODEL).transpose(1, 0, 2)

# --- scband reference (transcript-rebuilt; emitter-appended) ---
"""Pipeline reference for scband-embedding-28123445854784 (READ-ONLY COPY).

The authoritative reference and input builder live on the scoring server;
editing this copy changes nothing except your own understanding.
"""

import jax, jax.numpy as jnp
import numpy as np

VOCAB = 100000
D_MODEL = 128
PAD_IDX = 0

def setup_inputs(seed: int = 0) -> dict:
    key = jax.random.key(seed)
    k1, k2 = jax.random.split(key)
    x = jax.random.randint(k1, (4096, 50), 0, VOCAB, dtype=jnp.int32)
    table = jax.random.normal(k2, (VOCAB, D_MODEL), dtype=jnp.float32)
    # padding_idx row is initialized to zeros in nn.Embedding
    table = table.at[PAD_IDX].set(0.0)
    return {"x": x, "table": table}

def reference(x, table):
    # Embedding lookup followed by scale by sqrt(d_model)
    emb = jnp.take(table, x, axis=0)
    return emb * np.sqrt(float(D_MODEL))

if __name__ == "__main__":
    import jax
    _d = setup_inputs()
    print(jax.jit(kernel)(*tuple(_d.values())))

</pallas_src>

<mosaic_0001>
#map = affine_map<(d0, d1) -> (0, 0)>
#map1 = affine_map<(d0, d1) -> (0, 0, 0)>
module attributes {stable_mosaic.version = 14 : i64} {
  func.func @lookup(%arg0: i32, %arg1: i32, %arg2: memref<100000x128xf32, #tpu.memory_space<hbm>>, %arg3: memref<32x100x64xi32, #tpu.memory_space<hbm>>, %arg4: memref<204800x128xf32, #tpu.memory_space<hbm>>, %arg5: memref<100x64xi32, #tpu.memory_space<vmem>>, %arg6: memref<10x64x128xf32, #tpu.memory_space<vmem>>, %arg7: memref<10x!tpu.dma_semaphore, #tpu.memory_space<semaphore_mem>>, %arg8: memref<10x!tpu.dma_semaphore, #tpu.memory_space<semaphore_mem>>) attributes {dimension_semantics = [#tpu.dimension_semantics<core_parallel>, #tpu.dimension_semantics<subcore_parallel>], iteration_bounds = array<i64: 2, 16>, scalar_prefetch = 0 : i64, scratch_operands = 4 : i64, tpu.core_type = #tpu.core_type<sc_vector_subcore>, window_params = [{transform_indices = #map}, {transform_indices = #map1}, {transform_indices = #map}]} {
    %mul3A = arith.constant 2 : i32
    %mul3A_0 = arith.muli %arg1, %mul3A : i32
    %add3A = arith.addi %mul3A_0, %arg0 : i32
    %mul3A_1 = arith.constant 6400 : i32
    %mul3A_2 = arith.muli %add3A, %mul3A_1 : i32
    "tpu.region"() ({
      %run_scoped3A = tpu.sem_alloc : memref<!tpu.dma_semaphore, #tpu.memory_space<semaphore_mem>>
      %dma_start3A_301 = arith.constant 0 : i32
      %dma_start3A_302 = arith.constant 0 : i32
      %dma_start3A_303 = tpu.memref_slice %arg5[%dma_start3A_301, %dma_start3A_302] : memref<100x64xi32, #tpu.memory_space<vmem>> -> memref<16x64xi32, #tpu.memory_space<vmem>>
      %dma_start3A_304 = arith.constant 0 : i32
      %dma_start3A_305 = arith.constant 0 : i32
      %dma_start3A_306 = tpu.memref_slice %arg3[%add3A, %dma_start3A_304, %dma_start3A_305] : memref<32x100x64xi32, #tpu.memory_space<hbm>> -> memref<1x16x64xi32, #tpu.memory_space<hbm>>
      %dma_start3A_307 = tpu.memref_squeeze %dma_start3A_306 : memref<1x16x64xi32, #tpu.memory_space<hbm>> -> memref<16x64xi32, #tpu.memory_space<hbm>>
      %dma_start3A_308 = arith.constant 0 : i32
      %dma_start3A_309 = arith.constant 0 : i32
      %dma_start3A_310 = tpu.memref_slice %arg5[%dma_start3A_308, %dma_start3A_309] : memref<100x64xi32, #tpu.memory_space<vmem>> -> memref<16x64xi32, #tpu.memory_space<vmem>>
      %dma_start3A_311 = arith.constant 0 : i32
      %dma_start3A_312 = arith.constant 0 : i32
      %dma_start3A_313 = tpu.memref_slice %arg3[%add3A, %dma_start3A_311, %dma_start3A_312] : memref<32x100x64xi32, #tpu.memory_space<hbm>> -> memref<1x16x64xi32, #tpu.memory_space<hbm>>
      %dma_start3A_314 = tpu.memref_squeeze %dma_start3A_313 : memref<1x16x64xi32, #tpu.memory_space<hbm>> -> memref<16x64xi32, #tpu.memory_space<hbm>>
      tpu.enqueue_dma source(%dma_start3A_314 : memref<16x64xi32, #tpu.memory_space<hbm>>) target(%dma_start3A_310 : memref<16x64xi32, #tpu.memory_space<vmem>>) target_semaphore(%run_scoped3A : memref<!tpu.dma_semaphore, #tpu.memory_space<semaphore_mem>>)
      %dma_wait3A_315 = arith.constant 0 : i32
      %dma_wait3A_316 = arith.constant 0 : i32
      %dma_wait3A_317 = tpu.memref_slice %arg5[%dma_wait3A_315, %dma_wait3A_316] : memref<100x64xi32, #tpu.memory_space<vmem>> -> memref<16x64xi32, #tpu.memory_space<vmem>>
      %dma_wait3A_318 = arith.constant 0 : i32
      %dma_wait3A_319 = arith.constant 0 : i32
      %dma_wait3A_320 = tpu.memref_slice %arg3[%add3A, %dma_wait3A_318, %dma_wait3A_319] : memref<32x100x64xi32, #tpu.memory_space<hbm>> -> memref<1x16x64xi32, #tpu.memory_space<hbm>>
      %dma_wait3A_321 = tpu.memref_squeeze %dma_wait3A_320 : memref<1x16x64xi32, #tpu.memory_space<hbm>> -> memref<16x64xi32, #tpu.memory_space<hbm>>
      %dma_wait3A_322 = arith.constant 0 : i32
      %dma_wait3A_323 = arith.constant 0 : i32
      %dma_wait3A_324 = tpu.memref_slice %arg5[%dma_wait3A_322, %dma_wait3A_323] : memref<100x64xi32, #tpu.memory_space<vmem>> -> memref<16x64xi32, #tpu.memory_space<vmem>>
      %dma_wait3A_325 = arith.constant 0 : i32
      %dma_wait3A_326 = arith.constant 0 : i32
      %dma_wait3A_327 = tpu.memref_slice %arg3[%add3A, %dma_wait3A_325, %dma_wait3A_326] : memref<32x100x64xi32, #tpu.memory_space<hbm>> -> memref<1x16x64xi32, #tpu.memory_space<hbm>>
      %dma_wait3A_328 = tpu.memref_squeeze %dma_wait3A_327 : memref<1x16x64xi32, #tpu.memory_space<hbm>> -> memref<16x64xi32, #tpu.memory_space<hbm>>
      tpu.wait_dma2 semaphore(%run_scoped3A : memref<!tpu.dma_semaphore, #tpu.memory_space<semaphore_mem>>) src(%dma_wait3A_328 : memref<16x64xi32, #tpu.memory_space<hbm>>) dst(%dma_wait3A_324 : memref<16x64xi32, #tpu.memory_space<vmem>>)
      tpu.yield
    }) : () -> ()
    %dma_start3A = arith.constant 0 : i32
    %dma_start3A_3 = arith.constant 0 : i32
    %dma_start3A_4 = arith.constant 0 : i32
    %dma_start3A_5 = arith.constant 0 : i32
    %dma_start3A_6 = arith.constant 0 : i32
    %dma_start3A_7 = tpu.memref_slice %arg6[%dma_start3A_3, %dma_start3A_5, %dma_start3A_6] : memref<10x64x128xf32, #tpu.memory_space<vmem>> -> memref<1x64x128xf32, #tpu.memory_space<vmem>>
    %dma_start3A_8 = tpu.memref_squeeze %dma_start3A_7 : memref<1x64x128xf32, #tpu.memory_space<vmem>> -> memref<64x128xf32, #tpu.memory_space<vmem>>
    %dma_start3A_9 = arith.constant 0 : i32
    %dma_start3A_10 = tpu.memref_slice %arg5[%dma_start3A, %dma_start3A_9] : memref<100x64xi32, #tpu.memory_space<vmem>> -> memref<1x64xi32, #tpu.memory_space<vmem>>
    %dma_start3A_11 = tpu.memref_squeeze %dma_start3A_10 : memref<1x64xi32, #tpu.memory_space<vmem>> -> memref<64xi32, #tpu.memory_space<vmem>>
    %dma_start3A_12 = arith.constant 0 : i32
    %dma_start3A_13 = arith.constant 0 : i32
    %dma_start3A_14 = tpu.memref_slice %arg2[%dma_start3A_12, %dma_start3A_13] : memref<100000x128xf32, #tpu.memory_space<hbm>> -> memref<100000x128xf32, #tpu.memory_space<hbm>>
    %dma_start3A_15 = tpu.memref_slice %arg7[%dma_start3A_4] : memref<10x!tpu.dma_semaphore, #tpu.memory_space<semaphore_mem>> -> memref<1x!tpu.dma_semaphore, #tpu.memory_space<semaphore_mem>>
    %dma_start3A_16 = tpu.memref_squeeze %dma_start3A_15 : memref<1x!tpu.dma_semaphore, #tpu.memory_space<semaphore_mem>> -> memref<!tpu.dma_semaphore, #tpu.memory_space<semaphore_mem>>
    tpu.enqueue_indirect_dma source(%dma_start3A_14 : memref<100000x128xf32, #tpu.memory_space<hbm>>) target(%dma_start3A_8 : memref<64x128xf32, #tpu.memory_space<vmem>>) offsets(%dma_start3A_11 : memref<64xi32, #tpu.memory_space<vmem>>) semaphore(%dma_start3A_16 : memref<!tpu.dma_semaphore, #tpu.memory_space<semaphore_mem>>)
    %dma_start3A_17 = arith.constant 1 : i32
    %dma_start3A_18 = arith.constant 1 : i32
    %dma_start3A_19 = arith.constant 1 : i32
    %dma_start3A_20 = arith.constant 0 : i32
    %dma_start3A_21 = arith.constant 0 : i32
    %dma_start3A_22 = tpu.memref_slice %arg6[%dma_start3A_18, %dma_start3A_20, %dma_start3A_21] : memref<10x64x128xf32, #tpu.memory_space<vmem>> -> memref<1x64x128xf32, #tpu.memory_space<vmem>>
    %dma_start3A_23 = tpu.memref_squeeze %dma_start3A_22 : memref<1x64x128xf32, #tpu.memory_space<vmem>> -> memref<64x128xf32, #tpu.memory_space<vmem>>
    %dma_start3A_24 = arith.constant 0 : i32
    %dma_start3A_25 = tpu.memref_slice %arg5[%dma_start3A_17, %dma_start3A_24] : memref<100x64xi32, #tpu.memory_space<vmem>> -> memref<1x64xi32, #tpu.memory_space<vmem>>
    %dma_start3A_26 = tpu.memref_squeeze %dma_start3A_25 : memref<1x64xi32, #tpu.memory_space<vmem>> -> memref<64xi32, #tpu.memory_space<vmem>>
    %dma_start3A_27 = arith.constant 0 : i32
    %dma_start3A_28 = arith.constant 0 : i32
    %dma_start3A_29 = tpu.memref_slice %arg2[%dma_start3A_27, %dma_start3A_28] : memref<100000x128xf32, #tpu.memory_space<hbm>> -> memref<100000x128xf32, #tpu.memory_space<hbm>>
    %dma_start3A_30 = tpu.memref_slice %arg7[%dma_start3A_19] : memref<10x!tpu.dma_semaphore, #tpu.memory_space<semaphore_mem>> -> memref<1x!tpu.dma_semaphore, #tpu.memory_space<semaphore_mem>>
    %dma_start3A_31 = tpu.memref_squeeze %dma_start3A_30 : memref<1x!tpu.dma_semaphore, #tpu.memory_space<semaphore_mem>> -> memref<!tpu.dma_semaphore, #tpu.memory_space<semaphore_mem>>
    tpu.enqueue_indirect_dma source(%dma_start3A_29 : memref<100000x128xf32, #tpu.memory_space<hbm>>) target(%dma_start3A_23 : memref<64x128xf32, #tpu.memory_space<vmem>>) offsets(%dma_start3A_26 : memref<64xi32, #tpu.memory_space<vmem>>) semaphore(%dma_start3A_31 : memref<!tpu.dma_semaphore, #tpu.memory_space<semaphore_mem>>)
    %dma_start3A_32 = arith.constant 2 : i32
    %dma_start3A_33 = arith.constant 2 : i32
    %dma_start3A_34 = arith.constant 2 : i32
    %dma_start3A_35 = arith.constant 0 : i32
    %dma_start3A_36 = arith.constant 0 : i32
    %dma_start3A_37 = tpu.memref_slice %arg6[%dma_start3A_33, %dma_start3A_35, %dma_start3A_36] : memref<10x64x128xf32, #tpu.memory_space<vmem>> -> memref<1x64x128xf32, #tpu.memory_space<vmem>>
    %dma_start3A_38 = tpu.memref_squeeze %dma_start3A_37 : memref<1x64x128xf32, #tpu.memory_space<vmem>> -> memref<64x128xf32, #tpu.memory_space<vmem>>
    %dma_start3A_39 = arith.constant 0 : i32
    %dma_start3A_40 = tpu.memref_slice %arg5[%dma_start3A_32, %dma_start3A_39] : memref<100x64xi32, #tpu.memory_space<vmem>> -> memref<1x64xi32, #tpu.memory_space<vmem>>
    %dma_start3A_41 = tpu.memref_squeeze %dma_start3A_40 : memref<1x64xi32, #tpu.memory_space<vmem>> -> memref<64xi32, #tpu.memory_space<vmem>>
    %dma_start3A_42 = arith.constant 0 : i32
    %dma_start3A_43 = arith.constant 0 : i32
    %dma_start3A_44 = tpu.memref_slice %arg2[%dma_start3A_42, %dma_start3A_43] : memref<100000x128xf32, #tpu.memory_space<hbm>> -> memref<100000x128xf32, #tpu.memory_space<hbm>>
    %dma_start3A_45 = tpu.memref_slice %arg7[%dma_start3A_34] : memref<10x!tpu.dma_semaphore, #tpu.memory_space<semaphore_mem>> -> memref<1x!tpu.dma_semaphore, #tpu.memory_space<semaphore_mem>>
    %dma_start3A_46 = tpu.memref_squeeze %dma_start3A_45 : memref<1x!tpu.dma_semaphore, #tpu.memory_space<semaphore_mem>> -> memref<!tpu.dma_semaphore, #tpu.memory_space<semaphore_mem>>
    tpu.enqueue_indirect_dma source(%dma_start3A_44 : memref<100000x128xf32, #tpu.memory_space<hbm>>) target(%dma_start3A_38 : memref<64x128xf32, #tpu.memory_space<vmem>>) offsets(%dma_start3A_41 : memref<64xi32, #tpu.memory_space<vmem>>) semaphore(%dma_start3A_46 : memref<!tpu.dma_semaphore, #tpu.memory_space<semaphore_mem>>)
    %dma_start3A_47 = arith.constant 3 : i32
    %dma_start3A_48 = arith.constant 3 : i32
    %dma_start3A_49 = arith.constant 3 : i32
    %dma_start3A_50 = arith.constant 0 : i32
    %dma_start3A_51 = arith.constant 0 : i32
    %dma_start3A_52 = tpu.memref_slice %arg6[%dma_start3A_48, %dma_start3A_50, %dma_start3A_51] : memref<10x64x128xf32, #tpu.memory_space<vmem>> -> memref<1x64x128xf32, #tpu.memory_space<vmem>>
    %dma_start3A_53 = tpu.memref_squeeze %dma_start3A_52 : memref<1x64x128xf32, #tpu.memory_space<vmem>> -> memref<64x128xf32, #tpu.memory_space<vmem>>
    %dma_start3A_54 = arith.constant 0 : i32
    %dma_start3A_55 = tpu.memref_slice %arg5[%dma_start3A_47, %dma_start3A_54] : memref<100x64xi32, #tpu.memory_space<vmem>> -> memref<1x64xi32, #tpu.memory_space<vmem>>
    %dma_start3A_56 = tpu.memref_squeeze %dma_start3A_55 : memref<1x64xi32, #tpu.memory_space<vmem>> -> memref<64xi32, #tpu.memory_space<vmem>>
    %dma_start3A_57 = arith.constant 0 : i32
    %dma_start3A_58 = arith.constant 0 : i32
    %dma_start3A_59 = tpu.memref_slice %arg2[%dma_start3A_57, %dma_start3A_58] : memref<100000x128xf32, #tpu.memory_space<hbm>> -> memref<100000x128xf32, #tpu.memory_space<hbm>>
    %dma_start3A_60 = tpu.memref_slice %arg7[%dma_start3A_49] : memref<10x!tpu.dma_semaphore, #tpu.memory_space<semaphore_mem>> -> memref<1x!tpu.dma_semaphore, #tpu.memory_space<semaphore_mem>>
    %dma_start3A_61 = tpu.memref_squeeze %dma_start3A_60 : memref<1x!tpu.dma_semaphore, #tpu.memory_space<semaphore_mem>> -> memref<!tpu.dma_semaphore, #tpu.memory_space<semaphore_mem>>
    tpu.enqueue_indirect_dma source(%dma_start3A_59 : memref<100000x128xf32, #tpu.memory_space<hbm>>) target(%dma_start3A_53 : memref<64x128xf32, #tpu.memory_space<vmem>>) offsets(%dma_start3A_56 : memref<64xi32, #tpu.memory_space<vmem>>) semaphore(%dma_start3A_61 : memref<!tpu.dma_semaphore, #tpu.memory_space<semaphore_mem>>)
    %dma_start3A_62 = arith.constant 4 : i32
    %dma_start3A_63 = arith.constant 4 : i32
    %dma_start3A_64 = arith.constant 4 : i32
    %dma_start3A_65 = arith.constant 0 : i32
    %dma_start3A_66 = arith.constant 0 : i32
    %dma_start3A_67 = tpu.memref_slice %arg6[%dma_start3A_63, %dma_start3A_65, %dma_start3A_66] : memref<10x64x128xf32, #tpu.memory_space<vmem>> -> memref<1x64x128xf32, #tpu.memory_space<vmem>>
    %dma_start3A_68 = tpu.memref_squeeze %dma_start3A_67 : memref<1x64x128xf32, #tpu.memory_space<vmem>> -> memref<64x128xf32, #tpu.memory_space<vmem>>
    %dma_start3A_69 = arith.constant 0 : i32
    %dma_start3A_70 = tpu.memref_slice %arg5[%dma_start3A_62, %dma_start3A_69] : memref<100x64xi32, #tpu.memory_space<vmem>> -> memref<1x64xi32, #tpu.memory_space<vmem>>
    %dma_start3A_71 = tpu.memref_squeeze %dma_start3A_70 : memref<1x64xi32, #tpu.memory_space<vmem>> -> memref<64xi32, #tpu.memory_space<vmem>>
    %dma_start3A_72 = arith.constant 0 : i32
    %dma_start3A_73 = arith.constant 0 : i32
    %dma_start3A_74 = tpu.memref_slice %arg2[%dma_start3A_72, %dma_start3A_73] : memref<100000x128xf32, #tpu.memory_space<hbm>> -> memref<100000x128xf32, #tpu.memory_space<hbm>>
    %dma_start3A_75 = tpu.memref_slice %arg7[%dma_start3A_64] : memref<10x!tpu.dma_semaphore, #tpu.memory_space<semaphore_mem>> -> memref<1x!tpu.dma_semaphore, #tpu.memory_space<semaphore_mem>>
    %dma_start3A_76 = tpu.memref_squeeze %dma_start3A_75 : memref<1x!tpu.dma_semaphore, #tpu.memory_space<semaphore_mem>> -> memref<!tpu.dma_semaphore, #tpu.memory_space<semaphore_mem>>
    tpu.enqueue_indirect_dma source(%dma_start3A_74 : memref<100000x128xf32, #tpu.memory_space<hbm>>) target(%dma_start3A_68 : memref<64x128xf32, #tpu.memory_space<vmem>>) offsets(%dma_start3A_71 : memref<64xi32, #tpu.memory_space<vmem>>) semaphore(%dma_start3A_76 : memref<!tpu.dma_semaphore, #tpu.memory_space<semaphore_mem>>)
    %dma_start3A_77 = arith.constant 5 : i32
    %dma_start3A_78 = arith.constant 5 : i32
    %dma_start3A_79 = arith.constant 5 : i32
    %dma_start3A_80 = arith.constant 0 : i32
    %dma_start3A_81 = arith.constant 0 : i32
    %dma_start3A_82 = tpu.memref_slice %arg6[%dma_start3A_78, %dma_start3A_80, %dma_start3A_81] : memref<10x64x128xf32, #tpu.memory_space<vmem>> -> memref<1x64x128xf32, #tpu.memory_space<vmem>>
    %dma_start3A_83 = tpu.memref_squeeze %dma_start3A_82 : memref<1x64x128xf32, #tpu.memory_space<vmem>> -> memref<64x128xf32, #tpu.memory_space<vmem>>
    %dma_start3A_84 = arith.constant 0 : i32
    %dma_start3A_85 = tpu.memref_slice %arg5[%dma_start3A_77, %dma_start3A_84] : memref<100x64xi32, #tpu.memory_space<vmem>> -> memref<1x64xi32, #tpu.memory_space<vmem>>
    %dma_start3A_86 = tpu.memref_squeeze %dma_start3A_85 : memref<1x64xi32, #tpu.memory_space<vmem>> -> memref<64xi32, #tpu.memory_space<vmem>>
    %dma_start3A_87 = arith.constant 0 : i32
    %dma_start3A_88 = arith.constant 0 : i32
    %dma_start3A_89 = tpu.memref_slice %arg2[%dma_start3A_87, %dma_start3A_88] : memref<100000x128xf32, #tpu.memory_space<hbm>> -> memref<100000x128xf32, #tpu.memory_space<hbm>>
    %dma_start3A_90 = tpu.memref_slice %arg7[%dma_start3A_79] : memref<10x!tpu.dma_semaphore, #tpu.memory_space<semaphore_mem>> -> memref<1x!tpu.dma_semaphore, #tpu.memory_space<semaphore_mem>>
    %dma_start3A_91 = tpu.memref_squeeze %dma_start3A_90 : memref<1x!tpu.dma_semaphore, #tpu.memory_space<semaphore_mem>> -> memref<!tpu.dma_semaphore, #tpu.memory_space<semaphore_mem>>
    tpu.enqueue_indirect_dma source(%dma_start3A_89 : memref<100000x128xf32, #tpu.memory_space<hbm>>) target(%dma_start3A_83 : memref<64x128xf32, #tpu.memory_space<vmem>>) offsets(%dma_start3A_86 : memref<64xi32, #tpu.memory_space<vmem>>) semaphore(%dma_start3A_91 : memref<!tpu.dma_semaphore, #tpu.memory_space<semaphore_mem>>)
    %dma_start3A_92 = arith.constant 6 : i32
    %dma_start3A_93 = arith.constant 6 : i32
    %dma_start3A_94 = arith.constant 6 : i32
    %dma_start3A_95 = arith.constant 0 : i32
    %dma_start3A_96 = arith.constant 0 : i32
    %dma_start3A_97 = tpu.memref_slice %arg6[%dma_start3A_93, %dma_start3A_95, %dma_start3A_96] : memref<10x64x128xf32, #tpu.memory_space<vmem>> -> memref<1x64x128xf32, #tpu.memory_space<vmem>>
    %dma_start3A_98 = tpu.memref_squeeze %dma_start3A_97 : memref<1x64x128xf32, #tpu.memory_space<vmem>> -> memref<64x128xf32, #tpu.memory_space<vmem>>
    %dma_start3A_99 = arith.constant 0 : i32
    %dma_start3A_100 = tpu.memref_slice %arg5[%dma_start3A_92, %dma_start3A_99] : memref<100x64xi32, #tpu.memory_space<vmem>> -> memref<1x64xi32, #tpu.memory_space<vmem>>
    %dma_start3A_101 = tpu.memref_squeeze %dma_start3A_100 : memref<1x64xi32, #tpu.memory_space<vmem>> -> memref<64xi32, #tpu.memory_space<vmem>>
    %dma_start3A_102 = arith.constant 0 : i32
    %dma_start3A_103 = arith.constant 0 : i32
    %dma_start3A_104 = tpu.memref_slice %arg2[%dma_start3A_102, %dma_start3A_103] : memref<100000x128xf32, #tpu.memory_space<hbm>> -> memref<100000x128xf32, #tpu.memory_space<hbm>>
    %dma_start3A_105 = tpu.memref_slice %arg7[%dma_start3A_94] : memref<10x!tpu.dma_semaphore, #tpu.memory_space<semaphore_mem>> -> memref<1x!tpu.dma_semaphore, #tpu.memory_space<semaphore_mem>>
    %dma_start3A_106 = tpu.memref_squeeze %dma_start3A_105 : memref<1x!tpu.dma_semaphore, #tpu.memory_space<semaphore_mem>> -> memref<!tpu.dma_semaphore, #tpu.memory_space<semaphore_mem>>
    tpu.enqueue_indirect_dma source(%dma_start3A_104 : memref<100000x128xf32, #tpu.memory_space<hbm>>) target(%dma_start3A_98 : memref<64x128xf32, #tpu.memory_space<vmem>>) offsets(%dma_start3A_101 : memref<64xi32, #tpu.memory_space<vmem>>) semaphore(%dma_start3A_106 : memref<!tpu.dma_semaphore, #tpu.memory_space<semaphore_mem>>)
    %dma_start3A_107 = arith.constant 7 : i32
    %dma_start3A_108 = arith.constant 7 : i32
    %dma_start3A_109 = arith.constant 7 : i32
    %dma_start3A_110 = arith.constant 0 : i32
    %dma_start3A_111 = arith.constant 0 : i32
    %dma_start3A_112 = tpu.memref_slice %arg6[%dma_start3A_108, %dma_start3A_110, %dma_start3A_111] : memref<10x64x128xf32, #tpu.memory_space<vmem>> -> memref<1x64x128xf32, #tpu.memory_space<vmem>>
    %dma_start3A_113 = tpu.memref_squeeze %dma_start3A_112 : memref<1x64x128xf32, #tpu.memory_space<vmem>> -> memref<64x128xf32, #tpu.memory_space<vmem>>
    %dma_start3A_114 = arith.constant 0 : i32
    %dma_start3A_115 = tpu.memref_slice %arg5[%dma_start3A_107, %dma_start3A_114] : memref<100x64xi32, #tpu.memory_space<vmem>> -> memref<1x64xi32, #tpu.memory_space<vmem>>
    %dma_start3A_116 = tpu.memref_squeeze %dma_start3A_115 : memref<1x64xi32, #tpu.memory_space<vmem>> -> memref<64xi32, #tpu.memory_space<vmem>>
    %dma_start3A_117 = arith.constant 0 : i32
    %dma_start3A_118 = arith.constant 0 : i32
    %dma_start3A_119 = tpu.memref_slice %arg2[%dma_start3A_117, %dma_start3A_118] : memref<100000x128xf32, #tpu.memory_space<hbm>> -> memref<100000x128xf32, #tpu.memory_space<hbm>>
    %dma_start3A_120 = tpu.memref_slice %arg7[%dma_start3A_109] : memref<10x!tpu.dma_semaphore, #tpu.memory_space<semaphore_mem>> -> memref<1x!tpu.dma_semaphore, #tpu.memory_space<semaphore_mem>>
    %dma_start3A_121 = tpu.memref_squeeze %dma_start3A_120 : memref<1x!tpu.dma_semaphore, #tpu.memory_space<semaphore_mem>> -> memref<!tpu.dma_semaphore, #tpu.memory_space<semaphore_mem>>
    tpu.enqueue_indirect_dma source(%dma_start3A_119 : memref<100000x128xf32, #tpu.memory_space<hbm>>) target(%dma_start3A_113 : memref<64x128xf32, #tpu.memory_space<vmem>>) offsets(%dma_start3A_116 : memref<64xi32, #tpu.memory_space<vmem>>) semaphore(%dma_start3A_121 : memref<!tpu.dma_semaphore, #tpu.memory_space<semaphore_mem>>)
    %dma_start3A_122 = arith.constant 8 : i32
    %dma_start3A_123 = arith.constant 8 : i32
    %dma_start3A_124 = arith.constant 8 : i32
    %dma_start3A_125 = arith.constant 0 : i32
    %dma_start3A_126 = arith.constant 0 : i32
    %dma_start3A_127 = tpu.memref_slice %arg6[%dma_start3A_123, %dma_start3A_125, %dma_start3A_126] : memref<10x64x128xf32, #tpu.memory_space<vmem>> -> memref<1x64x128xf32, #tpu.memory_space<vmem>>
    %dma_start3A_128 = tpu.memref_squeeze %dma_start3A_127 : memref<1x64x128xf32, #tpu.memory_space<vmem>> -> memref<64x128xf32, #tpu.memory_space<vmem>>
    %dma_start3A_129 = arith.constant 0 : i32
    %dma_start3A_130 = tpu.memref_slice %arg5[%dma_start3A_122, %dma_start3A_129] : memref<100x64xi32, #tpu.memory_space<vmem>> -> memref<1x64xi32, #tpu.memory_space<vmem>>
    %dma_start3A_131 = tpu.memref_squeeze %dma_start3A_130 : memref<1x64xi32, #tpu.memory_space<vmem>> -> memref<64xi32, #tpu.memory_space<vmem>>
    %dma_start3A_132 = arith.constant 0 : i32
    %dma_start3A_133 = arith.constant 0 : i32
    %dma_start3A_134 = tpu.memref_slice %arg2[%dma_start3A_132, %dma_start3A_133] : memref<100000x128xf32, #tpu.memory_space<hbm>> -> memref<100000x128xf32, #tpu.memory_space<hbm>>
    %dma_start3A_135 = tpu.memref_slice %arg7[%dma_start3A_124] : memref<10x!tpu.dma_semaphore, #tpu.memory_space<semaphore_mem>> -> memref<1x!tpu.dma_semaphore, #tpu.memory_space<semaphore_mem>>
    %dma_start3A_136 = tpu.memref_squeeze %dma_start3A_135 : memref<1x!tpu.dma_semaphore, #tpu.memory_space<semaphore_mem>> -> memref<!tpu.dma_semaphore, #tpu.memory_space<semaphore_mem>>
    tpu.enqueue_indirect_dma source(%dma_start3A_134 : memref<100000x128xf32, #tpu.memory_space<hbm>>) target(%dma_start3A_128 : memref<64x128xf32, #tpu.memory_space<vmem>>) offsets(%dma_start3A_131 : memref<64xi32, #tpu.memory_space<vmem>>) semaphore(%dma_start3A_136 : memref<!tpu.dma_semaphore, #tpu.memory_space<semaphore_mem>>)
    "tpu.region"() ({
      %run_scoped3A = tpu.sem_alloc : memref<!tpu.dma_semaphore, #tpu.memory_space<semaphore_mem>>
      %dma_start3A_301 = arith.constant 16 : i32
      %dma_start3A_302 = arith.constant 0 : i32
      %dma_start3A_303 = tpu.memref_slice %arg5[%dma_start3A_301, %dma_start3A_302] : memref<100x64xi32, #tpu.memory_space<vmem>> -> memref<84x64xi32, #tpu.memory_space<vmem>>
      %dma_start3A_304 = arith.constant 16 : i32
      %dma_start3A_305 = arith.constant 0 : i32
      %dma_start3A_306 = tpu.memref_slice %arg3[%add3A, %dma_start3A_304, %dma_start3A_305] : memref<32x100x64xi32, #tpu.memory_space<hbm>> -> memref<1x84x64xi32, #tpu.memory_space<hbm>>
      %dma_start3A_307 = tpu.memref_squeeze %dma_start3A_306 : memref<1x84x64xi32, #tpu.memory_space<hbm>> -> memref<84x64xi32, #tpu.memory_space<hbm>>
      %dma_start3A_308 = arith.constant 16 : i32
      %dma_start3A_309 = arith.constant 0 : i32
      %dma_start3A_310 = tpu.memref_slice %arg5[%dma_start3A_308, %dma_start3A_309] : memref<100x64xi32, #tpu.memory_space<vmem>> -> memref<84x64xi32, #tpu.memory_space<vmem>>
      %dma_start3A_311 = arith.constant 16 : i32
      %dma_start3A_312 = arith.constant 0 : i32
      %dma_start3A_313 = tpu.memref_slice %arg3[%add3A, %dma_start3A_311, %dma_start3A_312] : memref<32x100x64xi32, #tpu.memory_space<hbm>> -> memref<1x84x64xi32, #tpu.memory_space<hbm>>
      %dma_start3A_314 = tpu.memref_squeeze %dma_start3A_313 : memref<1x84x64xi32, #tpu.memory_space<hbm>> -> memref<84x64xi32, #tpu.memory_space<hbm>>
      tpu.enqueue_dma source(%dma_start3A_314 : memref<84x64xi32, #tpu.memory_space<hbm>>) target(%dma_start3A_310 : memref<84x64xi32, #tpu.memory_space<vmem>>) target_semaphore(%run_scoped3A : memref<!tpu.dma_semaphore, #tpu.memory_space<semaphore_mem>>)
      %dma_wait3A_315 = arith.constant 16 : i32
      %dma_wait3A_316 = arith.constant 0 : i32
      %dma_wait3A_317 = tpu.memref_slice %arg5[%dma_wait3A_315, %dma_wait3A_316] : memref<100x64xi32, #tpu.memory_space<vmem>> -> memref<84x64xi32, #tpu.memory_space<vmem>>
      %dma_wait3A_318 = arith.constant 16 : i32
      %dma_wait3A_319 = arith.constant 0 : i32
      %dma_wait3A_320 = tpu.memref_slice %arg3[%add3A, %dma_wait3A_318, %dma_wait3A_319] : memref<32x100x64xi32, #tpu.memory_space<hbm>> -> memref<1x84x64xi32, #tpu.memory_space<hbm>>
      %dma_wait3A_321 = tpu.memref_squeeze %dma_wait3A_320 : memref<1x84x64xi32, #tpu.memory_space<hbm>> -> memref<84x64xi32, #tpu.memory_space<hbm>>
      %dma_wait3A_322 = arith.constant 16 : i32
      %dma_wait3A_323 = arith.constant 0 : i32
      %dma_wait3A_324 = tpu.memref_slice %arg5[%dma_wait3A_322, %dma_wait3A_323] : memref<100x64xi32, #tpu.memory_space<vmem>> -> memref<84x64xi32, #tpu.memory_space<vmem>>
      %dma_wait3A_325 = arith.constant 16 : i32
      %dma_wait3A_326 = arith.constant 0 : i32
      %dma_wait3A_327 = tpu.memref_slice %arg3[%add3A, %dma_wait3A_325, %dma_wait3A_326] : memref<32x100x64xi32, #tpu.memory_space<hbm>> -> memref<1x84x64xi32, #tpu.memory_space<hbm>>
      %dma_wait3A_328 = tpu.memref_squeeze %dma_wait3A_327 : memref<1x84x64xi32, #tpu.memory_space<hbm>> -> memref<84x64xi32, #tpu.memory_space<hbm>>
      tpu.wait_dma2 semaphore(%run_scoped3A : memref<!tpu.dma_semaphore, #tpu.memory_space<semaphore_mem>>) src(%dma_wait3A_328 : memref<84x64xi32, #tpu.memory_space<hbm>>) dst(%dma_wait3A_324 : memref<84x64xi32, #tpu.memory_space<vmem>>)
      tpu.yield
    }) : () -> ()
    %scan3A = arith.constant 0 : i32
    %scan3A_137 = arith.constant 0 : i32
    %scan3A_138 = arith.constant 10 : i32
    %scan3A_139 = arith.addi %scan3A_137, %scan3A_138 : i32
    %scan3A_140 = arith.constant 1 : i32
    scf.for %scan3A_301 = %scan3A_137 to %scan3A_139 step %scan3A_140  : i32 {
      %mul3A_302 = arith.constant 10 : i32
      %mul3A_303 = arith.muli %scan3A_301, %mul3A_302 : i32
      %add3A_304 = arith.constant 0 : i32
      %add3A_305 = arith.addi %mul3A_303, %add3A_304 : i32
      %dma_wait3A_306 = arith.constant 0 : i32
      %dma_wait3A_307 = arith.constant 0 : i32
      %dma_wait3A_308 = arith.constant 0 : i32
      %dma_wait3A_309 = arith.constant 0 : i32
      %dma_wait3A_310 = arith.constant 0 : i32
      %dma_wait3A_311 = tpu.memref_slice %arg6[%dma_wait3A_307, %dma_wait3A_309, %dma_wait3A_310] : memref<10x64x128xf32, #tpu.memory_space<vmem>> -> memref<1x64x128xf32, #tpu.memory_space<vmem>>
      %dma_wait3A_312 = tpu.memref_squeeze %dma_wait3A_311 : memref<1x64x128xf32, #tpu.memory_space<vmem>> -> memref<64x128xf32, #tpu.memory_space<vmem>>
      %dma_wait3A_313 = arith.constant 0 : i32
      %dma_wait3A_314 = tpu.memref_slice %arg5[%dma_wait3A_306, %dma_wait3A_313] : memref<100x64xi32, #tpu.memory_space<vmem>> -> memref<1x64xi32, #tpu.memory_space<vmem>>
      %dma_wait3A_315 = tpu.memref_squeeze %dma_wait3A_314 : memref<1x64xi32, #tpu.memory_space<vmem>> -> memref<64xi32, #tpu.memory_space<vmem>>
      %dma_wait3A_316 = arith.constant 0 : i32
      %dma_wait3A_317 = arith.constant 0 : i32
      %dma_wait3A_318 = tpu.memref_slice %arg2[%dma_wait3A_316, %dma_wait3A_317] : memref<100000x128xf32, #tpu.memory_space<hbm>> -> memref<100000x128xf32, #tpu.memory_space<hbm>>
      %dma_wait3A_319 = tpu.memref_slice %arg7[%dma_wait3A_308] : memref<10x!tpu.dma_semaphore, #tpu.memory_space<semaphore_mem>> -> memref<1x!tpu.dma_semaphore, #tpu.memory_space<semaphore_mem>>
      %dma_wait3A_320 = tpu.memref_squeeze %dma_wait3A_319 : memref<1x!tpu.dma_semaphore, #tpu.memory_space<semaphore_mem>> -> memref<!tpu.dma_semaphore, #tpu.memory_space<semaphore_mem>>
      tpu.wait_indirect_dma semaphore(%dma_wait3A_320 : memref<!tpu.dma_semaphore, #tpu.memory_space<semaphore_mem>>) src(%dma_wait3A_318 : memref<100000x128xf32, #tpu.memory_space<hbm>>) dst(%dma_wait3A_312 : memref<64x128xf32, #tpu.memory_space<vmem>>)
      %scan3A_321 = arith.constant 0 : i32
      %scan3A_322 = arith.constant 0 : i32
      %scan3A_323 = arith.constant 0 : i32
      %scan3A_324 = arith.constant 64 : i32
      %scan3A_325 = arith.addi %scan3A_323, %scan3A_324 : i32
      %scan3A_326 = arith.constant 1 : i32
      scf.for %scan3A_820 = %scan3A_323 to %scan3A_325 step %scan3A_326  : i32 {
        %get3A = arith.constant 0 : i32
        %get3A_821 = arith.constant 0 : i32
        %get3A_822 = tpu.memref_slice %arg6[%scan3A_322, %get3A, %get3A_821] : memref<10x64x128xf32, #tpu.memory_space<vmem>> -> memref<1x64x128xf32, #tpu.memory_space<vmem>>
        %get3A_823 = tpu.memref_squeeze %get3A_822 : memref<1x64x128xf32, #tpu.memory_space<vmem>> -> memref<64x128xf32, #tpu.memory_space<vmem>>
        %get3A_824 = arith.index_cast %scan3A_820 : i32 to index
        %get3A_825 = arith.constant 0 : index
        %get3A_826 = tpu.vector_load %get3A_823[%get3A_824, %get3A_825] {strides = array<i32>} : memref<64x128xf32, #tpu.memory_space<vmem>>, vector<1x16xf32>,
        %get3A_827 = vector.shape_cast %get3A_826 : vector<1x16xf32> to vector<16xf32>
        %mul3A_828 = arith.constant 11.3137083 : f32
        %mul3A_829 = vector.broadcast %mul3A_828 : f32 to vector<16xf32>
        %mul3A_830 = arith.mulf %get3A_827, %mul3A_829 : vector<16xf32>
        %swap3A = arith.constant 0 : i32
        %swap3A_831 = arith.constant 0 : i32
        %swap3A_832 = tpu.memref_slice %arg6[%scan3A_322, %swap3A, %swap3A_831] : memref<10x64x128xf32, #tpu.memory_space<vmem>> -> memref<1x64x128xf32, #tpu.memory_space<vmem>>
        %swap3A_833 = tpu.memref_squeeze %swap3A_832 : memref<1x64x128xf32, #tpu.memory_space<vmem>> -> memref<64x128xf32, #tpu.memory_space<vmem>>
        %swap3A_834 = arith.index_cast %scan3A_820 : i32 to index
        %swap3A_835 = arith.constant 0 : index
        %swap3A_836 = tpu.vector_load %swap3A_833[%swap3A_834, %swap3A_835] {strides = array<i32>} : memref<64x128xf32, #tpu.memory_space<vmem>>, vector<1x16xf32>,
        %swap3A_837 = vector.shape_cast %swap3A_836 : vector<1x16xf32> to vector<16xf32>
        %swap3A_838 = vector.shape_cast %mul3A_830 : vector<16xf32> to vector<1x16xf32>
        tpu.vector_store %swap3A_833[%swap3A_834, %swap3A_835], %swap3A_838 {strides = array<i32>} : memref<64x128xf32, #tpu.memory_space<vmem>>, vector<1x16xf32>,
        %get3A_839 = arith.constant 0 : i32
        %get3A_840 = arith.constant 0 : i32
        %get3A_841 = tpu.memref_slice %arg6[%scan3A_322, %get3A_839, %get3A_840] : memref<10x64x128xf32, #tpu.memory_space<vmem>> -> memref<1x64x128xf32, #tpu.memory_space<vmem>>
        %get3A_842 = tpu.memref_squeeze %get3A_841 : memref<1x64x128xf32, #tpu.memory_space<vmem>> -> memref<64x128xf32, #tpu.memory_space<vmem>>
        %get3A_843 = arith.index_cast %scan3A_820 : i32 to index
        %get3A_844 = arith.constant 16 : index
        %get3A_845 = tpu.vector_load %get3A_842[%get3A_843, %get3A_844] {strides = array<i32>} : memref<64x128xf32, #tpu.memory_space<vmem>>, vector<1x16xf32>,
        %get3A_846 = vector.shape_cast %get3A_845 : vector<1x16xf32> to vector<16xf32>
        %mul3A_847 = arith.constant 11.3137083 : f32
        %mul3A_848 = vector.broadcast %mul3A_847 : f32 to vector<16xf32>
        %mul3A_849 = arith.mulf %get3A_846, %mul3A_848 : vector<16xf32>
        %swap3A_850 = arith.constant 0 : i32
        %swap3A_851 = arith.constant 0 : i32
        %swap3A_852 = tpu.memref_slice %arg6[%scan3A_322, %swap3A_850, %swap3A_851] : memref<10x64x128xf32, #tpu.memory_space<vmem>> -> memref<1x64x128xf32, #tpu.memory_space<vmem>>
        %swap3A_853 = tpu.memref_squeeze %swap3A_852 : memref<1x64x128xf32, #tpu.memory_space<vmem>> -> memref<64x128xf32, #tpu.memory_space<vmem>>
        %swap3A_854 = arith.index_cast %scan3A_820 : i32 to index
        %swap3A_855 = arith.constant 16 : index
        %swap3A_856 = tpu.vector_load %swap3A_853[%swap3A_854, %swap3A_855] {strides = array<i32>} : memref<64x128xf32, #tpu.memory_space<vmem>>, vector<1x16xf32>,
        %swap3A_857 = vector.shape_cast %swap3A_856 : vector<1x16xf32> to vector<16xf32>
        %swap3A_858 = vector.shape_cast %mul3A_849 : vector<16xf32> to vector<1x16xf32>
        tpu.vector_store %swap3A_853[%swap3A_854, %swap3A_855], %swap3A_858 {strides = array<i32>} : memref<64x128xf32, #tpu.memory_space<vmem>>, vector<1x16xf32>,
        %get3A_859 = arith.constant 0 : i32
        %get3A_860 = arith.constant 0 : i32
        %get3A_861 = tpu.memref_slice %arg6[%scan3A_322, %get3A_859, %get3A_860] : memref<10x64x128xf32, #tpu.memory_space<vmem>> -> memref<1x64x128xf32, #tpu.memory_space<vmem>>
        %get3A_862 = tpu.memref_squeeze %get3A_861 : memref<1x64x128xf32, #tpu.memory_space<vmem>> -> memref<64x128xf32, #tpu.memory_space<vmem>>
        %get3A_863 = arith.index_cast %scan3A_820 : i32 to index
        %get3A_864 = arith.constant 32 : index
        %get3A_865 = tpu.vector_load %get3A_862[%get3A_863, %get3A_864] {strides = array<i32>} : memref<64x128xf32, #tpu.memory_space<vmem>>, vector<1x16xf32>,
        %get3A_866 = vector.shape_cast %get3A_865 : vector<1x16xf32> to vector<16xf32>
        %mul3A_867 = arith.constant 11.3137083 : f32
        %mul3A_868 = vector.broadcast %mul3A_867 : f32 to vector<16xf32>
        %mul3A_869 = arith.mulf %get3A_866, %mul3A_868 : vector<16xf32>
        %swap3A_870 = arith.constant 0 : i32
        %swap3A_871 = arith.constant 0 : i32
        %swap3A_872 = tpu.memref_slice %arg6[%scan3A_322, %swap3A_870, %swap3A_871] : memref<10x64x128xf32, #tpu.memory_space<vmem>> -> memref<1x64x128xf32, #tpu.memory_space<vmem>>
        %swap3A_873 = tpu.memref_squeeze %swap3A_872 : memref<1x64x128xf32, #tpu.memory_space<vmem>> -> memref<64x128xf32, #tpu.memory_space<vmem>>
        %swap3A_874 = arith.index_cast %scan3A_820 : i32 to index
        %swap3A_875 = arith.constant 32 : index
        %swap3A_876 = tpu.vector_load %swap3A_873[%swap3A_874, %swap3A_875] {strides = array<i32>} : memref<64x128xf32, #tpu.memory_space<vmem>>, vector<1x16xf32>,
        %swap3A_877 = vector.shape_cast %swap3A_876 : vector<1x16xf32> to vector<16xf32>
        %swap3A_878 = vector.shape_cast %mul3A_869 : vector<16xf32> to vector<1x16xf32>
        tpu.vector_store %swap3A_873[%swap3A_874, %swap3A_875], %swap3A_878 {strides = array<i32>} : memref<64x128xf32, #tpu.memory_space<vmem>>, vector<1x16xf32>,
        %get3A_879 = arith.constant 0 : i32
        %get3A_880 = arith.constant 0 : i32
        %get3A_881 = tpu.memref_slice %arg6[%scan3A_322, %get3A_879, %get3A_880] : memref<10x64x128xf32, #tpu.memory_space<vmem>> -> memref<1x64x128xf32, #tpu.memory_space<vmem>>
        %get3A_882 = tpu.memref_squeeze %get3A_881 : memref<1x64x128xf32, #tpu.memory_space<vmem>> -> memref<64x128xf32, #tpu.memory_space<vmem>>
        %get3A_883 = arith.index_cast %scan3A_820 : i32 to index
        %get3A_884 = arith.constant 48 : index
        %get3A_885 = tpu.vector_load %get3A_882[%get3A_883, %get3A_884] {strides = array<i32>} : memref<64x128xf32, #tpu.memory_space<vmem>>, vector<1x16xf32>,
        %get3A_886 = vector.shape_cast %get3A_885 : vector<1x16xf32> to vector<16xf32>
        %mul3A_887 = arith.constant 11.3137083 : f32
        %mul3A_888 = vector.broadcast %mul3A_887 : f32 to vector<16xf32>
        %mul3A_889 = arith.mulf %get3A_886, %mul3A_888 : vector<16xf32>
        %swap3A_890 = arith.constant 0 : i32
        %swap3A_891 = arith.constant 0 : i32
        %swap3A_892 = tpu.memref_slice %arg6[%scan3A_322, %swap3A_890, %swap3A_891] : memref<10x64x128xf32, #tpu.memory_space<vmem>> -> memref<1x64x128xf32, #tpu.memory_space<vmem>>
        %swap3A_893 = tpu.memref_squeeze %swap3A_892 : memref<1x64x128xf32, #tpu.memory_space<vmem>> -> memref<64x128xf32, #tpu.memory_space<vmem>>
        %swap3A_894 = arith.index_cast %scan3A_820 : i32 to index
        %swap3A_895 = arith.constant 48 : index
        %swap3A_896 = tpu.vector_load %swap3A_893[%swap3A_894, %swap3A_895] {strides = array<i32>} : memref<64x128xf32, #tpu.memory_space<vmem>>, vector<1x16xf32>,
        %swap3A_897 = vector.shape_cast %swap3A_896 : vector<1x16xf32> to vector<16xf32>
        %swap3A_898 = vector.shape_cast %mul3A_889 : vector<16xf32> to vector<1x16xf32>
        tpu.vector_store %swap3A_893[%swap3A_894, %swap3A_895], %swap3A_898 {strides = array<i32>} : memref<64x128xf32, #tpu.memory_space<vmem>>, vector<1x16xf32>,
        %get3A_899 = arith.constant 0 : i32
        %get3A_900 = arith.constant 0 : i32
        %get3A_901 = tpu.memref_slice %arg6[%scan3A_322, %get3A_899, %get3A_900] : memref<10x64x128xf32, #tpu.memory_space<vmem>> -> memref<1x64x128xf32, #tpu.memory_space<vmem>>
        %get3A_902 = tpu.memref_squeeze %get3A_901 : memref<1x64x128xf32, #tpu.memory_space<vmem>> -> memref<64x128xf32, #tpu.memory_space<vmem>>
        %get3A_903 = arith.index_cast %scan3A_820 : i32 to index
        %get3A_904 = arith.constant 64 : index
        %get3A_905 = tpu.vector_load %get3A_902[%get3A_903, %get3A_904] {strides = array<i32>} : memref<64x128xf32, #tpu.memory_space<vmem>>, vector<1x16xf32>,
        %get3A_906 = vector.shape_cast %get3A_905 : vector<1x16xf32> to vector<16xf32>
        %mul3A_907 = arith.constant 11.3137083 : f32
        %mul3A_908 = vector.broadcast %mul3A_907 : f32 to vector<16xf32>
        %mul3A_909 = arith.mulf %get3A_906, %mul3A_908 : vector<16xf32>
        %swap3A_910 = arith.constant 0 : i32
        %swap3A_911 = arith.constant 0 : i32
        %swap3A_912 = tpu.memref_slice %arg6[%scan3A_322, %swap3A_910, %swap3A_911] : memref<10x64x128xf32, #tpu.memory_space<vmem>> -> memref<1x64x128xf32, #tpu.memory_space<vmem>>
        %swap3A_913 = tpu.memref_squeeze %swap3A_912 : memref<1x64x128xf32, #tpu.memory_space<vmem>> -> memref<64x128xf32, #tpu.memory_space<vmem>>
        %swap3A_914 = arith.index_cast %scan3A_820 : i32 to index
        %swap3A_915 = arith.constant 64 : index
        %swap3A_916 = tpu.vector_load %swap3A_913[%swap3A_914, %swap3A_915] {strides = array<i32>} : memref<64x128xf32, #tpu.memory_space<vmem>>, vector<1x16xf32>,
        %swap3A_917 = vector.shape_cast %swap3A_916 : vector<1x16xf32> to vector<16xf32>
        %swap3A_918 = vector.shape_cast %mul3A_909 : vector<16xf32> to vector<1x16xf32>
        tpu.vector_store %swap3A_913[%swap3A_914, %swap3A_915], %swap3A_918 {strides = array<i32>} : memref<64x128xf32, #tpu.memory_space<vmem>>, vector<1x16xf32>,
        %get3A_919 = arith.constant 0 : i32
        %get3A_920 = arith.constant 0 : i32
        %get3A_921 = tpu.memref_slice %arg6[%scan3A_322, %get3A_919, %get3A_920] : memref<10x64x128xf32, #tpu.memory_space<vmem>> -> memref<1x64x128xf32, #tpu.memory_space<vmem>>
        %get3A_922 = tpu.memref_squeeze %get3A_921 : memref<1x64x128xf32, #tpu.memory_space<vmem>> -> memref<64x128xf32, #tpu.memory_space<vmem>>
        %get3A_923 = arith.index_cast %scan3A_820 : i32 to index
        %get3A_924 = arith.constant 80 : index
        %get3A_925 = tpu.vector_load %get3A_922[%get3A_923, %get3A_924] {strides = array<i32>} : memref<64x128xf32, #tpu.memory_space<vmem>>, vector<1x16xf32>,
        %get3A_926 = vector.shape_cast %get3A_925 : vector<1x16xf32> to vector<16xf32>
        %mul3A_927 = arith.constant 11.3137083 : f32
        %mul3A_928 = vector.broadcast %mul3A_927 : f32 to vector<16xf32>
        %mul3A_929 = arith.mulf %get3A_926, %mul3A_928 : vector<16xf32>
        %swap3A_930 = arith.constant 0 : i32
        %swap3A_931 = arith.constant 0 : i32
        %swap3A_932 = tpu.memref_slice %arg6[%scan3A_322, %swap3A_930, %swap3A_931] : memref<10x64x128xf32, #tpu.memory_space<vmem>> -> memref<1x64x128xf32, #tpu.memory_space<vmem>>
        %swap3A_933 = tpu.memref_squeeze %swap3A_932 : memref<1x64x128xf32, #tpu.memory_space<vmem>> -> memref<64x128xf32, #tpu.memory_space<vmem>>
        %swap3A_934 = arith.index_cast %scan3A_820 : i32 to index
        %swap3A_935 = arith.constant 80 : index
        %swap3A_936 = tpu.vector_load %swap3A_933[%swap3A_934, %swap3A_935] {strides = array<i32>} : memref<64x128xf32, #tpu.memory_space<vmem>>, vector<1x16xf32>,
        %swap3A_937 = vector.shape_cast %swap3A_936 : vector<1x16xf32> to vector<16xf32>
        %swap3A_938 = vector.shape_cast %mul3A_929 : vector<16xf32> to vector<1x16xf32>
        tpu.vector_store %swap3A_933[%swap3A_934, %swap3A_935], %swap3A_938 {strides = array<i32>} : memref<64x128xf32, #tpu.memory_space<vmem>>, vector<1x16xf32>,
        %get3A_939 = arith.constant 0 : i32
        %get3A_940 = arith.constant 0 : i32
        %get3A_941 = tpu.memref_slice %arg6[%scan3A_322, %get3A_939, %get3A_940] : memref<10x64x128xf32, #tpu.memory_space<vmem>> -> memref<1x64x128xf32, #tpu.memory_space<vmem>>
        %get3A_942 = tpu.memref_squeeze %get3A_941 : memref<1x64x128xf32, #tpu.memory_space<vmem>> -> memref<64x128xf32, #tpu.memory_space<vmem>>
        %get3A_943 = arith.index_cast %scan3A_820 : i32 to index
        %get3A_944 = arith.constant 96 : index
        %get3A_945 = tpu.vector_load %get3A_942[%get3A_943, %get3A_944] {strides = array<i32>} : memref<64x128xf32, #tpu.memory_space<vmem>>, vector<1x16xf32>,
        %get3A_946 = vector.shape_cast %get3A_945 : vector<1x16xf32> to vector<16xf32>
        %mul3A_947 = arith.constant 11.3137083 : f32
        %mul3A_948 = vector.broadcast %mul3A_947 : f32 to vector<16xf32>
        %mul3A_949 = arith.mulf %get3A_946, %mul3A_948 : vector<16xf32>
        %swap3A_950 = arith.constant 0 : i32
        %swap3A_951 = arith.constant 0 : i32
        %swap3A_952 = tpu.memref_slice %arg6[%scan3A_322, %swap3A_950, %swap3A_951] : memref<10x64x128xf32, #tpu.memory_space<vmem>> -> memref<1x64x128xf32, #tpu.memory_space<vmem>>
        %swap3A_953 = tpu.memref_squeeze %swap3A_952 : memref<1x64x128xf32, #tpu.memory_space<vmem>> -> memref<64x128xf32, #tpu.memory_space<vmem>>
        %swap3A_954 = arith.index_cast %scan3A_820 : i32 to index
        %swap3A_955 = arith.constant 96 : index
        %swap3A_956 = tpu.vector_load %swap3A_953[%swap3A_954, %swap3A_955] {strides = array<i32>} : memref<64x128xf32, #tpu.memory_space<vmem>>, vector<1x16xf32>,
        %swap3A_957 = vector.shape_cast %swap3A_956 : vector<1x16xf32> to vector<16xf32>
        %swap3A_958 = vector.shape_cast %mul3A_949 : vector<16xf32> to vector<1x16xf32>
        tpu.vector_store %swap3A_953[%swap3A_954, %swap3A_955], %swap3A_958 {strides = array<i32>} : memref<64x128xf32, #tpu.memory_space<vmem>>, vector<1x16xf32>,
        %get3A_959 = arith.constant 0 : i32
        %get3A_960 = arith.constant 0 : i32
        %get3A_961 = tpu.memref_slice %arg6[%scan3A_322, %get3A_959, %get3A_960] : memref<10x64x128xf32, #tpu.memory_space<vmem>> -> memref<1x64x128xf32, #tpu.memory_space<vmem>>
        %get3A_962 = tpu.memref_squeeze %get3A_961 : memref<1x64x128xf32, #tpu.memory_space<vmem>> -> memref<64x128xf32, #tpu.memory_space<vmem>>
        %get3A_963 = arith.index_cast %scan3A_820 : i32 to index
        %get3A_964 = arith.constant 112 : index
        %get3A_965 = tpu.vector_load %get3A_962[%get3A_963, %get3A_964] {strides = array<i32>} : memref<64x128xf32, #tpu.memory_space<vmem>>, vector<1x16xf32>,
        %get3A_966 = vector.shape_cast %get3A_965 : vector<1x16xf32> to vector<16xf32>
        %mul3A_967 = arith.constant 11.3137083 : f32
        %mul3A_968 = vector.broadcast %mul3A_967 : f32 to vector<16xf32>
        %mul3A_969 = arith.mulf %get3A_966, %mul3A_968 : vector<16xf32>
        %swap3A_970 = arith.constant 0 : i32
        %swap3A_971 = arith.constant 0 : i32
        %swap3A_972 = tpu.memref_slice %arg6[%scan3A_322, %swap3A_970, %swap3A_971] : memref<10x64x128xf32, #tpu.memory_space<vmem>> -> memref<1x64x128xf32, #tpu.memory_space<vmem>>
        %swap3A_973 = tpu.memref_squeeze %swap3A_972 : memref<1x64x128xf32, #tpu.memory_space<vmem>> -> memref<64x128xf32, #tpu.memory_space<vmem>>
        %swap3A_974 = arith.index_cast %scan3A_820 : i32 to index
        %swap3A_975 = arith.constant 112 : index
        %swap3A_976 = tpu.vector_load %swap3A_973[%swap3A_974, %swap3A_975] {strides = array<i32>} : memref<64x128xf32, #tpu.memory_space<vmem>>, vector<1x16xf32>,
        %swap3A_977 = vector.shape_cast %swap3A_976 : vector<1x16xf32> to vector<16xf32>
        %swap3A_978 = vector.shape_cast %mul3A_969 : vector<16xf32> to vector<1x16xf32>
        tpu.vector_store %swap3A_973[%swap3A_974, %swap3A_975], %swap3A_978 {strides = array<i32>} : memref<64x128xf32, #tpu.memory_space<vmem>>, vector<1x16xf32>,
      }
      %scan3A_327 = arith.constant 64 : i32
      %mul3A_328 = arith.constant 64 : i32
      %mul3A_329 = arith.muli %add3A_305, %mul3A_328 : i32
      %add3A_330 = arith.addi %mul3A_2, %mul3A_329 : i32
      %dma_start3A_331 = arith.constant 0 : i32
      %dma_start3A_332 = arith.constant 0 : i32
      %dma_start3A_333 = arith.constant 0 : i32
      %dma_start3A_334 = arith.constant 0 : i32
      %dma_start3A_335 = tpu.memref_slice %arg6[%dma_start3A_331, %dma_start3A_333, %dma_start3A_334] : memref<10x64x128xf32, #tpu.memory_space<vmem>> -> memref<1x64x128xf32, #tpu.memory_space<vmem>>
      %dma_start3A_336 = tpu.memref_squeeze %dma_start3A_335 : memref<1x64x128xf32, #tpu.memory_space<vmem>> -> memref<64x128xf32, #tpu.memory_space<vmem>>
      %dma_start3A_337 = arith.constant 0 : i32
      %dma_start3A_338 = tpu.memref_slice %arg4[%add3A_330, %dma_start3A_337] : memref<204800x128xf32, #tpu.memory_space<hbm>> -> memref<64x128xf32, #tpu.memory_space<hbm>>
      %dma_start3A_339 = tpu.memref_slice %arg8[%dma_start3A_332] : memref<10x!tpu.dma_semaphore, #tpu.memory_space<semaphore_mem>> -> memref<1x!tpu.dma_semaphore, #tpu.memory_space<semaphore_mem>>
      %dma_start3A_340 = tpu.memref_squeeze %dma_start3A_339 : memref<1x!tpu.dma_semaphore, #tpu.memory_space<semaphore_mem>> -> memref<!tpu.dma_semaphore, #tpu.memory_space<semaphore_mem>>
      %dma_start3A_341 = arith.constant 0 : i32
      %dma_start3A_342 = tpu.memref_slice %arg4[%add3A_330, %dma_start3A_341] : memref<204800x128xf32, #tpu.memory_space<hbm>> -> memref<64x128xf32, #tpu.memory_space<hbm>>
      %dma_start3A_343 = arith.constant 0 : i32
      %dma_start3A_344 = arith.constant 0 : i32
      %dma_start3A_345 = tpu.memref_slice %arg6[%dma_start3A_331, %dma_start3A_343, %dma_start3A_344] : memref<10x64x128xf32, #tpu.memory_space<vmem>> -> memref<1x64x128xf32, #tpu.memory_space<vmem>>
      %dma_start3A_346 = tpu.memref_squeeze %dma_start3A_345 : memref<1x64x128xf32, #tpu.memory_space<vmem>> -> memref<64x128xf32, #tpu.memory_space<vmem>>
      tpu.enqueue_dma source(%dma_start3A_346 : memref<64x128xf32, #tpu.memory_space<vmem>>) target(%dma_start3A_342 : memref<64x128xf32, #tpu.memory_space<hbm>>) target_semaphore(%dma_start3A_340 : memref<!tpu.dma_semaphore, #tpu.memory_space<semaphore_mem>>)
      %add3A_347 = arith.constant 10 : i32
      %add3A_348 = arith.addi %add3A_305, %add3A_347 : i32
      %sub3A = arith.constant 1 : i32
      %sub3A_349 = arith.subi %add3A_348, %sub3A : i32
      %lt3A = arith.constant 100 : i32
      %lt3A_350 = arith.cmpi slt, %sub3A_349, %lt3A : i32
      %convert_element_type3A = arith.extui %lt3A_350 : i1 to i32
      %cond3A = arith.constant 0 : i32
      %cond3A_351 = arith.cmpi ne, %convert_element_type3A, %cond3A : i32
      scf.if %cond3A_351 {
        %gt3A = arith.constant 0 : i32
        %gt3A_820 = arith.cmpi sgt, %add3A_305, %gt3A : i32
        %convert_element_type3A_821 = arith.extui %gt3A_820 : i1 to i32
        %cond3A_822 = arith.constant 0 : i32
        %cond3A_823 = arith.cmpi ne, %convert_element_type3A_821, %cond3A_822 : i32
        scf.if %cond3A_823 {
          %dma_wait3A_838 = arith.constant 9 : i32
          %dma_wait3A_839 = arith.constant 9 : i32
          %dma_wait3A_840 = arith.constant 0 : i32
          %dma_wait3A_841 = arith.constant 0 : i32
          %dma_wait3A_842 = tpu.memref_slice %arg6[%dma_wait3A_838, %dma_wait3A_840, %dma_wait3A_841] : memref<10x64x128xf32, #tpu.memory_space<vmem>> -> memref<1x64x128xf32, #tpu.memory_space<vmem>>
          %dma_wait3A_843 = tpu.memref_squeeze %dma_wait3A_842 : memref<1x64x128xf32, #tpu.memory_space<vmem>> -> memref<64x128xf32, #tpu.memory_space<vmem>>
          %dma_wait3A_844 = arith.constant 0 : i32
          %dma_wait3A_845 = tpu.memref_slice %arg4[%mul3A_2, %dma_wait3A_844] : memref<204800x128xf32, #tpu.memory_space<hbm>> -> memref<64x128xf32, #tpu.memory_space<hbm>>
          %dma_wait3A_846 = tpu.memref_slice %arg8[%dma_wait3A_839] : memref<10x!tpu.dma_semaphore, #tpu.memory_space<semaphore_mem>> -> memref<1x!tpu.dma_semaphore, #tpu.memory_space<semaphore_mem>>
          %dma_wait3A_847 = tpu.memref_squeeze %dma_wait3A_846 : memref<1x!tpu.dma_semaphore, #tpu.memory_space<semaphore_mem>> -> memref<!tpu.dma_semaphore, #tpu.memory_space<semaphore_mem>>
          %dma_wait3A_848 = arith.constant 0 : i32
          %dma_wait3A_849 = tpu.memref_slice %arg4[%mul3A_2, %dma_wait3A_848] : memref<204800x128xf32, #tpu.memory_space<hbm>> -> memref<64x128xf32, #tpu.memory_space<hbm>>
          %dma_wait3A_850 = arith.constant 0 : i32
          %dma_wait3A_851 = arith.constant 0 : i32
          %dma_wait3A_852 = tpu.memref_slice %arg6[%dma_wait3A_838, %dma_wait3A_850, %dma_wait3A_851] : memref<10x64x128xf32, #tpu.memory_space<vmem>> -> memref<1x64x128xf32, #tpu.memory_space<vmem>>
          %dma_wait3A_853 = tpu.memref_squeeze %dma_wait3A_852 : memref<1x64x128xf32, #tpu.memory_space<vmem>> -> memref<64x128xf32, #tpu.memory_space<vmem>>
          tpu.wait_dma2 semaphore(%dma_wait3A_847 : memref<!tpu.dma_semaphore, #tpu.memory_space<semaphore_mem>>) src(%dma_wait3A_853 : memref<64x128xf32, #tpu.memory_space<vmem>>) dst(%dma_wait3A_849 : memref<64x128xf32, #tpu.memory_space<hbm>>)
        } else {
        }
        %dma_start3A_824 = arith.constant 9 : i32
        %dma_start3A_825 = arith.constant 9 : i32
        %dma_start3A_826 = arith.constant 0 : i32
        %dma_start3A_827 = arith.constant 0 : i32
        %dma_start3A_828 = tpu.memref_slice %arg6[%dma_start3A_824, %dma_start3A_826, %dma_start3A_827] : memref<10x64x128xf32, #tpu.memory_space<vmem>> -> memref<1x64x128xf32, #tpu.memory_space<vmem>>
        %dma_start3A_829 = tpu.memref_squeeze %dma_start3A_828 : memref<1x64x128xf32, #tpu.memory_space<vmem>> -> memref<64x128xf32, #tpu.memory_space<vmem>>
        %dma_start3A_830 = arith.constant 0 : i32
        %dma_start3A_831 = tpu.memref_slice %arg5[%sub3A_349, %dma_start3A_830] : memref<100x64xi32, #tpu.memory_space<vmem>> -> memref<1x64xi32, #tpu.memory_space<vmem>>
        %dma_start3A_832 = tpu.memref_squeeze %dma_start3A_831 : memref<1x64xi32, #tpu.memory_space<vmem>> -> memref<64xi32, #tpu.memory_space<vmem>>
        %dma_start3A_833 = arith.constant 0 : i32
        %dma_start3A_834 = arith.constant 0 : i32
        %dma_start3A_835 = tpu.memref_slice %arg2[%dma_start3A_833, %dma_start3A_834] : memref<100000x128xf32, #tpu.memory_space<hbm>> -> memref<100000x128xf32, #tpu.memory_space<hbm>>
        %dma_start3A_836 = tpu.memref_slice %arg7[%dma_start3A_825] : memref<10x!tpu.dma_semaphore, #tpu.memory_space<semaphore_mem>> -> memref<1x!tpu.dma_semaphore, #tpu.memory_space<semaphore_mem>>
        %dma_start3A_837 = tpu.memref_squeeze %dma_start3A_836 : memref<1x!tpu.dma_semaphore, #tpu.memory_space<semaphore_mem>> -> memref<!tpu.dma_semaphore, #tpu.memory_space<semaphore_mem>>
        tpu.enqueue_indirect_dma source(%dma_start3A_835 : memref<100000x128xf32, #tpu.memory_space<hbm>>) target(%dma_start3A_829 : memref<64x128xf32, #tpu.memory_space<vmem>>) offsets(%dma_start3A_832 : memref<64xi32, #tpu.memory_space<vmem>>) semaphore(%dma_start3A_837 : memref<!tpu.dma_semaphore, #tpu.memory_space<semaphore_mem>>)
      } else {
      }
      %add3A_352 = arith.constant 1 : i32
      %add3A_353 = arith.addi %mul3A_303, %add3A_352 : i32
      %dma_wait3A_354 = arith.constant 0 : i32
      %dma_wait3A_355 = arith.constant 1 : i32
      %dma_wait3A_356 = arith.constant 1 : i32
      %dma_wait3A_357 = arith.constant 0 : i32
      %dma_wait3A_358 = arith.constant 0 : i32
      %dma_wait3A_359 = tpu.memref_slice %arg6[%dma_wait3A_355, %dma_wait3A_357, %dma_wait3A_358] : memref<10x64x128xf32, #tpu.memory_space<vmem>> -> memref<1x64x128xf32, #tpu.memory_space<vmem>>
      %dma_wait3A_360 = tpu.memref_squeeze %dma_wait3A_359 : memref<1x64x128xf32, #tpu.memory_space<vmem>> -> memref<64x128xf32, #tpu.memory_space<vmem>>
      %dma_wait3A_361 = arith.constant 0 : i32
      %dma_wait3A_362 = tpu.memref_slice %arg5[%dma_wait3A_354, %dma_wait3A_361] : memref<100x64xi32, #tpu.memory_space<vmem>> -> memref<1x64xi32, #tpu.memory_space<vmem>>
      %dma_wait3A_363 = tpu.memref_squeeze %dma_wait3A_362 : memref<1x64xi32, #tpu.memory_space<vmem>> -> memref<64xi32, #tpu.memory_space<vmem>>
      %dma_wait3A_364 = arith.constant 0 : i32
      %dma_wait3A_365 = arith.constant 0 : i32
      %dma_wait3A_366 = tpu.memref_slice %arg2[%dma_wait3A_364, %dma_wait3A_365] : memref<100000x128xf32, #tpu.memory_space<hbm>> -> memref<100000x128xf32, #tpu.memory_space<hbm>>
      %dma_wait3A_367 = tpu.memref_slice %arg7[%dma_wait3A_356] : memref<10x!tpu.dma_semaphore, #tpu.memory_space<semaphore_mem>> -> memref<1x!tpu.dma_semaphore, #tpu.memory_space<semaphore_mem>>
      %dma_wait3A_368 = tpu.memref_squeeze %dma_wait3A_367 : memref<1x!tpu.dma_semaphore, #tpu.memory_space<semaphore_mem>> -> memref<!tpu.dma_semaphore, #tpu.memory_space<semaphore_mem>>
      tpu.wait_indirect_dma semaphore(%dma_wait3A_368 : memref<!tpu.dma_semaphore, #tpu.memory_space<semaphore_mem>>) src(%dma_wait3A_366 : memref<100000x128xf32, #tpu.memory_space<hbm>>) dst(%dma_wait3A_360 : memref<64x128xf32, #tpu.memory_space<vmem>>)
      %scan3A_369 = arith.constant 0 : i32
      %scan3A_370 = arith.constant 1 : i32
      %scan3A_371 = arith.constant 0 : i32
      %scan3A_372 = arith.constant 64 : i32
      %scan3A_373 = arith.addi %scan3A_371, %scan3A_372 : i32
      %scan3A_374 = arith.constant 1 : i32
      scf.for %scan3A_820 = %scan3A_371 to %scan3A_373 step %scan3A_374  : i32 {
        %get3A = arith.constant 0 : i32
        %get3A_821 = arith.constant 0 : i32
        %get3A_822 = tpu.memref_slice %arg6[%scan3A_370, %get3A, %get3A_821] : memref<10x64x128xf32, #tpu.memory_space<vmem>> -> memref<1x64x128xf32, #tpu.memory_space<vmem>>
        %get3A_823 = tpu.memref_squeeze %get3A_822 : memref<1x64x128xf32, #tpu.memory_space<vmem>> -> memref<64x128xf32, #tpu.memory_space<vmem>>
        %get3A_824 = arith.index_cast %scan3A_820 : i32 to index
        %get3A_825 = arith.constant 0 : index
        %get3A_826 = tpu.vector_load %get3A_823[%get3A_824, %get3A_825] {strides = array<i32>} : memref<64x128xf32, #tpu.memory_space<vmem>>, vector<1x16xf32>,
        %get3A_827 = vector.shape_cast %get3A_826 : vector<1x16xf32> to vector<16xf32>
        %mul3A_828 = arith.constant 11.3137083 : f32
        %mul3A_829 = vector.broadcast %mul3A_828 : f32 to vector<16xf32>
        %mul3A_830 = arith.mulf %get3A_827, %mul3A_829 : vector<16xf32>
        %swap3A = arith.constant 0 : i32
        %swap3A_831 = arith.constant 0 : i32
        %swap3A_832 = tpu.memref_slice %arg6[%scan3A_370, %swap3A, %swap3A_831] : memref<10x64x128xf32, #tpu.memory_space<vmem>> -> memref<1x64x128xf32, #tpu.memory_space<vmem>>
        %swap3A_833 = tpu.memref_squeeze %swap3A_832 : memref<1x64x128xf32, #tpu.memory_space<vmem>> -> memref<64x128xf32, #tpu.memory_space<vmem>>
        %swap3A_834 = arith.index_cast %scan3A_820 : i32 to index
        %swap3A_835 = arith.constant 0 : index
        %swap3A_836 = tpu.vector_load %swap3A_833[%swap3A_834, %swap3A_835] {strides = array<i32>} : memref<64x128xf32, #tpu.memory_space<vmem>>, vector<1x16xf32>,
        %swap3A_837 = vector.shape_cast %swap3A_836 : vector<1x16xf32> to vector<16xf32>
        %swap3A_838 = vector.shape_cast %mul3A_830 : vector<16xf32> to vector<1x16xf32>
        tpu.vector_store %swap3A_833[%swap3A_834, %swap3A_835], %swap3A_838 {strides = array<i32>} : memref<64x128xf32, #tpu.memory_space<vmem>>, vector<1x16xf32>,
        %get3A_839 = arith.constant 0 : i32
        %get3A_840 = arith.constant 0 : i32
        %get3A_841 = tpu.memref_slice %arg6[%scan3A_370, %get3A_839, %get3A_840] : memref<10x64x128xf32, #tpu.memory_space<vmem>> -> memref<1x64x128xf32, #tpu.memory_space<vmem>>
        %get3A_842 = tpu.memref_squeeze %get3A_841 : memref<1x64x128xf32, #tpu.memory_space<vmem>> -> memref<64x128xf32, #tpu.memory_space<vmem>>
        %get3A_843 = arith.index_cast %scan3A_820 : i32 to index
        %get3A_844 = arith.constant 16 : index
        %get3A_845 = tpu.vector_load %get3A_842[%get3A_843, %get3A_844] {strides = array<i32>} : memref<64x128xf32, #tpu.memory_space<vmem>>, vector<1x16xf32>,
        %get3A_846 = vector.shape_cast %get3A_845 : vector<1x16xf32> to vector<16xf32>
        %mul3A_847 = arith.constant 11.3137083 : f32
        %mul3A_848 = vector.broadcast %mul3A_847 : f32 to vector<16xf32>
        %mul3A_849 = arith.mulf %get3A_846, %mul3A_848 : vector<16xf32>
        %swap3A_850 = arith.constant 0 : i32
        %swap3A_851 = arith.constant 0 : i32
        %swap3A_852 = tpu.memref_slice %arg6[%scan3A_370, %swap3A_850, %swap3A_851] : memref<10x64x128xf32, #tpu.memory_space<vmem>> -> memref<1x64x128xf32, #tpu.memory_space<vmem>>
        %swap3A_853 = tpu.memref_squeeze %swap3A_852 : memref<1x64x128xf32, #tpu.memory_space<vmem>> -> memref<64x128xf32, #tpu.memory_space<vmem>>
        %swap3A_854 = arith.index_cast %scan3A_820 : i32 to index
        %swap3A_855 = arith.constant 16 : index
        %swap3A_856 = tpu.vector_load %swap3A_853[%swap3A_854, %swap3A_855] {strides = array<i32>} : memref<64x128xf32, #tpu.memory_space<vmem>>, vector<1x16xf32>,
        %swap3A_857 = vector.shape_cast %swap3A_856 : vector<1x16xf32> to vector<16xf32>
        %swap3A_858 = vector.shape_cast %mul3A_849 : vector<16xf32> to vector<1x16xf32>
        tpu.vector_store %swap3A_853[%swap3A_854, %swap3A_855], %swap3A_858 {strides = array<i32>} : memref<64x128xf32, #tpu.memory_space<vmem>>, vector<1x16xf32>,
        %get3A_859 = arith.constant 0 : i32
        %get3A_860 = arith.constant 0 : i32
        %get3A_861 = tpu.memref_slice %arg6[%scan3A_370, %get3A_859, %get3A_860] : memref<10x64x128xf32, #tpu.memory_space<vmem>> -> memref<1x64x128xf32, #tpu.memory_space<vmem>>
        %get3A_862 = tpu.memref_squeeze %get3A_861 : memref<1x64x128xf32, #tpu.memory_space<vmem>> -> memref<64x128xf32, #tpu.memory_space<vmem>>
        %get3A_863 = arith.index_cast %scan3A_820 : i32 to index
        %get3A_864 = arith.constant 32 : index
        %get3A_865 = tpu.vector_load %get3A_862[%get3A_863, %get3A_864] {strides = array<i32>} : memref<64x128xf32, #tpu.memory_space<vmem>>, vector<1x16xf32>,
        %get3A_866 = vector.shape_cast %get3A_865 : vector<1x16xf32> to vector<16xf32>
        %mul3A_867 = arith.constant 11.3137083 : f32
        %mul3A_868 = vector.broadcast %mul3A_867 : f32 to vector<16xf32>
        %mul3A_869 = arith.mulf %get3A_866, %mul3A_868 : vector<16xf32>
        %swap3A_870 = arith.constant 0 : i32
        %swap3A_871 = arith.constant 0 : i32
        %swap3A_872 = tpu.memref_slice %arg6[%scan3A_370, %swap3A_870, %swap3A_871] : memref<10x64x128xf32, #tpu.memory_space<vmem>> -> memref<1x64x128xf32, #tpu.memory_space<vmem>>
        %swap3A_873 = tpu.memref_squeeze %swap3A_872 : memref<1x64x128xf32, #tpu.memory_space<vmem>> -> memref<64x128xf32, #tpu.memory_space<vmem>>
        %swap3A_874 = arith.index_cast %scan3A_820 : i32 to index
        %swap3A_875 = arith.constant 32 : index
        %swap3A_876 = tpu.vector_load %swap3A_873[%swap3A_874, %swap3A_875] {strides = array<i32>} : memref<64x128xf32, #tpu.memory_space<vmem>>, vector<1x16xf32>,
        %swap3A_877 = vector.shape_cast %swap3A_876 : vector<1x16xf32> to vector<16xf32>
        %swap3A_878 = vector.shape_cast %mul3A_869 : vector<16xf32> to vector<1x16xf32>
        tpu.vector_store %swap3A_873[%swap3A_874, %swap3A_875], %swap3A_878 {strides = array<i32>} : memref<64x128xf32, #tpu.memory_space<vmem>>, vector<1x16xf32>,
        %get3A_879 = arith.constant 0 : i32
        %get3A_880 = arith.constant 0 : i32
        %get3A_881 = tpu.memref_slice %arg6[%scan3A_370, %get3A_879, %get3A_880] : memref<10x64x128xf32, #tpu.memory_space<vmem>> -> memref<1x64x128xf32, #tpu.memory_space<vmem>>
        %get3A_882 = tpu.memref_squeeze %get3A_881 : memref<1x64x128xf32, #tpu.memory_space<vmem>> -> memref<64x128xf32, #tpu.memory_space<vmem>>
        %get3A_883 = arith.index_cast %scan3A_820 : i32 to index
        %get3A_884 = arith.constant 48 : index
        %get3A_885 = tpu.vector_load %get3A_882[%get3A_883, %get3A_884] {strides = array<i32>} : memref<64x128xf32, #tpu.memory_space<vmem>>, vector<1x16xf32>,
        %get3A_886 = vector.shape_cast %get3A_885 : vector<1x16xf32> to vector<16xf32>
        %mul3A_887 = arith.constant 11.3137083 : f32
        %mul3A_888 = vector.broadcast %mul3A_887 : f32 to vector<16xf32>
        %mul3A_889 = arith.mulf %get3A_886, %mul3A_888 : vector<16xf32>
        %swap3A_890 = arith.constant 0 : i32
        %swap3A_891 = arith.constant 0 : i32
        %swap3A_892 = tpu.memref_slice %arg6[%scan3A_370, %swap3A_890, %swap3A_891] : memref<10x64x128xf32, #tpu.memory_space<vmem>> -> memref<1x64x128xf32, #tpu.memory_space<vmem>>
        %swap3A_893 = tpu.memref_squeeze %swap3A_892 : memref<1x64x128xf32, #tpu.memory_space<vmem>> -> memref<64x128xf32, #tpu.memory_space<vmem>>
        %swap3A_894 = arith.index_cast %scan3A_820 : i32 to index
        %swap3A_895 = arith.constant 48 : index
        %swap3A_896 = tpu.vector_load %swap3A_893[%swap3A_894, %swap3A_895] {strides = array<i32>} : memref<64x128xf32, #tpu.memory_space<vmem>>, vector<1x16xf32>,
        %swap3A_897 = vector.shape_cast %swap3A_896 : vector<1x16xf32> to vector<16xf32>
        %swap3A_898 = vector.shape_cast %mul3A_889 : vector<16xf32> to vector<1x16xf32>
        tpu.vector_store %swap3A_893[%swap3A_894, %swap3A_895], %swap3A_898 {strides = array<i32>} : memref<64x128xf32, #tpu.memory_space<vmem>>, vector<1x16xf32>,
        %get3A_899 = arith.constant 0 : i32
        %get3A_900 = arith.constant 0 : i32
        %get3A_901 = tpu.memref_slice %arg6[%scan3A_370, %get3A_899, %get3A_900] : memref<10x64x128xf32, #tpu.memory_space<vmem>> -> memref<1x64x128xf32, #tpu.memory_space<vmem>>
        %get3A_902 = tpu.memref_squeeze %get3A_901 : memref<1x64x128xf32, #tpu.memory_space<vmem>> -> memref<64x128xf32, #tpu.memory_space<vmem>>
        %get3A_903 = arith.index_cast %scan3A_820 : i32 to index
        %get3A_904 = arith.constant 64 : index
        %get3A_905 = tpu.vector_load %get3A_902[%get3A_903, %get3A_904] {strides = array<i32>} : memref<64x128xf32, #tpu.memory_space<vmem>>, vector<1x16xf32>,
        %get3A_906 = vector.shape_cast %get3A_905 : vector<1x16xf32> to vector<16xf32>
        %mul3A_907 = arith.constant 11.3137083 : f32
        %mul3A_908 = vector.broadcast %mul3A_907 : f32 to vector<16xf32>
        %mul3A_909 = arith.mulf %get3A_906, %mul3A_908 : vector<16xf32>
        %swap3A_910 = arith.constant 0 : i32
        %swap3A_911 = arith.constant 0 : i32
        %swap3A_912 = tpu.memref_slice %arg6[%scan3A_370, %swap3A_910, %swap3A_911] : memref<10x64x128xf32, #tpu.memory_space<vmem>> -> memref<1x64x128xf32, #tpu.memory_space<vmem>>
        %swap3A_913 = tpu.memref_squeeze %swap3A_912 : memref<1x64x128xf32, #tpu.memory_space<vmem>> -> memref<64x128xf32, #tpu.memory_space<vmem>>
        %swap3A_914 = arith.index_cast %scan3A_820 : i32 to index
        %swap3A_915 = arith.constant 64 : index
        %swap3A_916 = tpu.vector_load %swap3A_913[%swap3A_914, %swap3A_915] {strides = array<i32>} : memref<64x128xf32, #tpu.memory_space<vmem>>, vector<1x16xf32>,
        %swap3A_917 = vector.shape_cast %swap3A_916 : vector<1x16xf32> to vector<16xf32>
        %swap3A_918 = vector.shape_cast %mul3A_909 : vector<16xf32> to vector<1x16xf32>
        tpu.vector_store %swap3A_913[%swap3A_914, %swap3A_915], %swap3A_918 {strides = array<i32>} : memref<64x128xf32, #tpu.memory_space<vmem>>, vector<1x16xf32>,
        %get3A_919 = arith.constant 0 : i32
        %get3A_920 = arith.constant 0 : i32
        %get3A_921 = tpu.memref_slice %arg6[%scan3A_370, %get3A_919, %get3A_920] : memref<10x64x128xf32, #tpu.memory_space<vmem>> -> memref<1x64x128xf32, #tpu.memory_space<vmem>>
        %get3A_922 = tpu.memref_squeeze %get3A_921 : memref<1x64x128xf32, #tpu.memory_space<vmem>> -> memref<64x128xf32, #tpu.memory_space<vmem>>
        %get3A_923 = arith.index_cast %scan3A_820 : i32 to index
        %get3A_924 = arith.constant 80 : index
        %get3A_925 = tpu.vector_load %get3A_922[%get3A_923, %get3A_924] {strides = array<i32>} : memref<64x128xf32, #tpu.memory_space<vmem>>, vector<1x16xf32>,
        %get3A_926 = vector.shape_cast %get3A_925 : vector<1x16xf32> to vector<16xf32>
        %mul3A_927 = arith.constant 11.3137083 : f32
        %mul3A_928 = vector.broadcast %mul3A_927 : f32 to vector<16xf32>
        %mul3A_929 = arith.mulf %get3A_926, %mul3A_928 : vector<16xf32>
        %swap3A_930 = arith.constant 0 : i32
        %swap3A_931 = arith.constant 0 : i32
        %swap3A_932 = tpu.memref_slice %arg6[%scan3A_370, %swap3A_930, %swap3A_931] : memref<10x64x128xf32, #tpu.memory_space<vmem>> -> memref<1x64x128xf32, #tpu.memory_space<vmem>>
        %swap3A_933 = tpu.memref_squeeze %swap3A_932 : memref<1x64x128xf32, #tpu.memory_space<vmem>> -> memref<64x128xf32, #tpu.memory_space<vmem>>
        %swap3A_934 = arith.index_cast %scan3A_820 : i32 to index
        %swap3A_935 = arith.constant 80 : index
        %swap3A_936 = tpu.vector_load %swap3A_933[%swap3A_934, %swap3A_935] {strides = array<i32>} : memref<64x128xf32, #tpu.memory_space<vmem>>, vector<1x16xf32>,
        %swap3A_937 = vector.shape_cast %swap3A_936 : vector<1x16xf32> to vector<16xf32>
        %swap3A_938 = vector.shape_cast %mul3A_929 : vector<16xf32> to vector<1x16xf32>
        tpu.vector_store %swap3A_933[%swap3A_934, %swap3A_935], %swap3A_938 {strides = array<i32>} : memref<64x128xf32, #tpu.memory_space<vmem>>, vector<1x16xf32>,
        %get3A_939 = arith.constant 0 : i32
        %get3A_940 = arith.constant 0 : i32
        %get3A_941 = tpu.memref_slice %arg6[%scan3A_370, %get3A_939, %get3A_940] : memref<10x64x128xf32, #tpu.memory_space<vmem>> -> memref<1x64x128xf32, #tpu.memory_space<vmem>>
        %get3A_942 = tpu.memref_squeeze %get3A_941 : memref<1x64x128xf32, #tpu.memory_space<vmem>> -> memref<64x128xf32, #tpu.memory_space<vmem>>
        %get3A_943 = arith.index_cast %scan3A_820 : i32 to index
        %get3A_944 = arith.constant 96 : index
        %get3A_945 = tpu.vector_load %get3A_942[%get3A_943, %get3A_944] {strides = array<i32>} : memref<64x128xf32, #tpu.memory_space<vmem>>, vector<1x16xf32>,
        %get3A_946 = vector.shape_cast %get3A_945 : vector<1x16xf32> to vector<16xf32>
        %mul3A_947 = arith.constant 11.3137083 : f32
        %mul3A_948 = vector.broadcast %mul3A_947 : f32 to vector<16xf32>
        %mul3A_949 = arith.mulf %get3A_946, %mul3A_948 : vector<16xf32>
        %swap3A_950 = arith.constant 0 : i32
        %swap3A_951 = arith.constant 0 : i32
        %swap3A_952 = tpu.memref_slice %arg6[%scan3A_370, %swap3A_950, %swap3A_951] : memref<10x64x128xf32, #tpu.memory_space<vmem>> -> memref<1x64x128xf32, #tpu.memory_space<vmem>>
        %swap3A_953 = tpu.memref_squeeze %swap3A_952 : memref<1x64x128xf32, #tpu.memory_space<vmem>> -> memref<64x128xf32, #tpu.memory_space<vmem>>
        %swap3A_954 = arith.index_cast %scan3A_820 : i32 to index
        %swap3A_955 = arith.constant 96 : index
        %swap3A_956 = tpu.vector_load %swap3A_953[%swap3A_954, %swap3A_955] {strides = array<i32>} : memref<64x128xf32, #tpu.memory_space<vmem>>, vector<1x16xf32>,
        %swap3A_957 = vector.shape_cast %swap3A_956 : vector<1x16xf32> to vector<16xf32>
        %swap3A_958 = vector.shape_cast %mul3A_949 : vector<16xf32> to vector<1x16xf32>
        tpu.vector_store %swap3A_953[%swap3A_954, %swap3A_955], %swap3A_958 {strides = array<i32>} : memref<64x128xf32, #tpu.memory_space<vmem>>, vector<1x16xf32>,
        %get3A_959 = arith.constant 0 : i32
        %get3A_960 = arith.constant 0 : i32
        %get3A_961 = tpu.memref_slice %arg6[%scan3A_370, %get3A_959, %get3A_960] : memref<10x64x128xf32, #tpu.memory_space<vmem>> -> memref<1x64x128xf32, #tpu.memory_space<vmem>>
        %get3A_962 = tpu.memref_squeeze %get3A_961 : memref<1x64x128xf32, #tpu.memory_space<vmem>> -> memref<64x128xf32, #tpu.memory_space<vmem>>
        %get3A_963 = arith.index_cast %scan3A_820 : i32 to index
        %get3A_964 = arith.constant 112 : index
        %get3A_965 = tpu.vector_load %get3A_962[%get3A_963, %get3A_964] {strides = array<i32>} : memref<64x128xf32, #tpu.memory_space<vmem>>, vector<1x16xf32>,
        %get3A_966 = vector.shape_cast %get3A_965 : vector<1x16xf32> to vector<16xf32>
        %mul3A_967 = arith.constant 11.3137083 : f32
        %mul3A_968 = vector.broadcast %mul3A_967 : f32 to vector<16xf32>
        %mul3A_969 = arith.mulf %get3A_966, %mul3A_968 : vector<16xf32>
        %swap3A_970 = arith.constant 0 : i32
        %swap3A_971 = arith.constant 0 : i32
        %swap3A_972 = tpu.memref_slice %arg6[%scan3A_370, %swap3A_970, %swap3A_971] : memref<10x64x128xf32, #tpu.memory_space<vmem>> -> memref<1x64x128xf32, #tpu.memory_space<vmem>>
        %swap3A_973 = tpu.memref_squeeze %swap3A_972 : memref<1x64x128xf32, #tpu.memory_space<vmem>> -> memref<64x128xf32, #tpu.memory_space<vmem>>
        %swap3A_974 = arith.index_cast %scan3A_820 : i32 to index
        %swap3A_975 = arith.constant 112 : index
        %swap3A_976 = tpu.vector_load %swap3A_973[%swap3A_974, %swap3A_975] {strides = array<i32>} : memref<64x128xf32, #tpu.memory_space<vmem>>, vector<1x16xf32>,
        %swap3A_977 = vector.shape_cast %swap3A_976 : vector<1x16xf32> to vector<16xf32>
        %swap3A_978 = vector.shape_cast %mul3A_969 : vector<16xf32> to vector<1x16xf32>
        tpu.vector_store %swap3A_973[%swap3A_974, %swap3A_975], %swap3A_978 {strides = array<i32>} : memref<64x128xf32, #tpu.memory_space<vmem>>, vector<1x16xf32>,
      }
      %scan3A_375 = arith.constant 64 : i32
      %mul3A_376 = arith.constant 64 : i32
      %mul3A_377 = arith.muli %add3A_353, %mul3A_376 : i32
      %add3A_378 = arith.addi %mul3A_2, %mul3A_377 : i32
      %dma_start3A_379 = arith.constant 1 : i32
      %dma_start3A_380 = arith.constant 1 : i32
      %dma_start3A_381 = arith.constant 0 : i32
      %dma_start3A_382 = arith.constant 0 : i32
      %dma_start3A_383 = tpu.memref_slice %arg6[%dma_start3A_379, %dma_start3A_381, %dma_start3A_382] : memref<10x64x128xf32, #tpu.memory_space<vmem>> -> memref<1x64x128xf32, #tpu.memory_space<vmem>>
      %dma_start3A_384 = tpu.memref_squeeze %dma_start3A_383 : memref<1x64x128xf32, #tpu.memory_space<vmem>> -> memref<64x128xf32, #tpu.memory_space<vmem>>
      %dma_start3A_385 = arith.constant 0 : i32
      %dma_start3A_386 = tpu.memref_slice %arg4[%add3A_378, %dma_start3A_385] : memref<204800x128xf32, #tpu.memory_space<hbm>> -> memref<64x128xf32, #tpu.memory_space<hbm>>
      %dma_start3A_387 = tpu.memref_slice %arg8[%dma_start3A_380] : memref<10x!tpu.dma_semaphore, #tpu.memory_space<semaphore_mem>> -> memref<1x!tpu.dma_semaphore, #tpu.memory_space<semaphore_mem>>
      %dma_start3A_388 = tpu.memref_squeeze %dma_start3A_387 : memref<1x!tpu.dma_semaphore, #tpu.memory_space<semaphore_mem>> -> memref<!tpu.dma_semaphore, #tpu.memory_space<semaphore_mem>>
      %dma_start3A_389 = arith.constant 0 : i32
      %dma_start3A_390 = tpu.memref_slice %arg4[%add3A_378, %dma_start3A_389] : memref<204800x128xf32, #tpu.memory_space<hbm>> -> memref<64x128xf32, #tpu.memory_space<hbm>>
      %dma_start3A_391 = arith.constant 0 : i32
      %dma_start3A_392 = arith.constant 0 : i32
      %dma_start3A_393 = tpu.memref_slice %arg6[%dma_start3A_379, %dma_start3A_391, %dma_start3A_392] : memref<10x64x128xf32, #tpu.memory_space<vmem>> -> memref<1x64x128xf32, #tpu.memory_space<vmem>>
      %dma_start3A_394 = tpu.memref_squeeze %dma_start3A_393 : memref<1x64x128xf32, #tpu.memory_space<vmem>> -> memref<64x128xf32, #tpu.memory_space<vmem>>
      tpu.enqueue_dma source(%dma_start3A_394 : memref<64x128xf32, #tpu.memory_space<vmem>>) target(%dma_start3A_390 : memref<64x128xf32, #tpu.memory_space<hbm>>) target_semaphore(%dma_start3A_388 : memref<!tpu.dma_semaphore, #tpu.memory_space<semaphore_mem>>)
      %add3A_395 = arith.constant 10 : i32
      %add3A_396 = arith.addi %add3A_353, %add3A_395 : i32
      %sub3A_397 = arith.constant 1 : i32
      %sub3A_398 = arith.subi %add3A_396, %sub3A_397 : i32
      %lt3A_399 = arith.constant 100 : i32
      %lt3A_400 = arith.cmpi slt, %sub3A_398, %lt3A_399 : i32
      %convert_element_type3A_401 = arith.extui %lt3A_400 : i1 to i32
      %cond3A_402 = arith.constant 0 : i32
      %cond3A_403 = arith.cmpi ne, %convert_element_type3A_401, %cond3A_402 : i32
      scf.if %cond3A_403 {
        %gt3A = arith.constant 0 : i32
        %gt3A_820 = arith.cmpi sgt, %add3A_353, %gt3A : i32
        %convert_element_type3A_821 = arith.extui %gt3A_820 : i1 to i32
        %cond3A_822 = arith.constant 0 : i32
        %cond3A_823 = arith.cmpi ne, %convert_element_type3A_821, %cond3A_822 : i32
        scf.if %cond3A_823 {
          %dma_wait3A_838 = arith.constant 0 : i32
          %dma_wait3A_839 = arith.constant 0 : i32
          %dma_wait3A_840 = arith.constant 0 : i32
          %dma_wait3A_841 = arith.constant 0 : i32
          %dma_wait3A_842 = tpu.memref_slice %arg6[%dma_wait3A_838, %dma_wait3A_840, %dma_wait3A_841] : memref<10x64x128xf32, #tpu.memory_space<vmem>> -> memref<1x64x128xf32, #tpu.memory_space<vmem>>
          %dma_wait3A_843 = tpu.memref_squeeze %dma_wait3A_842 : memref<1x64x128xf32, #tpu.memory_space<vmem>> -> memref<64x128xf32, #tpu.memory_space<vmem>>
          %dma_wait3A_844 = arith.constant 0 : i32
          %dma_wait3A_845 = tpu.memref_slice %arg4[%mul3A_2, %dma_wait3A_844] : memref<204800x128xf32, #tpu.memory_space<hbm>> -> memref<64x128xf32, #tpu.memory_space<hbm>>
          %dma_wait3A_846 = tpu.memref_slice %arg8[%dma_wait3A_839] : memref<10x!tpu.dma_semaphore, #tpu.memory_space<semaphore_mem>> -> memref<1x!tpu.dma_semaphore, #tpu.memory_space<semaphore_mem>>
          %dma_wait3A_847 = tpu.memref_squeeze %dma_wait3A_846 : memref<1x!tpu.dma_semaphore, #tpu.memory_space<semaphore_mem>> -> memref<!tpu.dma_semaphore, #tpu.memory_space<semaphore_mem>>
          %dma_wait3A_848 = arith.constant 0 : i32
          %dma_wait3A_849 = tpu.memref_slice %arg4[%mul3A_2, %dma_wait3A_848] : memref<204800x128xf32, #tpu.memory_space<hbm>> -> memref<64x128xf32, #tpu.memory_space<hbm>>
          %dma_wait3A_850 = arith.constant 0 : i32
          %dma_wait3A_851 = arith.constant 0 : i32
          %dma_wait3A_852 = tpu.memref_slice %arg6[%dma_wait3A_838, %dma_wait3A_850, %dma_wait3A_851] : memref<10x64x128xf32, #tpu.memory_space<vmem>> -> memref<1x64x128xf32, #tpu.memory_space<vmem>>
          %dma_wait3A_853 = tpu.memref_squeeze %dma_wait3A_852 : memref<1x64x128xf32, #tpu.memory_space<vmem>> -> memref<64x128xf32, #tpu.memory_space<vmem>>
          tpu.wait_dma2 semaphore(%dma_wait3A_847 : memref<!tpu.dma_semaphore, #tpu.memory_space<semaphore_mem>>) src(%dma_wait3A_853 : memref<64x128xf32, #tpu.memory_space<vmem>>) dst(%dma_wait3A_849 : memref<64x128xf32, #tpu.memory_space<hbm>>)
        } else {
        }
        %dma_start3A_824 = arith.constant 0 : i32
        %dma_start3A_825 = arith.constant 0 : i32
        %dma_start3A_826 = arith.constant 0 : i32
        %dma_start3A_827 = arith.constant 0 : i32
        %dma_start3A_828 = tpu.memref_slice %arg6[%dma_start3A_824, %dma_start3A_826, %dma_start3A_827] : memref<10x64x128xf32, #tpu.memory_space<vmem>> -> memref<1x64x128xf32, #tpu.memory_space<vmem>>
        %dma_start3A_829 = tpu.memref_squeeze %dma_start3A_828 : memref<1x64x128xf32, #tpu.memory_space<vmem>> -> memref<64x128xf32, #tpu.memory_space<vmem>>
        %dma_start3A_830 = arith.constant 0 : i32
        %dma_start3A_831 = tpu.memref_slice %arg5[%sub3A_398, %dma_start3A_830] : memref<100x64xi32, #tpu.memory_space<vmem>> -> memref<1x64xi32, #tpu.memory_space<vmem>>
        %dma_start3A_832 = tpu.memref_squeeze %dma_start3A_831 : memref<1x64xi32, #tpu.memory_space<vmem>> -> memref<64xi32, #tpu.memory_space<vmem>>
        %dma_start3A_833 = arith.constant 0 : i32
        %dma_start3A_834 = arith.constant 0 : i32
        %dma_start3A_835 = tpu.memref_slice %arg2[%dma_start3A_833, %dma_start3A_834] : memref<100000x128xf32, #tpu.memory_space<hbm>> -> memref<100000x128xf32, #tpu.memory_space<hbm>>
        %dma_start3A_836 = tpu.memref_slice %arg7[%dma_start3A_825] : memref<10x!tpu.dma_semaphore, #tpu.memory_space<semaphore_mem>> -> memref<1x!tpu.dma_semaphore, #tpu.memory_space<semaphore_mem>>
        %dma_start3A_837 = tpu.memref_squeeze %dma_start3A_836 : memref<1x!tpu.dma_semaphore, #tpu.memory_space<semaphore_mem>> -> memref<!tpu.dma_semaphore, #tpu.memory_space<semaphore_mem>>
        tpu.enqueue_indirect_dma source(%dma_start3A_835 : memref<100000x128xf32, #tpu.memory_space<hbm>>) target(%dma_start3A_829 : memref<64x128xf32, #tpu.memory_space<vmem>>) offsets(%dma_start3A_832 : memref<64xi32, #tpu.memory_space<vmem>>) semaphore(%dma_start3A_837 : memref<!tpu.dma_semaphore, #tpu.memory_space<semaphore_mem>>)
      } else {
      }
      %add3A_404 = arith.constant 2 : i32
      %add3A_405 = arith.addi %mul3A_303, %add3A_404 : i32
      %dma_wait3A_406 = arith.constant 0 : i32
      %dma_wait3A_407 = arith.constant 2 : i32
      %dma_wait3A_408 = arith.constant 2 : i32
      %dma_wait3A_409 = arith.constant 0 : i32
      %dma_wait3A_410 = arith.constant 0 : i32
      %dma_wait3A_411 = tpu.memref_slice %arg6[%dma_wait3A_407, %dma_wait3A_409, %dma_wait3A_410] : memref<10x64x128xf32, #tpu.memory_space<vmem>> -> memref<1x64x128xf32, #tpu.memory_space<vmem>>
      %dma_wait3A_412 = tpu.memref_squeeze %dma_wait3A_411 : memref<1x64x128xf32, #tpu.memory_space<vmem>> -> memref<64x128xf32, #tpu.memory_space<vmem>>
      %dma_wait3A_413 = arith.constant 0 : i32
      %dma_wait3A_414 = tpu.memref_slice %arg5[%dma_wait3A_406, %dma_wait3A_413] : memref<100x64xi32, #tpu.memory_space<vmem>> -> memref<1x64xi32, #tpu.memory_space<vmem>>
      %dma_wait3A_415 = tpu.memref_squeeze %dma_wait3A_414 : memref<1x64xi32, #tpu.memory_space<vmem>> -> memref<64xi32, #tpu.memory_space<vmem>>
      %dma_wait3A_416 = arith.constant 0 : i32
      %dma_wait3A_417 = arith.constant 0 : i32
      %dma_wait3A_418 = tpu.memref_slice %arg2[%dma_wait3A_416, %dma_wait3A_417] : memref<100000x128xf32, #tpu.memory_space<hbm>> -> memref<100000x128xf32, #tpu.memory_space<hbm>>
      %dma_wait3A_419 = tpu.memref_slice %arg7[%dma_wait3A_408] : memref<10x!tpu.dma_semaphore, #tpu.memory_space<semaphore_mem>> -> memref<1x!tpu.dma_semaphore, #tpu.memory_space<semaphore_mem>>
      %dma_wait3A_420 = tpu.memref_squeeze %dma_wait3A_419 : memref<1x!tpu.dma_semaphore, #tpu.memory_space<semaphore_mem>> -> memref<!tpu.dma_semaphore, #tpu.memory_space<semaphore_mem>>
      tpu.wait_indirect_dma semaphore(%dma_wait3A_420 : memref<!tpu.dma_semaphore, #tpu.memory_space<semaphore_mem>>) src(%dma_wait3A_418 : memref<100000x128xf32, #tpu.memory_space<hbm>>) dst(%dma_wait3A_412 : memref<64x128xf32, #tpu.memory_space<vmem>>)
      %scan3A_421 = arith.constant 0 : i32
      %scan3A_422 = arith.constant 2 : i32
      %scan3A_423 = arith.constant 0 : i32
      %scan3A_424 = arith.constant 64 : i32
      %scan3A_425 = arith.addi %scan3A_423, %scan3A_424 : i32
      %scan3A_426 = arith.constant 1 : i32
      scf.for %scan3A_820 = %scan3A_423 to %scan3A_425 step %scan3A_426  : i32 {
        %get3A = arith.constant 0 : i32
        %get3A_821 = arith.constant 0 : i32
        %get3A_822 = tpu.memref_slice %arg6[%scan3A_422, %get3A, %get3A_821] : memref<10x64x128xf32, #tpu.memory_space<vmem>> -> memref<1x64x128xf32, #tpu.memory_space<vmem>>
        %get3A_823 = tpu.memref_squeeze %get3A_822 : memref<1x64x128xf32, #tpu.memory_space<vmem>> -> memref<64x128xf32, #tpu.memory_space<vmem>>
        %get3A_824 = arith.index_cast %scan3A_820 : i32 to index
        %get3A_825 = arith.constant 0 : index
        %get3A_826 = tpu.vector_load %get3A_823[%get3A_824, %get3A_825] {strides = array<i32>} : memref<64x128xf32, #tpu.memory_space<vmem>>, vector<1x16xf32>,
        %get3A_827 = vector.shape_cast %get3A_826 : vector<1x16xf32> to vector<16xf32>
        %mul3A_828 = arith.constant 11.3137083 : f32
        %mul3A_829 = vector.broadcast %mul3A_828 : f32 to vector<16xf32>
        %mul3A_830 = arith.mulf %get3A_827, %mul3A_829 : vector<16xf32>
        %swap3A = arith.constant 0 : i32
        %swap3A_831 = arith.constant 0 : i32
        %swap3A_832 = tpu.memref_slice %arg6[%scan3A_422, %swap3A, %swap3A_831] : memref<10x64x128xf32, #tpu.memory_space<vmem>> -> memref<1x64x128xf32, #tpu.memory_space<vmem>>
        %swap3A_833 = tpu.memref_squeeze %swap3A_832 : memref<1x64x128xf32, #tpu.memory_space<vmem>> -> memref<64x128xf32, #tpu.memory_space<vmem>>
        %swap3A_834 = arith.index_cast %scan3A_820 : i32 to index
        %swap3A_835 = arith.constant 0 : index
        %swap3A_836 = tpu.vector_load %swap3A_833[%swap3A_834, %swap3A_835] {strides = array<i32>} : memref<64x128xf32, #tpu.memory_space<vmem>>, vector<1x16xf32>,
        %swap3A_837 = vector.shape_cast %swap3A_836 : vector<1x16xf32> to vector<16xf32>
        %swap3A_838 = vector.shape_cast %mul3A_830 : vector<16xf32> to vector<1x16xf32>
        tpu.vector_store %swap3A_833[%swap3A_834, %swap3A_835], %swap3A_838 {strides = array<i32>} : memref<64x128xf32, #tpu.memory_space<vmem>>, vector<1x16xf32>,
        %get3A_839 = arith.constant 0 : i32
        %get3A_840 = arith.constant 0 : i32
        %get3A_841 = tpu.memref_slice %arg6[%scan3A_422, %get3A_839, %get3A_840] : memref<10x64x128xf32, #tpu.memory_space<vmem>> -> memref<1x64x128xf32, #tpu.memory_space<vmem>>
        %get3A_842 = tpu.memref_squeeze %get3A_841 : memref<1x64x128xf32, #tpu.memory_space<vmem>> -> memref<64x128xf32, #tpu.memory_space<vmem>>
        %get3A_843 = arith.index_cast %scan3A_820 : i32 to index
        %get3A_844 = arith.constant 16 : index
        %get3A_845 = tpu.vector_load %get3A_842[%get3A_843, %get3A_844] {strides = array<i32>} : memref<64x128xf32, #tpu.memory_space<vmem>>, vector<1x16xf32>,
        %get3A_846 = vector.shape_cast %get3A_845 : vector<1x16xf32> to vector<16xf32>
        %mul3A_847 = arith.constant 11.3137083 : f32
        %mul3A_848 = vector.broadcast %mul3A_847 : f32 to vector<16xf32>
        %mul3A_849 = arith.mulf %get3A_846, %mul3A_848 : vector<16xf32>
        %swap3A_850 = arith.constant 0 : i32
        %swap3A_851 = arith.constant 0 : i32
        %swap3A_852 = tpu.memref_slice %arg6[%scan3A_422, %swap3A_850, %swap3A_851] : memref<10x64x128xf32, #tpu.memory_space<vmem>> -> memref<1x64x128xf32, #tpu.memory_space<vmem>>
        %swap3A_853 = tpu.memref_squeeze %swap3A_852 : memref<1x64x128xf32, #tpu.memory_space<vmem>> -> memref<64x128xf32, #tpu.memory_space<vmem>>
        %swap3A_854 = arith.index_cast %scan3A_820 : i32 to index
        %swap3A_855 = arith.constant 16 : index
        %swap3A_856 = tpu.vector_load %swap3A_853[%swap3A_854, %swap3A_855] {strides = array<i32>} : memref<64x128xf32, #tpu.memory_space<vmem>>, vector<1x16xf32>,
        %swap3A_857 = vector.shape_cast %swap3A_856 : vector<1x16xf32> to vector<16xf32>
        %swap3A_858 = vector.shape_cast %mul3A_849 : vector<16xf32> to vector<1x16xf32>
        tpu.vector_store %swap3A_853[%swap3A_854, %swap3A_855], %swap3A_858 {strides = array<i32>} : memref<64x128xf32, #tpu.memory_space<vmem>>, vector<1x16xf32>,
        %get3A_859 = arith.constant 0 : i32
        %get3A_860 = arith.constant 0 : i32
        %get3A_861 = tpu.memref_slice %arg6[%scan3A_422, %get3A_859, %get3A_860] : memref<10x64x128xf32, #tpu.memory_space<vmem>> -> memref<1x64x128xf32, #tpu.memory_space<vmem>>
        %get3A_862 = tpu.memref_squeeze %get3A_861 : memref<1x64x128xf32, #tpu.memory_space<vmem>> -> memref<64x128xf32, #tpu.memory_space<vmem>>
        %get3A_863 = arith.index_cast %scan3A_820 : i32 to index
        %get3A_864 = arith.constant 32 : index
        %get3A_865 = tpu.vector_load %get3A_862[%get3A_863, %get3A_864] {strides = array<i32>} : memref<64x128xf32, #tpu.memory_space<vmem>>, vector<1x16xf32>,
        %get3A_866 = vector.shape_cast %get3A_865 : vector<1x16xf32> to vector<16xf32>
        %mul3A_867 = arith.constant 11.3137083 : f32
        %mul3A_868 = vector.broadcast %mul3A_867 : f32 to vector<16xf32>
        %mul3A_869 = arith.mulf %get3A_866, %mul3A_868 : vector<16xf32>
        %swap3A_870 = arith.constant 0 : i32
        %swap3A_871 = arith.constant 0 : i32
        %swap3A_872 = tpu.memref_slice %arg6[%scan3A_422, %swap3A_870, %swap3A_871] : memref<10x64x128xf32, #tpu.memory_space<vmem>> -> memref<1x64x128xf32, #tpu.memory_space<vmem>>
        %swap3A_873 = tpu.memref_squeeze %swap3A_872 : memref<1x64x128xf32, #tpu.memory_space<vmem>> -> memref<64x128xf32, #tpu.memory_space<vmem>>
        %swap3A_874 = arith.index_cast %scan3A_820 : i32 to index
        %swap3A_875 = arith.constant 32 : index
        %swap3A_876 = tpu.vector_load %swap3A_873[%swap3A_874, %swap3A_875] {strides = array<i32>} : memref<64x128xf32, #tpu.memory_space<vmem>>, vector<1x16xf32>,
        %swap3A_877 = vector.shape_cast %swap3A_876 : vector<1x16xf32> to vector<16xf32>
        %swap3A_878 = vector.shape_cast %mul3A_869 : vector<16xf32> to vector<1x16xf32>
        tpu.vector_store %swap3A_873[%swap3A_874, %swap3A_875], %swap3A_878 {strides = array<i32>} : memref<64x128xf32, #tpu.memory_space<vmem>>, vector<1x16xf32>,
        %get3A_879 = arith.constant 0 : i32
        %get3A_880 = arith.constant 0 : i32
        %get3A_881 = tpu.memref_slice %arg6[%scan3A_422, %get3A_879, %get3A_880] : memref<10x64x128xf32, #tpu.memory_space<vmem>> -> memref<1x64x128xf32, #tpu.memory_space<vmem>>
        %get3A_882 = tpu.memref_squeeze %get3A_881 : memref<1x64x128xf32, #tpu.memory_space<vmem>> -> memref<64x128xf32, #tpu.memory_space<vmem>>
        %get3A_883 = arith.index_cast %scan3A_820 : i32 to index
        %get3A_884 = arith.constant 48 : index
        %get3A_885 = tpu.vector_load %get3A_882[%get3A_883, %get3A_884] {strides = array<i32>} : memref<64x128xf32, #tpu.memory_space<vmem>>, vector<1x16xf32>,
        %get3A_886 = vector.shape_cast %get3A_885 : vector<1x16xf32> to vector<16xf32>
        %mul3A_887 = arith.constant 11.3137083 : f32
        %mul3A_888 = vector.broadcast %mul3A_887 : f32 to vector<16xf32>
        %mul3A_889 = arith.mulf %get3A_886, %mul3A_888 : vector<16xf32>
        %swap3A_890 = arith.constant 0 : i32
        %swap3A_891 = arith.constant 0 : i32
        %swap3A_892 = tpu.memref_slice %arg6[%scan3A_422, %swap3A_890, %swap3A_891] : memref<10x64x128xf32, #tpu.memory_space<vmem>> -> memref<1x64x128xf32, #tpu.memory_space<vmem>>
        %swap3A_893 = tpu.memref_squeeze %swap3A_892 : memref<1x64x128xf32, #tpu.memory_space<vmem>> -> memref<64x128xf32, #tpu.memory_space<vmem>>
        %swap3A_894 = arith.index_cast %scan3A_820 : i32 to index
        %swap3A_895 = arith.constant 48 : index
        %swap3A_896 = tpu.vector_load %swap3A_893[%swap3A_894, %swap3A_895] {strides = array<i32>} : memref<64x128xf32, #tpu.memory_space<vmem>>, vector<1x16xf32>,
        %swap3A_897 = vector.shape_cast %swap3A_896 : vector<1x16xf32> to vector<16xf32>
        %swap3A_898 = vector.shape_cast %mul3A_889 : vector<16xf32> to vector<1x16xf32>
        tpu.vector_store %swap3A_893[%swap3A_894, %swap3A_895], %swap3A_898 {strides = array<i32>} : memref<64x128xf32, #tpu.memory_space<vmem>>, vector<1x16xf32>,
        %get3A_899 = arith.constant 0 : i32
        %get3A_900 = arith.constant 0 : i32
        %get3A_901 = tpu.memref_slice %arg6[%scan3A_422, %get3A_899, %get3A_900] : memref<10x64x128xf32, #tpu.memory_space<vmem>> -> memref<1x64x128xf32, #tpu.memory_space<vmem>>
        %get3A_902 = tpu.memref_squeeze %get3A_901 : memref<1x64x128xf32, #tpu.memory_space<vmem>> -> memref<64x128xf32, #tpu.memory_space<vmem>>
        %get3A_903 = arith.index_cast %scan3A_820 : i32 to index
        %get3A_904 = arith.constant 64 : index
        %get3A_905 = tpu.vector_load %get3A_902[%get3A_903, %get3A_904] {strides = array<i32>} : memref<64x128xf32, #tpu.memory_space<vmem>>, vector<1x16xf32>,
        %get3A_906 = vector.shape_cast %get3A_905 : vector<1x16xf32> to vector<16xf32>
        %mul3A_907 = arith.constant 11.3137083 : f32
        %mul3A_908 = vector.broadcast %mul3A_907 : f32 to vector<16xf32>
        %mul3A_909 = arith.mulf %get3A_906, %mul3A_908 : vector<16xf32>
        %swap3A_910 = arith.constant 0 : i32
        %swap3A_911 = arith.constant 0 : i32
        %swap3A_912 = tpu.memref_slice %arg6[%scan3A_422, %swap3A_910, %swap3A_911] : memref<10x64x128xf32, #tpu.memory_space<vmem>> -> memref<1x64x128xf32, #tpu.memory_space<vmem>>
        %swap3A_913 = tpu.memref_squeeze %swap3A_912 : memref<1x64x128xf32, #tpu.memory_space<vmem>> -> memref<64x128xf32, #tpu.memory_space<vmem>>
        %swap3A_914 = arith.index_cast %scan3A_820 : i32 to index
        %swap3A_915 = arith.constant 64 : index
        %swap3A_916 = tpu.vector_load %swap3A_913[%swap3A_914, %swap3A_915] {strides = array<i32>} : memref<64x128xf32, #tpu.memory_space<vmem>>, vector<1x16xf32>,
        %swap3A_917 = vector.shape_cast %swap3A_916 : vector<1x16xf32> to vector<16xf32>
        %swap3A_918 = vector.shape_cast %mul3A_909 : vector<16xf32> to vector<1x16xf32>
        tpu.vector_store %swap3A_913[%swap3A_914, %swap3A_915], %swap3A_918 {strides = array<i32>} : memref<64x128xf32, #tpu.memory_space<vmem>>, vector<1x16xf32>,
        %get3A_919 = arith.constant 0 : i32
        %get3A_920 = arith.constant 0 : i32
        %get3A_921 = tpu.memref_slice %arg6[%scan3A_422, %get3A_919, %get3A_920] : memref<10x64x128xf32, #tpu.memory_space<vmem>> -> memref<1x64x128xf32, #tpu.memory_space<vmem>>
        %get3A_922 = tpu.memref_squeeze %get3A_921 : memref<1x64x128xf32, #tpu.memory_space<vmem>> -> memref<64x128xf32, #tpu.memory_space<vmem>>
        %get3A_923 = arith.index_cast %scan3A_820 : i32 to index
        %get3A_924 = arith.constant 80 : index
        %get3A_925 = tpu.vector_load %get3A_922[%get3A_923, %get3A_924] {strides = array<i32>} : memref<64x128xf32, #tpu.memory_space<vmem>>, vector<1x16xf32>,
        %get3A_926 = vector.shape_cast %get3A_925 : vector<1x16xf32> to vector<16xf32>
        %mul3A_927 = arith.constant 11.3137083 : f32
        %mul3A_928 = vector.broadcast %mul3A_927 : f32 to vector<16xf32>
        %mul3A_929 = arith.mulf %get3A_926, %mul3A_928 : vector<16xf32>
        %swap3A_930 = arith.constant 0 : i32
        %swap3A_931 = arith.constant 0 : i32
        %swap3A_932 = tpu.memref_slice %arg6[%scan3A_422, %swap3A_930, %swap3A_931] : memref<10x64x128xf32, #tpu.memory_space<vmem>> -> memref<1x64x128xf32, #tpu.memory_space<vmem>>
        %swap3A_933 = tpu.memref_squeeze %swap3A_932 : memref<1x64x128xf32, #tpu.memory_space<vmem>> -> memref<64x128xf32, #tpu.memory_space<vmem>>
        %swap3A_934 = arith.index_cast %scan3A_820 : i32 to index
        %swap3A_935 = arith.constant 80 : index
        %swap3A_936 = tpu.vector_load %swap3A_933[%swap3A_934, %swap3A_935] {strides = array<i32>} : memref<64x128xf32, #tpu.memory_space<vmem>>, vector<1x16xf32>,
        %swap3A_937 = vector.shape_cast %swap3A_936 : vector<1x16xf32> to vector<16xf32>
        %swap3A_938 = vector.shape_cast %mul3A_929 : vector<16xf32> to vector<1x16xf32>
        tpu.vector_store %swap3A_933[%swap3A_934, %swap3A_935], %swap3A_938 {strides = array<i32>} : memref<64x128xf32, #tpu.memory_space<vmem>>, vector<1x16xf32>,
        %get3A_939 = arith.constant 0 : i32
        %get3A_940 = arith.constant 0 : i32
        %get3A_941 = tpu.memref_slice %arg6[%scan3A_422, %get3A_939, %get3A_940] : memref<10x64x128xf32, #tpu.memory_space<vmem>> -> memref<1x64x128xf32, #tpu.memory_space<vmem>>
        %get3A_942 = tpu.memref_squeeze %get3A_941 : memref<1x64x128xf32, #tpu.memory_space<vmem>> -> memref<64x128xf32, #tpu.memory_space<vmem>>
        %get3A_943 = arith.index_cast %scan3A_820 : i32 to index
        %get3A_944 = arith.constant 96 : index
        %get3A_945 = tpu.vector_load %get3A_942[%get3A_943, %get3A_944] {strides = array<i32>} : memref<64x128xf32, #tpu.memory_space<vmem>>, vector<1x16xf32>,
        %get3A_946 = vector.shape_cast %get3A_945 : vector<1x16xf32> to vector<16xf32>
        %mul3A_947 = arith.constant 11.3137083 : f32
        %mul3A_948 = vector.broadcast %mul3A_947 : f32 to vector<16xf32>
        %mul3A_949 = arith.mulf %get3A_946, %mul3A_948 : vector<16xf32>
        %swap3A_950 = arith.constant 0 : i32
        %swap3A_951 = arith.constant 0 : i32
        %swap3A_952 = tpu.memref_slice %arg6[%scan3A_422, %swap3A_950, %swap3A_951] : memref<10x64x128xf32, #tpu.memory_space<vmem>> -> memref<1x64x128xf32, #tpu.memory_space<vmem>>
        %swap3A_953 = tpu.memref_squeeze %swap3A_952 : memref<1x64x128xf32, #tpu.memory_space<vmem>> -> memref<64x128xf32, #tpu.memory_space<vmem>>
        %swap3A_954 = arith.index_cast %scan3A_820 : i32 to index
        %swap3A_955 = arith.constant 96 : index
        %swap3A_956 = tpu.vector_load %swap3A_953[%swap3A_954, %swap3A_955] {strides = array<i32>} : memref<64x128xf32, #tpu.memory_space<vmem>>, vector<1x16xf32>,
        %swap3A_957 = vector.shape_cast %swap3A_956 : vector<1x16xf32> to vector<16xf32>
        %swap3A_958 = vector.shape_cast %mul3A_949 : vector<16xf32> to vector<1x16xf32>
        tpu.vector_store %swap3A_953[%swap3A_954, %swap3A_955], %swap3A_958 {strides = array<i32>} : memref<64x128xf32, #tpu.memory_space<vmem>>, vector<1x16xf32>,
        %get3A_959 = arith.constant 0 : i32
        %get3A_960 = arith.constant 0 : i32
        %get3A_961 = tpu.memref_slice %arg6[%scan3A_422, %get3A_959, %get3A_960] : memref<10x64x128xf32, #tpu.memory_space<vmem>> -> memref<1x64x128xf32, #tpu.memory_space<vmem>>
        %get3A_962 = tpu.memref_squeeze %get3A_961 : memref<1x64x128xf32, #tpu.memory_space<vmem>> -> memref<64x128xf32, #tpu.memory_space<vmem>>
        %get3A_963 = arith.index_cast %scan3A_820 : i32 to index
        %get3A_964 = arith.constant 112 : index
        %get3A_965 = tpu.vector_load %get3A_962[%get3A_963, %get3A_964] {strides = array<i32>} : memref<64x128xf32, #tpu.memory_space<vmem>>, vector<1x16xf32>,
        %get3A_966 = vector.shape_cast %get3A_965 : vector<1x16xf32> to vector<16xf32>
        %mul3A_967 = arith.constant 11.3137083 : f32
        %mul3A_968 = vector.broadcast %mul3A_967 : f32 to vector<16xf32>
        %mul3A_969 = arith.mulf %get3A_966, %mul3A_968 : vector<16xf32>
        %swap3A_970 = arith.constant 0 : i32
        %swap3A_971 = arith.constant 0 : i32
        %swap3A_972 = tpu.memref_slice %arg6[%scan3A_422, %swap3A_970, %swap3A_971] : memref<10x64x128xf32, #tpu.memory_space<vmem>> -> memref<1x64x128xf32, #tpu.memory_space<vmem>>
        %swap3A_973 = tpu.memref_squeeze %swap3A_972 : memref<1x64x128xf32, #tpu.memory_space<vmem>> -> memref<64x128xf32, #tpu.memory_space<vmem>>
        %swap3A_974 = arith.index_cast %scan3A_820 : i32 to index
        %swap3A_975 = arith.constant 112 : index
        %swap3A_976 = tpu.vector_load %swap3A_973[%swap3A_974, %swap3A_975] {strides = array<i32>} : memref<64x128xf32, #tpu.memory_space<vmem>>, vector<1x16xf32>,
        %swap3A_977 = vector.shape_cast %swap3A_976 : vector<1x16xf32> to vector<16xf32>
        %swap3A_978 = vector.shape_cast %mul3A_969 : vector<16xf32> to vector<1x16xf32>
        tpu.vector_store %swap3A_973[%swap3A_974, %swap3A_975], %swap3A_978 {strides = array<i32>} : memref<64x128xf32, #tpu.memory_space<vmem>>, vector<1x16xf32>,
      }
      %scan3A_427 = arith.constant 64 : i32
      %mul3A_428 = arith.constant 64 : i32
      %mul3A_429 = arith.muli %add3A_405, %mul3A_428 : i32
      %add3A_430 = arith.addi %mul3A_2, %mul3A_429 : i32
      %dma_start3A_431 = arith.constant 2 : i32
      %dma_start3A_432 = arith.constant 2 : i32
      %dma_start3A_433 = arith.constant 0 : i32
      %dma_start3A_434 = arith.constant 0 : i32
      %dma_start3A_435 = tpu.memref_slice %arg6[%dma_start3A_431, %dma_start3A_433, %dma_start3A_434] : memref<10x64x128xf32, #tpu.memory_space<vmem>> -> memref<1x64x128xf32, #tpu.memory_space<vmem>>
      %dma_start3A_436 = tpu.memref_squeeze %dma_start3A_435 : memref<1x64x128xf32, #tpu.memory_space<vmem>> -> memref<64x128xf32, #tpu.memory_space<vmem>>
      %dma_start3A_437 = arith.constant 0 : i32
      %dma_start3A_438 = tpu.memref_slice %arg4[%add3A_430, %dma_start3A_437] : memref<204800x128xf32, #tpu.memory_space<hbm>> -> memref<64x128xf32, #tpu.memory_space<hbm>>
      %dma_start3A_439 = tpu.memref_slice %arg8[%dma_start3A_432] : memref<10x!tpu.dma_semaphore, #tpu.memory_space<semaphore_mem>> -> memref<1x!tpu.dma_semaphore, #tpu.memory_space<semaphore_mem>>
      %dma_start3A_440 = tpu.memref_squeeze %dma_start3A_439 : memref<1x!tpu.dma_semaphore, #tpu.memory_space<semaphore_mem>> -> memref<!tpu.dma_semaphore, #tpu.memory_space<semaphore_mem>>
      %dma_start3A_441 = arith.constant 0 : i32
      %dma_start3A_442 = tpu.memref_slice %arg4[%add3A_430, %dma_start3A_441] : memref<204800x128xf32, #tpu.memory_space<hbm>> -> memref<64x128xf32, #tpu.memory_space<hbm>>
      %dma_start3A_443 = arith.constant 0 : i32
      %dma_start3A_444 = arith.constant 0 : i32
      %dma_start3A_445 = tpu.memref_slice %arg6[%dma_start3A_431, %dma_start3A_443, %dma_start3A_444] : memref<10x64x128xf32, #tpu.memory_space<vmem>> -> memref<1x64x128xf32, #tpu.memory_space<vmem>>
      %dma_start3A_446 = tpu.memref_squeeze %dma_start3A_445 : memref<1x64x128xf32, #tpu.memory_space<vmem>> -> memref<64x128xf32, #tpu.memory_space<vmem>>
      tpu.enqueue_dma source(%dma_start3A_446 : memref<64x128xf32, #tpu.memory_space<vmem>>) target(%dma_start3A_442 : memref<64x128xf32, #tpu.memory_space<hbm>>) target_semaphore(%dma_start3A_440 : memref<!tpu.dma_semaphore, #tpu.memory_space<semaphore_mem>>)
      %add3A_447 = arith.constant 10 : i32
      %add3A_448 = arith.addi %add3A_405, %add3A_447 : i32
      %sub3A_449 = arith.constant 1 : i32
      %sub3A_450 = arith.subi %add3A_448, %sub3A_449 : i32
      %lt3A_451 = arith.constant 100 : i32
      %lt3A_452 = arith.cmpi slt, %sub3A_450, %lt3A_451 : i32
      %convert_element_type3A_453 = arith.extui %lt3A_452 : i1 to i32
      %cond3A_454 = arith.constant 0 : i32
      %cond3A_455 = arith.cmpi ne, %convert_element_type3A_453, %cond3A_454 : i32
      scf.if %cond3A_455 {
        %gt3A = arith.constant 0 : i32
        %gt3A_820 = arith.cmpi sgt, %add3A_405, %gt3A : i32
        %convert_element_type3A_821 = arith.extui %gt3A_820 : i1 to i32
        %cond3A_822 = arith.constant 0 : i32
        %cond3A_823 = arith.cmpi ne, %convert_element_type3A_821, %cond3A_822 : i32
        scf.if %cond3A_823 {
          %dma_wait3A_838 = arith.constant 1 : i32
          %dma_wait3A_839 = arith.constant 1 : i32
          %dma_wait3A_840 = arith.constant 0 : i32
          %dma_wait3A_841 = arith.constant 0 : i32
          %dma_wait3A_842 = tpu.memref_slice %arg6[%dma_wait3A_838, %dma_wait3A_840, %dma_wait3A_841] : memref<10x64x128xf32, #tpu.memory_space<vmem>> -> memref<1x64x128xf32, #tpu.memory_space<vmem>>
          %dma_wait3A_843 = tpu.memref_squeeze %dma_wait3A_842 : memref<1x64x128xf32, #tpu.memory_space<vmem>> -> memref<64x128xf32, #tpu.memory_space<vmem>>
          %dma_wait3A_844 = arith.constant 0 : i32
          %dma_wait3A_845 = tpu.memref_slice %arg4[%mul3A_2, %dma_wait3A_844] : memref<204800x128xf32, #tpu.memory_space<hbm>> -> memref<64x128xf32, #tpu.memory_space<hbm>>
          %dma_wait3A_846 = tpu.memref_slice %arg8[%dma_wait3A_839] : memref<10x!tpu.dma_semaphore, #tpu.memory_space<semaphore_mem>> -> memref<1x!tpu.dma_semaphore, #tpu.memory_space<semaphore_mem>>
          %dma_wait3A_847 = tpu.memref_squeeze %dma_wait3A_846 : memref<1x!tpu.dma_semaphore, #tpu.memory_space<semaphore_mem>> -> memref<!tpu.dma_semaphore, #tpu.memory_space<semaphore_mem>>
          %dma_wait3A_848 = arith.constant 0 : i32
          %dma_wait3A_849 = tpu.memref_slice %arg4[%mul3A_2, %dma_wait3A_848] : memref<204800x128xf32, #tpu.memory_space<hbm>> -> memref<64x128xf32, #tpu.memory_space<hbm>>
          %dma_wait3A_850 = arith.constant 0 : i32
          %dma_wait3A_851 = arith.constant 0 : i32
          %dma_wait3A_852 = tpu.memref_slice %arg6[%dma_wait3A_838, %dma_wait3A_850, %dma_wait3A_851] : memref<10x64x128xf32, #tpu.memory_space<vmem>> -> memref<1x64x128xf32, #tpu.memory_space<vmem>>
          %dma_wait3A_853 = tpu.memref_squeeze %dma_wait3A_852 : memref<1x64x128xf32, #tpu.memory_space<vmem>> -> memref<64x128xf32, #tpu.memory_space<vmem>>
          tpu.wait_dma2 semaphore(%dma_wait3A_847 : memref<!tpu.dma_semaphore, #tpu.memory_space<semaphore_mem>>) src(%dma_wait3A_853 : memref<64x128xf32, #tpu.memory_space<vmem>>) dst(%dma_wait3A_849 : memref<64x128xf32, #tpu.memory_space<hbm>>)
        } else {
        }
        %dma_start3A_824 = arith.constant 1 : i32
        %dma_start3A_825 = arith.constant 1 : i32
        %dma_start3A_826 = arith.constant 0 : i32
        %dma_start3A_827 = arith.constant 0 : i32
        %dma_start3A_828 = tpu.memref_slice %arg6[%dma_start3A_824, %dma_start3A_826, %dma_start3A_827] : memref<10x64x128xf32, #tpu.memory_space<vmem>> -> memref<1x64x128xf32, #tpu.memory_space<vmem>>
        %dma_start3A_829 = tpu.memref_squeeze %dma_start3A_828 : memref<1x64x128xf32, #tpu.memory_space<vmem>> -> memref<64x128xf32, #tpu.memory_space<vmem>>
        %dma_start3A_830 = arith.constant 0 : i32
        %dma_start3A_831 = tpu.memref_slice %arg5[%sub3A_450, %dma_start3A_830] : memref<100x64xi32, #tpu.memory_space<vmem>> -> memref<1x64xi32, #tpu.memory_space<vmem>>
        %dma_start3A_832 = tpu.memref_squeeze %dma_start3A_831 : memref<1x64xi32, #tpu.memory_space<vmem>> -> memref<64xi32, #tpu.memory_space<vmem>>
        %dma_start3A_833 = arith.constant 0 : i32
        %dma_start3A_834 = arith.constant 0 : i32
        %dma_start3A_835 = tpu.memref_slice %arg2[%dma_start3A_833, %dma_start3A_834] : memref<100000x128xf32, #tpu.memory_space<hbm>> -> memref<100000x128xf32, #tpu.memory_space<hbm>>
        %dma_start3A_836 = tpu.memref_slice %arg7[%dma_start3A_825] : memref<10x!tpu.dma_semaphore, #tpu.memory_space<semaphore_mem>> -> memref<1x!tpu.dma_semaphore, #tpu.memory_space<semaphore_mem>>
        %dma_start3A_837 = tpu.memref_squeeze %dma_start3A_836 : memref<1x!tpu.dma_semaphore, #tpu.memory_space<semaphore_mem>> -> memref<!tpu.dma_semaphore, #tpu.memory_space<semaphore_mem>>
        tpu.enqueue_indirect_dma source(%dma_start3A_835 : memref<100000x128xf32, #tpu.memory_space<hbm>>) target(%dma_start3A_829 : memref<64x128xf32, #tpu.memory_space<vmem>>) offsets(%dma_start3A_832 : memref<64xi32, #tpu.memory_space<vmem>>) semaphore(%dma_start3A_837 : memref<!tpu.dma_semaphore, #tpu.memory_space<semaphore_mem>>)
      } else {
      }
      %add3A_456 = arith.constant 3 : i32
      %add3A_457 = arith.addi %mul3A_303, %add3A_456 : i32
      %dma_wait3A_458 = arith.constant 0 : i32
      %dma_wait3A_459 = arith.constant 3 : i32
      %dma_wait3A_460 = arith.constant 3 : i32
      %dma_wait3A_461 = arith.constant 0 : i32
      %dma_wait3A_462 = arith.constant 0 : i32
      %dma_wait3A_463 = tpu.memref_slice %arg6[%dma_wait3A_459, %dma_wait3A_461, %dma_wait3A_462] : memref<10x64x128xf32, #tpu.memory_space<vmem>> -> memref<1x64x128xf32, #tpu.memory_space<vmem>>
      %dma_wait3A_464 = tpu.memref_squeeze %dma_wait3A_463 : memref<1x64x128xf32, #tpu.memory_space<vmem>> -> memref<64x128xf32, #tpu.memory_space<vmem>>
      %dma_wait3A_465 = arith.constant 0 : i32
      %dma_wait3A_466 = tpu.memref_slice %arg5[%dma_wait3A_458, %dma_wait3A_465] : memref<100x64xi32, #tpu.memory_space<vmem>> -> memref<1x64xi32, #tpu.memory_space<vmem>>
      %dma_wait3A_467 = tpu.memref_squeeze %dma_wait3A_466 : memref<1x64xi32, #tpu.memory_space<vmem>> -> memref<64xi32, #tpu.memory_space<vmem>>
      %dma_wait3A_468 = arith.constant 0 : i32
      %dma_wait3A_469 = arith.constant 0 : i32
      %dma_wait3A_470 = tpu.memref_slice %arg2[%dma_wait3A_468, %dma_wait3A_469] : memref<100000x128xf32, #tpu.memory_space<hbm>> -> memref<100000x128xf32, #tpu.memory_space<hbm>>
      %dma_wait3A_471 = tpu.memref_slice %arg7[%dma_wait3A_460] : memref<10x!tpu.dma_semaphore, #tpu.memory_space<semaphore_mem>> -> memref<1x!tpu.dma_semaphore, #tpu.memory_space<semaphore_mem>>
      %dma_wait3A_472 = tpu.memref_squeeze %dma_wait3A_471 : memref<1x!tpu.dma_semaphore, #tpu.memory_space<semaphore_mem>> -> memref<!tpu.dma_semaphore, #tpu.memory_space<semaphore_mem>>
      tpu.wait_indirect_dma semaphore(%dma_wait3A_472 : memref<!tpu.dma_semaphore, #tpu.memory_space<semaphore_mem>>) src(%dma_wait3A_470 : memref<100000x128xf32, #tpu.memory_space<hbm>>) dst(%dma_wait3A_464 : memref<64x128xf32, #tpu.memory_space<vmem>>)
      %scan3A_473 = arith.constant 0 : i32
      %scan3A_474 = arith.constant 3 : i32
      %scan3A_475 = arith.constant 0 : i32
      %scan3A_476 = arith.constant 64 : i32
      %scan3A_477 = arith.addi %scan3A_475, %scan3A_476 : i32
      %scan3A_478 = arith.constant 1 : i32
      scf.for %scan3A_820 = %scan3A_475 to %scan3A_477 step %scan3A_478  : i32 {
        %get3A = arith.constant 0 : i32
        %get3A_821 = arith.constant 0 : i32
        %get3A_822 = tpu.memref_slice %arg6[%scan3A_474, %get3A, %get3A_821] : memref<10x64x128xf32, #tpu.memory_space<vmem>> -> memref<1x64x128xf32, #tpu.memory_space<vmem>>
        %get3A_823 = tpu.memref_squeeze %get3A_822 : memref<1x64x128xf32, #tpu.memory_space<vmem>> -> memref<64x128xf32, #tpu.memory_space<vmem>>
        %get3A_824 = arith.index_cast %scan3A_820 : i32 to index
        %get3A_825 = arith.constant 0 : index
        %get3A_826 = tpu.vector_load %get3A_823[%get3A_824, %get3A_825] {strides = array<i32>} : memref<64x128xf32, #tpu.memory_space<vmem>>, vector<1x16xf32>,
        %get3A_827 = vector.shape_cast %get3A_826 : vector<1x16xf32> to vector<16xf32>
        %mul3A_828 = arith.constant 11.3137083 : f32
        %mul3A_829 = vector.broadcast %mul3A_828 : f32 to vector<16xf32>
        %mul3A_830 = arith.mulf %get3A_827, %mul3A_829 : vector<16xf32>
        %swap3A = arith.constant 0 : i32
        %swap3A_831 = arith.constant 0 : i32
        %swap3A_832 = tpu.memref_slice %arg6[%scan3A_474, %swap3A, %swap3A_831] : memref<10x64x128xf32, #tpu.memory_space<vmem>> -> memref<1x64x128xf32, #tpu.memory_space<vmem>>
        %swap3A_833 = tpu.memref_squeeze %swap3A_832 : memref<1x64x128xf32, #tpu.memory_space<vmem>> -> memref<64x128xf32, #tpu.memory_space<vmem>>
        %swap3A_834 = arith.index_cast %scan3A_820 : i32 to index
        %swap3A_835 = arith.constant 0 : index
        %swap3A_836 = tpu.vector_load %swap3A_833[%swap3A_834, %swap3A_835] {strides = array<i32>} : memref<64x128xf32, #tpu.memory_space<vmem>>, vector<1x16xf32>,
        %swap3A_837 = vector.shape_cast %swap3A_836 : vector<1x16xf32> to vector<16xf32>
        %swap3A_838 = vector.shape_cast %mul3A_830 : vector<16xf32> to vector<1x16xf32>
        tpu.vector_store %swap3A_833[%swap3A_834, %swap3A_835], %swap3A_838 {strides = array<i32>} : memref<64x128xf32, #tpu.memory_space<vmem>>, vector<1x16xf32>,
        %get3A_839 = arith.constant 0 : i32
        %get3A_840 = arith.constant 0 : i32
        %get3A_841 = tpu.memref_slice %arg6[%scan3A_474, %get3A_839, %get3A_840] : memref<10x64x128xf32, #tpu.memory_space<vmem>> -> memref<1x64x128xf32, #tpu.memory_space<vmem>>
        %get3A_842 = tpu.memref_squeeze %get3A_841 : memref<1x64x128xf32, #tpu.memory_space<vmem>> -> memref<64x128xf32, #tpu.memory_space<vmem>>
        %get3A_843 = arith.index_cast %scan3A_820 : i32 to index
        %get3A_844 = arith.constant 16 : index
        %get3A_845 = tpu.vector_load %get3A_842[%get3A_843, %get3A_844] {strides = array<i32>} : memref<64x128xf32, #tpu.memory_space<vmem>>, vector<1x16xf32>,
        %get3A_846 = vector.shape_cast %get3A_845 : vector<1x16xf32> to vector<16xf32>
        %mul3A_847 = arith.constant 11.3137083 : f32
        %mul3A_848 = vector.broadcast %mul3A_847 : f32 to vector<16xf32>
        %mul3A_849 = arith.mulf %get3A_846, %mul3A_848 : vector<16xf32>
        %swap3A_850 = arith.constant 0 : i32
        %swap3A_851 = arith.constant 0 : i32
        %swap3A_852 = tpu.memref_slice %arg6[%scan3A_474, %swap3A_850, %swap3A_851] : memref<10x64x128xf32, #tpu.memory_space<vmem>> -> memref<1x64x128xf32, #tpu.memory_space<vmem>>
        %swap3A_853 = tpu.memref_squeeze %swap3A_852 : memref<1x64x128xf32, #tpu.memory_space<vmem>> -> memref<64x128xf32, #tpu.memory_space<vmem>>
        %swap3A_854 = arith.index_cast %scan3A_820 : i32 to index
        %swap3A_855 = arith.constant 16 : index
        %swap3A_856 = tpu.vector_load %swap3A_853[%swap3A_854, %swap3A_855] {strides = array<i32>} : memref<64x128xf32, #tpu.memory_space<vmem>>, vector<1x16xf32>,
        %swap3A_857 = vector.shape_cast %swap3A_856 : vector<1x16xf32> to vector<16xf32>
        %swap3A_858 = vector.shape_cast %mul3A_849 : vector<16xf32> to vector<1x16xf32>
        tpu.vector_store %swap3A_853[%swap3A_854, %swap3A_855], %swap3A_858 {strides = array<i32>} : memref<64x128xf32, #tpu.memory_space<vmem>>, vector<1x16xf32>,
        %get3A_859 = arith.constant 0 : i32
        %get3A_860 = arith.constant 0 : i32
        %get3A_861 = tpu.memref_slice %arg6[%scan3A_474, %get3A_859, %get3A_860] : memref<10x64x128xf32, #tpu.memory_space<vmem>> -> memref<1x64x128xf32, #tpu.memory_space<vmem>>
        %get3A_862 = tpu.memref_squeeze %get3A_861 : memref<1x64x128xf32, #tpu.memory_space<vmem>> -> memref<64x128xf32, #tpu.memory_space<vmem>>
        %get3A_863 = arith.index_cast %scan3A_820 : i32 to index
        %get3A_864 = arith.constant 32 : index
        %get3A_865 = tpu.vector_load %get3A_862[%get3A_863, %get3A_864] {strides = array<i32>} : memref<64x128xf32, #tpu.memory_space<vmem>>, vector<1x16xf32>,
        %get3A_866 = vector.shape_cast %get3A_865 : vector<1x16xf32> to vector<16xf32>
        %mul3A_867 = arith.constant 11.3137083 : f32
        %mul3A_868 = vector.broadcast %mul3A_867 : f32 to vector<16xf32>
        %mul3A_869 = arith.mulf %get3A_866, %mul3A_868 : vector<16xf32>
        %swap3A_870 = arith.constant 0 : i32
        %swap3A_871 = arith.constant 0 : i32
        %swap3A_872 = tpu.memref_slice %arg6[%scan3A_474, %swap3A_870, %swap3A_871] : memref<10x64x128xf32, #tpu.memory_space<vmem>> -> memref<1x64x128xf32, #tpu.memory_space<vmem>>
        %swap3A_873 = tpu.memref_squeeze %swap3A_872 : memref<1x64x128xf32, #tpu.memory_space<vmem>> -> memref<64x128xf32, #tpu.memory_space<vmem>>
        %swap3A_874 = arith.index_cast %scan3A_820 : i32 to index
        %swap3A_875 = arith.constant 32 : index
        %swap3A_876 = tpu.vector_load %swap3A_873[%swap3A_874, %swap3A_875] {strides = array<i32>} : memref<64x128xf32, #tpu.memory_space<vmem>>, vector<1x16xf32>,
        %swap3A_877 = vector.shape_cast %swap3A_876 : vector<1x16xf32> to vector<16xf32>
        %swap3A_878 = vector.shape_cast %mul3A_869 : vector<16xf32> to vector<1x16xf32>
        tpu.vector_store %swap3A_873[%swap3A_874, %swap3A_875], %swap3A_878 {strides = array<i32>} : memref<64x128xf32, #tpu.memory_space<vmem>>, vector<1x16xf32>,
        %get3A_879 = arith.constant 0 : i32
        %get3A_880 = arith.constant 0 : i32
        %get3A_881 = tpu.memref_slice %arg6[%scan3A_474, %get3A_879, %get3A_880] : memref<10x64x128xf32, #tpu.memory_space<vmem>> -> memref<1x64x128xf32, #tpu.memory_space<vmem>>
        %get3A_882 = tpu.memref_squeeze %get3A_881 : memref<1x64x128xf32, #tpu.memory_space<vmem>> -> memref<64x128xf32, #tpu.memory_space<vmem>>
        %get3A_883 = arith.index_cast %scan3A_820 : i32 to index
        %get3A_884 = arith.constant 48 : index
        %get3A_885 = tpu.vector_load %get3A_882[%get3A_883, %get3A_884] {strides = array<i32>} : memref<64x128xf32, #tpu.memory_space<vmem>>, vector<1x16xf32>,
        %get3A_886 = vector.shape_cast %get3A_885 : vector<1x16xf32> to vector<16xf32>
        %mul3A_887 = arith.constant 11.3137083 : f32
        %mul3A_888 = vector.broadcast %mul3A_887 : f32 to vector<16xf32>
        %mul3A_889 = arith.mulf %get3A_886, %mul3A_888 : vector<16xf32>
        %swap3A_890 = arith.constant 0 : i32
        %swap3A_891 = arith.constant 0 : i32
        %swap3A_892 = tpu.memref_slice %arg6[%scan3A_474, %swap3A_890, %swap3A_891] : memref<10x64x128xf32, #tpu.memory_space<vmem>> -> memref<1x64x128xf32, #tpu.memory_space<vmem>>
        %swap3A_893 = tpu.memref_squeeze %swap3A_892 : memref<1x64x128xf32, #tpu.memory_space<vmem>> -> memref<64x128xf32, #tpu.memory_space<vmem>>
        %swap3A_894 = arith.index_cast %scan3A_820 : i32 to index
        %swap3A_895 = arith.constant 48 : index
        %swap3A_896 = tpu.vector_load %swap3A_893[%swap3A_894, %swap3A_895] {strides = array<i32>} : memref<64x128xf32, #tpu.memory_space<vmem>>, vector<1x16xf32>,
        %swap3A_897 = vector.shape_cast %swap3A_896 : vector<1x16xf32> to vector<16xf32>
        %swap3A_898 = vector.shape_cast %mul3A_889 : vector<16xf32> to vector<1x16xf32>
        tpu.vector_store %swap3A_893[%swap3A_894, %swap3A_895], %swap3A_898 {strides = array<i32>} : memref<64x128xf32, #tpu.memory_space<vmem>>, vector<1x16xf32>,
        %get3A_899 = arith.constant 0 : i32
        %get3A_900 = arith.constant 0 : i32
        %get3A_901 = tpu.memref_slice %arg6[%scan3A_474, %get3A_899, %get3A_900] : memref<10x64x128xf32, #tpu.memory_space<vmem>> -> memref<1x64x128xf32, #tpu.memory_space<vmem>>
        %get3A_902 = tpu.memref_squeeze %get3A_901 : memref<1x64x128xf32, #tpu.memory_space<vmem>> -> memref<64x128xf32, #tpu.memory_space<vmem>>
        %get3A_903 = arith.index_cast %scan3A_820 : i32 to index
        %get3A_904 = arith.constant 64 : index
        %get3A_905 = tpu.vector_load %get3A_902[%get3A_903, %get3A_904] {strides = array<i32>} : memref<64x128xf32, #tpu.memory_space<vmem>>, vector<1x16xf32>,
        %get3A_906 = vector.shape_cast %get3A_905 : vector<1x16xf32> to vector<16xf32>
        %mul3A_907 = arith.constant 11.3137083 : f32
        %mul3A_908 = vector.broadcast %mul3A_907 : f32 to vector<16xf32>
        %mul3A_909 = arith.mulf %get3A_906, %mul3A_908 : vector<16xf32>
        %swap3A_910 = arith.constant 0 : i32
        %swap3A_911 = arith.constant 0 : i32
        %swap3A_912 = tpu.memref_slice %arg6[%scan3A_474, %swap3A_910, %swap3A_911] : memref<10x64x128xf32, #tpu.memory_space<vmem>> -> memref<1x64x128xf32, #tpu.memory_space<vmem>>
        %swap3A_913 = tpu.memref_squeeze %swap3A_912 : memref<1x64x128xf32, #tpu.memory_space<vmem>> -> memref<64x128xf32, #tpu.memory_space<vmem>>
        %swap3A_914 = arith.index_cast %scan3A_820 : i32 to index
        %swap3A_915 = arith.constant 64 : index
        %swap3A_916 = tpu.vector_load %swap3A_913[%swap3A_914, %swap3A_915] {strides = array<i32>} : memref<64x128xf32, #tpu.memory_space<vmem>>, vector<1x16xf32>,
        %swap3A_917 = vector.shape_cast %swap3A_916 : vector<1x16xf32> to vector<16xf32>
        %swap3A_918 = vector.shape_cast %mul3A_909 : vector<16xf32> to vector<1x16xf32>
        tpu.vector_store %swap3A_913[%swap3A_914, %swap3A_915], %swap3A_918 {strides = array<i32>} : memref<64x128xf32, #tpu.memory_space<vmem>>, vector<1x16xf32>,
        %get3A_919 = arith.constant 0 : i32
        %get3A_920 = arith.constant 0 : i32
        %get3A_921 = tpu.memref_slice %arg6[%scan3A_474, %get3A_919, %get3A_920] : memref<10x64x128xf32, #tpu.memory_space<vmem>> -> memref<1x64x128xf32, #tpu.memory_space<vmem>>
        %get3A_922 = tpu.memref_squeeze %get3A_921 : memref<1x64x128xf32, #tpu.memory_space<vmem>> -> memref<64x128xf32, #tpu.memory_space<vmem>>
        %get3A_923 = arith.index_cast %scan3A_820 : i32 to index
        %get3A_924 = arith.constant 80 : index
        %get3A_925 = tpu.vector_load %get3A_922[%get3A_923, %get3A_924] {strides = array<i32>} : memref<64x128xf32, #tpu.memory_space<vmem>>, vector<1x16xf32>,
        %get3A_926 = vector.shape_cast %get3A_925 : vector<1x16xf32> to vector<16xf32>
        %mul3A_927 = arith.constant 11.3137083 : f32
        %mul3A_928 = vector.broadcast %mul3A_927 : f32 to vector<16xf32>
        %mul3A_929 = arith.mulf %get3A_926, %mul3A_928 : vector<16xf32>
        %swap3A_930 = arith.constant 0 : i32
        %swap3A_931 = arith.constant 0 : i32
        %swap3A_932 = tpu.memref_slice %arg6[%scan3A_474, %swap3A_930, %swap3A_931] : memref<10x64x128xf32, #tpu.memory_space<vmem>> -> memref<1x64x128xf32, #tpu.memory_space<vmem>>
        %swap3A_933 = tpu.memref_squeeze %swap3A_932 : memref<1x64x128xf32, #tpu.memory_space<vmem>> -> memref<64x128xf32, #tpu.memory_space<vmem>>
        %swap3A_934 = arith.index_cast %scan3A_820 : i32 to index
        %swap3A_935 = arith.constant 80 : index
        %swap3A_936 = tpu.vector_load %swap3A_933[%swap3A_934, %swap3A_935] {strides = array<i32>} : memref<64x128xf32, #tpu.memory_space<vmem>>, vector<1x16xf32>,
        %swap3A_937 = vector.shape_cast %swap3A_936 : vector<1x16xf32> to vector<16xf32>
        %swap3A_938 = vector.shape_cast %mul3A_929 : vector<16xf32> to vector<1x16xf32>
        tpu.vector_store %swap3A_933[%swap3A_934, %swap3A_935], %swap3A_938 {strides = array<i32>} : memref<64x128xf32, #tpu.memory_space<vmem>>, vector<1x16xf32>,
        %get3A_939 = arith.constant 0 : i32
        %get3A_940 = arith.constant 0 : i32
        %get3A_941 = tpu.memref_slice %arg6[%scan3A_474, %get3A_939, %get3A_940] : memref<10x64x128xf32, #tpu.memory_space<vmem>> -> memref<1x64x128xf32, #tpu.memory_space<vmem>>
        %get3A_942 = tpu.memref_squeeze %get3A_941 : memref<1x64x128xf32, #tpu.memory_space<vmem>> -> memref<64x128xf32, #tpu.memory_space<vmem>>
        %get3A_943 = arith.index_cast %scan3A_820 : i32 to index
        %get3A_944 = arith.constant 96 : index
        %get3A_945 = tpu.vector_load %get3A_942[%get3A_943, %get3A_944] {strides = array<i32>} : memref<64x128xf32, #tpu.memory_space<vmem>>, vector<1x16xf32>,
        %get3A_946 = vector.shape_cast %get3A_945 : vector<1x16xf32> to vector<16xf32>
        %mul3A_947 = arith.constant 11.3137083 : f32
        %mul3A_948 = vector.broadcast %mul3A_947 : f32 to vector<16xf32>
        %mul3A_949 = arith.mulf %get3A_946, %mul3A_948 : vector<16xf32>
        %swap3A_950 = arith.constant 0 : i32
        %swap3A_951 = arith.constant 0 : i32
        %swap3A_952 = tpu.memref_slice %arg6[%scan3A_474, %swap3A_950, %swap3A_951] : memref<10x64x128xf32, #tpu.memory_space<vmem>> -> memref<1x64x128xf32, #tpu.memory_space<vmem>>
        %swap3A_953 = tpu.memref_squeeze %swap3A_952 : memref<1x64x128xf32, #tpu.memory_space<vmem>> -> memref<64x128xf32, #tpu.memory_space<vmem>>
        %swap3A_954 = arith.index_cast %scan3A_820 : i32 to index
        %swap3A_955 = arith.constant 96 : index
        %swap3A_956 = tpu.vector_load %swap3A_953[%swap3A_954, %swap3A_955] {strides = array<i32>} : memref<64x128xf32, #tpu.memory_space<vmem>>, vector<1x16xf32>,
        %swap3A_957 = vector.shape_cast %swap3A_956 : vector<1x16xf32> to vector<16xf32>
        %swap3A_958 = vector.shape_cast %mul3A_949 : vector<16xf32> to vector<1x16xf32>
        tpu.vector_store %swap3A_953[%swap3A_954, %swap3A_955], %swap3A_958 {strides = array<i32>} : memref<64x128xf32, #tpu.memory_space<vmem>>, vector<1x16xf32>,
        %get3A_959 = arith.constant 0 : i32
        %get3A_960 = arith.constant 0 : i32
        %get3A_961 = tpu.memref_slice %arg6[%scan3A_474, %get3A_959, %get3A_960] : memref<10x64x128xf32, #tpu.memory_space<vmem>> -> memref<1x64x128xf32, #tpu.memory_space<vmem>>
        %get3A_962 = tpu.memref_squeeze %get3A_961 : memref<1x64x128xf32, #tpu.memory_space<vmem>> -> memref<64x128xf32, #tpu.memory_space<vmem>>
        %get3A_963 = arith.index_cast %scan3A_820 : i32 to index
        %get3A_964 = arith.constant 112 : index
        %get3A_965 = tpu.vector_load %get3A_962[%get3A_963, %get3A_964] {strides = array<i32>} : memref<64x128xf32, #tpu.memory_space<vmem>>, vector<1x16xf32>,
        %get3A_966 = vector.shape_cast %get3A_965 : vector<1x16xf32> to vector<16xf32>
        %mul3A_967 = arith.constant 11.3137083 : f32
        %mul3A_968 = vector.broadcast %mul3A_967 : f32 to vector<16xf32>
        %mul3A_969 = arith.mulf %get3A_966, %mul3A_968 : vector<16xf32>
        %swap3A_970 = arith.constant 0 : i32
        %swap3A_971 = arith.constant 0 : i32
        %swap3A_972 = tpu.memref_slice %arg6[%scan3A_474, %swap3A_970, %swap3A_971] : memref<10x64x128xf32, #tpu.memory_space<vmem>> -> memref<1x64x128xf32, #tpu.memory_space<vmem>>
        %swap3A_973 = tpu.memref_squeeze %swap3A_972 : memref<1x64x128xf32, #tpu.memory_space<vmem>> -> memref<64x128xf32, #tpu.memory_space<vmem>>
        %swap3A_974 = arith.index_cast %scan3A_820 : i32 to index
        %swap3A_975 = arith.constant 112 : index
        %swap3A_976 = tpu.vector_load %swap3A_973[%swap3A_974, %swap3A_975] {strides = array<i32>} : memref<64x128xf32, #tpu.memory_space<vmem>>, vector<1x16xf32>,
        %swap3A_977 = vector.shape_cast %swap3A_976 : vector<1x16xf32> to vector<16xf32>
        %swap3A_978 = vector.shape_cast %mul3A_969 : vector<16xf32> to vector<1x16xf32>
        tpu.vector_store %swap3A_973[%swap3A_974, %swap3A_975], %swap3A_978 {strides = array<i32>} : memref<64x128xf32, #tpu.memory_space<vmem>>, vector<1x16xf32>,
      }
      %scan3A_479 = arith.constant 64 : i32
      %mul3A_480 = arith.constant 64 : i32
      %mul3A_481 = arith.muli %add3A_457, %mul3A_480 : i32
      %add3A_482 = arith.addi %mul3A_2, %mul3A_481 : i32
      %dma_start3A_483 = arith.constant 3 : i32
      %dma_start3A_484 = arith.constant 3 : i32
      %dma_start3A_485 = arith.constant 0 : i32
      %dma_start3A_486 = arith.constant 0 : i32
      %dma_start3A_487 = tpu.memref_slice %arg6[%dma_start3A_483, %dma_start3A_485, %dma_start3A_486] : memref<10x64x128xf32, #tpu.memory_space<vmem>> -> memref<1x64x128xf32, #tpu.memory_space<vmem>>
      %dma_start3A_488 = tpu.memref_squeeze %dma_start3A_487 : memref<1x64x128xf32, #tpu.memory_space<vmem>> -> memref<64x128xf32, #tpu.memory_space<vmem>>
      %dma_start3A_489 = arith.constant 0 : i32
      %dma_start3A_490 = tpu.memref_slice %arg4[%add3A_482, %dma_start3A_489] : memref<204800x128xf32, #tpu.memory_space<hbm>> -> memref<64x128xf32, #tpu.memory_space<hbm>>
      %dma_start3A_491 = tpu.memref_slice %arg8[%dma_start3A_484] : memref<10x!tpu.dma_semaphore, #tpu.memory_space<semaphore_mem>> -> memref<1x!tpu.dma_semaphore, #tpu.memory_space<semaphore_mem>>
      %dma_start3A_492 = tpu.memref_squeeze %dma_start3A_491 : memref<1x!tpu.dma_semaphore, #tpu.memory_space<semaphore_mem>> -> memref<!tpu.dma_semaphore, #tpu.memory_space<semaphore_mem>>
      %dma_start3A_493 = arith.constant 0 : i32
      %dma_start3A_494 = tpu.memref_slice %arg4[%add3A_482, %dma_start3A_493] : memref<204800x128xf32, #tpu.memory_space<hbm>> -> memref<64x128xf32, #tpu.memory_space<hbm>>
      %dma_start3A_495 = arith.constant 0 : i32
      %dma_start3A_496 = arith.constant 0 : i32
      %dma_start3A_497 = tpu.memref_slice %arg6[%dma_start3A_483, %dma_start3A_495, %dma_start3A_496] : memref<10x64x128xf32, #tpu.memory_space<vmem>> -> memref<1x64x128xf32, #tpu.memory_space<vmem>>
      %dma_start3A_498 = tpu.memref_squeeze %dma_start3A_497 : memref<1x64x128xf32, #tpu.memory_space<vmem>> -> memref<64x128xf32, #tpu.memory_space<vmem>>
      tpu.enqueue_dma source(%dma_start3A_498 : memref<64x128xf32, #tpu.memory_space<vmem>>) target(%dma_start3A_494 : memref<64x128xf32, #tpu.memory_space<hbm>>) target_semaphore(%dma_start3A_492 : memref<!tpu.dma_semaphore, #tpu.memory_space<semaphore_mem>>)
      %add3A_499 = arith.constant 10 : i32
      %add3A_500 = arith.addi %add3A_457, %add3A_499 : i32
      %sub3A_501 = arith.constant 1 : i32
      %sub3A_502 = arith.subi %add3A_500, %sub3A_501 : i32
      %lt3A_503 = arith.constant 100 : i32
      %lt3A_504 = arith.cmpi slt, %sub3A_502, %lt3A_503 : i32
      %convert_element_type3A_505 = arith.extui %lt3A_504 : i1 to i32
      %cond3A_506 = arith.constant 0 : i32
      %cond3A_507 = arith.cmpi ne, %convert_element_type3A_505, %cond3A_506 : i32
      scf.if %cond3A_507 {
        %gt3A = arith.constant 0 : i32
        %gt3A_820 = arith.cmpi sgt, %add3A_457, %gt3A : i32
        %convert_element_type3A_821 = arith.extui %gt3A_820 : i1 to i32
        %cond3A_822 = arith.constant 0 : i32
        %cond3A_823 = arith.cmpi ne, %convert_element_type3A_821, %cond3A_822 : i32
        scf.if %cond3A_823 {
          %dma_wait3A_838 = arith.constant 2 : i32
          %dma_wait3A_839 = arith.constant 2 : i32
          %dma_wait3A_840 = arith.constant 0 : i32
          %dma_wait3A_841 = arith.constant 0 : i32
          %dma_wait3A_842 = tpu.memref_slice %arg6[%dma_wait3A_838, %dma_wait3A_840, %dma_wait3A_841] : memref<10x64x128xf32, #tpu.memory_space<vmem>> -> memref<1x64x128xf32, #tpu.memory_space<vmem>>
          %dma_wait3A_843 = tpu.memref_squeeze %dma_wait3A_842 : memref<1x64x128xf32, #tpu.memory_space<vmem>> -> memref<64x128xf32, #tpu.memory_space<vmem>>
          %dma_wait3A_844 = arith.constant 0 : i32
          %dma_wait3A_845 = tpu.memref_slice %arg4[%mul3A_2, %dma_wait3A_844] : memref<204800x128xf32, #tpu.memory_space<hbm>> -> memref<64x128xf32, #tpu.memory_space<hbm>>
          %dma_wait3A_846 = tpu.memref_slice %arg8[%dma_wait3A_839] : memref<10x!tpu.dma_semaphore, #tpu.memory_space<semaphore_mem>> -> memref<1x!tpu.dma_semaphore, #tpu.memory_space<semaphore_mem>>
          %dma_wait3A_847 = tpu.memref_squeeze %dma_wait3A_846 : memref<1x!tpu.dma_semaphore, #tpu.memory_space<semaphore_mem>> -> memref<!tpu.dma_semaphore, #tpu.memory_space<semaphore_mem>>
          %dma_wait3A_848 = arith.constant 0 : i32
          %dma_wait3A_849 = tpu.memref_slice %arg4[%mul3A_2, %dma_wait3A_848] : memref<204800x128xf32, #tpu.memory_space<hbm>> -> memref<64x128xf32, #tpu.memory_space<hbm>>
          %dma_wait3A_850 = arith.constant 0 : i32
          %dma_wait3A_851 = arith.constant 0 : i32
          %dma_wait3A_852 = tpu.memref_slice %arg6[%dma_wait3A_838, %dma_wait3A_850, %dma_wait3A_851] : memref<10x64x128xf32, #tpu.memory_space<vmem>> -> memref<1x64x128xf32, #tpu.memory_space<vmem>>
          %dma_wait3A_853 = tpu.memref_squeeze %dma_wait3A_852 : memref<1x64x128xf32, #tpu.memory_space<vmem>> -> memref<64x128xf32, #tpu.memory_space<vmem>>
          tpu.wait_dma2 semaphore(%dma_wait3A_847 : memref<!tpu.dma_semaphore, #tpu.memory_space<semaphore_mem>>) src(%dma_wait3A_853 : memref<64x128xf32, #tpu.memory_space<vmem>>) dst(%dma_wait3A_849 : memref<64x128xf32, #tpu.memory_space<hbm>>)
        } else {
        }
        %dma_start3A_824 = arith.constant 2 : i32
        %dma_start3A_825 = arith.constant 2 : i32
        %dma_start3A_826 = arith.constant 0 : i32
        %dma_start3A_827 = arith.constant 0 : i32
        %dma_start3A_828 = tpu.memref_slice %arg6[%dma_start3A_824, %dma_start3A_826, %dma_start3A_827] : memref<10x64x128xf32, #tpu.memory_space<vmem>> -> memref<1x64x128xf32, #tpu.memory_space<vmem>>
        %dma_start3A_829 = tpu.memref_squeeze %dma_start3A_828 : memref<1x64x128xf32, #tpu.memory_space<vmem>> -> memref<64x128xf32, #tpu.memory_space<vmem>>
        %dma_start3A_830 = arith.constant 0 : i32
        %dma_start3A_831 = tpu.memref_slice %arg5[%sub3A_502, %dma_start3A_830] : memref<100x64xi32, #tpu.memory_space<vmem>> -> memref<1x64xi32, #tpu.memory_space<vmem>>
        %dma_start3A_832 = tpu.memref_squeeze %dma_start3A_831 : memref<1x64xi32, #tpu.memory_space<vmem>> -> memref<64xi32, #tpu.memory_space<vmem>>
        %dma_start3A_833 = arith.constant 0 : i32
        %dma_start3A_834 = arith.constant 0 : i32
        %dma_start3A_835 = tpu.memref_slice %arg2[%dma_start3A_833, %dma_start3A_834] : memref<100000x128xf32, #tpu.memory_space<hbm>> -> memref<100000x128xf32, #tpu.memory_space<hbm>>
        %dma_start3A_836 = tpu.memref_slice %arg7[%dma_start3A_825] : memref<10x!tpu.dma_semaphore, #tpu.memory_space<semaphore_mem>> -> memref<1x!tpu.dma_semaphore, #tpu.memory_space<semaphore_mem>>
        %dma_start3A_837 = tpu.memref_squeeze %dma_start3A_836 : memref<1x!tpu.dma_semaphore, #tpu.memory_space<semaphore_mem>> -> memref<!tpu.dma_semaphore, #tpu.memory_space<semaphore_mem>>
        tpu.enqueue_indirect_dma source(%dma_start3A_835 : memref<100000x128xf32, #tpu.memory_space<hbm>>) target(%dma_start3A_829 : memref<64x128xf32, #tpu.memory_space<vmem>>) offsets(%dma_start3A_832 : memref<64xi32, #tpu.memory_space<vmem>>) semaphore(%dma_start3A_837 : memref<!tpu.dma_semaphore, #tpu.memory_space<semaphore_mem>>)
      } else {
      }
      %add3A_508 = arith.constant 4 : i32
      %add3A_509 = arith.addi %mul3A_303, %add3A_508 : i32
      %dma_wait3A_510 = arith.constant 0 : i32
      %dma_wait3A_511 = arith.constant 4 : i32
      %dma_wait3A_512 = arith.constant 4 : i32
      %dma_wait3A_513 = arith.constant 0 : i32
      %dma_wait3A_514 = arith.constant 0 : i32
      %dma_wait3A_515 = tpu.memref_slice %arg6[%dma_wait3A_511, %dma_wait3A_513, %dma_wait3A_514] : memref<10x64x128xf32, #tpu.memory_space<vmem>> -> memref<1x64x128xf32, #tpu.memory_space<vmem>>
      %dma_wait3A_516 = tpu.memref_squeeze %dma_wait3A_515 : memref<1x64x128xf32, #tpu.memory_space<vmem>> -> memref<64x128xf32, #tpu.memory_space<vmem>>
      %dma_wait3A_517 = arith.constant 0 : i32
      %dma_wait3A_518 = tpu.memref_slice %arg5[%dma_wait3A_510, %dma_wait3A_517] : memref<100x64xi32, #tpu.memory_space<vmem>> -> memref<1x64xi32, #tpu.memory_space<vmem>>
      %dma_wait3A_519 = tpu.memref_squeeze %dma_wait3A_518 : memref<1x64xi32, #tpu.memory_space<vmem>> -> memref<64xi32, #tpu.memory_space<vmem>>
      %dma_wait3A_520 = arith.constant 0 : i32
      %dma_wait3A_521 = arith.constant 0 : i32
      %dma_wait3A_522 = tpu.memref_slice %arg2[%dma_wait3A_520, %dma_wait3A_521] : memref<100000x128xf32, #tpu.memory_space<hbm>> -> memref<100000x128xf32, #tpu.memory_space<hbm>>
      %dma_wait3A_523 = tpu.memref_slice %arg7[%dma_wait3A_512] : memref<10x!tpu.dma_semaphore, #tpu.memory_space<semaphore_mem>> -> memref<1x!tpu.dma_semaphore, #tpu.memory_space<semaphore_mem>>
      %dma_wait3A_524 = tpu.memref_squeeze %dma_wait3A_523 : memref<1x!tpu.dma_semaphore, #tpu.memory_space<semaphore_mem>> -> memref<!tpu.dma_semaphore, #tpu.memory_space<semaphore_mem>>
      tpu.wait_indirect_dma semaphore(%dma_wait3A_524 : memref<!tpu.dma_semaphore, #tpu.memory_space<semaphore_mem>>) src(%dma_wait3A_522 : memref<100000x128xf32, #tpu.memory_space<hbm>>) dst(%dma_wait3A_516 : memref<64x128xf32, #tpu.memory_space<vmem>>)
      %scan3A_525 = arith.constant 0 : i32
      %scan3A_526 = arith.constant 4 : i32
      %scan3A_527 = arith.constant 0 : i32
      %scan3A_528 = arith.constant 64 : i32
      %scan3A_529 = arith.addi %scan3A_527, %scan3A_528 : i32
      %scan3A_530 = arith.constant 1 : i32
      scf.for %scan3A_820 = %scan3A_527 to %scan3A_529 step %scan3A_530  : i32 {
        %get3A = arith.constant 0 : i32
        %get3A_821 = arith.constant 0 : i32
        %get3A_822 = tpu.memref_slice %arg6[%scan3A_526, %get3A, %get3A_821] : memref<10x64x128xf32, #tpu.memory_space<vmem>> -> memref<1x64x128xf32, #tpu.memory_space<vmem>>
        %get3A_823 = tpu.memref_squeeze %get3A_822 : memref<1x64x128xf32, #tpu.memory_space<vmem>> -> memref<64x128xf32, #tpu.memory_space<vmem>>
        %get3A_824 = arith.index_cast %scan3A_820 : i32 to index
        %get3A_825 = arith.constant 0 : index
        %get3A_826 = tpu.vector_load %get3A_823[%get3A_824, %get3A_825] {strides = array<i32>} : memref<64x128xf32, #tpu.memory_space<vmem>>, vector<1x16xf32>,
        %get3A_827 = vector.shape_cast %get3A_826 : vector<1x16xf32> to vector<16xf32>
        %mul3A_828 = arith.constant 11.3137083 : f32
        %mul3A_829 = vector.broadcast %mul3A_828 : f32 to vector<16xf32>
        %mul3A_830 = arith.mulf %get3A_827, %mul3A_829 : vector<16xf32>
        %swap3A = arith.constant 0 : i32
        %swap3A_831 = arith.constant 0 : i32
        %swap3A_832 = tpu.memref_slice %arg6[%scan3A_526, %swap3A, %swap3A_831] : memref<10x64x128xf32, #tpu.memory_space<vmem>> -> memref<1x64x128xf32, #tpu.memory_space<vmem>>
        %swap3A_833 = tpu.memref_squeeze %swap3A_832 : memref<1x64x128xf32, #tpu.memory_space<vmem>> -> memref<64x128xf32, #tpu.memory_space<vmem>>
        %swap3A_834 = arith.index_cast %scan3A_820 : i32 to index
        %swap3A_835 = arith.constant 0 : index
        %swap3A_836 = tpu.vector_load %swap3A_833[%swap3A_834, %swap3A_835] {strides = array<i32>} : memref<64x128xf32, #tpu.memory_space<vmem>>, vector<1x16xf32>,
        %swap3A_837 = vector.shape_cast %swap3A_836 : vector<1x16xf32> to vector<16xf32>
        %swap3A_838 = vector.shape_cast %mul3A_830 : vector<16xf32> to vector<1x16xf32>
        tpu.vector_store %swap3A_833[%swap3A_834, %swap3A_835], %swap3A_838 {strides = array<i32>} : memref<64x128xf32, #tpu.memory_space<vmem>>, vector<1x16xf32>,
        %get3A_839 = arith.constant 0 : i32
        %get3A_840 = arith.constant 0 : i32
        %get3A_841 = tpu.memref_slice %arg6[%scan3A_526, %get3A_839, %get3A_840] : memref<10x64x128xf32, #tpu.memory_space<vmem>> -> memref<1x64x128xf32, #tpu.memory_space<vmem>>
        %get3A_842 = tpu.memref_squeeze %get3A_841 : memref<1x64x128xf32, #tpu.memory_space<vmem>> -> memref<64x128xf32, #tpu.memory_space<vmem>>
        %get3A_843 = arith.index_cast %scan3A_820 : i32 to index
        %get3A_844 = arith.constant 16 : index
        %get3A_845 = tpu.vector_load %get3A_842[%get3A_843, %get3A_844] {strides = array<i32>} : memref<64x128xf32, #tpu.memory_space<vmem>>, vector<1x16xf32>,
        %get3A_846 = vector.shape_cast %get3A_845 : vector<1x16xf32> to vector<16xf32>
        %mul3A_847 = arith.constant 11.3137083 : f32
        %mul3A_848 = vector.broadcast %mul3A_847 : f32 to vector<16xf32>
        %mul3A_849 = arith.mulf %get3A_846, %mul3A_848 : vector<16xf32>
        %swap3A_850 = arith.constant 0 : i32
        %swap3A_851 = arith.constant 0 : i32
        %swap3A_852 = tpu.memref_slice %arg6[%scan3A_526, %swap3A_850, %swap3A_851] : memref<10x64x128xf32, #tpu.memory_space<vmem>> -> memref<1x64x128xf32, #tpu.memory_space<vmem>>
        %swap3A_853 = tpu.memref_squeeze %swap3A_852 : memref<1x64x128xf32, #tpu.memory_space<vmem>> -> memref<64x128xf32, #tpu.memory_space<vmem>>
        %swap3A_854 = arith.index_cast %scan3A_820 : i32 to index
        %swap3A_855 = arith.constant 16 : index
        %swap3A_856 = tpu.vector_load %swap3A_853[%swap3A_854, %swap3A_855] {strides = array<i32>} : memref<64x128xf32, #tpu.memory_space<vmem>>, vector<1x16xf32>,
        %swap3A_857 = vector.shape_cast %swap3A_856 : vector<1x16xf32> to vector<16xf32>
        %swap3A_858 = vector.shape_cast %mul3A_849 : vector<16xf32> to vector<1x16xf32>
        tpu.vector_store %swap3A_853[%swap3A_854, %swap3A_855], %swap3A_858 {strides = array<i32>} : memref<64x128xf32, #tpu.memory_space<vmem>>, vector<1x16xf32>,
        %get3A_859 = arith.constant 0 : i32
        %get3A_860 = arith.constant 0 : i32
        %get3A_861 = tpu.memref_slice %arg6[%scan3A_526, %get3A_859, %get3A_860] : memref<10x64x128xf32, #tpu.memory_space<vmem>> -> memref<1x64x128xf32, #tpu.memory_space<vmem>>
        %get3A_862 = tpu.memref_squeeze %get3A_861 : memref<1x64x128xf32, #tpu.memory_space<vmem>> -> memref<64x128xf32, #tpu.memory_space<vmem>>
        %get3A_863 = arith.index_cast %scan3A_820 : i32 to index
        %get3A_864 = arith.constant 32 : index
        %get3A_865 = tpu.vector_load %get3A_862[%get3A_863, %get3A_864] {strides = array<i32>} : memref<64x128xf32, #tpu.memory_space<vmem>>, vector<1x16xf32>,
        %get3A_866 = vector.shape_cast %get3A_865 : vector<1x16xf32> to vector<16xf32>
        %mul3A_867 = arith.constant 11.3137083 : f32
        %mul3A_868 = vector.broadcast %mul3A_867 : f32 to vector<16xf32>
        %mul3A_869 = arith.mulf %get3A_866, %mul3A_868 : vector<16xf32>
        %swap3A_870 = arith.constant 0 : i32
        %swap3A_871 = arith.constant 0 : i32
        %swap3A_872 = tpu.memref_slice %arg6[%scan3A_526, %swap3A_870, %swap3A_871] : memref<10x64x128xf32, #tpu.memory_space<vmem>> -> memref<1x64x128xf32, #tpu.memory_space<vmem>>
        %swap3A_873 = tpu.memref_squeeze %swap3A_872 : memref<1x64x128xf32, #tpu.memory_space<vmem>> -> memref<64x128xf32, #tpu.memory_space<vmem>>
        %swap3A_874 = arith.index_cast %scan3A_820 : i32 to index
        %swap3A_875 = arith.constant 32 : index
        %swap3A_876 = tpu.vector_load %swap3A_873[%swap3A_874, %swap3A_875] {strides = array<i32>} : memref<64x128xf32, #tpu.memory_space<vmem>>, vector<1x16xf32>,
        %swap3A_877 = vector.shape_cast %swap3A_876 : vector<1x16xf32> to vector<16xf32>
        %swap3A_878 = vector.shape_cast %mul3A_869 : vector<16xf32> to vector<1x16xf32>
        tpu.vector_store %swap3A_873[%swap3A_874, %swap3A_875], %swap3A_878 {strides = array<i32>} : memref<64x128xf32, #tpu.memory_space<vmem>>, vector<1x16xf32>,
        %get3A_879 = arith.constant 0 : i32
        %get3A_880 = arith.constant 0 : i32
        %get3A_881 = tpu.memref_slice %arg6[%scan3A_526, %get3A_879, %get3A_880] : memref<10x64x128xf32, #tpu.memory_space<vmem>> -> memref<1x64x128xf32, #tpu.memory_space<vmem>>
        %get3A_882 = tpu.memref_squeeze %get3A_881 : memref<1x64x128xf32, #tpu.memory_space<vmem>> -> memref<64x128xf32, #tpu.memory_space<vmem>>
        %get3A_883 = arith.index_cast %scan3A_820 : i32 to index
        %get3A_884 = arith.constant 48 : index
        %get3A_885 = tpu.vector_load %get3A_882[%get3A_883, %get3A_884] {strides = array<i32>} : memref<64x128xf32, #tpu.memory_space<vmem>>, vector<1x16xf32>,
        %get3A_886 = vector.shape_cast %get3A_885 : vector<1x16xf32> to vector<16xf32>
        %mul3A_887 = arith.constant 11.3137083 : f32
        %mul3A_888 = vector.broadcast %mul3A_887 : f32 to vector<16xf32>
        %mul3A_889 = arith.mulf %get3A_886, %mul3A_888 : vector<16xf32>
        %swap3A_890 = arith.constant 0 : i32
        %swap3A_891 = arith.constant 0 : i32
        %swap3A_892 = tpu.memref_slice %arg6[%scan3A_526, %swap3A_890, %swap3A_891] : memref<10x64x128xf32, #tpu.memory_space<vmem>> -> memref<1x64x128xf32, #tpu.memory_space<vmem>>
        %swap3A_893 = tpu.memref_squeeze %swap3A_892 : memref<1x64x128xf32, #tpu.memory_space<vmem>> -> memref<64x128xf32, #tpu.memory_space<vmem>>
        %swap3A_894 = arith.index_cast %scan3A_820 : i32 to index
        %swap3A_895 = arith.constant 48 : index
        %swap3A_896 = tpu.vector_load %swap3A_893[%swap3A_894, %swap3A_895] {strides = array<i32>} : memref<64x128xf32, #tpu.memory_space<vmem>>, vector<1x16xf32>,
        %swap3A_897 = vector.shape_cast %swap3A_896 : vector<1x16xf32> to vector<16xf32>
        %swap3A_898 = vector.shape_cast %mul3A_889 : vector<16xf32> to vector<1x16xf32>
        tpu.vector_store %swap3A_893[%swap3A_894, %swap3A_895], %swap3A_898 {strides = array<i32>} : memref<64x128xf32, #tpu.memory_space<vmem>>, vector<1x16xf32>,
        %get3A_899 = arith.constant 0 : i32
        %get3A_900 = arith.constant 0 : i32
        %get3A_901 = tpu.memref_slice %arg6[%scan3A_526, %get3A_899, %get3A_900] : memref<10x64x128xf32, #tpu.memory_space<vmem>> -> memref<1x64x128xf32, #tpu.memory_space<vmem>>
        %get3A_902 = tpu.memref_squeeze %get3A_901 : memref<1x64x128xf32, #tpu.memory_space<vmem>> -> memref<64x128xf32, #tpu.memory_space<vmem>>
        %get3A_903 = arith.index_cast %scan3A_820 : i32 to index
        %get3A_904 = arith.constant 64 : index
        %get3A_905 = tpu.vector_load %get3A_902[%get3A_903, %get3A_904] {strides = array<i32>} : memref<64x128xf32, #tpu.memory_space<vmem>>, vector<1x16xf32>,
        %get3A_906 = vector.shape_cast %get3A_905 : vector<1x16xf32> to vector<16xf32>
        %mul3A_907 = arith.constant 11.3137083 : f32
        %mul3A_908 = vector.broadcast %mul3A_907 : f32 to vector<16xf32>
        %mul3A_909 = arith.mulf %get3A_906, %mul3A_908 : vector<16xf32>
        %swap3A_910 = arith.constant 0 : i32
        %swap3A_911 = arith.constant 0 : i32
        %swap3A_912 = tpu.memref_slice %arg6[%scan3A_526, %swap3A_910, %swap3A_911] : memref<10x64x128xf32, #tpu.memory_space<vmem>> -> memref<1x64x128xf32, #tpu.memory_space<vmem>>
        %swap3A_913 = tpu.memref_squeeze %swap3A_912 : memref<1x64x128xf32, #tpu.memory_space<vmem>> -> memref<64x128xf32, #tpu.memory_space<vmem>>
        %swap3A_914 = arith.index_cast %scan3A_820 : i32 to index
        %swap3A_915 = arith.constant 64 : index
        %swap3A_916 = tpu.vector_load %swap3A_913[%swap3A_914, %swap3A_915] {strides = array<i32>} : memref<64x128xf32, #tpu.memory_space<vmem>>, vector<1x16xf32>,
        %swap3A_917 = vector.shape_cast %swap3A_916 : vector<1x16xf32> to vector<16xf32>
        %swap3A_918 = vector.shape_cast %mul3A_909 : vector<16xf32> to vector<1x16xf32>
        tpu.vector_store %swap3A_913[%swap3A_914, %swap3A_915], %swap3A_918 {strides = array<i32>} : memref<64x128xf32, #tpu.memory_space<vmem>>, vector<1x16xf32>,
        %get3A_919 = arith.constant 0 : i32
        %get3A_920 = arith.constant 0 : i32
        %get3A_921 = tpu.memref_slice %arg6[%scan3A_526, %get3A_919, %get3A_920] : memref<10x64x128xf32, #tpu.memory_space<vmem>> -> memref<1x64x128xf32, #tpu.memory_space<vmem>>
        %get3A_922 = tpu.memref_squeeze %get3A_921 : memref<1x64x128xf32, #tpu.memory_space<vmem>> -> memref<64x128xf32, #tpu.memory_space<vmem>>
        %get3A_923 = arith.index_cast %scan3A_820 : i32 to index
        %get3A_924 = arith.constant 80 : index
        %get3A_925 = tpu.vector_load %get3A_922[%get3A_923, %get3A_924] {strides = array<i32>} : memref<64x128xf32, #tpu.memory_space<vmem>>, vector<1x16xf32>,
        %get3A_926 = vector.shape_cast %get3A_925 : vector<1x16xf32> to vector<16xf32>
        %mul3A_927 = arith.constant 11.3137083 : f32
        %mul3A_928 = vector.broadcast %mul3A_927 : f32 to vector<16xf32>
        %mul3A_929 = arith.mulf %get3A_926, %mul3A_928 : vector<16xf32>
        %swap3A_930 = arith.constant 0 : i32
        %swap3A_931 = arith.constant 0 : i32
        %swap3A_932 = tpu.memref_slice %arg6[%scan3A_526, %swap3A_930, %swap3A_931] : memref<10x64x128xf32, #tpu.memory_space<vmem>> -> memref<1x64x128xf32, #tpu.memory_space<vmem>>
        %swap3A_933 = tpu.memref_squeeze %swap3A_932 : memref<1x64x128xf32, #tpu.memory_space<vmem>> -> memref<64x128xf32, #tpu.memory_space<vmem>>
        %swap3A_934 = arith.index_cast %scan3A_820 : i32 to index
        %swap3A_935 = arith.constant 80 : index
        %swap3A_936 = tpu.vector_load %swap3A_933[%swap3A_934, %swap3A_935] {strides = array<i32>} : memref<64x128xf32, #tpu.memory_space<vmem>>, vector<1x16xf32>,
        %swap3A_937 = vector.shape_cast %swap3A_936 : vector<1x16xf32> to vector<16xf32>
        %swap3A_938 = vector.shape_cast %mul3A_929 : vector<16xf32> to vector<1x16xf32>
        tpu.vector_store %swap3A_933[%swap3A_934, %swap3A_935], %swap3A_938 {strides = array<i32>} : memref<64x128xf32, #tpu.memory_space<vmem>>, vector<1x16xf32>,
        %get3A_939 = arith.constant 0 : i32
        %get3A_940 = arith.constant 0 : i32
        %get3A_941 = tpu.memref_slice %arg6[%scan3A_526, %get3A_939, %get3A_940] : memref<10x64x128xf32, #tpu.memory_space<vmem>> -> memref<1x64x128xf32, #tpu.memory_space<vmem>>
        %get3A_942 = tpu.memref_squeeze %get3A_941 : memref<1x64x128xf32, #tpu.memory_space<vmem>> -> memref<64x128xf32, #tpu.memory_space<vmem>>
        %get3A_943 = arith.index_cast %scan3A_820 : i32 to index
        %get3A_944 = arith.constant 96 : index
        %get3A_945 = tpu.vector_load %get3A_942[%get3A_943, %get3A_944] {strides = array<i32>} : memref<64x128xf32, #tpu.memory_space<vmem>>, vector<1x16xf32>,
        %get3A_946 = vector.shape_cast %get3A_945 : vector<1x16xf32> to vector<16xf32>
        %mul3A_947 = arith.constant 11.3137083 : f32
        %mul3A_948 = vector.broadcast %mul3A_947 : f32 to vector<16xf32>
        %mul3A_949 = arith.mulf %get3A_946, %mul3A_948 : vector<16xf32>
        %swap3A_950 = arith.constant 0 : i32
        %swap3A_951 = arith.constant 0 : i32
        %swap3A_952 = tpu.memref_slice %arg6[%scan3A_526, %swap3A_950, %swap3A_951] : memref<10x64x128xf32, #tpu.memory_space<vmem>> -> memref<1x64x128xf32, #tpu.memory_space<vmem>>
        %swap3A_953 = tpu.memref_squeeze %swap3A_952 : memref<1x64x128xf32, #tpu.memory_space<vmem>> -> memref<64x128xf32, #tpu.memory_space<vmem>>
        %swap3A_954 = arith.index_cast %scan3A_820 : i32 to index
        %swap3A_955 = arith.constant 96 : index
        %swap3A_956 = tpu.vector_load %swap3A_953[%swap3A_954, %swap3A_955] {strides = array<i32>} : memref<64x128xf32, #tpu.memory_space<vmem>>, vector<1x16xf32>,
        %swap3A_957 = vector.shape_cast %swap3A_956 : vector<1x16xf32> to vector<16xf32>
        %swap3A_958 = vector.shape_cast %mul3A_949 : vector<16xf32> to vector<1x16xf32>
        tpu.vector_store %swap3A_953[%swap3A_954, %swap3A_955], %swap3A_958 {strides = array<i32>} : memref<64x128xf32, #tpu.memory_space<vmem>>, vector<1x16xf32>,
        %get3A_959 = arith.constant 0 : i32
        %get3A_960 = arith.constant 0 : i32
        %get3A_961 = tpu.memref_slice %arg6[%scan3A_526, %get3A_959, %get3A_960] : memref<10x64x128xf32, #tpu.memory_space<vmem>> -> memref<1x64x128xf32, #tpu.memory_space<vmem>>
        %get3A_962 = tpu.memref_squeeze %get3A_961 : memref<1x64x128xf32, #tpu.memory_space<vmem>> -> memref<64x128xf32, #tpu.memory_space<vmem>>
        %get3A_963 = arith.index_cast %scan3A_820 : i32 to index
        %get3A_964 = arith.constant 112 : index
        %get3A_965 = tpu.vector_load %get3A_962[%get3A_963, %get3A_964] {strides = array<i32>} : memref<64x128xf32, #tpu.memory_space<vmem>>, vector<1x16xf32>,
        %get3A_966 = vector.shape_cast %get3A_965 : vector<1x16xf32> to vector<16xf32>
        %mul3A_967 = arith.constant 11.3137083 : f32
        %mul3A_968 = vector.broadcast %mul3A_967 : f32 to vector<16xf32>
        %mul3A_969 = arith.mulf %get3A_966, %mul3A_968 : vector<16xf32>
        %swap3A_970 = arith.constant 0 : i32
        %swap3A_971 = arith.constant 0 : i32
        %swap3A_972 = tpu.memref_slice %arg6[%scan3A_526, %swap3A_970, %swap3A_971] : memref<10x64x128xf32, #tpu.memory_space<vmem>> -> memref<1x64x128xf32, #tpu.memory_space<vmem>>
        %swap3A_973 = tpu.memref_squeeze %swap3A_972 : memref<1x64x128xf32, #tpu.memory_space<vmem>> -> memref<64x128xf32, #tpu.memory_space<vmem>>
        %swap3A_974 = arith.index_cast %scan3A_820 : i32 to index
        %swap3A_975 = arith.constant 112 : index
        %swap3A_976 = tpu.vector_load %swap3A_973[%swap3A_974, %swap3A_975] {strides = array<i32>} : memref<64x128xf32, #tpu.memory_space<vmem>>, vector<1x16xf32>,
        %swap3A_977 = vector.shape_cast %swap3A_976 : vector<1x16xf32> to vector<16xf32>
        %swap3A_978 = vector.shape_cast %mul3A_969 : vector<16xf32> to vector<1x16xf32>
        tpu.vector_store %swap3A_973[%swap3A_974, %swap3A_975], %swap3A_978 {strides = array<i32>} : memref<64x128xf32, #tpu.memory_space<vmem>>, vector<1x16xf32>,
      }
      %scan3A_531 = arith.constant 64 : i32
      %mul3A_532 = arith.constant 64 : i32
      %mul3A_533 = arith.muli %add3A_509, %mul3A_532 : i32
      %add3A_534 = arith.addi %mul3A_2, %mul3A_533 : i32
      %dma_start3A_535 = arith.constant 4 : i32
      %dma_start3A_536 = arith.constant 4 : i32
      %dma_start3A_537 = arith.constant 0 : i32
      %dma_start3A_538 = arith.constant 0 : i32
      %dma_start3A_539 = tpu.memref_slice %arg6[%dma_start3A_535, %dma_start3A_537, %dma_start3A_538] : memref<10x64x128xf32, #tpu.memory_space<vmem>> -> memref<1x64x128xf32, #tpu.memory_space<vmem>>
      %dma_start3A_540 = tpu.memref_squeeze %dma_start3A_539 : memref<1x64x128xf32, #tpu.memory_space<vmem>> -> memref<64x128xf32, #tpu.memory_space<vmem>>
      %dma_start3A_541 = arith.constant 0 : i32
      %dma_start3A_542 = tpu.memref_slice %arg4[%add3A_534, %dma_start3A_541] : memref<204800x128xf32, #tpu.memory_space<hbm>> -> memref<64x128xf32, #tpu.memory_space<hbm>>
      %dma_start3A_543 = tpu.memref_slice %arg8[%dma_start3A_536] : memref<10x!tpu.dma_semaphore, #tpu.memory_space<semaphore_mem>> -> memref<1x!tpu.dma_semaphore, #tpu.memory_space<semaphore_mem>>
      %dma_start3A_544 = tpu.memref_squeeze %dma_start3A_543 : memref<1x!tpu.dma_semaphore, #tpu.memory_space<semaphore_mem>> -> memref<!tpu.dma_semaphore, #tpu.memory_space<semaphore_mem>>
      %dma_start3A_545 = arith.constant 0 : i32
      %dma_start3A_546 = tpu.memref_slice %arg4[%add3A_534, %dma_start3A_545] : memref<204800x128xf32, #tpu.memory_space<hbm>> -> memref<64x128xf32, #tpu.memory_space<hbm>>
      %dma_start3A_547 = arith.constant 0 : i32
      %dma_start3A_548 = arith.constant 0 : i32
      %dma_start3A_549 = tpu.memref_slice %arg6[%dma_start3A_535, %dma_start3A_547, %dma_start3A_548] : memref<10x64x128xf32, #tpu.memory_space<vmem>> -> memref<1x64x128xf32, #tpu.memory_space<vmem>>
      %dma_start3A_550 = tpu.memref_squeeze %dma_start3A_549 : memref<1x64x128xf32, #tpu.memory_space<vmem>> -> memref<64x128xf32, #tpu.memory_space<vmem>>
      tpu.enqueue_dma source(%dma_start3A_550 : memref<64x128xf32, #tpu.memory_space<vmem>>) target(%dma_start3A_546 : memref<64x128xf32, #tpu.memory_space<hbm>>) target_semaphore(%dma_start3A_544 : memref<!tpu.dma_semaphore, #tpu.memory_space<semaphore_mem>>)
      %add3A_551 = arith.constant 10 : i32
      %add3A_552 = arith.addi %add3A_509, %add3A_551 : i32
      %sub3A_553 = arith.constant 1 : i32
      %sub3A_554 = arith.subi %add3A_552, %sub3A_553 : i32
      %lt3A_555 = arith.constant 100 : i32
      %lt3A_556 = arith.cmpi slt, %sub3A_554, %lt3A_555 : i32
      %convert_element_type3A_557 = arith.extui %lt3A_556 : i1 to i32
      %cond3A_558 = arith.constant 0 : i32
      %cond3A_559 = arith.cmpi ne, %convert_element_type3A_557, %cond3A_558 : i32
      scf.if %cond3A_559 {
        %gt3A = arith.constant 0 : i32
        %gt3A_820 = arith.cmpi sgt, %add3A_509, %gt3A : i32
        %convert_element_type3A_821 = arith.extui %gt3A_820 : i1 to i32
        %cond3A_822 = arith.constant 0 : i32
        %cond3A_823 = arith.cmpi ne, %convert_element_type3A_821, %cond3A_822 : i32
        scf.if %cond3A_823 {
          %dma_wait3A_838 = arith.constant 3 : i32
          %dma_wait3A_839 = arith.constant 3 : i32
          %dma_wait3A_840 = arith.constant 0 : i32
          %dma_wait3A_841 = arith.constant 0 : i32
          %dma_wait3A_842 = tpu.memref_slice %arg6[%dma_wait3A_838, %dma_wait3A_840, %dma_wait3A_841] : memref<10x64x128xf32, #tpu.memory_space<vmem>> -> memref<1x64x128xf32, #tpu.memory_space<vmem>>
          %dma_wait3A_843 = tpu.memref_squeeze %dma_wait3A_842 : memref<1x64x128xf32, #tpu.memory_space<vmem>> -> memref<64x128xf32, #tpu.memory_space<vmem>>
          %dma_wait3A_844 = arith.constant 0 : i32
          %dma_wait3A_845 = tpu.memref_slice %arg4[%mul3A_2, %dma_wait3A_844] : memref<204800x128xf32, #tpu.memory_space<hbm>> -> memref<64x128xf32, #tpu.memory_space<hbm>>
          %dma_wait3A_846 = tpu.memref_slice %arg8[%dma_wait3A_839] : memref<10x!tpu.dma_semaphore, #tpu.memory_space<semaphore_mem>> -> memref<1x!tpu.dma_semaphore, #tpu.memory_space<semaphore_mem>>
          %dma_wait3A_847 = tpu.memref_squeeze %dma_wait3A_846 : memref<1x!tpu.dma_semaphore, #tpu.memory_space<semaphore_mem>> -> memref<!tpu.dma_semaphore, #tpu.memory_space<semaphore_mem>>
          %dma_wait3A_848 = arith.constant 0 : i32
          %dma_wait3A_849 = tpu.memref_slice %arg4[%mul3A_2, %dma_wait3A_848] : memref<204800x128xf32, #tpu.memory_space<hbm>> -> memref<64x128xf32, #tpu.memory_space<hbm>>
          %dma_wait3A_850 = arith.constant 0 : i32
          %dma_wait3A_851 = arith.constant 0 : i32
          %dma_wait3A_852 = tpu.memref_slice %arg6[%dma_wait3A_838, %dma_wait3A_850, %dma_wait3A_851] : memref<10x64x128xf32, #tpu.memory_space<vmem>> -> memref<1x64x128xf32, #tpu.memory_space<vmem>>
          %dma_wait3A_853 = tpu.memref_squeeze %dma_wait3A_852 : memref<1x64x128xf32, #tpu.memory_space<vmem>> -> memref<64x128xf32, #tpu.memory_space<vmem>>
          tpu.wait_dma2 semaphore(%dma_wait3A_847 : memref<!tpu.dma_semaphore, #tpu.memory_space<semaphore_mem>>) src(%dma_wait3A_853 : memref<64x128xf32, #tpu.memory_space<vmem>>) dst(%dma_wait3A_849 : memref<64x128xf32, #tpu.memory_space<hbm>>)
        } else {
        }
        %dma_start3A_824 = arith.constant 3 : i32
        %dma_start3A_825 = arith.constant 3 : i32
        %dma_start3A_826 = arith.constant 0 : i32
        %dma_start3A_827 = arith.constant 0 : i32
        %dma_start3A_828 = tpu.memref_slice %arg6[%dma_start3A_824, %dma_start3A_826, %dma_start3A_827] : memref<10x64x128xf32, #tpu.memory_space<vmem>> -> memref<1x64x128xf32, #tpu.memory_space<vmem>>
        %dma_start3A_829 = tpu.memref_squeeze %dma_start3A_828 : memref<1x64x128xf32, #tpu.memory_space<vmem>> -> memref<64x128xf32, #tpu.memory_space<vmem>>
        %dma_start3A_830 = arith.constant 0 : i32
        %dma_start3A_831 = tpu.memref_slice %arg5[%sub3A_554, %dma_start3A_830] : memref<100x64xi32, #tpu.memory_space<vmem>> -> memref<1x64xi32, #tpu.memory_space<vmem>>
        %dma_start3A_832 = tpu.memref_squeeze %dma_start3A_831 : memref<1x64xi32, #tpu.memory_space<vmem>> -> memref<64xi32, #tpu.memory_space<vmem>>
        %dma_start3A_833 = arith.constant 0 : i32
        %dma_start3A_834 = arith.constant 0 : i32
        %dma_start3A_835 = tpu.memref_slice %arg2[%dma_start3A_833, %dma_start3A_834] : memref<100000x128xf32, #tpu.memory_space<hbm>> -> memref<100000x128xf32, #tpu.memory_space<hbm>>
        %dma_start3A_836 = tpu.memref_slice %arg7[%dma_start3A_825] : memref<10x!tpu.dma_semaphore, #tpu.memory_space<semaphore_mem>> -> memref<1x!tpu.dma_semaphore, #tpu.memory_space<semaphore_mem>>
        %dma_start3A_837 = tpu.memref_squeeze %dma_start3A_836 : memref<1x!tpu.dma_semaphore, #tpu.memory_space<semaphore_mem>> -> memref<!tpu.dma_semaphore, #tpu.memory_space<semaphore_mem>>
        tpu.enqueue_indirect_dma source(%dma_start3A_835 : memref<100000x128xf32, #tpu.memory_space<hbm>>) target(%dma_start3A_829 : memref<64x128xf32, #tpu.memory_space<vmem>>) offsets(%dma_start3A_832 : memref<64xi32, #tpu.memory_space<vmem>>) semaphore(%dma_start3A_837 : memref<!tpu.dma_semaphore, #tpu.memory_space<semaphore_mem>>)
      } else {
      }
      %add3A_560 = arith.constant 5 : i32
      %add3A_561 = arith.addi %mul3A_303, %add3A_560 : i32
      %dma_wait3A_562 = arith.constant 0 : i32
      %dma_wait3A_563 = arith.constant 5 : i32
      %dma_wait3A_564 = arith.constant 5 : i32
      %dma_wait3A_565 = arith.constant 0 : i32
      %dma_wait3A_566 = arith.constant 0 : i32
      %dma_wait3A_567 = tpu.memref_slice %arg6[%dma_wait3A_563, %dma_wait3A_565, %dma_wait3A_566] : memref<10x64x128xf32, #tpu.memory_space<vmem>> -> memref<1x64x128xf32, #tpu.memory_space<vmem>>
      %dma_wait3A_568 = tpu.memref_squeeze %dma_wait3A_567 : memref<1x64x128xf32, #tpu.memory_space<vmem>> -> memref<64x128xf32, #tpu.memory_space<vmem>>
      %dma_wait3A_569 = arith.constant 0 : i32
      %dma_wait3A_570 = tpu.memref_slice %arg5[%dma_wait3A_562, %dma_wait3A_569] : memref<100x64xi32, #tpu.memory_space<vmem>> -> memref<1x64xi32, #tpu.memory_space<vmem>>
      %dma_wait3A_571 = tpu.memref_squeeze %dma_wait3A_570 : memref<1x64xi32, #tpu.memory_space<vmem>> -> memref<64xi32, #tpu.memory_space<vmem>>
      %dma_wait3A_572 = arith.constant 0 : i32
      %dma_wait3A_573 = arith.constant 0 : i32
      %dma_wait3A_574 = tpu.memref_slice %arg2[%dma_wait3A_572, %dma_wait3A_573] : memref<100000x128xf32, #tpu.memory_space<hbm>> -> memref<100000x128xf32, #tpu.memory_space<hbm>>
      %dma_wait3A_575 = tpu.memref_slice %arg7[%dma_wait3A_564] : memref<10x!tpu.dma_semaphore, #tpu.memory_space<semaphore_mem>> -> memref<1x!tpu.dma_semaphore, #tpu.memory_space<semaphore_mem>>
      %dma_wait3A_576 = tpu.memref_squeeze %dma_wait3A_575 : memref<1x!tpu.dma_semaphore, #tpu.memory_space<semaphore_mem>> -> memref<!tpu.dma_semaphore, #tpu.memory_space<semaphore_mem>>
      tpu.wait_indirect_dma semaphore(%dma_wait3A_576 : memref<!tpu.dma_semaphore, #tpu.memory_space<semaphore_mem>>) src(%dma_wait3A_574 : memref<100000x128xf32, #tpu.memory_space<hbm>>) dst(%dma_wait3A_568 : memref<64x128xf32, #tpu.memory_space<vmem>>)
      %scan3A_577 = arith.constant 0 : i32
      %scan3A_578 = arith.constant 5 : i32
      %scan3A_579 = arith.constant 0 : i32
      %scan3A_580 = arith.constant 64 : i32
      %scan3A_581 = arith.addi %scan3A_579, %scan3A_580 : i32
      %scan3A_582 = arith.constant 1 : i32
      scf.for %scan3A_820 = %scan3A_579 to %scan3A_581 step %scan3A_582  : i32 {
        %get3A = arith.constant 0 : i32
        %get3A_821 = arith.constant 0 : i32
        %get3A_822 = tpu.memref_slice %arg6[%scan3A_578, %get3A, %get3A_821] : memref<10x64x128xf32, #tpu.memory_space<vmem>> -> memref<1x64x128xf32, #tpu.memory_space<vmem>>
        %get3A_823 = tpu.memref_squeeze %get3A_822 : memref<1x64x128xf32, #tpu.memory_space<vmem>> -> memref<64x128xf32, #tpu.memory_space<vmem>>
        %get3A_824 = arith.index_cast %scan3A_820 : i32 to index
        %get3A_825 = arith.constant 0 : index
        %get3A_826 = tpu.vector_load %get3A_823[%get3A_824, %get3A_825] {strides = array<i32>} : memref<64x128xf32, #tpu.memory_space<vmem>>, vector<1x16xf32>,
        %get3A_827 = vector.shape_cast %get3A_826 : vector<1x16xf32> to vector<16xf32>
        %mul3A_828 = arith.constant 11.3137083 : f32
        %mul3A_829 = vector.broadcast %mul3A_828 : f32 to vector<16xf32>
        %mul3A_830 = arith.mulf %get3A_827, %mul3A_829 : vector<16xf32>
        %swap3A = arith.constant 0 : i32
        %swap3A_831 = arith.constant 0 : i32
        %swap3A_832 = tpu.memref_slice %arg6[%scan3A_578, %swap3A, %swap3A_831] : memref<10x64x128xf32, #tpu.memory_space<vmem>> -> memref<1x64x128xf32, #tpu.memory_space<vmem>>
        %swap3A_833 = tpu.memref_squeeze %swap3A_832 : memref<1x64x128xf32, #tpu.memory_space<vmem>> -> memref<64x128xf32, #tpu.memory_space<vmem>>
        %swap3A_834 = arith.index_cast %scan3A_820 : i32 to index
        %swap3A_835 = arith.constant 0 : index
        %swap3A_836 = tpu.vector_load %swap3A_833[%swap3A_834, %swap3A_835] {strides = array<i32>} : memref<64x128xf32, #tpu.memory_space<vmem>>, vector<1x16xf32>,
        %swap3A_837 = vector.shape_cast %swap3A_836 : vector<1x16xf32> to vector<16xf32>
        %swap3A_838 = vector.shape_cast %mul3A_830 : vector<16xf32> to vector<1x16xf32>
        tpu.vector_store %swap3A_833[%swap3A_834, %swap3A_835], %swap3A_838 {strides = array<i32>} : memref<64x128xf32, #tpu.memory_space<vmem>>, vector<1x16xf32>,
        %get3A_839 = arith.constant 0 : i32
        %get3A_840 = arith.constant 0 : i32
        %get3A_841 = tpu.memref_slice %arg6[%scan3A_578, %get3A_839, %get3A_840] : memref<10x64x128xf32, #tpu.memory_space<vmem>> -> memref<1x64x128xf32, #tpu.memory_space<vmem>>
        %get3A_842 = tpu.memref_squeeze %get3A_841 : memref<1x64x128xf32, #tpu.memory_space<vmem>> -> memref<64x128xf32, #tpu.memory_space<vmem>>
        %get3A_843 = arith.index_cast %scan3A_820 : i32 to index
        %get3A_844 = arith.constant 16 : index
        %get3A_845 = tpu.vector_load %get3A_842[%get3A_843, %get3A_844] {strides = array<i32>} : memref<64x128xf32, #tpu.memory_space<vmem>>, vector<1x16xf32>,
        %get3A_846 = vector.shape_cast %get3A_845 : vector<1x16xf32> to vector<16xf32>
        %mul3A_847 = arith.constant 11.3137083 : f32
        %mul3A_848 = vector.broadcast %mul3A_847 : f32 to vector<16xf32>
        %mul3A_849 = arith.mulf %get3A_846, %mul3A_848 : vector<16xf32>
        %swap3A_850 = arith.constant 0 : i32
        %swap3A_851 = arith.constant 0 : i32
        %swap3A_852 = tpu.memref_slice %arg6[%scan3A_578, %swap3A_850, %swap3A_851] : memref<10x64x128xf32, #tpu.memory_space<vmem>> -> memref<1x64x128xf32, #tpu.memory_space<vmem>>
        %swap3A_853 = tpu.memref_squeeze %swap3A_852 : memref<1x64x128xf32, #tpu.memory_space<vmem>> -> memref<64x128xf32, #tpu.memory_space<vmem>>
        %swap3A_854 = arith.index_cast %scan3A_820 : i32 to index
        %swap3A_855 = arith.constant 16 : index
        %swap3A_856 = tpu.vector_load %swap3A_853[%swap3A_854, %swap3A_855] {strides = array<i32>} : memref<64x128xf32, #tpu.memory_space<vmem>>, vector<1x16xf32>,
        %swap3A_857 = vector.shape_cast %swap3A_856 : vector<1x16xf32> to vector<16xf32>
        %swap3A_858 = vector.shape_cast %mul3A_849 : vector<16xf32> to vector<1x16xf32>
        tpu.vector_store %swap3A_853[%swap3A_854, %swap3A_855], %swap3A_858 {strides = array<i32>} : memref<64x128xf32, #tpu.memory_space<vmem>>, vector<1x16xf32>,
        %get3A_859 = arith.constant 0 : i32
        %get3A_860 = arith.constant 0 : i32
        %get3A_861 = tpu.memref_slice %arg6[%scan3A_578, %get3A_859, %get3A_860] : memref<10x64x128xf32, #tpu.memory_space<vmem>> -> memref<1x64x128xf32, #tpu.memory_space<vmem>>
        %get3A_862 = tpu.memref_squeeze %get3A_861 : memref<1x64x128xf32, #tpu.memory_space<vmem>> -> memref<64x128xf32, #tpu.memory_space<vmem>>
        %get3A_863 = arith.index_cast %scan3A_820 : i32 to index
        %get3A_864 = arith.constant 32 : index
        %get3A_865 = tpu.vector_load %get3A_862[%get3A_863, %get3A_864] {strides = array<i32>} : memref<64x128xf32, #tpu.memory_space<vmem>>, vector<1x16xf32>,
        %get3A_866 = vector.shape_cast %get3A_865 : vector<1x16xf32> to vector<16xf32>
        %mul3A_867 = arith.constant 11.3137083 : f32
        %mul3A_868 = vector.broadcast %mul3A_867 : f32 to vector<16xf32>
        %mul3A_869 = arith.mulf %get3A_866, %mul3A_868 : vector<16xf32>
        %swap3A_870 = arith.constant 0 : i32
        %swap3A_871 = arith.constant 0 : i32
        %swap3A_872 = tpu.memref_slice %arg6[%scan3A_578, %swap3A_870, %swap3A_871] : memref<10x64x128xf32, #tpu.memory_space<vmem>> -> memref<1x64x128xf32, #tpu.memory_space<vmem>>
        %swap3A_873 = tpu.memref_squeeze %swap3A_872 : memref<1x64x128xf32, #tpu.memory_space<vmem>> -> memref<64x128xf32, #tpu.memory_space<vmem>>
        %swap3A_874 = arith.index_cast %scan3A_820 : i32 to index
        %swap3A_875 = arith.constant 32 : index
        %swap3A_876 = tpu.vector_load %swap3A_873[%swap3A_874, %swap3A_875] {strides = array<i32>} : memref<64x128xf32, #tpu.memory_space<vmem>>, vector<1x16xf32>,
        %swap3A_877 = vector.shape_cast %swap3A_876 : vector<1x16xf32> to vector<16xf32>
        %swap3A_878 = vector.shape_cast %mul3A_869 : vector<16xf32> to vector<1x16xf32>
        tpu.vector_store %swap3A_873[%swap3A_874, %swap3A_875], %swap3A_878 {strides = array<i32>} : memref<64x128xf32, #tpu.memory_space<vmem>>, vector<1x16xf32>,
        %get3A_879 = arith.constant 0 : i32
        %get3A_880 = arith.constant 0 : i32
        %get3A_881 = tpu.memref_slice %arg6[%scan3A_578, %get3A_879, %get3A_880] : memref<10x64x128xf32, #tpu.memory_space<vmem>> -> memref<1x64x128xf32, #tpu.memory_space<vmem>>
        %get3A_882 = tpu.memref_squeeze %get3A_881 : memref<1x64x128xf32, #tpu.memory_space<vmem>> -> memref<64x128xf32, #tpu.memory_space<vmem>>
        %get3A_883 = arith.index_cast %scan3A_820 : i32 to index
        %get3A_884 = arith.constant 48 : index
        %get3A_885 = tpu.vector_load %get3A_882[%get3A_883, %get3A_884] {strides = array<i32>} : memref<64x128xf32, #tpu.memory_space<vmem>>, vector<1x16xf32>,
        %get3A_886 = vector.shape_cast %get3A_885 : vector<1x16xf32> to vector<16xf32>
        %mul3A_887 = arith.constant 11.3137083 : f32
        %mul3A_888 = vector.broadcast %mul3A_887 : f32 to vector<16xf32>
        %mul3A_889 = arith.mulf %get3A_886, %mul3A_888 : vector<16xf32>
        %swap3A_890 = arith.constant 0 : i32
        %swap3A_891 = arith.constant 0 : i32
        %swap3A_892 = tpu.memref_slice %arg6[%scan3A_578, %swap3A_890, %swap3A_891] : memref<10x64x128xf32, #tpu.memory_space<vmem>> -> memref<1x64x128xf32, #tpu.memory_space<vmem>>
        %swap3A_893 = tpu.memref_squeeze %swap3A_892 : memref<1x64x128xf32, #tpu.memory_space<vmem>> -> memref<64x128xf32, #tpu.memory_space<vmem>>
        %swap3A_894 = arith.index_cast %scan3A_820 : i32 to index
        %swap3A_895 = arith.constant 48 : index
        %swap3A_896 = tpu.vector_load %swap3A_893[%swap3A_894, %swap3A_895] {strides = array<i32>} : memref<64x128xf32, #tpu.memory_space<vmem>>, vector<1x16xf32>,
        %swap3A_897 = vector.shape_cast %swap3A_896 : vector<1x16xf32> to vector<16xf32>
        %swap3A_898 = vector.shape_cast %mul3A_889 : vector<16xf32> to vector<1x16xf32>
        tpu.vector_store %swap3A_893[%swap3A_894, %swap3A_895], %swap3A_898 {strides = array<i32>} : memref<64x128xf32, #tpu.memory_space<vmem>>, vector<1x16xf32>,
        %get3A_899 = arith.constant 0 : i32
        %get3A_900 = arith.constant 0 : i32
        %get3A_901 = tpu.memref_slice %arg6[%scan3A_578, %get3A_899, %get3A_900] : memref<10x64x128xf32, #tpu.memory_space<vmem>> -> memref<1x64x128xf32, #tpu.memory_space<vmem>>
        %get3A_902 = tpu.memref_squeeze %get3A_901 : memref<1x64x128xf32, #tpu.memory_space<vmem>> -> memref<64x128xf32, #tpu.memory_space<vmem>>
        %get3A_903 = arith.index_cast %scan3A_820 : i32 to index
        %get3A_904 = arith.constant 64 : index
        %get3A_905 = tpu.vector_load %get3A_902[%get3A_903, %get3A_904] {strides = array<i32>} : memref<64x128xf32, #tpu.memory_space<vmem>>, vector<1x16xf32>,
        %get3A_906 = vector.shape_cast %get3A_905 : vector<1x16xf32> to vector<16xf32>
        %mul3A_907 = arith.constant 11.3137083 : f32
        %mul3A_908 = vector.broadcast %mul3A_907 : f32 to vector<16xf32>
        %mul3A_909 = arith.mulf %get3A_906, %mul3A_908 : vector<16xf32>
        %swap3A_910 = arith.constant 0 : i32
        %swap3A_911 = arith.constant 0 : i32
        %swap3A_912 = tpu.memref_slice %arg6[%scan3A_578, %swap3A_910, %swap3A_911] : memref<10x64x128xf32, #tpu.memory_space<vmem>> -> memref<1x64x128xf32, #tpu.memory_space<vmem>>
        %swap3A_913 = tpu.memref_squeeze %swap3A_912 : memref<1x64x128xf32, #tpu.memory_space<vmem>> -> memref<64x128xf32, #tpu.memory_space<vmem>>
        %swap3A_914 = arith.index_cast %scan3A_820 : i32 to index
        %swap3A_915 = arith.constant 64 : index
        %swap3A_916 = tpu.vector_load %swap3A_913[%swap3A_914, %swap3A_915] {strides = array<i32>} : memref<64x128xf32, #tpu.memory_space<vmem>>, vector<1x16xf32>,
        %swap3A_917 = vector.shape_cast %swap3A_916 : vector<1x16xf32> to vector<16xf32>
        %swap3A_918 = vector.shape_cast %mul3A_909 : vector<16xf32> to vector<1x16xf32>
        tpu.vector_store %swap3A_913[%swap3A_914, %swap3A_915], %swap3A_918 {strides = array<i32>} : memref<64x128xf32, #tpu.memory_space<vmem>>, vector<1x16xf32>,
        %get3A_919 = arith.constant 0 : i32
        %get3A_920 = arith.constant 0 : i32
        %get3A_921 = tpu.memref_slice %arg6[%scan3A_578, %get3A_919, %get3A_920] : memref<10x64x128xf32, #tpu.memory_space<vmem>> -> memref<1x64x128xf32, #tpu.memory_space<vmem>>
        %get3A_922 = tpu.memref_squeeze %get3A_921 : memref<1x64x128xf32, #tpu.memory_space<vmem>> -> memref<64x128xf32, #tpu.memory_space<vmem>>
        %get3A_923 = arith.index_cast %scan3A_820 : i32 to index
        %get3A_924 = arith.constant 80 : index
        %get3A_925 = tpu.vector_load %get3A_922[%get3A_923, %get3A_924] {strides = array<i32>} : memref<64x128xf32, #tpu.memory_space<vmem>>, vector<1x16xf32>,
        %get3A_926 = vector.shape_cast %get3A_925 : vector<1x16xf32> to vector<16xf32>
        %mul3A_927 = arith.constant 11.3137083 : f32
        %mul3A_928 = vector.broadcast %mul3A_927 : f32 to vector<16xf32>
        %mul3A_929 = arith.mulf %get3A_926, %mul3A_928 : vector<16xf32>
        %swap3A_930 = arith.constant 0 : i32
        %swap3A_931 = arith.constant 0 : i32
        %swap3A_932 = tpu.memref_slice %arg6[%scan3A_578, %swap3A_930, %swap3A_931] : memref<10x64x128xf32, #tpu.memory_space<vmem>> -> memref<1x64x128xf32, #tpu.memory_space<vmem>>
        %swap3A_933 = tpu.memref_squeeze %swap3A_932 : memref<1x64x128xf32, #tpu.memory_space<vmem>> -> memref<64x128xf32, #tpu.memory_space<vmem>>
        %swap3A_934 = arith.index_cast %scan3A_820 : i32 to index
        %swap3A_935 = arith.constant 80 : index
        %swap3A_936 = tpu.vector_load %swap3A_933[%swap3A_934, %swap3A_935] {strides = array<i32>} : memref<64x128xf32, #tpu.memory_space<vmem>>, vector<1x16xf32>,
        %swap3A_937 = vector.shape_cast %swap3A_936 : vector<1x16xf32> to vector<16xf32>
        %swap3A_938 = vector.shape_cast %mul3A_929 : vector<16xf32> to vector<1x16xf32>
        tpu.vector_store %swap3A_933[%swap3A_934, %swap3A_935], %swap3A_938 {strides = array<i32>} : memref<64x128xf32, #tpu.memory_space<vmem>>, vector<1x16xf32>,
        %get3A_939 = arith.constant 0 : i32
        %get3A_940 = arith.constant 0 : i32
        %get3A_941 = tpu.memref_slice %arg6[%scan3A_578, %get3A_939, %get3A_940] : memref<10x64x128xf32, #tpu.memory_space<vmem>> -> memref<1x64x128xf32, #tpu.memory_space<vmem>>
        %get3A_942 = tpu.memref_squeeze %get3A_941 : memref<1x64x128xf32, #tpu.memory_space<vmem>> -> memref<64x128xf32, #tpu.memory_space<vmem>>
        %get3A_943 = arith.index_cast %scan3A_820 : i32 to index
        %get3A_944 = arith.constant 96 : index
        %get3A_945 = tpu.vector_load %get3A_942[%get3A_943, %get3A_944] {strides = array<i32>} : memref<64x128xf32, #tpu.memory_space<vmem>>, vector<1x16xf32>,
        %get3A_946 = vector.shape_cast %get3A_945 : vector<1x16xf32> to vector<16xf32>
        %mul3A_947 = arith.constant 11.3137083 : f32
        %mul3A_948 = vector.broadcast %mul3A_947 : f32 to vector<16xf32>
        %mul3A_949 = arith.mulf %get3A_946, %mul3A_948 : vector<16xf32>
        %swap3A_950 = arith.constant 0 : i32
        %swap3A_951 = arith.constant 0 : i32
        %swap3A_952 = tpu.memref_slice %arg6[%scan3A_578, %swap3A_950, %swap3A_951] : memref<10x64x128xf32, #tpu.memory_space<vmem>> -> memref<1x64x128xf32, #tpu.memory_space<vmem>>
        %swap3A_953 = tpu.memref_squeeze %swap3A_952 : memref<1x64x128xf32, #tpu.memory_space<vmem>> -> memref<64x128xf32, #tpu.memory_space<vmem>>
        %swap3A_954 = arith.index_cast %scan3A_820 : i32 to index
        %swap3A_955 = arith.constant 96 : index
        %swap3A_956 = tpu.vector_load %swap3A_953[%swap3A_954, %swap3A_955] {strides = array<i32>} : memref<64x128xf32, #tpu.memory_space<vmem>>, vector<1x16xf32>,
        %swap3A_957 = vector.shape_cast %swap3A_956 : vector<1x16xf32> to vector<16xf32>
        %swap3A_958 = vector.shape_cast %mul3A_949 : vector<16xf32> to vector<1x16xf32>
        tpu.vector_store %swap3A_953[%swap3A_954, %swap3A_955], %swap3A_958 {strides = array<i32>} : memref<64x128xf32, #tpu.memory_space<vmem>>, vector<1x16xf32>,
        %get3A_959 = arith.constant 0 : i32
        %get3A_960 = arith.constant 0 : i32
        %get3A_961 = tpu.memref_slice %arg6[%scan3A_578, %get3A_959, %get3A_960] : memref<10x64x128xf32, #tpu.memory_space<vmem>> -> memref<1x64x128xf32, #tpu.memory_space<vmem>>
        %get3A_962 = tpu.memref_squeeze %get3A_961 : memref<1x64x128xf32, #tpu.memory_space<vmem>> -> memref<64x128xf32, #tpu.memory_space<vmem>>
        %get3A_963 = arith.index_cast %scan3A_820 : i32 to index
        %get3A_964 = arith.constant 112 : index
        %get3A_965 = tpu.vector_load %get3A_962[%get3A_963, %get3A_964] {strides = array<i32>} : memref<64x128xf32, #tpu.memory_space<vmem>>, vector<1x16xf32>,
        %get3A_966 = vector.shape_cast %get3A_965 : vector<1x16xf32> to vector<16xf32>
        %mul3A_967 = arith.constant 11.3137083 : f32
        %mul3A_968 = vector.broadcast %mul3A_967 : f32 to vector<16xf32>
        %mul3A_969 = arith.mulf %get3A_966, %mul3A_968 : vector<16xf32>
        %swap3A_970 = arith.constant 0 : i32
        %swap3A_971 = arith.constant 0 : i32
        %swap3A_972 = tpu.memref_slice %arg6[%scan3A_578, %swap3A_970, %swap3A_971] : memref<10x64x128xf32, #tpu.memory_space<vmem>> -> memref<1x64x128xf32, #tpu.memory_space<vmem>>
        %swap3A_973 = tpu.memref_squeeze %swap3A_972 : memref<1x64x128xf32, #tpu.memory_space<vmem>> -> memref<64x128xf32, #tpu.memory_space<vmem>>
        %swap3A_974 = arith.index_cast %scan3A_820 : i32 to index
        %swap3A_975 = arith.constant 112 : index
        %swap3A_976 = tpu.vector_load %swap3A_973[%swap3A_974, %swap3A_975] {strides = array<i32>} : memref<64x128xf32, #tpu.memory_space<vmem>>, vector<1x16xf32>,
        %swap3A_977 = vector.shape_cast %swap3A_976 : vector<1x16xf32> to vector<16xf32>
        %swap3A_978 = vector.shape_cast %mul3A_969 : vector<16xf32> to vector<1x16xf32>
        tpu.vector_store %swap3A_973[%swap3A_974, %swap3A_975], %swap3A_978 {strides = array<i32>} : memref<64x128xf32, #tpu.memory_space<vmem>>, vector<1x16xf32>,
      }
      %scan3A_583 = arith.constant 64 : i32
      %mul3A_584 = arith.constant 64 : i32
      %mul3A_585 = arith.muli %add3A_561, %mul3A_584 : i32
      %add3A_586 = arith.addi %mul3A_2, %mul3A_585 : i32
      %dma_start3A_587 = arith.constant 5 : i32
      %dma_start3A_588 = arith.constant 5 : i32
      %dma_start3A_589 = arith.constant 0 : i32
      %dma_start3A_590 = arith.constant 0 : i32
      %dma_start3A_591 = tpu.memref_slice %arg6[%dma_start3A_587, %dma_start3A_589, %dma_start3A_590] : memref<10x64x128xf32, #tpu.memory_space<vmem>> -> memref<1x64x128xf32, #tpu.memory_space<vmem>>
      %dma_start3A_592 = tpu.memref_squeeze %dma_start3A_591 : memref<1x64x128xf32, #tpu.memory_space<vmem>> -> memref<64x128xf32, #tpu.memory_space<vmem>>
      %dma_start3A_593 = arith.constant 0 : i32
      %dma_start3A_594 = tpu.memref_slice %arg4[%add3A_586, %dma_start3A_593] : memref<204800x128xf32, #tpu.memory_space<hbm>> -> memref<64x128xf32, #tpu.memory_space<hbm>>
      %dma_start3A_595 = tpu.memref_slice %arg8[%dma_start3A_588] : memref<10x!tpu.dma_semaphore, #tpu.memory_space<semaphore_mem>> -> memref<1x!tpu.dma_semaphore, #tpu.memory_space<semaphore_mem>>
      %dma_start3A_596 = tpu.memref_squeeze %dma_start3A_595 : memref<1x!tpu.dma_semaphore, #tpu.memory_space<semaphore_mem>> -> memref<!tpu.dma_semaphore, #tpu.memory_space<semaphore_mem>>
      %dma_start3A_597 = arith.constant 0 : i32
      %dma_start3A_598 = tpu.memref_slice %arg4[%add3A_586, %dma_start3A_597] : memref<204800x128xf32, #tpu.memory_space<hbm>> -> memref<64x128xf32, #tpu.memory_space<hbm>>
      %dma_start3A_599 = arith.constant 0 : i32
      %dma_start3A_600 = arith.constant 0 : i32
      %dma_start3A_601 = tpu.memref_slice %arg6[%dma_start3A_587, %dma_start3A_599, %dma_start3A_600] : memref<10x64x128xf32, #tpu.memory_space<vmem>> -> memref<1x64x128xf32, #tpu.memory_space<vmem>>
      %dma_start3A_602 = tpu.memref_squeeze %dma_start3A_601 : memref<1x64x128xf32, #tpu.memory_space<vmem>> -> memref<64x128xf32, #tpu.memory_space<vmem>>
      tpu.enqueue_dma source(%dma_start3A_602 : memref<64x128xf32, #tpu.memory_space<vmem>>) target(%dma_start3A_598 : memref<64x128xf32, #tpu.memory_space<hbm>>) target_semaphore(%dma_start3A_596 : memref<!tpu.dma_semaphore, #tpu.memory_space<semaphore_mem>>)
      %add3A_603 = arith.constant 10 : i32
      %add3A_604 = arith.addi %add3A_561, %add3A_603 : i32
      %sub3A_605 = arith.constant 1 : i32
      %sub3A_606 = arith.subi %add3A_604, %sub3A_605 : i32
      %lt3A_607 = arith.constant 100 : i32
      %lt3A_608 = arith.cmpi slt, %sub3A_606, %lt3A_607 : i32
      %convert_element_type3A_609 = arith.extui %lt3A_608 : i1 to i32
      %cond3A_610 = arith.constant 0 : i32
      %cond3A_611 = arith.cmpi ne, %convert_element_type3A_609, %cond3A_610 : i32
      scf.if %cond3A_611 {
        %gt3A = arith.constant 0 : i32
        %gt3A_820 = arith.cmpi sgt, %add3A_561, %gt3A : i32
        %convert_element_type3A_821 = arith.extui %gt3A_820 : i1 to i32
        %cond3A_822 = arith.constant 0 : i32
        %cond3A_823 = arith.cmpi ne, %convert_element_type3A_821, %cond3A_822 : i32
        scf.if %cond3A_823 {
          %dma_wait3A_838 = arith.constant 4 : i32
          %dma_wait3A_839 = arith.constant 4 : i32
          %dma_wait3A_840 = arith.constant 0 : i32
          %dma_wait3A_841 = arith.constant 0 : i32
          %dma_wait3A_842 = tpu.memref_slice %arg6[%dma_wait3A_838, %dma_wait3A_840, %dma_wait3A_841] : memref<10x64x128xf32, #tpu.memory_space<vmem>> -> memref<1x64x128xf32, #tpu.memory_space<vmem>>
          %dma_wait3A_843 = tpu.memref_squeeze %dma_wait3A_842 : memref<1x64x128xf32, #tpu.memory_space<vmem>> -> memref<64x128xf32, #tpu.memory_space<vmem>>
          %dma_wait3A_844 = arith.constant 0 : i32
          %dma_wait3A_845 = tpu.memref_slice %arg4[%mul3A_2, %dma_wait3A_844] : memref<204800x128xf32, #tpu.memory_space<hbm>> -> memref<64x128xf32, #tpu.memory_space<hbm>>
          %dma_wait3A_846 = tpu.memref_slice %arg8[%dma_wait3A_839] : memref<10x!tpu.dma_semaphore, #tpu.memory_space<semaphore_mem>> -> memref<1x!tpu.dma_semaphore, #tpu.memory_space<semaphore_mem>>
          %dma_wait3A_847 = tpu.memref_squeeze %dma_wait3A_846 : memref<1x!tpu.dma_semaphore, #tpu.memory_space<semaphore_mem>> -> memref<!tpu.dma_semaphore, #tpu.memory_space<semaphore_mem>>
          %dma_wait3A_848 = arith.constant 0 : i32
          %dma_wait3A_849 = tpu.memref_slice %arg4[%mul3A_2, %dma_wait3A_848] : memref<204800x128xf32, #tpu.memory_space<hbm>> -> memref<64x128xf32, #tpu.memory_space<hbm>>
          %dma_wait3A_850 = arith.constant 0 : i32
          %dma_wait3A_851 = arith.constant 0 : i32
          %dma_wait3A_852 = tpu.memref_slice %arg6[%dma_wait3A_838, %dma_wait3A_850, %dma_wait3A_851] : memref<10x64x128xf32, #tpu.memory_space<vmem>> -> memref<1x64x128xf32, #tpu.memory_space<vmem>>
          %dma_wait3A_853 = tpu.memref_squeeze %dma_wait3A_852 : memref<1x64x128xf32, #tpu.memory_space<vmem>> -> memref<64x128xf32, #tpu.memory_space<vmem>>
          tpu.wait_dma2 semaphore(%dma_wait3A_847 : memref<!tpu.dma_semaphore, #tpu.memory_space<semaphore_mem>>) src(%dma_wait3A_853 : memref<64x128xf32, #tpu.memory_space<vmem>>) dst(%dma_wait3A_849 : memref<64x128xf32, #tpu.memory_space<hbm>>)
        } else {
        }
        %dma_start3A_824 = arith.constant 4 : i32
        %dma_start3A_825 = arith.constant 4 : i32
        %dma_start3A_826 = arith.constant 0 : i32
        %dma_start3A_827 = arith.constant 0 : i32
        %dma_start3A_828 = tpu.memref_slice %arg6[%dma_start3A_824, %dma_start3A_826, %dma_start3A_827] : memref<10x64x128xf32, #tpu.memory_space<vmem>> -> memref<1x64x128xf32, #tpu.memory_space<vmem>>
        %dma_start3A_829 = tpu.memref_squeeze %dma_start3A_828 : memref<1x64x128xf32, #tpu.memory_space<vmem>> -> memref<64x128xf32, #tpu.memory_space<vmem>>
        %dma_start3A_830 = arith.constant 0 : i32
        %dma_start3A_831 = tpu.memref_slice %arg5[%sub3A_606, %dma_start3A_830] : memref<100x64xi32, #tpu.memory_space<vmem>> -> memref<1x64xi32, #tpu.memory_space<vmem>>
        %dma_start3A_832 = tpu.memref_squeeze %dma_start3A_831 : memref<1x64xi32, #tpu.memory_space<vmem>> -> memref<64xi32, #tpu.memory_space<vmem>>
        %dma_start3A_833 = arith.constant 0 : i32
        %dma_start3A_834 = arith.constant 0 : i32
        %dma_start3A_835 = tpu.memref_slice %arg2[%dma_start3A_833, %dma_start3A_834] : memref<100000x128xf32, #tpu.memory_space<hbm>> -> memref<100000x128xf32, #tpu.memory_space<hbm>>
        %dma_start3A_836 = tpu.memref_slice %arg7[%dma_start3A_825] : memref<10x!tpu.dma_semaphore, #tpu.memory_space<semaphore_mem>> -> memref<1x!tpu.dma_semaphore, #tpu.memory_space<semaphore_mem>>
        %dma_start3A_837 = tpu.memref_squeeze %dma_start3A_836 : memref<1x!tpu.dma_semaphore, #tpu.memory_space<semaphore_mem>> -> memref<!tpu.dma_semaphore, #tpu.memory_space<semaphore_mem>>
        tpu.enqueue_indirect_dma source(%dma_start3A_835 : memref<100000x128xf32, #tpu.memory_space<hbm>>) target(%dma_start3A_829 : memref<64x128xf32, #tpu.memory_space<vmem>>) offsets(%dma_start3A_832 : memref<64xi32, #tpu.memory_space<vmem>>) semaphore(%dma_start3A_837 : memref<!tpu.dma_semaphore, #tpu.memory_space<semaphore_mem>>)
      } else {
      }
      %add3A_612 = arith.constant 6 : i32
      %add3A_613 = arith.addi %mul3A_303, %add3A_612 : i32
      %dma_wait3A_614 = arith.constant 0 : i32
      %dma_wait3A_615 = arith.constant 6 : i32
      %dma_wait3A_616 = arith.constant 6 : i32
      %dma_wait3A_617 = arith.constant 0 : i32
      %dma_wait3A_618 = arith.constant 0 : i32
      %dma_wait3A_619 = tpu.memref_slice %arg6[%dma_wait3A_615, %dma_wait3A_617, %dma_wait3A_618] : memref<10x64x128xf32, #tpu.memory_space<vmem>> -> memref<1x64x128xf32, #tpu.memory_space<vmem>>
      %dma_wait3A_620 = tpu.memref_squeeze %dma_wait3A_619 : memref<1x64x128xf32, #tpu.memory_space<vmem>> -> memref<64x128xf32, #tpu.memory_space<vmem>>
      %dma_wait3A_621 = arith.constant 0 : i32
      %dma_wait3A_622 = tpu.memref_slice %arg5[%dma_wait3A_614, %dma_wait3A_621] : memref<100x64xi32, #tpu.memory_space<vmem>> -> memref<1x64xi32, #tpu.memory_space<vmem>>
      %dma_wait3A_623 = tpu.memref_squeeze %dma_wait3A_622 : memref<1x64xi32, #tpu.memory_space<vmem>> -> memref<64xi32, #tpu.memory_space<vmem>>
      %dma_wait3A_624 = arith.constant 0 : i32
      %dma_wait3A_625 = arith.constant 0 : i32
      %dma_wait3A_626 = tpu.memref_slice %arg2[%dma_wait3A_624, %dma_wait3A_625] : memref<100000x128xf32, #tpu.memory_space<hbm>> -> memref<100000x128xf32, #tpu.memory_space<hbm>>
      %dma_wait3A_627 = tpu.memref_slice %arg7[%dma_wait3A_616] : memref<10x!tpu.dma_semaphore, #tpu.memory_space<semaphore_mem>> -> memref<1x!tpu.dma_semaphore, #tpu.memory_space<semaphore_mem>>
      %dma_wait3A_628 = tpu.memref_squeeze %dma_wait3A_627 : memref<1x!tpu.dma_semaphore, #tpu.memory_space<semaphore_mem>> -> memref<!tpu.dma_semaphore, #tpu.memory_space<semaphore_mem>>
      tpu.wait_indirect_dma semaphore(%dma_wait3A_628 : memref<!tpu.dma_semaphore, #tpu.memory_space<semaphore_mem>>) src(%dma_wait3A_626 : memref<100000x128xf32, #tpu.memory_space<hbm>>) dst(%dma_wait3A_620 : memref<64x128xf32, #tpu.memory_space<vmem>>)
      %scan3A_629 = arith.constant 0 : i32
      %scan3A_630 = arith.constant 6 : i32
      %scan3A_631 = arith.constant 0 : i32
      %scan3A_632 = arith.constant 64 : i32
      %scan3A_633 = arith.addi %scan3A_631, %scan3A_632 : i32
      %scan3A_634 = arith.constant 1 : i32
      scf.for %scan3A_820 = %scan3A_631 to %scan3A_633 step %scan3A_634  : i32 {
        %get3A = arith.constant 0 : i32
        %get3A_821 = arith.constant 0 : i32
        %get3A_822 = tpu.memref_slice %arg6[%scan3A_630, %get3A, %get3A_821] : memref<10x64x128xf32, #tpu.memory_space<vmem>> -> memref<1x64x128xf32, #tpu.memory_space<vmem>>
        %get3A_823 = tpu.memref_squeeze %get3A_822 : memref<1x64x128xf32, #tpu.memory_space<vmem>> -> memref<64x128xf32, #tpu.memory_space<vmem>>
        %get3A_824 = arith.index_cast %scan3A_820 : i32 to index
        %get3A_825 = arith.constant 0 : index
        %get3A_826 = tpu.vector_load %get3A_823[%get3A_824, %get3A_825] {strides = array<i32>} : memref<64x128xf32, #tpu.memory_space<vmem>>, vector<1x16xf32>,
        %get3A_827 = vector.shape_cast %get3A_826 : vector<1x16xf32> to vector<16xf32>
        %mul3A_828 = arith.constant 11.3137083 : f32
        %mul3A_829 = vector.broadcast %mul3A_828 : f32 to vector<16xf32>
        %mul3A_830 = arith.mulf %get3A_827, %mul3A_829 : vector<16xf32>
        %swap3A = arith.constant 0 : i32
        %swap3A_831 = arith.constant 0 : i32
        %swap3A_832 = tpu.memref_slice %arg6[%scan3A_630, %swap3A, %swap3A_831] : memref<10x64x128xf32, #tpu.memory_space<vmem>> -> memref<1x64x128xf32, #tpu.memory_space<vmem>>
        %swap3A_833 = tpu.memref_squeeze %swap3A_832 : memref<1x64x128xf32, #tpu.memory_space<vmem>> -> memref<64x128xf32, #tpu.memory_space<vmem>>
        %swap3A_834 = arith.index_cast %scan3A_820 : i32 to index
        %swap3A_835 = arith.constant 0 : index
        %swap3A_836 = tpu.vector_load %swap3A_833[%swap3A_834, %swap3A_835] {strides = array<i32>} : memref<64x128xf32, #tpu.memory_space<vmem>>, vector<1x16xf32>,
        %swap3A_837 = vector.shape_cast %swap3A_836 : vector<1x16xf32> to vector<16xf32>
        %swap3A_838 = vector.shape_cast %mul3A_830 : vector<16xf32> to vector<1x16xf32>
        tpu.vector_store %swap3A_833[%swap3A_834, %swap3A_835], %swap3A_838 {strides = array<i32>} : memref<64x128xf32, #tpu.memory_space<vmem>>, vector<1x16xf32>,
        %get3A_839 = arith.constant 0 : i32
        %get3A_840 = arith.constant 0 : i32
        %get3A_841 = tpu.memref_slice %arg6[%scan3A_630, %get3A_839, %get3A_840] : memref<10x64x128xf32, #tpu.memory_space<vmem>> -> memref<1x64x128xf32, #tpu.memory_space<vmem>>
        %get3A_842 = tpu.memref_squeeze %get3A_841 : memref<1x64x128xf32, #tpu.memory_space<vmem>> -> memref<64x128xf32, #tpu.memory_space<vmem>>
        %get3A_843 = arith.index_cast %scan3A_820 : i32 to index
        %get3A_844 = arith.constant 16 : index
        %get3A_845 = tpu.vector_load %get3A_842[%get3A_843, %get3A_844] {strides = array<i32>} : memref<64x128xf32, #tpu.memory_space<vmem>>, vector<1x16xf32>,
        %get3A_846 = vector.shape_cast %get3A_845 : vector<1x16xf32> to vector<16xf32>
        %mul3A_847 = arith.constant 11.3137083 : f32
        %mul3A_848 = vector.broadcast %mul3A_847 : f32 to vector<16xf32>
        %mul3A_849 = arith.mulf %get3A_846, %mul3A_848 : vector<16xf32>
        %swap3A_850 = arith.constant 0 : i32
        %swap3A_851 = arith.constant 0 : i32
        %swap3A_852 = tpu.memref_slice %arg6[%scan3A_630, %swap3A_850, %swap3A_851] : memref<10x64x128xf32, #tpu.memory_space<vmem>> -> memref<1x64x128xf32, #tpu.memory_space<vmem>>
        %swap3A_853 = tpu.memref_squeeze %swap3A_852 : memref<1x64x128xf32, #tpu.memory_space<vmem>> -> memref<64x128xf32, #tpu.memory_space<vmem>>
        %swap3A_854 = arith.index_cast %scan3A_820 : i32 to index
        %swap3A_855 = arith.constant 16 : index
        %swap3A_856 = tpu.vector_load %swap3A_853[%swap3A_854, %swap3A_855] {strides = array<i32>} : memref<64x128xf32, #tpu.memory_space<vmem>>, vector<1x16xf32>,
        %swap3A_857 = vector.shape_cast %swap3A_856 : vector<1x16xf32> to vector<16xf32>
        %swap3A_858 = vector.shape_cast %mul3A_849 : vector<16xf32> to vector<1x16xf32>
        tpu.vector_store %swap3A_853[%swap3A_854, %swap3A_855], %swap3A_858 {strides = array<i32>} : memref<64x128xf32, #tpu.memory_space<vmem>>, vector<1x16xf32>,
        %get3A_859 = arith.constant 0 : i32
        %get3A_860 = arith.constant 0 : i32
        %get3A_861 = tpu.memref_slice %arg6[%scan3A_630, %get3A_859, %get3A_860] : memref<10x64x128xf32, #tpu.memory_space<vmem>> -> memref<1x64x128xf32, #tpu.memory_space<vmem>>
        %get3A_862 = tpu.memref_squeeze %get3A_861 : memref<1x64x128xf32, #tpu.memory_space<vmem>> -> memref<64x128xf32, #tpu.memory_space<vmem>>
        %get3A_863 = arith.index_cast %scan3A_820 : i32 to index
        %get3A_864 = arith.constant 32 : index
        %get3A_865 = tpu.vector_load %get3A_862[%get3A_863, %get3A_864] {strides = array<i32>} : memref<64x128xf32, #tpu.memory_space<vmem>>, vector<1x16xf32>,
        %get3A_866 = vector.shape_cast %get3A_865 : vector<1x16xf32> to vector<16xf32>
        %mul3A_867 = arith.constant 11.3137083 : f32
        %mul3A_868 = vector.broadcast %mul3A_867 : f32 to vector<16xf32>
        %mul3A_869 = arith.mulf %get3A_866, %mul3A_868 : vector<16xf32>
        %swap3A_870 = arith.constant 0 : i32
        %swap3A_871 = arith.constant 0 : i32
        %swap3A_872 = tpu.memref_slice %arg6[%scan3A_630, %swap3A_870, %swap3A_871] : memref<10x64x128xf32, #tpu.memory_space<vmem>> -> memref<1x64x128xf32, #tpu.memory_space<vmem>>
        %swap3A_873 = tpu.memref_squeeze %swap3A_872 : memref<1x64x128xf32, #tpu.memory_space<vmem>> -> memref<64x128xf32, #tpu.memory_space<vmem>>
        %swap3A_874 = arith.index_cast %scan3A_820 : i32 to index
        %swap3A_875 = arith.constant 32 : index
        %swap3A_876 = tpu.vector_load %swap3A_873[%swap3A_874, %swap3A_875] {strides = array<i32>} : memref<64x128xf32, #tpu.memory_space<vmem>>, vector<1x16xf32>,
        %swap3A_877 = vector.shape_cast %swap3A_876 : vector<1x16xf32> to vector<16xf32>
        %swap3A_878 = vector.shape_cast %mul3A_869 : vector<16xf32> to vector<1x16xf32>
        tpu.vector_store %swap3A_873[%swap3A_874, %swap3A_875], %swap3A_878 {strides = array<i32>} : memref<64x128xf32, #tpu.memory_space<vmem>>, vector<1x16xf32>,
        %get3A_879 = arith.constant 0 : i32
        %get3A_880 = arith.constant 0 : i32
        %get3A_881 = tpu.memref_slice %arg6[%scan3A_630, %get3A_879, %get3A_880] : memref<10x64x128xf32, #tpu.memory_space<vmem>> -> memref<1x64x128xf32, #tpu.memory_space<vmem>>
        %get3A_882 = tpu.memref_squeeze %get3A_881 : memref<1x64x128xf32, #tpu.memory_space<vmem>> -> memref<64x128xf32, #tpu.memory_space<vmem>>
        %get3A_883 = arith.index_cast %scan3A_820 : i32 to index
        %get3A_884 = arith.constant 48 : index
        %get3A_885 = tpu.vector_load %get3A_882[%get3A_883, %get3A_884] {strides = array<i32>} : memref<64x128xf32, #tpu.memory_space<vmem>>, vector<1x16xf32>,
        %get3A_886 = vector.shape_cast %get3A_885 : vector<1x16xf32> to vector<16xf32>
        %mul3A_887 = arith.constant 11.3137083 : f32
        %mul3A_888 = vector.broadcast %mul3A_887 : f32 to vector<16xf32>
        %mul3A_889 = arith.mulf %get3A_886, %mul3A_888 : vector<16xf32>
        %swap3A_890 = arith.constant 0 : i32
        %swap3A_891 = arith.constant 0 : i32
        %swap3A_892 = tpu.memref_slice %arg6[%scan3A_630, %swap3A_890, %swap3A_891] : memref<10x64x128xf32, #tpu.memory_space<vmem>> -> memref<1x64x128xf32, #tpu.memory_space<vmem>>
        %swap3A_893 = tpu.memref_squeeze %swap3A_892 : memref<1x64x128xf32, #tpu.memory_space<vmem>> -> memref<64x128xf32, #tpu.memory_space<vmem>>
        %swap3A_894 = arith.index_cast %scan3A_820 : i32 to index
        %swap3A_895 = arith.constant 48 : index
        %swap3A_896 = tpu.vector_load %swap3A_893[%swap3A_894, %swap3A_895] {strides = array<i32>} : memref<64x128xf32, #tpu.memory_space<vmem>>, vector<1x16xf32>,
        %swap3A_897 = vector.shape_cast %swap3A_896 : vector<1x16xf32> to vector<16xf32>
        %swap3A_898 = vector.shape_cast %mul3A_889 : vector<16xf32> to vector<1x16xf32>
        tpu.vector_store %swap3A_893[%swap3A_894, %swap3A_895], %swap3A_898 {strides = array<i32>} : memref<64x128xf32, #tpu.memory_space<vmem>>, vector<1x16xf32>,
        %get3A_899 = arith.constant 0 : i32
        %get3A_900 = arith.constant 0 : i32
        %get3A_901 = tpu.memref_slice %arg6[%scan3A_630, %get3A_899, %get3A_900] : memref<10x64x128xf32, #tpu.memory_space<vmem>> -> memref<1x64x128xf32, #tpu.memory_space<vmem>>
        %get3A_902 = tpu.memref_squeeze %get3A_901 : memref<1x64x128xf32, #tpu.memory_space<vmem>> -> memref<64x128xf32, #tpu.memory_space<vmem>>
        %get3A_903 = arith.index_cast %scan3A_820 : i32 to index
        %get3A_904 = arith.constant 64 : index
        %get3A_905 = tpu.vector_load %get3A_902[%get3A_903, %get3A_904] {strides = array<i32>} : memref<64x128xf32, #tpu.memory_space<vmem>>, vector<1x16xf32>,
        %get3A_906 = vector.shape_cast %get3A_905 : vector<1x16xf32> to vector<16xf32>
        %mul3A_907 = arith.constant 11.3137083 : f32
        %mul3A_908 = vector.broadcast %mul3A_907 : f32 to vector<16xf32>
        %mul3A_909 = arith.mulf %get3A_906, %mul3A_908 : vector<16xf32>
        %swap3A_910 = arith.constant 0 : i32
        %swap3A_911 = arith.constant 0 : i32
        %swap3A_912 = tpu.memref_slice %arg6[%scan3A_630, %swap3A_910, %swap3A_911] : memref<10x64x128xf32, #tpu.memory_space<vmem>> -> memref<1x64x128xf32, #tpu.memory_space<vmem>>
        %swap3A_913 = tpu.memref_squeeze %swap3A_912 : memref<1x64x128xf32, #tpu.memory_space<vmem>> -> memref<64x128xf32, #tpu.memory_space<vmem>>
        %swap3A_914 = arith.index_cast %scan3A_820 : i32 to index
        %swap3A_915 = arith.constant 64 : index
        %swap3A_916 = tpu.vector_load %swap3A_913[%swap3A_914, %swap3A_915] {strides = array<i32>} : memref<64x128xf32, #tpu.memory_space<vmem>>, vector<1x16xf32>,
        %swap3A_917 = vector.shape_cast %swap3A_916 : vector<1x16xf32> to vector<16xf32>
        %swap3A_918 = vector.shape_cast %mul3A_909 : vector<16xf32> to vector<1x16xf32>
        tpu.vector_store %swap3A_913[%swap3A_914, %swap3A_915], %swap3A_918 {strides = array<i32>} : memref<64x128xf32, #tpu.memory_space<vmem>>, vector<1x16xf32>,
        %get3A_919 = arith.constant 0 : i32
        %get3A_920 = arith.constant 0 : i32
        %get3A_921 = tpu.memref_slice %arg6[%scan3A_630, %get3A_919, %get3A_920] : memref<10x64x128xf32, #tpu.memory_space<vmem>> -> memref<1x64x128xf32, #tpu.memory_space<vmem>>
        %get3A_922 = tpu.memref_squeeze %get3A_921 : memref<1x64x128xf32, #tpu.memory_space<vmem>> -> memref<64x128xf32, #tpu.memory_space<vmem>>
        %get3A_923 = arith.index_cast %scan3A_820 : i32 to index
        %get3A_924 = arith.constant 80 : index
        %get3A_925 = tpu.vector_load %get3A_922[%get3A_923, %get3A_924] {strides = array<i32>} : memref<64x128xf32, #tpu.memory_space<vmem>>, vector<1x16xf32>,
        %get3A_926 = vector.shape_cast %get3A_925 : vector<1x16xf32> to vector<16xf32>
        %mul3A_927 = arith.constant 11.3137083 : f32
        %mul3A_928 = vector.broadcast %mul3A_927 : f32 to vector<16xf32>
        %mul3A_929 = arith.mulf %get3A_926, %mul3A_928 : vector<16xf32>
        %swap3A_930 = arith.constant 0 : i32
        %swap3A_931 = arith.constant 0 : i32
        %swap3A_932 = tpu.memref_slice %arg6[%scan3A_630, %swap3A_930, %swap3A_931] : memref<10x64x128xf32, #tpu.memory_space<vmem>> -> memref<1x64x128xf32, #tpu.memory_space<vmem>>
        %swap3A_933 = tpu.memref_squeeze %swap3A_932 : memref<1x64x128xf32, #tpu.memory_space<vmem>> -> memref<64x128xf32, #tpu.memory_space<vmem>>
        %swap3A_934 = arith.index_cast %scan3A_820 : i32 to index
        %swap3A_935 = arith.constant 80 : index
        %swap3A_936 = tpu.vector_load %swap3A_933[%swap3A_934, %swap3A_935] {strides = array<i32>} : memref<64x128xf32, #tpu.memory_space<vmem>>, vector<1x16xf32>,
        %swap3A_937 = vector.shape_cast %swap3A_936 : vector<1x16xf32> to vector<16xf32>
        %swap3A_938 = vector.shape_cast %mul3A_929 : vector<16xf32> to vector<1x16xf32>
        tpu.vector_store %swap3A_933[%swap3A_934, %swap3A_935], %swap3A_938 {strides = array<i32>} : memref<64x128xf32, #tpu.memory_space<vmem>>, vector<1x16xf32>,
        %get3A_939 = arith.constant 0 : i32
        %get3A_940 = arith.constant 0 : i32
        %get3A_941 = tpu.memref_slice %arg6[%scan3A_630, %get3A_939, %get3A_940] : memref<10x64x128xf32, #tpu.memory_space<vmem>> -> memref<1x64x128xf32, #tpu.memory_space<vmem>>
        %get3A_942 = tpu.memref_squeeze %get3A_941 : memref<1x64x128xf32, #tpu.memory_space<vmem>> -> memref<64x128xf32, #tpu.memory_space<vmem>>
        %get3A_943 = arith.index_cast %scan3A_820 : i32 to index
        %get3A_944 = arith.constant 96 : index
        %get3A_945 = tpu.vector_load %get3A_942[%get3A_943, %get3A_944] {strides = array<i32>} : memref<64x128xf32, #tpu.memory_space<vmem>>, vector<1x16xf32>,
        %get3A_946 = vector.shape_cast %get3A_945 : vector<1x16xf32> to vector<16xf32>
        %mul3A_947 = arith.constant 11.3137083 : f32
        %mul3A_948 = vector.broadcast %mul3A_947 : f32 to vector<16xf32>
        %mul3A_949 = arith.mulf %get3A_946, %mul3A_948 : vector<16xf32>
        %swap3A_950 = arith.constant 0 : i32
        %swap3A_951 = arith.constant 0 : i32
        %swap3A_952 = tpu.memref_slice %arg6[%scan3A_630, %swap3A_950, %swap3A_951] : memref<10x64x128xf32, #tpu.memory_space<vmem>> -> memref<1x64x128xf32, #tpu.memory_space<vmem>>
        %swap3A_953 = tpu.memref_squeeze %swap3A_952 : memref<1x64x128xf32, #tpu.memory_space<vmem>> -> memref<64x128xf32, #tpu.memory_space<vmem>>
        %swap3A_954 = arith.index_cast %scan3A_820 : i32 to index
        %swap3A_955 = arith.constant 96 : index
        %swap3A_956 = tpu.vector_load %swap3A_953[%swap3A_954, %swap3A_955] {strides = array<i32>} : memref<64x128xf32, #tpu.memory_space<vmem>>, vector<1x16xf32>,
        %swap3A_957 = vector.shape_cast %swap3A_956 : vector<1x16xf32> to vector<16xf32>
        %swap3A_958 = vector.shape_cast %mul3A_949 : vector<16xf32> to vector<1x16xf32>
        tpu.vector_store %swap3A_953[%swap3A_954, %swap3A_955], %swap3A_958 {strides = array<i32>} : memref<64x128xf32, #tpu.memory_space<vmem>>, vector<1x16xf32>,
        %get3A_959 = arith.constant 0 : i32
        %get3A_960 = arith.constant 0 : i32
        %get3A_961 = tpu.memref_slice %arg6[%scan3A_630, %get3A_959, %get3A_960] : memref<10x64x128xf32, #tpu.memory_space<vmem>> -> memref<1x64x128xf32, #tpu.memory_space<vmem>>
        %get3A_962 = tpu.memref_squeeze %get3A_961 : memref<1x64x128xf32, #tpu.memory_space<vmem>> -> memref<64x128xf32, #tpu.memory_space<vmem>>
        %get3A_963 = arith.index_cast %scan3A_820 : i32 to index
        %get3A_964 = arith.constant 112 : index
        %get3A_965 = tpu.vector_load %get3A_962[%get3A_963, %get3A_964] {strides = array<i32>} : memref<64x128xf32, #tpu.memory_space<vmem>>, vector<1x16xf32>,
        %get3A_966 = vector.shape_cast %get3A_965 : vector<1x16xf32> to vector<16xf32>
        %mul3A_967 = arith.constant 11.3137083 : f32
        %mul3A_968 = vector.broadcast %mul3A_967 : f32 to vector<16xf32>
        %mul3A_969 = arith.mulf %get3A_966, %mul3A_968 : vector<16xf32>
        %swap3A_970 = arith.constant 0 : i32
        %swap3A_971 = arith.constant 0 : i32
        %swap3A_972 = tpu.memref_slice %arg6[%scan3A_630, %swap3A_970, %swap3A_971] : memref<10x64x128xf32, #tpu.memory_space<vmem>> -> memref<1x64x128xf32, #tpu.memory_space<vmem>>
        %swap3A_973 = tpu.memref_squeeze %swap3A_972 : memref<1x64x128xf32, #tpu.memory_space<vmem>> -> memref<64x128xf32, #tpu.memory_space<vmem>>
        %swap3A_974 = arith.index_cast %scan3A_820 : i32 to index
        %swap3A_975 = arith.constant 112 : index
        %swap3A_976 = tpu.vector_load %swap3A_973[%swap3A_974, %swap3A_975] {strides = array<i32>} : memref<64x128xf32, #tpu.memory_space<vmem>>, vector<1x16xf32>,
        %swap3A_977 = vector.shape_cast %swap3A_976 : vector<1x16xf32> to vector<16xf32>
        %swap3A_978 = vector.shape_cast %mul3A_969 : vector<16xf32> to vector<1x16xf32>
        tpu.vector_store %swap3A_973[%swap3A_974, %swap3A_975], %swap3A_978 {strides = array<i32>} : memref<64x128xf32, #tpu.memory_space<vmem>>, vector<1x16xf32>,
      }
      %scan3A_635 = arith.constant 64 : i32
      %mul3A_636 = arith.constant 64 : i32
      %mul3A_637 = arith.muli %add3A_613, %mul3A_636 : i32
      %add3A_638 = arith.addi %mul3A_2, %mul3A_637 : i32
      %dma_start3A_639 = arith.constant 6 : i32
      %dma_start3A_640 = arith.constant 6 : i32
      %dma_start3A_641 = arith.constant 0 : i32
      %dma_start3A_642 = arith.constant 0 : i32
      %dma_start3A_643 = tpu.memref_slice %arg6[%dma_start3A_639, %dma_start3A_641, %dma_start3A_642] : memref<10x64x128xf32, #tpu.memory_space<vmem>> -> memref<1x64x128xf32, #tpu.memory_space<vmem>>
      %dma_start3A_644 = tpu.memref_squeeze %dma_start3A_643 : memref<1x64x128xf32, #tpu.memory_space<vmem>> -> memref<64x128xf32, #tpu.memory_space<vmem>>
      %dma_start3A_645 = arith.constant 0 : i32
      %dma_start3A_646 = tpu.memref_slice %arg4[%add3A_638, %dma_start3A_645] : memref<204800x128xf32, #tpu.memory_space<hbm>> -> memref<64x128xf32, #tpu.memory_space<hbm>>
      %dma_start3A_647 = tpu.memref_slice %arg8[%dma_start3A_640] : memref<10x!tpu.dma_semaphore, #tpu.memory_space<semaphore_mem>> -> memref<1x!tpu.dma_semaphore, #tpu.memory_space<semaphore_mem>>
      %dma_start3A_648 = tpu.memref_squeeze %dma_start3A_647 : memref<1x!tpu.dma_semaphore, #tpu.memory_space<semaphore_mem>> -> memref<!tpu.dma_semaphore, #tpu.memory_space<semaphore_mem>>
      %dma_start3A_649 = arith.constant 0 : i32
      %dma_start3A_650 = tpu.memref_slice %arg4[%add3A_638, %dma_start3A_649] : memref<204800x128xf32, #tpu.memory_space<hbm>> -> memref<64x128xf32, #tpu.memory_space<hbm>>
      %dma_start3A_651 = arith.constant 0 : i32
      %dma_start3A_652 = arith.constant 0 : i32
      %dma_start3A_653 = tpu.memref_slice %arg6[%dma_start3A_639, %dma_start3A_651, %dma_start3A_652] : memref<10x64x128xf32, #tpu.memory_space<vmem>> -> memref<1x64x128xf32, #tpu.memory_space<vmem>>
      %dma_start3A_654 = tpu.memref_squeeze %dma_start3A_653 : memref<1x64x128xf32, #tpu.memory_space<vmem>> -> memref<64x128xf32, #tpu.memory_space<vmem>>
      tpu.enqueue_dma source(%dma_start3A_654 : memref<64x128xf32, #tpu.memory_space<vmem>>) target(%dma_start3A_650 : memref<64x128xf32, #tpu.memory_space<hbm>>) target_semaphore(%dma_start3A_648 : memref<!tpu.dma_semaphore, #tpu.memory_space<semaphore_mem>>)
      %add3A_655 = arith.constant 10 : i32
      %add3A_656 = arith.addi %add3A_613, %add3A_655 : i32
      %sub3A_657 = arith.constant 1 : i32
      %sub3A_658 = arith.subi %add3A_656, %sub3A_657 : i32
      %lt3A_659 = arith.constant 100 : i32
      %lt3A_660 = arith.cmpi slt, %sub3A_658, %lt3A_659 : i32
      %convert_element_type3A_661 = arith.extui %lt3A_660 : i1 to i32
      %cond3A_662 = arith.constant 0 : i32
      %cond3A_663 = arith.cmpi ne, %convert_element_type3A_661, %cond3A_662 : i32
      scf.if %cond3A_663 {
        %gt3A = arith.constant 0 : i32
        %gt3A_820 = arith.cmpi sgt, %add3A_613, %gt3A : i32
        %convert_element_type3A_821 = arith.extui %gt3A_820 : i1 to i32
        %cond3A_822 = arith.constant 0 : i32
        %cond3A_823 = arith.cmpi ne, %convert_element_type3A_821, %cond3A_822 : i32
        scf.if %cond3A_823 {
          %dma_wait3A_838 = arith.constant 5 : i32
          %dma_wait3A_839 = arith.constant 5 : i32
          %dma_wait3A_840 = arith.constant 0 : i32
          %dma_wait3A_841 = arith.constant 0 : i32
          %dma_wait3A_842 = tpu.memref_slice %arg6[%dma_wait3A_838, %dma_wait3A_840, %dma_wait3A_841] : memref<10x64x128xf32, #tpu.memory_space<vmem>> -> memref<1x64x128xf32, #tpu.memory_space<vmem>>
          %dma_wait3A_843 = tpu.memref_squeeze %dma_wait3A_842 : memref<1x64x128xf32, #tpu.memory_space<vmem>> -> memref<64x128xf32, #tpu.memory_space<vmem>>
          %dma_wait3A_844 = arith.constant 0 : i32
          %dma_wait3A_845 = tpu.memref_slice %arg4[%mul3A_2, %dma_wait3A_844] : memref<204800x128xf32, #tpu.memory_space<hbm>> -> memref<64x128xf32, #tpu.memory_space<hbm>>
          %dma_wait3A_846 = tpu.memref_slice %arg8[%dma_wait3A_839] : memref<10x!tpu.dma_semaphore, #tpu.memory_space<semaphore_mem>> -> memref<1x!tpu.dma_semaphore, #tpu.memory_space<semaphore_mem>>
          %dma_wait3A_847 = tpu.memref_squeeze %dma_wait3A_846 : memref<1x!tpu.dma_semaphore, #tpu.memory_space<semaphore_mem>> -> memref<!tpu.dma_semaphore, #tpu.memory_space<semaphore_mem>>
          %dma_wait3A_848 = arith.constant 0 : i32
          %dma_wait3A_849 = tpu.memref_slice %arg4[%mul3A_2, %dma_wait3A_848] : memref<204800x128xf32, #tpu.memory_space<hbm>> -> memref<64x128xf32, #tpu.memory_space<hbm>>
          %dma_wait3A_850 = arith.constant 0 : i32
          %dma_wait3A_851 = arith.constant 0 : i32
          %dma_wait3A_852 = tpu.memref_slice %arg6[%dma_wait3A_838, %dma_wait3A_850, %dma_wait3A_851] : memref<10x64x128xf32, #tpu.memory_space<vmem>> -> memref<1x64x128xf32, #tpu.memory_space<vmem>>
          %dma_wait3A_853 = tpu.memref_squeeze %dma_wait3A_852 : memref<1x64x128xf32, #tpu.memory_space<vmem>> -> memref<64x128xf32, #tpu.memory_space<vmem>>
          tpu.wait_dma2 semaphore(%dma_wait3A_847 : memref<!tpu.dma_semaphore, #tpu.memory_space<semaphore_mem>>) src(%dma_wait3A_853 : memref<64x128xf32, #tpu.memory_space<vmem>>) dst(%dma_wait3A_849 : memref<64x128xf32, #tpu.memory_space<hbm>>)
        } else {
        }
        %dma_start3A_824 = arith.constant 5 : i32
        %dma_start3A_825 = arith.constant 5 : i32
        %dma_start3A_826 = arith.constant 0 : i32
        %dma_start3A_827 = arith.constant 0 : i32
        %dma_start3A_828 = tpu.memref_slice %arg6[%dma_start3A_824, %dma_start3A_826, %dma_start3A_827] : memref<10x64x128xf32, #tpu.memory_space<vmem>> -> memref<1x64x128xf32, #tpu.memory_space<vmem>>
        %dma_start3A_829 = tpu.memref_squeeze %dma_start3A_828 : memref<1x64x128xf32, #tpu.memory_space<vmem>> -> memref<64x128xf32, #tpu.memory_space<vmem>>
        %dma_start3A_830 = arith.constant 0 : i32
        %dma_start3A_831 = tpu.memref_slice %arg5[%sub3A_658, %dma_start3A_830] : memref<100x64xi32, #tpu.memory_space<vmem>> -> memref<1x64xi32, #tpu.memory_space<vmem>>
        %dma_start3A_832 = tpu.memref_squeeze %dma_start3A_831 : memref<1x64xi32, #tpu.memory_space<vmem>> -> memref<64xi32, #tpu.memory_space<vmem>>
        %dma_start3A_833 = arith.constant 0 : i32
        %dma_start3A_834 = arith.constant 0 : i32
        %dma_start3A_835 = tpu.memref_slice %arg2[%dma_start3A_833, %dma_start3A_834] : memref<100000x128xf32, #tpu.memory_space<hbm>> -> memref<100000x128xf32, #tpu.memory_space<hbm>>
        %dma_start3A_836 = tpu.memref_slice %arg7[%dma_start3A_825] : memref<10x!tpu.dma_semaphore, #tpu.memory_space<semaphore_mem>> -> memref<1x!tpu.dma_semaphore, #tpu.memory_space<semaphore_mem>>
        %dma_start3A_837 = tpu.memref_squeeze %dma_start3A_836 : memref<1x!tpu.dma_semaphore, #tpu.memory_space<semaphore_mem>> -> memref<!tpu.dma_semaphore, #tpu.memory_space<semaphore_mem>>
        tpu.enqueue_indirect_dma source(%dma_start3A_835 : memref<100000x128xf32, #tpu.memory_space<hbm>>) target(%dma_start3A_829 : memref<64x128xf32, #tpu.memory_space<vmem>>) offsets(%dma_start3A_832 : memref<64xi32, #tpu.memory_space<vmem>>) semaphore(%dma_start3A_837 : memref<!tpu.dma_semaphore, #tpu.memory_space<semaphore_mem>>)
      } else {
      }
      %add3A_664 = arith.constant 7 : i32
      %add3A_665 = arith.addi %mul3A_303, %add3A_664 : i32
      %dma_wait3A_666 = arith.constant 0 : i32
      %dma_wait3A_667 = arith.constant 7 : i32
      %dma_wait3A_668 = arith.constant 7 : i32
      %dma_wait3A_669 = arith.constant 0 : i32
      %dma_wait3A_670 = arith.constant 0 : i32
      %dma_wait3A_671 = tpu.memref_slice %arg6[%dma_wait3A_667, %dma_wait3A_669, %dma_wait3A_670] : memref<10x64x128xf32, #tpu.memory_space<vmem>> -> memref<1x64x128xf32, #tpu.memory_space<vmem>>
      %dma_wait3A_672 = tpu.memref_squeeze %dma_wait3A_671 : memref<1x64x128xf32, #tpu.memory_space<vmem>> -> memref<64x128xf32, #tpu.memory_space<vmem>>
      %dma_wait3A_673 = arith.constant 0 : i32
      %dma_wait3A_674 = tpu.memref_slice %arg5[%dma_wait3A_666, %dma_wait3A_673] : memref<100x64xi32, #tpu.memory_space<vmem>> -> memref<1x64xi32, #tpu.memory_space<vmem>>
      %dma_wait3A_675 = tpu.memref_squeeze %dma_wait3A_674 : memref<1x64xi32, #tpu.memory_space<vmem>> -> memref<64xi32, #tpu.memory_space<vmem>>
      %dma_wait3A_676 = arith.constant 0 : i32
      %dma_wait3A_677 = arith.constant 0 : i32
      %dma_wait3A_678 = tpu.memref_slice %arg2[%dma_wait3A_676, %dma_wait3A_677] : memref<100000x128xf32, #tpu.memory_space<hbm>> -> memref<100000x128xf32, #tpu.memory_space<hbm>>
      %dma_wait3A_679 = tpu.memref_slice %arg7[%dma_wait3A_668] : memref<10x!tpu.dma_semaphore, #tpu.memory_space<semaphore_mem>> -> memref<1x!tpu.dma_semaphore, #tpu.memory_space<semaphore_mem>>
      %dma_wait3A_680 = tpu.memref_squeeze %dma_wait3A_679 : memref<1x!tpu.dma_semaphore, #tpu.memory_space<semaphore_mem>> -> memref<!tpu.dma_semaphore, #tpu.memory_space<semaphore_mem>>
      tpu.wait_indirect_dma semaphore(%dma_wait3A_680 : memref<!tpu.dma_semaphore, #tpu.memory_space<semaphore_mem>>) src(%dma_wait3A_678 : memref<100000x128xf32, #tpu.memory_space<hbm>>) dst(%dma_wait3A_672 : memref<64x128xf32, #tpu.memory_space<vmem>>)
      %scan3A_681 = arith.constant 0 : i32
      %scan3A_682 = arith.constant 7 : i32
      %scan3A_683 = arith.constant 0 : i32
      %scan3A_684 = arith.constant 64 : i32
      %scan3A_685 = arith.addi %scan3A_683, %scan3A_684 : i32
      %scan3A_686 = arith.constant 1 : i32
      scf.for %scan3A_820 = %scan3A_683 to %scan3A_685 step %scan3A_686  : i32 {
        %get3A = arith.constant 0 : i32
        %get3A_821 = arith.constant 0 : i32
        %get3A_822 = tpu.memref_slice %arg6[%scan3A_682, %get3A, %get3A_821] : memref<10x64x128xf32, #tpu.memory_space<vmem>> -> memref<1x64x128xf32, #tpu.memory_space<vmem>>
        %get3A_823 = tpu.memref_squeeze %get3A_822 : memref<1x64x128xf32, #tpu.memory_space<vmem>> -> memref<64x128xf32, #tpu.memory_space<vmem>>
        %get3A_824 = arith.index_cast %scan3A_820 : i32 to index
        %get3A_825 = arith.constant 0 : index
        %get3A_826 = tpu.vector_load %get3A_823[%get3A_824, %get3A_825] {strides = array<i32>} : memref<64x128xf32, #tpu.memory_space<vmem>>, vector<1x16xf32>,
        %get3A_827 = vector.shape_cast %get3A_826 : vector<1x16xf32> to vector<16xf32>
        %mul3A_828 = arith.constant 11.3137083 : f32
        %mul3A_829 = vector.broadcast %mul3A_828 : f32 to vector<16xf32>
        %mul3A_830 = arith.mulf %get3A_827, %mul3A_829 : vector<16xf32>
        %swap3A = arith.constant 0 : i32
        %swap3A_831 = arith.constant 0 : i32
        %swap3A_832 = tpu.memref_slice %arg6[%scan3A_682, %swap3A, %swap3A_831] : memref<10x64x128xf32, #tpu.memory_space<vmem>> -> memref<1x64x128xf32, #tpu.memory_space<vmem>>
        %swap3A_833 = tpu.memref_squeeze %swap3A_832 : memref<1x64x128xf32, #tpu.memory_space<vmem>> -> memref<64x128xf32, #tpu.memory_space<vmem>>
        %swap3A_834 = arith.index_cast %scan3A_820 : i32 to index
        %swap3A_835 = arith.constant 0 : index
        %swap3A_836 = tpu.vector_load %swap3A_833[%swap3A_834, %swap3A_835] {strides = array<i32>} : memref<64x128xf32, #tpu.memory_space<vmem>>, vector<1x16xf32>,
        %swap3A_837 = vector.shape_cast %swap3A_836 : vector<1x16xf32> to vector<16xf32>
        %swap3A_838 = vector.shape_cast %mul3A_830 : vector<16xf32> to vector<1x16xf32>
        tpu.vector_store %swap3A_833[%swap3A_834, %swap3A_835], %swap3A_838 {strides = array<i32>} : memref<64x128xf32, #tpu.memory_space<vmem>>, vector<1x16xf32>,
        %get3A_839 = arith.constant 0 : i32
        %get3A_840 = arith.constant 0 : i32
        %get3A_841 = tpu.memref_slice %arg6[%scan3A_682, %get3A_839, %get3A_840] : memref<10x64x128xf32, #tpu.memory_space<vmem>> -> memref<1x64x128xf32, #tpu.memory_space<vmem>>
        %get3A_842 = tpu.memref_squeeze %get3A_841 : memref<1x64x128xf32, #tpu.memory_space<vmem>> -> memref<64x128xf32, #tpu.memory_space<vmem>>
        %get3A_843 = arith.index_cast %scan3A_820 : i32 to index
        %get3A_844 = arith.constant 16 : index
        %get3A_845 = tpu.vector_load %get3A_842[%get3A_843, %get3A_844] {strides = array<i32>} : memref<64x128xf32, #tpu.memory_space<vmem>>, vector<1x16xf32>,
        %get3A_846 = vector.shape_cast %get3A_845 : vector<1x16xf32> to vector<16xf32>
        %mul3A_847 = arith.constant 11.3137083 : f32
        %mul3A_848 = vector.broadcast %mul3A_847 : f32 to vector<16xf32>
        %mul3A_849 = arith.mulf %get3A_846, %mul3A_848 : vector<16xf32>
        %swap3A_850 = arith.constant 0 : i32
        %swap3A_851 = arith.constant 0 : i32
        %swap3A_852 = tpu.memref_slice %arg6[%scan3A_682, %swap3A_850, %swap3A_851] : memref<10x64x128xf32, #tpu.memory_space<vmem>> -> memref<1x64x128xf32, #tpu.memory_space<vmem>>
        %swap3A_853 = tpu.memref_squeeze %swap3A_852 : memref<1x64x128xf32, #tpu.memory_space<vmem>> -> memref<64x128xf32, #tpu.memory_space<vmem>>
        %swap3A_854 = arith.index_cast %scan3A_820 : i32 to index
        %swap3A_855 = arith.constant 16 : index
        %swap3A_856 = tpu.vector_load %swap3A_853[%swap3A_854, %swap3A_855] {strides = array<i32>} : memref<64x128xf32, #tpu.memory_space<vmem>>, vector<1x16xf32>,
        %swap3A_857 = vector.shape_cast %swap3A_856 : vector<1x16xf32> to vector<16xf32>
        %swap3A_858 = vector.shape_cast %mul3A_849 : vector<16xf32> to vector<1x16xf32>
        tpu.vector_store %swap3A_853[%swap3A_854, %swap3A_855], %swap3A_858 {strides = array<i32>} : memref<64x128xf32, #tpu.memory_space<vmem>>, vector<1x16xf32>,
        %get3A_859 = arith.constant 0 : i32
        %get3A_860 = arith.constant 0 : i32
        %get3A_861 = tpu.memref_slice %arg6[%scan3A_682, %get3A_859, %get3A_860] : memref<10x64x128xf32, #tpu.memory_space<vmem>> -> memref<1x64x128xf32, #tpu.memory_space<vmem>>
        %get3A_862 = tpu.memref_squeeze %get3A_861 : memref<1x64x128xf32, #tpu.memory_space<vmem>> -> memref<64x128xf32, #tpu.memory_space<vmem>>
        %get3A_863 = arith.index_cast %scan3A_820 : i32 to index
        %get3A_864 = arith.constant 32 : index
        %get3A_865 = tpu.vector_load %get3A_862[%get3A_863, %get3A_864] {strides = array<i32>} : memref<64x128xf32, #tpu.memory_space<vmem>>, vector<1x16xf32>,
        %get3A_866 = vector.shape_cast %get3A_865 : vector<1x16xf32> to vector<16xf32>
        %mul3A_867 = arith.constant 11.3137083 : f32
        %mul3A_868 = vector.broadcast %mul3A_867 : f32 to vector<16xf32>
        %mul3A_869 = arith.mulf %get3A_866, %mul3A_868 : vector<16xf32>
        %swap3A_870 = arith.constant 0 : i32
        %swap3A_871 = arith.constant 0 : i32
        %swap3A_872 = tpu.memref_slice %arg6[%scan3A_682, %swap3A_870, %swap3A_871] : memref<10x64x128xf32, #tpu.memory_space<vmem>> -> memref<1x64x128xf32, #tpu.memory_space<vmem>>
        %swap3A_873 = tpu.memref_squeeze %swap3A_872 : memref<1x64x128xf32, #tpu.memory_space<vmem>> -> memref<64x128xf32, #tpu.memory_space<vmem>>
        %swap3A_874 = arith.index_cast %scan3A_820 : i32 to index
        %swap3A_875 = arith.constant 32 : index
        %swap3A_876 = tpu.vector_load %swap3A_873[%swap3A_874, %swap3A_875] {strides = array<i32>} : memref<64x128xf32, #tpu.memory_space<vmem>>, vector<1x16xf32>,
        %swap3A_877 = vector.shape_cast %swap3A_876 : vector<1x16xf32> to vector<16xf32>
        %swap3A_878 = vector.shape_cast %mul3A_869 : vector<16xf32> to vector<1x16xf32>
        tpu.vector_store %swap3A_873[%swap3A_874, %swap3A_875], %swap3A_878 {strides = array<i32>} : memref<64x128xf32, #tpu.memory_space<vmem>>, vector<1x16xf32>,
        %get3A_879 = arith.constant 0 : i32
        %get3A_880 = arith.constant 0 : i32
        %get3A_881 = tpu.memref_slice %arg6[%scan3A_682, %get3A_879, %get3A_880] : memref<10x64x128xf32, #tpu.memory_space<vmem>> -> memref<1x64x128xf32, #tpu.memory_space<vmem>>
        %get3A_882 = tpu.memref_squeeze %get3A_881 : memref<1x64x128xf32, #tpu.memory_space<vmem>> -> memref<64x128xf32, #tpu.memory_space<vmem>>
        %get3A_883 = arith.index_cast %scan3A_820 : i32 to index
        %get3A_884 = arith.constant 48 : index
        %get3A_885 = tpu.vector_load %get3A_882[%get3A_883, %get3A_884] {strides = array<i32>} : memref<64x128xf32, #tpu.memory_space<vmem>>, vector<1x16xf32>,
        %get3A_886 = vector.shape_cast %get3A_885 : vector<1x16xf32> to vector<16xf32>
        %mul3A_887 = arith.constant 11.3137083 : f32
        %mul3A_888 = vector.broadcast %mul3A_887 : f32 to vector<16xf32>
        %mul3A_889 = arith.mulf %get3A_886, %mul3A_888 : vector<16xf32>
        %swap3A_890 = arith.constant 0 : i32
        %swap3A_891 = arith.constant 0 : i32
        %swap3A_892 = tpu.memref_slice %arg6[%scan3A_682, %swap3A_890, %swap3A_891] : memref<10x64x128xf32, #tpu.memory_space<vmem>> -> memref<1x64x128xf32, #tpu.memory_space<vmem>>
        %swap3A_893 = tpu.memref_squeeze %swap3A_892 : memref<1x64x128xf32, #tpu.memory_space<vmem>> -> memref<64x128xf32, #tpu.memory_space<vmem>>
        %swap3A_894 = arith.index_cast %scan3A_820 : i32 to index
        %swap3A_895 = arith.constant 48 : index
        %swap3A_896 = tpu.vector_load %swap3A_893[%swap3A_894, %swap3A_895] {strides = array<i32>} : memref<64x128xf32, #tpu.memory_space<vmem>>, vector<1x16xf32>,
        %swap3A_897 = vector.shape_cast %swap3A_896 : vector<1x16xf32> to vector<16xf32>
        %swap3A_898 = vector.shape_cast %mul3A_889 : vector<16xf32> to vector<1x16xf32>
        tpu.vector_store %swap3A_893[%swap3A_894, %swap3A_895], %swap3A_898 {strides = array<i32>} : memref<64x128xf32, #tpu.memory_space<vmem>>, vector<1x16xf32>,
        %get3A_899 = arith.constant 0 : i32
        %get3A_900 = arith.constant 0 : i32
        %get3A_901 = tpu.memref_slice %arg6[%scan3A_682, %get3A_899, %get3A_900] : memref<10x64x128xf32, #tpu.memory_space<vmem>> -> memref<1x64x128xf32, #tpu.memory_space<vmem>>
        %get3A_902 = tpu.memref_squeeze %get3A_901 : memref<1x64x128xf32, #tpu.memory_space<vmem>> -> memref<64x128xf32, #tpu.memory_space<vmem>>
        %get3A_903 = arith.index_cast %scan3A_820 : i32 to index
        %get3A_904 = arith.constant 64 : index
        %get3A_905 = tpu.vector_load %get3A_902[%get3A_903, %get3A_904] {strides = array<i32>} : memref<64x128xf32, #tpu.memory_space<vmem>>, vector<1x16xf32>,
        %get3A_906 = vector.shape_cast %get3A_905 : vector<1x16xf32> to vector<16xf32>
        %mul3A_907 = arith.constant 11.3137083 : f32
        %mul3A_908 = vector.broadcast %mul3A_907 : f32 to vector<16xf32>
        %mul3A_909 = arith.mulf %get3A_906, %mul3A_908 : vector<16xf32>
        %swap3A_910 = arith.constant 0 : i32
        %swap3A_911 = arith.constant 0 : i32
        %swap3A_912 = tpu.memref_slice %arg6[%scan3A_682, %swap3A_910, %swap3A_911] : memref<10x64x128xf32, #tpu.memory_space<vmem>> -> memref<1x64x128xf32, #tpu.memory_space<vmem>>
        %swap3A_913 = tpu.memref_squeeze %swap3A_912 : memref<1x64x128xf32, #tpu.memory_space<vmem>> -> memref<64x128xf32, #tpu.memory_space<vmem>>
        %swap3A_914 = arith.index_cast %scan3A_820 : i32 to index
        %swap3A_915 = arith.constant 64 : index
        %swap3A_916 = tpu.vector_load %swap3A_913[%swap3A_914, %swap3A_915] {strides = array<i32>} : memref<64x128xf32, #tpu.memory_space<vmem>>, vector<1x16xf32>,
        %swap3A_917 = vector.shape_cast %swap3A_916 : vector<1x16xf32> to vector<16xf32>
        %swap3A_918 = vector.shape_cast %mul3A_909 : vector<16xf32> to vector<1x16xf32>
        tpu.vector_store %swap3A_913[%swap3A_914, %swap3A_915], %swap3A_918 {strides = array<i32>} : memref<64x128xf32, #tpu.memory_space<vmem>>, vector<1x16xf32>,
        %get3A_919 = arith.constant 0 : i32
        %get3A_920 = arith.constant 0 : i32
        %get3A_921 = tpu.memref_slice %arg6[%scan3A_682, %get3A_919, %get3A_920] : memref<10x64x128xf32, #tpu.memory_space<vmem>> -> memref<1x64x128xf32, #tpu.memory_space<vmem>>
        %get3A_922 = tpu.memref_squeeze %get3A_921 : memref<1x64x128xf32, #tpu.memory_space<vmem>> -> memref<64x128xf32, #tpu.memory_space<vmem>>
        %get3A_923 = arith.index_cast %scan3A_820 : i32 to index
        %get3A_924 = arith.constant 80 : index
        %get3A_925 = tpu.vector_load %get3A_922[%get3A_923, %get3A_924] {strides = array<i32>} : memref<64x128xf32, #tpu.memory_space<vmem>>, vector<1x16xf32>,
        %get3A_926 = vector.shape_cast %get3A_925 : vector<1x16xf32> to vector<16xf32>
        %mul3A_927 = arith.constant 11.3137083 : f32
        %mul3A_928 = vector.broadcast %mul3A_927 : f32 to vector<16xf32>
        %mul3A_929 = arith.mulf %get3A_926, %mul3A_928 : vector<16xf32>
        %swap3A_930 = arith.constant 0 : i32
        %swap3A_931 = arith.constant 0 : i32
        %swap3A_932 = tpu.memref_slice %arg6[%scan3A_682, %swap3A_930, %swap3A_931] : memref<10x64x128xf32, #tpu.memory_space<vmem>> -> memref<1x64x128xf32, #tpu.memory_space<vmem>>
        %swap3A_933 = tpu.memref_squeeze %swap3A_932 : memref<1x64x128xf32, #tpu.memory_space<vmem>> -> memref<64x128xf32, #tpu.memory_space<vmem>>
        %swap3A_934 = arith.index_cast %scan3A_820 : i32 to index
        %swap3A_935 = arith.constant 80 : index
        %swap3A_936 = tpu.vector_load %swap3A_933[%swap3A_934, %swap3A_935] {strides = array<i32>} : memref<64x128xf32, #tpu.memory_space<vmem>>, vector<1x16xf32>,
        %swap3A_937 = vector.shape_cast %swap3A_936 : vector<1x16xf32> to vector<16xf32>
        %swap3A_938 = vector.shape_cast %mul3A_929 : vector<16xf32> to vector<1x16xf32>
        tpu.vector_store %swap3A_933[%swap3A_934, %swap3A_935], %swap3A_938 {strides = array<i32>} : memref<64x128xf32, #tpu.memory_space<vmem>>, vector<1x16xf32>,
        %get3A_939 = arith.constant 0 : i32
        %get3A_940 = arith.constant 0 : i32
        %get3A_941 = tpu.memref_slice %arg6[%scan3A_682, %get3A_939, %get3A_940] : memref<10x64x128xf32, #tpu.memory_space<vmem>> -> memref<1x64x128xf32, #tpu.memory_space<vmem>>
        %get3A_942 = tpu.memref_squeeze %get3A_941 : memref<1x64x128xf32, #tpu.memory_space<vmem>> -> memref<64x128xf32, #tpu.memory_space<vmem>>
        %get3A_943 = arith.index_cast %scan3A_820 : i32 to index
        %get3A_944 = arith.constant 96 : index
        %get3A_945 = tpu.vector_load %get3A_942[%get3A_943, %get3A_944] {strides = array<i32>} : memref<64x128xf32, #tpu.memory_space<vmem>>, vector<1x16xf32>,
        %get3A_946 = vector.shape_cast %get3A_945 : vector<1x16xf32> to vector<16xf32>
        %mul3A_947 = arith.constant 11.3137083 : f32
        %mul3A_948 = vector.broadcast %mul3A_947 : f32 to vector<16xf32>
        %mul3A_949 = arith.mulf %get3A_946, %mul3A_948 : vector<16xf32>
        %swap3A_950 = arith.constant 0 : i32
        %swap3A_951 = arith.constant 0 : i32
        %swap3A_952 = tpu.memref_slice %arg6[%scan3A_682, %swap3A_950, %swap3A_951] : memref<10x64x128xf32, #tpu.memory_space<vmem>> -> memref<1x64x128xf32, #tpu.memory_space<vmem>>
        %swap3A_953 = tpu.memref_squeeze %swap3A_952 : memref<1x64x128xf32, #tpu.memory_space<vmem>> -> memref<64x128xf32, #tpu.memory_space<vmem>>
        %swap3A_954 = arith.index_cast %scan3A_820 : i32 to index
        %swap3A_955 = arith.constant 96 : index
        %swap3A_956 = tpu.vector_load %swap3A_953[%swap3A_954, %swap3A_955] {strides = array<i32>} : memref<64x128xf32, #tpu.memory_space<vmem>>, vector<1x16xf32>,
        %swap3A_957 = vector.shape_cast %swap3A_956 : vector<1x16xf32> to vector<16xf32>
        %swap3A_958 = vector.shape_cast %mul3A_949 : vector<16xf32> to vector<1x16xf32>
        tpu.vector_store %swap3A_953[%swap3A_954, %swap3A_955], %swap3A_958 {strides = array<i32>} : memref<64x128xf32, #tpu.memory_space<vmem>>, vector<1x16xf32>,
        %get3A_959 = arith.constant 0 : i32
        %get3A_960 = arith.constant 0 : i32
        %get3A_961 = tpu.memref_slice %arg6[%scan3A_682, %get3A_959, %get3A_960] : memref<10x64x128xf32, #tpu.memory_space<vmem>> -> memref<1x64x128xf32, #tpu.memory_space<vmem>>
        %get3A_962 = tpu.memref_squeeze %get3A_961 : memref<1x64x128xf32, #tpu.memory_space<vmem>> -> memref<64x128xf32, #tpu.memory_space<vmem>>
        %get3A_963 = arith.index_cast %scan3A_820 : i32 to index
        %get3A_964 = arith.constant 112 : index
        %get3A_965 = tpu.vector_load %get3A_962[%get3A_963, %get3A_964] {strides = array<i32>} : memref<64x128xf32, #tpu.memory_space<vmem>>, vector<1x16xf32>,
        %get3A_966 = vector.shape_cast %get3A_965 : vector<1x16xf32> to vector<16xf32>
        %mul3A_967 = arith.constant 11.3137083 : f32
        %mul3A_968 = vector.broadcast %mul3A_967 : f32 to vector<16xf32>
        %mul3A_969 = arith.mulf %get3A_966, %mul3A_968 : vector<16xf32>
        %swap3A_970 = arith.constant 0 : i32
        %swap3A_971 = arith.constant 0 : i32
        %swap3A_972 = tpu.memref_slice %arg6[%scan3A_682, %swap3A_970, %swap3A_971] : memref<10x64x128xf32, #tpu.memory_space<vmem>> -> memref<1x64x128xf32, #tpu.memory_space<vmem>>
        %swap3A_973 = tpu.memref_squeeze %swap3A_972 : memref<1x64x128xf32, #tpu.memory_space<vmem>> -> memref<64x128xf32, #tpu.memory_space<vmem>>
        %swap3A_974 = arith.index_cast %scan3A_820 : i32 to index
        %swap3A_975 = arith.constant 112 : index
        %swap3A_976 = tpu.vector_load %swap3A_973[%swap3A_974, %swap3A_975] {strides = array<i32>} : memref<64x128xf32, #tpu.memory_space<vmem>>, vector<1x16xf32>,
        %swap3A_977 = vector.shape_cast %swap3A_976 : vector<1x16xf32> to vector<16xf32>
        %swap3A_978 = vector.shape_cast %mul3A_969 : vector<16xf32> to vector<1x16xf32>
        tpu.vector_store %swap3A_973[%swap3A_974, %swap3A_975], %swap3A_978 {strides = array<i32>} : memref<64x128xf32, #tpu.memory_space<vmem>>, vector<1x16xf32>,
      }
      %scan3A_687 = arith.constant 64 : i32
      %mul3A_688 = arith.constant 64 : i32
      %mul3A_689 = arith.muli %add3A_665, %mul3A_688 : i32
      %add3A_690 = arith.addi %mul3A_2, %mul3A_689 : i32
      %dma_start3A_691 = arith.constant 7 : i32
      %dma_start3A_692 = arith.constant 7 : i32
      %dma_start3A_693 = arith.constant 0 : i32
      %dma_start3A_694 = arith.constant 0 : i32
      %dma_start3A_695 = tpu.memref_slice %arg6[%dma_start3A_691, %dma_start3A_693, %dma_start3A_694] : memref<10x64x128xf32, #tpu.memory_space<vmem>> -> memref<1x64x128xf32, #tpu.memory_space<vmem>>
      %dma_start3A_696 = tpu.memref_squeeze %dma_start3A_695 : memref<1x64x128xf32, #tpu.memory_space<vmem>> -> memref<64x128xf32, #tpu.memory_space<vmem>>
      %dma_start3A_697 = arith.constant 0 : i32
      %dma_start3A_698 = tpu.memref_slice %arg4[%add3A_690, %dma_start3A_697] : memref<204800x128xf32, #tpu.memory_space<hbm>> -> memref<64x128xf32, #tpu.memory_space<hbm>>
      %dma_start3A_699 = tpu.memref_slice %arg8[%dma_start3A_692] : memref<10x!tpu.dma_semaphore, #tpu.memory_space<semaphore_mem>> -> memref<1x!tpu.dma_semaphore, #tpu.memory_space<semaphore_mem>>
      %dma_start3A_700 = tpu.memref_squeeze %dma_start3A_699 : memref<1x!tpu.dma_semaphore, #tpu.memory_space<semaphore_mem>> -> memref<!tpu.dma_semaphore, #tpu.memory_space<semaphore_mem>>
      %dma_start3A_701 = arith.constant 0 : i32
      %dma_start3A_702 = tpu.memref_slice %arg4[%add3A_690, %dma_start3A_701] : memref<204800x128xf32, #tpu.memory_space<hbm>> -> memref<64x128xf32, #tpu.memory_space<hbm>>
      %dma_start3A_703 = arith.constant 0 : i32
      %dma_start3A_704 = arith.constant 0 : i32
      %dma_start3A_705 = tpu.memref_slice %arg6[%dma_start3A_691, %dma_start3A_703, %dma_start3A_704] : memref<10x64x128xf32, #tpu.memory_space<vmem>> -> memref<1x64x128xf32, #tpu.memory_space<vmem>>
      %dma_start3A_706 = tpu.memref_squeeze %dma_start3A_705 : memref<1x64x128xf32, #tpu.memory_space<vmem>> -> memref<64x128xf32, #tpu.memory_space<vmem>>
      tpu.enqueue_dma source(%dma_start3A_706 : memref<64x128xf32, #tpu.memory_space<vmem>>) target(%dma_start3A_702 : memref<64x128xf32, #tpu.memory_space<hbm>>) target_semaphore(%dma_start3A_700 : memref<!tpu.dma_semaphore, #tpu.memory_space<semaphore_mem>>)
      %add3A_707 = arith.constant 10 : i32
      %add3A_708 = arith.addi %add3A_665, %add3A_707 : i32
      %sub3A_709 = arith.constant 1 : i32
      %sub3A_710 = arith.subi %add3A_708, %sub3A_709 : i32
      %lt3A_711 = arith.constant 100 : i32
      %lt3A_712 = arith.cmpi slt, %sub3A_710, %lt3A_711 : i32
      %convert_element_type3A_713 = arith.extui %lt3A_712 : i1 to i32
      %cond3A_714 = arith.constant 0 : i32
      %cond3A_715 = arith.cmpi ne, %convert_element_type3A_713, %cond3A_714 : i32
      scf.if %cond3A_715 {
        %gt3A = arith.constant 0 : i32
        %gt3A_820 = arith.cmpi sgt, %add3A_665, %gt3A : i32
        %convert_element_type3A_821 = arith.extui %gt3A_820 : i1 to i32
        %cond3A_822 = arith.constant 0 : i32
        %cond3A_823 = arith.cmpi ne, %convert_element_type3A_821, %cond3A_822 : i32
        scf.if %cond3A_823 {
          %dma_wait3A_838 = arith.constant 6 : i32
          %dma_wait3A_839 = arith.constant 6 : i32
          %dma_wait3A_840 = arith.constant 0 : i32
          %dma_wait3A_841 = arith.constant 0 : i32
          %dma_wait3A_842 = tpu.memref_slice %arg6[%dma_wait3A_838, %dma_wait3A_840, %dma_wait3A_841] : memref<10x64x128xf32, #tpu.memory_space<vmem>> -> memref<1x64x128xf32, #tpu.memory_space<vmem>>
          %dma_wait3A_843 = tpu.memref_squeeze %dma_wait3A_842 : memref<1x64x128xf32, #tpu.memory_space<vmem>> -> memref<64x128xf32, #tpu.memory_space<vmem>>
          %dma_wait3A_844 = arith.constant 0 : i32
          %dma_wait3A_845 = tpu.memref_slice %arg4[%mul3A_2, %dma_wait3A_844] : memref<204800x128xf32, #tpu.memory_space<hbm>> -> memref<64x128xf32, #tpu.memory_space<hbm>>
          %dma_wait3A_846 = tpu.memref_slice %arg8[%dma_wait3A_839] : memref<10x!tpu.dma_semaphore, #tpu.memory_space<semaphore_mem>> -> memref<1x!tpu.dma_semaphore, #tpu.memory_space<semaphore_mem>>
          %dma_wait3A_847 = tpu.memref_squeeze %dma_wait3A_846 : memref<1x!tpu.dma_semaphore, #tpu.memory_space<semaphore_mem>> -> memref<!tpu.dma_semaphore, #tpu.memory_space<semaphore_mem>>
          %dma_wait3A_848 = arith.constant 0 : i32
          %dma_wait3A_849 = tpu.memref_slice %arg4[%mul3A_2, %dma_wait3A_848] : memref<204800x128xf32, #tpu.memory_space<hbm>> -> memref<64x128xf32, #tpu.memory_space<hbm>>
          %dma_wait3A_850 = arith.constant 0 : i32
          %dma_wait3A_851 = arith.constant 0 : i32
          %dma_wait3A_852 = tpu.memref_slice %arg6[%dma_wait3A_838, %dma_wait3A_850, %dma_wait3A_851] : memref<10x64x128xf32, #tpu.memory_space<vmem>> -> memref<1x64x128xf32, #tpu.memory_space<vmem>>
          %dma_wait3A_853 = tpu.memref_squeeze %dma_wait3A_852 : memref<1x64x128xf32, #tpu.memory_space<vmem>> -> memref<64x128xf32, #tpu.memory_space<vmem>>
          tpu.wait_dma2 semaphore(%dma_wait3A_847 : memref<!tpu.dma_semaphore, #tpu.memory_space<semaphore_mem>>) src(%dma_wait3A_853 : memref<64x128xf32, #tpu.memory_space<vmem>>) dst(%dma_wait3A_849 : memref<64x128xf32, #tpu.memory_space<hbm>>)
        } else {
        }
        %dma_start3A_824 = arith.constant 6 : i32
        %dma_start3A_825 = arith.constant 6 : i32
        %dma_start3A_826 = arith.constant 0 : i32
        %dma_start3A_827 = arith.constant 0 : i32
        %dma_start3A_828 = tpu.memref_slice %arg6[%dma_start3A_824, %dma_start3A_826, %dma_start3A_827] : memref<10x64x128xf32, #tpu.memory_space<vmem>> -> memref<1x64x128xf32, #tpu.memory_space<vmem>>
        %dma_start3A_829 = tpu.memref_squeeze %dma_start3A_828 : memref<1x64x128xf32, #tpu.memory_space<vmem>> -> memref<64x128xf32, #tpu.memory_space<vmem>>
        %dma_start3A_830 = arith.constant 0 : i32
        %dma_start3A_831 = tpu.memref_slice %arg5[%sub3A_710, %dma_start3A_830] : memref<100x64xi32, #tpu.memory_space<vmem>> -> memref<1x64xi32, #tpu.memory_space<vmem>>
        %dma_start3A_832 = tpu.memref_squeeze %dma_start3A_831 : memref<1x64xi32, #tpu.memory_space<vmem>> -> memref<64xi32, #tpu.memory_space<vmem>>
        %dma_start3A_833 = arith.constant 0 : i32
        %dma_start3A_834 = arith.constant 0 : i32
        %dma_start3A_835 = tpu.memref_slice %arg2[%dma_start3A_833, %dma_start3A_834] : memref<100000x128xf32, #tpu.memory_space<hbm>> -> memref<100000x128xf32, #tpu.memory_space<hbm>>
        %dma_start3A_836 = tpu.memref_slice %arg7[%dma_start3A_825] : memref<10x!tpu.dma_semaphore, #tpu.memory_space<semaphore_mem>> -> memref<1x!tpu.dma_semaphore, #tpu.memory_space<semaphore_mem>>
        %dma_start3A_837 = tpu.memref_squeeze %dma_start3A_836 : memref<1x!tpu.dma_semaphore, #tpu.memory_space<semaphore_mem>> -> memref<!tpu.dma_semaphore, #tpu.memory_space<semaphore_mem>>
        tpu.enqueue_indirect_dma source(%dma_start3A_835 : memref<100000x128xf32, #tpu.memory_space<hbm>>) target(%dma_start3A_829 : memref<64x128xf32, #tpu.memory_space<vmem>>) offsets(%dma_start3A_832 : memref<64xi32, #tpu.memory_space<vmem>>) semaphore(%dma_start3A_837 : memref<!tpu.dma_semaphore, #tpu.memory_space<semaphore_mem>>)
      } else {
      }
      %add3A_716 = arith.constant 8 : i32
      %add3A_717 = arith.addi %mul3A_303, %add3A_716 : i32
      %dma_wait3A_718 = arith.constant 0 : i32
      %dma_wait3A_719 = arith.constant 8 : i32
      %dma_wait3A_720 = arith.constant 8 : i32
      %dma_wait3A_721 = arith.constant 0 : i32
      %dma_wait3A_722 = arith.constant 0 : i32
      %dma_wait3A_723 = tpu.memref_slice %arg6[%dma_wait3A_719, %dma_wait3A_721, %dma_wait3A_722] : memref<10x64x128xf32, #tpu.memory_space<vmem>> -> memref<1x64x128xf32, #tpu.memory_space<vmem>>
      %dma_wait3A_724 = tpu.memref_squeeze %dma_wait3A_723 : memref<1x64x128xf32, #tpu.memory_space<vmem>> -> memref<64x128xf32, #tpu.memory_space<vmem>>
      %dma_wait3A_725 = arith.constant 0 : i32
      %dma_wait3A_726 = tpu.memref_slice %arg5[%dma_wait3A_718, %dma_wait3A_725] : memref<100x64xi32, #tpu.memory_space<vmem>> -> memref<1x64xi32, #tpu.memory_space<vmem>>
      %dma_wait3A_727 = tpu.memref_squeeze %dma_wait3A_726 : memref<1x64xi32, #tpu.memory_space<vmem>> -> memref<64xi32, #tpu.memory_space<vmem>>
      %dma_wait3A_728 = arith.constant 0 : i32
      %dma_wait3A_729 = arith.constant 0 : i32
      %dma_wait3A_730 = tpu.memref_slice %arg2[%dma_wait3A_728, %dma_wait3A_729] : memref<100000x128xf32, #tpu.memory_space<hbm>> -> memref<100000x128xf32, #tpu.memory_space<hbm>>
      %dma_wait3A_731 = tpu.memref_slice %arg7[%dma_wait3A_720] : memref<10x!tpu.dma_semaphore, #tpu.memory_space<semaphore_mem>> -> memref<1x!tpu.dma_semaphore, #tpu.memory_space<semaphore_mem>>
      %dma_wait3A_732 = tpu.memref_squeeze %dma_wait3A_731 : memref<1x!tpu.dma_semaphore, #tpu.memory_space<semaphore_mem>> -> memref<!tpu.dma_semaphore, #tpu.memory_space<semaphore_mem>>
      tpu.wait_indirect_dma semaphore(%dma_wait3A_732 : memref<!tpu.dma_semaphore, #tpu.memory_space<semaphore_mem>>) src(%dma_wait3A_730 : memref<100000x128xf32, #tpu.memory_space<hbm>>) dst(%dma_wait3A_724 : memref<64x128xf32, #tpu.memory_space<vmem>>)
      %scan3A_733 = arith.constant 0 : i32
      %scan3A_734 = arith.constant 8 : i32
      %scan3A_735 = arith.constant 0 : i32
      %scan3A_736 = arith.constant 64 : i32
      %scan3A_737 = arith.addi %scan3A_735, %scan3A_736 : i32
      %scan3A_738 = arith.constant 1 : i32
      scf.for %scan3A_820 = %scan3A_735 to %scan3A_737 step %scan3A_738  : i32 {
        %get3A = arith.constant 0 : i32
        %get3A_821 = arith.constant 0 : i32
        %get3A_822 = tpu.memref_slice %arg6[%scan3A_734, %get3A, %get3A_821] : memref<10x64x128xf32, #tpu.memory_space<vmem>> -> memref<1x64x128xf32, #tpu.memory_space<vmem>>
        %get3A_823 = tpu.memref_squeeze %get3A_822 : memref<1x64x128xf32, #tpu.memory_space<vmem>> -> memref<64x128xf32, #tpu.memory_space<vmem>>
        %get3A_824 = arith.index_cast %scan3A_820 : i32 to index
        %get3A_825 = arith.constant 0 : index
        %get3A_826 = tpu.vector_load %get3A_823[%get3A_824, %get3A_825] {strides = array<i32>} : memref<64x128xf32, #tpu.memory_space<vmem>>, vector<1x16xf32>,
        %get3A_827 = vector.shape_cast %get3A_826 : vector<1x16xf32> to vector<16xf32>
        %mul3A_828 = arith.constant 11.3137083 : f32
        %mul3A_829 = vector.broadcast %mul3A_828 : f32 to vector<16xf32>
        %mul3A_830 = arith.mulf %get3A_827, %mul3A_829 : vector<16xf32>
        %swap3A = arith.constant 0 : i32
        %swap3A_831 = arith.constant 0 : i32
        %swap3A_832 = tpu.memref_slice %arg6[%scan3A_734, %swap3A, %swap3A_831] : memref<10x64x128xf32, #tpu.memory_space<vmem>> -> memref<1x64x128xf32, #tpu.memory_space<vmem>>
        %swap3A_833 = tpu.memref_squeeze %swap3A_832 : memref<1x64x128xf32, #tpu.memory_space<vmem>> -> memref<64x128xf32, #tpu.memory_space<vmem>>
        %swap3A_834 = arith.index_cast %scan3A_820 : i32 to index
        %swap3A_835 = arith.constant 0 : index
        %swap3A_836 = tpu.vector_load %swap3A_833[%swap3A_834, %swap3A_835] {strides = array<i32>} : memref<64x128xf32, #tpu.memory_space<vmem>>, vector<1x16xf32>,
        %swap3A_837 = vector.shape_cast %swap3A_836 : vector<1x16xf32> to vector<16xf32>
        %swap3A_838 = vector.shape_cast %mul3A_830 : vector<16xf32> to vector<1x16xf32>
        tpu.vector_store %swap3A_833[%swap3A_834, %swap3A_835], %swap3A_838 {strides = array<i32>} : memref<64x128xf32, #tpu.memory_space<vmem>>, vector<1x16xf32>,
        %get3A_839 = arith.constant 0 : i32
        %get3A_840 = arith.constant 0 : i32
        %get3A_841 = tpu.memref_slice %arg6[%scan3A_734, %get3A_839, %get3A_840] : memref<10x64x128xf32, #tpu.memory_space<vmem>> -> memref<1x64x128xf32, #tpu.memory_space<vmem>>
        %get3A_842 = tpu.memref_squeeze %get3A_841 : memref<1x64x128xf32, #tpu.memory_space<vmem>> -> memref<64x128xf32, #tpu.memory_space<vmem>>
        %get3A_843 = arith.index_cast %scan3A_820 : i32 to index
        %get3A_844 = arith.constant 16 : index
        %get3A_845 = tpu.vector_load %get3A_842[%get3A_843, %get3A_844] {strides = array<i32>} : memref<64x128xf32, #tpu.memory_space<vmem>>, vector<1x16xf32>,
        %get3A_846 = vector.shape_cast %get3A_845 : vector<1x16xf32> to vector<16xf32>
        %mul3A_847 = arith.constant 11.3137083 : f32
        %mul3A_848 = vector.broadcast %mul3A_847 : f32 to vector<16xf32>
        %mul3A_849 = arith.mulf %get3A_846, %mul3A_848 : vector<16xf32>
        %swap3A_850 = arith.constant 0 : i32
        %swap3A_851 = arith.constant 0 : i32
        %swap3A_852 = tpu.memref_slice %arg6[%scan3A_734, %swap3A_850, %swap3A_851] : memref<10x64x128xf32, #tpu.memory_space<vmem>> -> memref<1x64x128xf32, #tpu.memory_space<vmem>>
        %swap3A_853 = tpu.memref_squeeze %swap3A_852 : memref<1x64x128xf32, #tpu.memory_space<vmem>> -> memref<64x128xf32, #tpu.memory_space<vmem>>
        %swap3A_854 = arith.index_cast %scan3A_820 : i32 to index
        %swap3A_855 = arith.constant 16 : index
        %swap3A_856 = tpu.vector_load %swap3A_853[%swap3A_854, %swap3A_855] {strides = array<i32>} : memref<64x128xf32, #tpu.memory_space<vmem>>, vector<1x16xf32>,
        %swap3A_857 = vector.shape_cast %swap3A_856 : vector<1x16xf32> to vector<16xf32>
        %swap3A_858 = vector.shape_cast %mul3A_849 : vector<16xf32> to vector<1x16xf32>
        tpu.vector_store %swap3A_853[%swap3A_854, %swap3A_855], %swap3A_858 {strides = array<i32>} : memref<64x128xf32, #tpu.memory_space<vmem>>, vector<1x16xf32>,
        %get3A_859 = arith.constant 0 : i32
        %get3A_860 = arith.constant 0 : i32
        %get3A_861 = tpu.memref_slice %arg6[%scan3A_734, %get3A_859, %get3A_860] : memref<10x64x128xf32, #tpu.memory_space<vmem>> -> memref<1x64x128xf32, #tpu.memory_space<vmem>>
        %get3A_862 = tpu.memref_squeeze %get3A_861 : memref<1x64x128xf32, #tpu.memory_space<vmem>> -> memref<64x128xf32, #tpu.memory_space<vmem>>
        %get3A_863 = arith.index_cast %scan3A_820 : i32 to index
        %get3A_864 = arith.constant 32 : index
        %get3A_865 = tpu.vector_load %get3A_862[%get3A_863, %get3A_864] {strides = array<i32>} : memref<64x128xf32, #tpu.memory_space<vmem>>, vector<1x16xf32>,
        %get3A_866 = vector.shape_cast %get3A_865 : vector<1x16xf32> to vector<16xf32>
        %mul3A_867 = arith.constant 11.3137083 : f32
        %mul3A_868 = vector.broadcast %mul3A_867 : f32 to vector<16xf32>
        %mul3A_869 = arith.mulf %get3A_866, %mul3A_868 : vector<16xf32>
        %swap3A_870 = arith.constant 0 : i32
        %swap3A_871 = arith.constant 0 : i32
        %swap3A_872 = tpu.memref_slice %arg6[%scan3A_734, %swap3A_870, %swap3A_871] : memref<10x64x128xf32, #tpu.memory_space<vmem>> -> memref<1x64x128xf32, #tpu.memory_space<vmem>>
        %swap3A_873 = tpu.memref_squeeze %swap3A_872 : memref<1x64x128xf32, #tpu.memory_space<vmem>> -> memref<64x128xf32, #tpu.memory_space<vmem>>
        %swap3A_874 = arith.index_cast %scan3A_820 : i32 to index
        %swap3A_875 = arith.constant 32 : index
        %swap3A_876 = tpu.vector_load %swap3A_873[%swap3A_874, %swap3A_875] {strides = array<i32>} : memref<64x128xf32, #tpu.memory_space<vmem>>, vector<1x16xf32>,
        %swap3A_877 = vector.shape_cast %swap3A_876 : vector<1x16xf32> to vector<16xf32>
        %swap3A_878 = vector.shape_cast %mul3A_869 : vector<16xf32> to vector<1x16xf32>
        tpu.vector_store %swap3A_873[%swap3A_874, %swap3A_875], %swap3A_878 {strides = array<i32>} : memref<64x128xf32, #tpu.memory_space<vmem>>, vector<1x16xf32>,
        %get3A_879 = arith.constant 0 : i32
        %get3A_880 = arith.constant 0 : i32
        %get3A_881 = tpu.memref_slice %arg6[%scan3A_734, %get3A_879, %get3A_880] : memref<10x64x128xf32, #tpu.memory_space<vmem>> -> memref<1x64x128xf32, #tpu.memory_space<vmem>>
        %get3A_882 = tpu.memref_squeeze %get3A_881 : memref<1x64x128xf32, #tpu.memory_space<vmem>> -> memref<64x128xf32, #tpu.memory_space<vmem>>
        %get3A_883 = arith.index_cast %scan3A_820 : i32 to index
        %get3A_884 = arith.constant 48 : index
        %get3A_885 = tpu.vector_load %get3A_882[%get3A_883, %get3A_884] {strides = array<i32>} : memref<64x128xf32, #tpu.memory_space<vmem>>, vector<1x16xf32>,
        %get3A_886 = vector.shape_cast %get3A_885 : vector<1x16xf32> to vector<16xf32>
        %mul3A_887 = arith.constant 11.3137083 : f32
        %mul3A_888 = vector.broadcast %mul3A_887 : f32 to vector<16xf32>
        %mul3A_889 = arith.mulf %get3A_886, %mul3A_888 : vector<16xf32>
        %swap3A_890 = arith.constant 0 : i32
        %swap3A_891 = arith.constant 0 : i32
        %swap3A_892 = tpu.memref_slice %arg6[%scan3A_734, %swap3A_890, %swap3A_891] : memref<10x64x128xf32, #tpu.memory_space<vmem>> -> memref<1x64x128xf32, #tpu.memory_space<vmem>>
        %swap3A_893 = tpu.memref_squeeze %swap3A_892 : memref<1x64x128xf32, #tpu.memory_space<vmem>> -> memref<64x128xf32, #tpu.memory_space<vmem>>
        %swap3A_894 = arith.index_cast %scan3A_820 : i32 to index
        %swap3A_895 = arith.constant 48 : index
        %swap3A_896 = tpu.vector_load %swap3A_893[%swap3A_894, %swap3A_895] {strides = array<i32>} : memref<64x128xf32, #tpu.memory_space<vmem>>, vector<1x16xf32>,
        %swap3A_897 = vector.shape_cast %swap3A_896 : vector<1x16xf32> to vector<16xf32>
        %swap3A_898 = vector.shape_cast %mul3A_889 : vector<16xf32> to vector<1x16xf32>
        tpu.vector_store %swap3A_893[%swap3A_894, %swap3A_895], %swap3A_898 {strides = array<i32>} : memref<64x128xf32, #tpu.memory_space<vmem>>, vector<1x16xf32>,
        %get3A_899 = arith.constant 0 : i32
        %get3A_900 = arith.constant 0 : i32
        %get3A_901 = tpu.memref_slice %arg6[%scan3A_734, %get3A_899, %get3A_900] : memref<10x64x128xf32, #tpu.memory_space<vmem>> -> memref<1x64x128xf32, #tpu.memory_space<vmem>>
        %get3A_902 = tpu.memref_squeeze %get3A_901 : memref<1x64x128xf32, #tpu.memory_space<vmem>> -> memref<64x128xf32, #tpu.memory_space<vmem>>
        %get3A_903 = arith.index_cast %scan3A_820 : i32 to index
        %get3A_904 = arith.constant 64 : index
        %get3A_905 = tpu.vector_load %get3A_902[%get3A_903, %get3A_904] {strides = array<i32>} : memref<64x128xf32, #tpu.memory_space<vmem>>, vector<1x16xf32>,
        %get3A_906 = vector.shape_cast %get3A_905 : vector<1x16xf32> to vector<16xf32>
        %mul3A_907 = arith.constant 11.3137083 : f32
        %mul3A_908 = vector.broadcast %mul3A_907 : f32 to vector<16xf32>
        %mul3A_909 = arith.mulf %get3A_906, %mul3A_908 : vector<16xf32>
        %swap3A_910 = arith.constant 0 : i32
        %swap3A_911 = arith.constant 0 : i32
        %swap3A_912 = tpu.memref_slice %arg6[%scan3A_734, %swap3A_910, %swap3A_911] : memref<10x64x128xf32, #tpu.memory_space<vmem>> -> memref<1x64x128xf32, #tpu.memory_space<vmem>>
        %swap3A_913 = tpu.memref_squeeze %swap3A_912 : memref<1x64x128xf32, #tpu.memory_space<vmem>> -> memref<64x128xf32, #tpu.memory_space<vmem>>
        %swap3A_914 = arith.index_cast %scan3A_820 : i32 to index
        %swap3A_915 = arith.constant 64 : index
        %swap3A_916 = tpu.vector_load %swap3A_913[%swap3A_914, %swap3A_915] {strides = array<i32>} : memref<64x128xf32, #tpu.memory_space<vmem>>, vector<1x16xf32>,
        %swap3A_917 = vector.shape_cast %swap3A_916 : vector<1x16xf32> to vector<16xf32>
        %swap3A_918 = vector.shape_cast %mul3A_909 : vector<16xf32> to vector<1x16xf32>
        tpu.vector_store %swap3A_913[%swap3A_914, %swap3A_915], %swap3A_918 {strides = array<i32>} : memref<64x128xf32, #tpu.memory_space<vmem>>, vector<1x16xf32>,
        %get3A_919 = arith.constant 0 : i32
        %get3A_920 = arith.constant 0 : i32
        %get3A_921 = tpu.memref_slice %arg6[%scan3A_734, %get3A_919, %get3A_920] : memref<10x64x128xf32, #tpu.memory_space<vmem>> -> memref<1x64x128xf32, #tpu.memory_space<vmem>>
        %get3A_922 = tpu.memref_squeeze %get3A_921 : memref<1x64x128xf32, #tpu.memory_space<vmem>> -> memref<64x128xf32, #tpu.memory_space<vmem>>
        %get3A_923 = arith.index_cast %scan3A_820 : i32 to index
        %get3A_924 = arith.constant 80 : index
        %get3A_925 = tpu.vector_load %get3A_922[%get3A_923, %get3A_924] {strides = array<i32>} : memref<64x128xf32, #tpu.memory_space<vmem>>, vector<1x16xf32>,
        %get3A_926 = vector.shape_cast %get3A_925 : vector<1x16xf32> to vector<16xf32>
        %mul3A_927 = arith.constant 11.3137083 : f32
        %mul3A_928 = vector.broadcast %mul3A_927 : f32 to vector<16xf32>
        %mul3A_929 = arith.mulf %get3A_926, %mul3A_928 : vector<16xf32>
        %swap3A_930 = arith.constant 0 : i32
        %swap3A_931 = arith.constant 0 : i32
        %swap3A_932 = tpu.memref_slice %arg6[%scan3A_734, %swap3A_930, %swap3A_931] : memref<10x64x128xf32, #tpu.memory_space<vmem>> -> memref<1x64x128xf32, #tpu.memory_space<vmem>>
        %swap3A_933 = tpu.memref_squeeze %swap3A_932 : memref<1x64x128xf32, #tpu.memory_space<vmem>> -> memref<64x128xf32, #tpu.memory_space<vmem>>
        %swap3A_934 = arith.index_cast %scan3A_820 : i32 to index
        %swap3A_935 = arith.constant 80 : index
        %swap3A_936 = tpu.vector_load %swap3A_933[%swap3A_934, %swap3A_935] {strides = array<i32>} : memref<64x128xf32, #tpu.memory_space<vmem>>, vector<1x16xf32>,
        %swap3A_937 = vector.shape_cast %swap3A_936 : vector<1x16xf32> to vector<16xf32>
        %swap3A_938 = vector.shape_cast %mul3A_929 : vector<16xf32> to vector<1x16xf32>
        tpu.vector_store %swap3A_933[%swap3A_934, %swap3A_935], %swap3A_938 {strides = array<i32>} : memref<64x128xf32, #tpu.memory_space<vmem>>, vector<1x16xf32>,
        %get3A_939 = arith.constant 0 : i32
        %get3A_940 = arith.constant 0 : i32
        %get3A_941 = tpu.memref_slice %arg6[%scan3A_734, %get3A_939, %get3A_940] : memref<10x64x128xf32, #tpu.memory_space<vmem>> -> memref<1x64x128xf32, #tpu.memory_space<vmem>>
        %get3A_942 = tpu.memref_squeeze %get3A_941 : memref<1x64x128xf32, #tpu.memory_space<vmem>> -> memref<64x128xf32, #tpu.memory_space<vmem>>
        %get3A_943 = arith.index_cast %scan3A_820 : i32 to index
        %get3A_944 = arith.constant 96 : index
        %get3A_945 = tpu.vector_load %get3A_942[%get3A_943, %get3A_944] {strides = array<i32>} : memref<64x128xf32, #tpu.memory_space<vmem>>, vector<1x16xf32>,
        %get3A_946 = vector.shape_cast %get3A_945 : vector<1x16xf32> to vector<16xf32>
        %mul3A_947 = arith.constant 11.3137083 : f32
        %mul3A_948 = vector.broadcast %mul3A_947 : f32 to vector<16xf32>
        %mul3A_949 = arith.mulf %get3A_946, %mul3A_948 : vector<16xf32>
        %swap3A_950 = arith.constant 0 : i32
        %swap3A_951 = arith.constant 0 : i32
        %swap3A_952 = tpu.memref_slice %arg6[%scan3A_734, %swap3A_950, %swap3A_951] : memref<10x64x128xf32, #tpu.memory_space<vmem>> -> memref<1x64x128xf32, #tpu.memory_space<vmem>>
        %swap3A_953 = tpu.memref_squeeze %swap3A_952 : memref<1x64x128xf32, #tpu.memory_space<vmem>> -> memref<64x128xf32, #tpu.memory_space<vmem>>
        %swap3A_954 = arith.index_cast %scan3A_820 : i32 to index
        %swap3A_955 = arith.constant 96 : index
        %swap3A_956 = tpu.vector_load %swap3A_953[%swap3A_954, %swap3A_955] {strides = array<i32>} : memref<64x128xf32, #tpu.memory_space<vmem>>, vector<1x16xf32>,
        %swap3A_957 = vector.shape_cast %swap3A_956 : vector<1x16xf32> to vector<16xf32>
        %swap3A_958 = vector.shape_cast %mul3A_949 : vector<16xf32> to vector<1x16xf32>
        tpu.vector_store %swap3A_953[%swap3A_954, %swap3A_955], %swap3A_958 {strides = array<i32>} : memref<64x128xf32, #tpu.memory_space<vmem>>, vector<1x16xf32>,
        %get3A_959 = arith.constant 0 : i32
        %get3A_960 = arith.constant 0 : i32
        %get3A_961 = tpu.memref_slice %arg6[%scan3A_734, %get3A_959, %get3A_960] : memref<10x64x128xf32, #tpu.memory_space<vmem>> -> memref<1x64x128xf32, #tpu.memory_space<vmem>>
        %get3A_962 = tpu.memref_squeeze %get3A_961 : memref<1x64x128xf32, #tpu.memory_space<vmem>> -> memref<64x128xf32, #tpu.memory_space<vmem>>
        %get3A_963 = arith.index_cast %scan3A_820 : i32 to index
        %get3A_964 = arith.constant 112 : index
        %get3A_965 = tpu.vector_load %get3A_962[%get3A_963, %get3A_964] {strides = array<i32>} : memref<64x128xf32, #tpu.memory_space<vmem>>, vector<1x16xf32>,
        %get3A_966 = vector.shape_cast %get3A_965 : vector<1x16xf32> to vector<16xf32>
        %mul3A_967 = arith.constant 11.3137083 : f32
        %mul3A_968 = vector.broadcast %mul3A_967 : f32 to vector<16xf32>
        %mul3A_969 = arith.mulf %get3A_966, %mul3A_968 : vector<16xf32>
        %swap3A_970 = arith.constant 0 : i32
        %swap3A_971 = arith.constant 0 : i32
        %swap3A_972 = tpu.memref_slice %arg6[%scan3A_734, %swap3A_970, %swap3A_971] : memref<10x64x128xf32, #tpu.memory_space<vmem>> -> memref<1x64x128xf32, #tpu.memory_space<vmem>>
        %swap3A_973 = tpu.memref_squeeze %swap3A_972 : memref<1x64x128xf32, #tpu.memory_space<vmem>> -> memref<64x128xf32, #tpu.memory_space<vmem>>
        %swap3A_974 = arith.index_cast %scan3A_820 : i32 to index
        %swap3A_975 = arith.constant 112 : index
        %swap3A_976 = tpu.vector_load %swap3A_973[%swap3A_974, %swap3A_975] {strides = array<i32>} : memref<64x128xf32, #tpu.memory_space<vmem>>, vector<1x16xf32>,
        %swap3A_977 = vector.shape_cast %swap3A_976 : vector<1x16xf32> to vector<16xf32>
        %swap3A_978 = vector.shape_cast %mul3A_969 : vector<16xf32> to vector<1x16xf32>
        tpu.vector_store %swap3A_973[%swap3A_974, %swap3A_975], %swap3A_978 {strides = array<i32>} : memref<64x128xf32, #tpu.memory_space<vmem>>, vector<1x16xf32>,
      }
      %scan3A_739 = arith.constant 64 : i32
      %mul3A_740 = arith.constant 64 : i32
      %mul3A_741 = arith.muli %add3A_717, %mul3A_740 : i32
      %add3A_742 = arith.addi %mul3A_2, %mul3A_741 : i32
      %dma_start3A_743 = arith.constant 8 : i32
      %dma_start3A_744 = arith.constant 8 : i32
      %dma_start3A_745 = arith.constant 0 : i32
      %dma_start3A_746 = arith.constant 0 : i32
      %dma_start3A_747 = tpu.memref_slice %arg6[%dma_start3A_743, %dma_start3A_745, %dma_start3A_746] : memref<10x64x128xf32, #tpu.memory_space<vmem>> -> memref<1x64x128xf32, #tpu.memory_space<vmem>>
      %dma_start3A_748 = tpu.memref_squeeze %dma_start3A_747 : memref<1x64x128xf32, #tpu.memory_space<vmem>> -> memref<64x128xf32, #tpu.memory_space<vmem>>
      %dma_start3A_749 = arith.constant 0 : i32
      %dma_start3A_750 = tpu.memref_slice %arg4[%add3A_742, %dma_start3A_749] : memref<204800x128xf32, #tpu.memory_space<hbm>> -> memref<64x128xf32, #tpu.memory_space<hbm>>
      %dma_start3A_751 = tpu.memref_slice %arg8[%dma_start3A_744] : memref<10x!tpu.dma_semaphore, #tpu.memory_space<semaphore_mem>> -> memref<1x!tpu.dma_semaphore, #tpu.memory_space<semaphore_mem>>
      %dma_start3A_752 = tpu.memref_squeeze %dma_start3A_751 : memref<1x!tpu.dma_semaphore, #tpu.memory_space<semaphore_mem>> -> memref<!tpu.dma_semaphore, #tpu.memory_space<semaphore_mem>>
      %dma_start3A_753 = arith.constant 0 : i32
      %dma_start3A_754 = tpu.memref_slice %arg4[%add3A_742, %dma_start3A_753] : memref<204800x128xf32, #tpu.memory_space<hbm>> -> memref<64x128xf32, #tpu.memory_space<hbm>>
      %dma_start3A_755 = arith.constant 0 : i32
      %dma_start3A_756 = arith.constant 0 : i32
      %dma_start3A_757 = tpu.memref_slice %arg6[%dma_start3A_743, %dma_start3A_755, %dma_start3A_756] : memref<10x64x128xf32, #tpu.memory_space<vmem>> -> memref<1x64x128xf32, #tpu.memory_space<vmem>>
      %dma_start3A_758 = tpu.memref_squeeze %dma_start3A_757 : memref<1x64x128xf32, #tpu.memory_space<vmem>> -> memref<64x128xf32, #tpu.memory_space<vmem>>
      tpu.enqueue_dma source(%dma_start3A_758 : memref<64x128xf32, #tpu.memory_space<vmem>>) target(%dma_start3A_754 : memref<64x128xf32, #tpu.memory_space<hbm>>) target_semaphore(%dma_start3A_752 : memref<!tpu.dma_semaphore, #tpu.memory_space<semaphore_mem>>)
      %add3A_759 = arith.constant 10 : i32
      %add3A_760 = arith.addi %add3A_717, %add3A_759 : i32
      %sub3A_761 = arith.constant 1 : i32
      %sub3A_762 = arith.subi %add3A_760, %sub3A_761 : i32
      %lt3A_763 = arith.constant 100 : i32
      %lt3A_764 = arith.cmpi slt, %sub3A_762, %lt3A_763 : i32
      %convert_element_type3A_765 = arith.extui %lt3A_764 : i1 to i32
      %cond3A_766 = arith.constant 0 : i32
      %cond3A_767 = arith.cmpi ne, %convert_element_type3A_765, %cond3A_766 : i32
      scf.if %cond3A_767 {
        %gt3A = arith.constant 0 : i32
        %gt3A_820 = arith.cmpi sgt, %add3A_717, %gt3A : i32
        %convert_element_type3A_821 = arith.extui %gt3A_820 : i1 to i32
        %cond3A_822 = arith.constant 0 : i32
        %cond3A_823 = arith.cmpi ne, %convert_element_type3A_821, %cond3A_822 : i32
        scf.if %cond3A_823 {
          %dma_wait3A_838 = arith.constant 7 : i32
          %dma_wait3A_839 = arith.constant 7 : i32
          %dma_wait3A_840 = arith.constant 0 : i32
          %dma_wait3A_841 = arith.constant 0 : i32
          %dma_wait3A_842 = tpu.memref_slice %arg6[%dma_wait3A_838, %dma_wait3A_840, %dma_wait3A_841] : memref<10x64x128xf32, #tpu.memory_space<vmem>> -> memref<1x64x128xf32, #tpu.memory_space<vmem>>
          %dma_wait3A_843 = tpu.memref_squeeze %dma_wait3A_842 : memref<1x64x128xf32, #tpu.memory_space<vmem>> -> memref<64x128xf32, #tpu.memory_space<vmem>>
          %dma_wait3A_844 = arith.constant 0 : i32
          %dma_wait3A_845 = tpu.memref_slice %arg4[%mul3A_2, %dma_wait3A_844] : memref<204800x128xf32, #tpu.memory_space<hbm>> -> memref<64x128xf32, #tpu.memory_space<hbm>>
          %dma_wait3A_846 = tpu.memref_slice %arg8[%dma_wait3A_839] : memref<10x!tpu.dma_semaphore, #tpu.memory_space<semaphore_mem>> -> memref<1x!tpu.dma_semaphore, #tpu.memory_space<semaphore_mem>>
          %dma_wait3A_847 = tpu.memref_squeeze %dma_wait3A_846 : memref<1x!tpu.dma_semaphore, #tpu.memory_space<semaphore_mem>> -> memref<!tpu.dma_semaphore, #tpu.memory_space<semaphore_mem>>
          %dma_wait3A_848 = arith.constant 0 : i32
          %dma_wait3A_849 = tpu.memref_slice %arg4[%mul3A_2, %dma_wait3A_848] : memref<204800x128xf32, #tpu.memory_space<hbm>> -> memref<64x128xf32, #tpu.memory_space<hbm>>
          %dma_wait3A_850 = arith.constant 0 : i32
          %dma_wait3A_851 = arith.constant 0 : i32
          %dma_wait3A_852 = tpu.memref_slice %arg6[%dma_wait3A_838, %dma_wait3A_850, %dma_wait3A_851] : memref<10x64x128xf32, #tpu.memory_space<vmem>> -> memref<1x64x128xf32, #tpu.memory_space<vmem>>
          %dma_wait3A_853 = tpu.memref_squeeze %dma_wait3A_852 : memref<1x64x128xf32, #tpu.memory_space<vmem>> -> memref<64x128xf32, #tpu.memory_space<vmem>>
          tpu.wait_dma2 semaphore(%dma_wait3A_847 : memref<!tpu.dma_semaphore, #tpu.memory_space<semaphore_mem>>) src(%dma_wait3A_853 : memref<64x128xf32, #tpu.memory_space<vmem>>) dst(%dma_wait3A_849 : memref<64x128xf32, #tpu.memory_space<hbm>>)
        } else {
        }
        %dma_start3A_824 = arith.constant 7 : i32
        %dma_start3A_825 = arith.constant 7 : i32
        %dma_start3A_826 = arith.constant 0 : i32
        %dma_start3A_827 = arith.constant 0 : i32
        %dma_start3A_828 = tpu.memref_slice %arg6[%dma_start3A_824, %dma_start3A_826, %dma_start3A_827] : memref<10x64x128xf32, #tpu.memory_space<vmem>> -> memref<1x64x128xf32, #tpu.memory_space<vmem>>
        %dma_start3A_829 = tpu.memref_squeeze %dma_start3A_828 : memref<1x64x128xf32, #tpu.memory_space<vmem>> -> memref<64x128xf32, #tpu.memory_space<vmem>>
        %dma_start3A_830 = arith.constant 0 : i32
        %dma_start3A_831 = tpu.memref_slice %arg5[%sub3A_762, %dma_start3A_830] : memref<100x64xi32, #tpu.memory_space<vmem>> -> memref<1x64xi32, #tpu.memory_space<vmem>>
        %dma_start3A_832 = tpu.memref_squeeze %dma_start3A_831 : memref<1x64xi32, #tpu.memory_space<vmem>> -> memref<64xi32, #tpu.memory_space<vmem>>
        %dma_start3A_833 = arith.constant 0 : i32
        %dma_start3A_834 = arith.constant 0 : i32
        %dma_start3A_835 = tpu.memref_slice %arg2[%dma_start3A_833, %dma_start3A_834] : memref<100000x128xf32, #tpu.memory_space<hbm>> -> memref<100000x128xf32, #tpu.memory_space<hbm>>
        %dma_start3A_836 = tpu.memref_slice %arg7[%dma_start3A_825] : memref<10x!tpu.dma_semaphore, #tpu.memory_space<semaphore_mem>> -> memref<1x!tpu.dma_semaphore, #tpu.memory_space<semaphore_mem>>
        %dma_start3A_837 = tpu.memref_squeeze %dma_start3A_836 : memref<1x!tpu.dma_semaphore, #tpu.memory_space<semaphore_mem>> -> memref<!tpu.dma_semaphore, #tpu.memory_space<semaphore_mem>>
        tpu.enqueue_indirect_dma source(%dma_start3A_835 : memref<100000x128xf32, #tpu.memory_space<hbm>>) target(%dma_start3A_829 : memref<64x128xf32, #tpu.memory_space<vmem>>) offsets(%dma_start3A_832 : memref<64xi32, #tpu.memory_space<vmem>>) semaphore(%dma_start3A_837 : memref<!tpu.dma_semaphore, #tpu.memory_space<semaphore_mem>>)
      } else {
      }
      %add3A_768 = arith.constant 9 : i32
      %add3A_769 = arith.addi %mul3A_303, %add3A_768 : i32
      %dma_wait3A_770 = arith.constant 0 : i32
      %dma_wait3A_771 = arith.constant 9 : i32
      %dma_wait3A_772 = arith.constant 9 : i32
      %dma_wait3A_773 = arith.constant 0 : i32
      %dma_wait3A_774 = arith.constant 0 : i32
      %dma_wait3A_775 = tpu.memref_slice %arg6[%dma_wait3A_771, %dma_wait3A_773, %dma_wait3A_774] : memref<10x64x128xf32, #tpu.memory_space<vmem>> -> memref<1x64x128xf32, #tpu.memory_space<vmem>>
      %dma_wait3A_776 = tpu.memref_squeeze %dma_wait3A_775 : memref<1x64x128xf32, #tpu.memory_space<vmem>> -> memref<64x128xf32, #tpu.memory_space<vmem>>
      %dma_wait3A_777 = arith.constant 0 : i32
      %dma_wait3A_778 = tpu.memref_slice %arg5[%dma_wait3A_770, %dma_wait3A_777] : memref<100x64xi32, #tpu.memory_space<vmem>> -> memref<1x64xi32, #tpu.memory_space<vmem>>
      %dma_wait3A_779 = tpu.memref_squeeze %dma_wait3A_778 : memref<1x64xi32, #tpu.memory_space<vmem>> -> memref<64xi32, #tpu.memory_space<vmem>>
      %dma_wait3A_780 = arith.constant 0 : i32
      %dma_wait3A_781 = arith.constant 0 : i32
      %dma_wait3A_782 = tpu.memref_slice %arg2[%dma_wait3A_780, %dma_wait3A_781] : memref<100000x128xf32, #tpu.memory_space<hbm>> -> memref<100000x128xf32, #tpu.memory_space<hbm>>
      %dma_wait3A_783 = tpu.memref_slice %arg7[%dma_wait3A_772] : memref<10x!tpu.dma_semaphore, #tpu.memory_space<semaphore_mem>> -> memref<1x!tpu.dma_semaphore, #tpu.memory_space<semaphore_mem>>
      %dma_wait3A_784 = tpu.memref_squeeze %dma_wait3A_783 : memref<1x!tpu.dma_semaphore, #tpu.memory_space<semaphore_mem>> -> memref<!tpu.dma_semaphore, #tpu.memory_space<semaphore_mem>>
      tpu.wait_indirect_dma semaphore(%dma_wait3A_784 : memref<!tpu.dma_semaphore, #tpu.memory_space<semaphore_mem>>) src(%dma_wait3A_782 : memref<100000x128xf32, #tpu.memory_space<hbm>>) dst(%dma_wait3A_776 : memref<64x128xf32, #tpu.memory_space<vmem>>)
      %scan3A_785 = arith.constant 0 : i32
      %scan3A_786 = arith.constant 9 : i32
      %scan3A_787 = arith.constant 0 : i32
      %scan3A_788 = arith.constant 64 : i32
      %scan3A_789 = arith.addi %scan3A_787, %scan3A_788 : i32
      %scan3A_790 = arith.constant 1 : i32
      scf.for %scan3A_820 = %scan3A_787 to %scan3A_789 step %scan3A_790  : i32 {
        %get3A = arith.constant 0 : i32
        %get3A_821 = arith.constant 0 : i32
        %get3A_822 = tpu.memref_slice %arg6[%scan3A_786, %get3A, %get3A_821] : memref<10x64x128xf32, #tpu.memory_space<vmem>> -> memref<1x64x128xf32, #tpu.memory_space<vmem>>
        %get3A_823 = tpu.memref_squeeze %get3A_822 : memref<1x64x128xf32, #tpu.memory_space<vmem>> -> memref<64x128xf32, #tpu.memory_space<vmem>>
        %get3A_824 = arith.index_cast %scan3A_820 : i32 to index
        %get3A_825 = arith.constant 0 : index
        %get3A_826 = tpu.vector_load %get3A_823[%get3A_824, %get3A_825] {strides = array<i32>} : memref<64x128xf32, #tpu.memory_space<vmem>>, vector<1x16xf32>,
        %get3A_827 = vector.shape_cast %get3A_826 : vector<1x16xf32> to vector<16xf32>
        %mul3A_828 = arith.constant 11.3137083 : f32
        %mul3A_829 = vector.broadcast %mul3A_828 : f32 to vector<16xf32>
        %mul3A_830 = arith.mulf %get3A_827, %mul3A_829 : vector<16xf32>
        %swap3A = arith.constant 0 : i32
        %swap3A_831 = arith.constant 0 : i32
        %swap3A_832 = tpu.memref_slice %arg6[%scan3A_786, %swap3A, %swap3A_831] : memref<10x64x128xf32, #tpu.memory_space<vmem>> -> memref<1x64x128xf32, #tpu.memory_space<vmem>>
        %swap3A_833 = tpu.memref_squeeze %swap3A_832 : memref<1x64x128xf32, #tpu.memory_space<vmem>> -> memref<64x128xf32, #tpu.memory_space<vmem>>
        %swap3A_834 = arith.index_cast %scan3A_820 : i32 to index
        %swap3A_835 = arith.constant 0 : index
        %swap3A_836 = tpu.vector_load %swap3A_833[%swap3A_834, %swap3A_835] {strides = array<i32>} : memref<64x128xf32, #tpu.memory_space<vmem>>, vector<1x16xf32>,
        %swap3A_837 = vector.shape_cast %swap3A_836 : vector<1x16xf32> to vector<16xf32>
        %swap3A_838 = vector.shape_cast %mul3A_830 : vector<16xf32> to vector<1x16xf32>
        tpu.vector_store %swap3A_833[%swap3A_834, %swap3A_835], %swap3A_838 {strides = array<i32>} : memref<64x128xf32, #tpu.memory_space<vmem>>, vector<1x16xf32>,
        %get3A_839 = arith.constant 0 : i32
        %get3A_840 = arith.constant 0 : i32
        %get3A_841 = tpu.memref_slice %arg6[%scan3A_786, %get3A_839, %get3A_840] : memref<10x64x128xf32, #tpu.memory_space<vmem>> -> memref<1x64x128xf32, #tpu.memory_space<vmem>>
        %get3A_842 = tpu.memref_squeeze %get3A_841 : memref<1x64x128xf32, #tpu.memory_space<vmem>> -> memref<64x128xf32, #tpu.memory_space<vmem>>
        %get3A_843 = arith.index_cast %scan3A_820 : i32 to index
        %get3A_844 = arith.constant 16 : index
        %get3A_845 = tpu.vector_load %get3A_842[%get3A_843, %get3A_844] {strides = array<i32>} : memref<64x128xf32, #tpu.memory_space<vmem>>, vector<1x16xf32>,
        %get3A_846 = vector.shape_cast %get3A_845 : vector<1x16xf32> to vector<16xf32>
        %mul3A_847 = arith.constant 11.3137083 : f32
        %mul3A_848 = vector.broadcast %mul3A_847 : f32 to vector<16xf32>
        %mul3A_849 = arith.mulf %get3A_846, %mul3A_848 : vector<16xf32>
        %swap3A_850 = arith.constant 0 : i32
        %swap3A_851 = arith.constant 0 : i32
        %swap3A_852 = tpu.memref_slice %arg6[%scan3A_786, %swap3A_850, %swap3A_851] : memref<10x64x128xf32, #tpu.memory_space<vmem>> -> memref<1x64x128xf32, #tpu.memory_space<vmem>>
        %swap3A_853 = tpu.memref_squeeze %swap3A_852 : memref<1x64x128xf32, #tpu.memory_space<vmem>> -> memref<64x128xf32, #tpu.memory_space<vmem>>
        %swap3A_854 = arith.index_cast %scan3A_820 : i32 to index
        %swap3A_855 = arith.constant 16 : index
        %swap3A_856 = tpu.vector_load %swap3A_853[%swap3A_854, %swap3A_855] {strides = array<i32>} : memref<64x128xf32, #tpu.memory_space<vmem>>, vector<1x16xf32>,
        %swap3A_857 = vector.shape_cast %swap3A_856 : vector<1x16xf32> to vector<16xf32>
        %swap3A_858 = vector.shape_cast %mul3A_849 : vector<16xf32> to vector<1x16xf32>
        tpu.vector_store %swap3A_853[%swap3A_854, %swap3A_855], %swap3A_858 {strides = array<i32>} : memref<64x128xf32, #tpu.memory_space<vmem>>, vector<1x16xf32>,
        %get3A_859 = arith.constant 0 : i32
        %get3A_860 = arith.constant 0 : i32
        %get3A_861 = tpu.memref_slice %arg6[%scan3A_786, %get3A_859, %get3A_860] : memref<10x64x128xf32, #tpu.memory_space<vmem>> -> memref<1x64x128xf32, #tpu.memory_space<vmem>>
        %get3A_862 = tpu.memref_squeeze %get3A_861 : memref<1x64x128xf32, #tpu.memory_space<vmem>> -> memref<64x128xf32, #tpu.memory_space<vmem>>
        %get3A_863 = arith.index_cast %scan3A_820 : i32 to index
        %get3A_864 = arith.constant 32 : index
        %get3A_865 = tpu.vector_load %get3A_862[%get3A_863, %get3A_864] {strides = array<i32>} : memref<64x128xf32, #tpu.memory_space<vmem>>, vector<1x16xf32>,
        %get3A_866 = vector.shape_cast %get3A_865 : vector<1x16xf32> to vector<16xf32>
        %mul3A_867 = arith.constant 11.3137083 : f32
        %mul3A_868 = vector.broadcast %mul3A_867 : f32 to vector<16xf32>
        %mul3A_869 = arith.mulf %get3A_866, %mul3A_868 : vector<16xf32>
        %swap3A_870 = arith.constant 0 : i32
        %swap3A_871 = arith.constant 0 : i32
        %swap3A_872 = tpu.memref_slice %arg6[%scan3A_786, %swap3A_870, %swap3A_871] : memref<10x64x128xf32, #tpu.memory_space<vmem>> -> memref<1x64x128xf32, #tpu.memory_space<vmem>>
        %swap3A_873 = tpu.memref_squeeze %swap3A_872 : memref<1x64x128xf32, #tpu.memory_space<vmem>> -> memref<64x128xf32, #tpu.memory_space<vmem>>
        %swap3A_874 = arith.index_cast %scan3A_820 : i32 to index
        %swap3A_875 = arith.constant 32 : index
        %swap3A_876 = tpu.vector_load %swap3A_873[%swap3A_874, %swap3A_875] {strides = array<i32>} : memref<64x128xf32, #tpu.memory_space<vmem>>, vector<1x16xf32>,
        %swap3A_877 = vector.shape_cast %swap3A_876 : vector<1x16xf32> to vector<16xf32>
        %swap3A_878 = vector.shape_cast %mul3A_869 : vector<16xf32> to vector<1x16xf32>
        tpu.vector_store %swap3A_873[%swap3A_874, %swap3A_875], %swap3A_878 {strides = array<i32>} : memref<64x128xf32, #tpu.memory_space<vmem>>, vector<1x16xf32>,
        %get3A_879 = arith.constant 0 : i32
        %get3A_880 = arith.constant 0 : i32
        %get3A_881 = tpu.memref_slice %arg6[%scan3A_786, %get3A_879, %get3A_880] : memref<10x64x128xf32, #tpu.memory_space<vmem>> -> memref<1x64x128xf32, #tpu.memory_space<vmem>>
        %get3A_882 = tpu.memref_squeeze %get3A_881 : memref<1x64x128xf32, #tpu.memory_space<vmem>> -> memref<64x128xf32, #tpu.memory_space<vmem>>
        %get3A_883 = arith.index_cast %scan3A_820 : i32 to index
        %get3A_884 = arith.constant 48 : index
        %get3A_885 = tpu.vector_load %get3A_882[%get3A_883, %get3A_884] {strides = array<i32>} : memref<64x128xf32, #tpu.memory_space<vmem>>, vector<1x16xf32>,
        %get3A_886 = vector.shape_cast %get3A_885 : vector<1x16xf32> to vector<16xf32>
        %mul3A_887 = arith.constant 11.3137083 : f32
        %mul3A_888 = vector.broadcast %mul3A_887 : f32 to vector<16xf32>
        %mul3A_889 = arith.mulf %get3A_886, %mul3A_888 : vector<16xf32>
        %swap3A_890 = arith.constant 0 : i32
        %swap3A_891 = arith.constant 0 : i32
        %swap3A_892 = tpu.memref_slice %arg6[%scan3A_786, %swap3A_890, %swap3A_891] : memref<10x64x128xf32, #tpu.memory_space<vmem>> -> memref<1x64x128xf32, #tpu.memory_space<vmem>>
        %swap3A_893 = tpu.memref_squeeze %swap3A_892 : memref<1x64x128xf32, #tpu.memory_space<vmem>> -> memref<64x128xf32, #tpu.memory_space<vmem>>
        %swap3A_894 = arith.index_cast %scan3A_820 : i32 to index
        %swap3A_895 = arith.constant 48 : index
        %swap3A_896 = tpu.vector_load %swap3A_893[%swap3A_894, %swap3A_895] {strides = array<i32>} : memref<64x128xf32, #tpu.memory_space<vmem>>, vector<1x16xf32>,
        %swap3A_897 = vector.shape_cast %swap3A_896 : vector<1x16xf32> to vector<16xf32>
        %swap3A_898 = vector.shape_cast %mul3A_889 : vector<16xf32> to vector<1x16xf32>
        tpu.vector_store %swap3A_893[%swap3A_894, %swap3A_895], %swap3A_898 {strides = array<i32>} : memref<64x128xf32, #tpu.memory_space<vmem>>, vector<1x16xf32>,
        %get3A_899 = arith.constant 0 : i32
        %get3A_900 = arith.constant 0 : i32
        %get3A_901 = tpu.memref_slice %arg6[%scan3A_786, %get3A_899, %get3A_900] : memref<10x64x128xf32, #tpu.memory_space<vmem>> -> memref<1x64x128xf32, #tpu.memory_space<vmem>>
        %get3A_902 = tpu.memref_squeeze %get3A_901 : memref<1x64x128xf32, #tpu.memory_space<vmem>> -> memref<64x128xf32, #tpu.memory_space<vmem>>
        %get3A_903 = arith.index_cast %scan3A_820 : i32 to index
        %get3A_904 = arith.constant 64 : index
        %get3A_905 = tpu.vector_load %get3A_902[%get3A_903, %get3A_904] {strides = array<i32>} : memref<64x128xf32, #tpu.memory_space<vmem>>, vector<1x16xf32>,
        %get3A_906 = vector.shape_cast %get3A_905 : vector<1x16xf32> to vector<16xf32>
        %mul3A_907 = arith.constant 11.3137083 : f32
        %mul3A_908 = vector.broadcast %mul3A_907 : f32 to vector<16xf32>
        %mul3A_909 = arith.mulf %get3A_906, %mul3A_908 : vector<16xf32>
        %swap3A_910 = arith.constant 0 : i32
        %swap3A_911 = arith.constant 0 : i32
        %swap3A_912 = tpu.memref_slice %arg6[%scan3A_786, %swap3A_910, %swap3A_911] : memref<10x64x128xf32, #tpu.memory_space<vmem>> -> memref<1x64x128xf32, #tpu.memory_space<vmem>>
        %swap3A_913 = tpu.memref_squeeze %swap3A_912 : memref<1x64x128xf32, #tpu.memory_space<vmem>> -> memref<64x128xf32, #tpu.memory_space<vmem>>
        %swap3A_914 = arith.index_cast %scan3A_820 : i32 to index
        %swap3A_915 = arith.constant 64 : index
        %swap3A_916 = tpu.vector_load %swap3A_913[%swap3A_914, %swap3A_915] {strides = array<i32>} : memref<64x128xf32, #tpu.memory_space<vmem>>, vector<1x16xf32>,
        %swap3A_917 = vector.shape_cast %swap3A_916 : vector<1x16xf32> to vector<16xf32>
        %swap3A_918 = vector.shape_cast %mul3A_909 : vector<16xf32> to vector<1x16xf32>
        tpu.vector_store %swap3A_913[%swap3A_914, %swap3A_915], %swap3A_918 {strides = array<i32>} : memref<64x128xf32, #tpu.memory_space<vmem>>, vector<1x16xf32>,
        %get3A_919 = arith.constant 0 : i32
        %get3A_920 = arith.constant 0 : i32
        %get3A_921 = tpu.memref_slice %arg6[%scan3A_786, %get3A_919, %get3A_920] : memref<10x64x128xf32, #tpu.memory_space<vmem>> -> memref<1x64x128xf32, #tpu.memory_space<vmem>>
        %get3A_922 = tpu.memref_squeeze %get3A_921 : memref<1x64x128xf32, #tpu.memory_space<vmem>> -> memref<64x128xf32, #tpu.memory_space<vmem>>
        %get3A_923 = arith.index_cast %scan3A_820 : i32 to index
        %get3A_924 = arith.constant 80 : index
        %get3A_925 = tpu.vector_load %get3A_922[%get3A_923, %get3A_924] {strides = array<i32>} : memref<64x128xf32, #tpu.memory_space<vmem>>, vector<1x16xf32>,
        %get3A_926 = vector.shape_cast %get3A_925 : vector<1x16xf32> to vector<16xf32>
        %mul3A_927 = arith.constant 11.3137083 : f32
        %mul3A_928 = vector.broadcast %mul3A_927 : f32 to vector<16xf32>
        %mul3A_929 = arith.mulf %get3A_926, %mul3A_928 : vector<16xf32>
        %swap3A_930 = arith.constant 0 : i32
        %swap3A_931 = arith.constant 0 : i32
        %swap3A_932 = tpu.memref_slice %arg6[%scan3A_786, %swap3A_930, %swap3A_931] : memref<10x64x128xf32, #tpu.memory_space<vmem>> -> memref<1x64x128xf32, #tpu.memory_space<vmem>>
        %swap3A_933 = tpu.memref_squeeze %swap3A_932 : memref<1x64x128xf32, #tpu.memory_space<vmem>> -> memref<64x128xf32, #tpu.memory_space<vmem>>
        %swap3A_934 = arith.index_cast %scan3A_820 : i32 to index
        %swap3A_935 = arith.constant 80 : index
        %swap3A_936 = tpu.vector_load %swap3A_933[%swap3A_934, %swap3A_935] {strides = array<i32>} : memref<64x128xf32, #tpu.memory_space<vmem>>, vector<1x16xf32>,
        %swap3A_937 = vector.shape_cast %swap3A_936 : vector<1x16xf32> to vector<16xf32>
        %swap3A_938 = vector.shape_cast %mul3A_929 : vector<16xf32> to vector<1x16xf32>
        tpu.vector_store %swap3A_933[%swap3A_934, %swap3A_935], %swap3A_938 {strides = array<i32>} : memref<64x128xf32, #tpu.memory_space<vmem>>, vector<1x16xf32>,
        %get3A_939 = arith.constant 0 : i32
        %get3A_940 = arith.constant 0 : i32
        %get3A_941 = tpu.memref_slice %arg6[%scan3A_786, %get3A_939, %get3A_940] : memref<10x64x128xf32, #tpu.memory_space<vmem>> -> memref<1x64x128xf32, #tpu.memory_space<vmem>>
        %get3A_942 = tpu.memref_squeeze %get3A_941 : memref<1x64x128xf32, #tpu.memory_space<vmem>> -> memref<64x128xf32, #tpu.memory_space<vmem>>
        %get3A_943 = arith.index_cast %scan3A_820 : i32 to index
        %get3A_944 = arith.constant 96 : index
        %get3A_945 = tpu.vector_load %get3A_942[%get3A_943, %get3A_944] {strides = array<i32>} : memref<64x128xf32, #tpu.memory_space<vmem>>, vector<1x16xf32>,
        %get3A_946 = vector.shape_cast %get3A_945 : vector<1x16xf32> to vector<16xf32>
        %mul3A_947 = arith.constant 11.3137083 : f32
        %mul3A_948 = vector.broadcast %mul3A_947 : f32 to vector<16xf32>
        %mul3A_949 = arith.mulf %get3A_946, %mul3A_948 : vector<16xf32>
        %swap3A_950 = arith.constant 0 : i32
        %swap3A_951 = arith.constant 0 : i32
        %swap3A_952 = tpu.memref_slice %arg6[%scan3A_786, %swap3A_950, %swap3A_951] : memref<10x64x128xf32, #tpu.memory_space<vmem>> -> memref<1x64x128xf32, #tpu.memory_space<vmem>>
        %swap3A_953 = tpu.memref_squeeze %swap3A_952 : memref<1x64x128xf32, #tpu.memory_space<vmem>> -> memref<64x128xf32, #tpu.memory_space<vmem>>
        %swap3A_954 = arith.index_cast %scan3A_820 : i32 to index
        %swap3A_955 = arith.constant 96 : index
        %swap3A_956 = tpu.vector_load %swap3A_953[%swap3A_954, %swap3A_955] {strides = array<i32>} : memref<64x128xf32, #tpu.memory_space<vmem>>, vector<1x16xf32>,
        %swap3A_957 = vector.shape_cast %swap3A_956 : vector<1x16xf32> to vector<16xf32>
        %swap3A_958 = vector.shape_cast %mul3A_949 : vector<16xf32> to vector<1x16xf32>
        tpu.vector_store %swap3A_953[%swap3A_954, %swap3A_955], %swap3A_958 {strides = array<i32>} : memref<64x128xf32, #tpu.memory_space<vmem>>, vector<1x16xf32>,
        %get3A_959 = arith.constant 0 : i32
        %get3A_960 = arith.constant 0 : i32
        %get3A_961 = tpu.memref_slice %arg6[%scan3A_786, %get3A_959, %get3A_960] : memref<10x64x128xf32, #tpu.memory_space<vmem>> -> memref<1x64x128xf32, #tpu.memory_space<vmem>>
        %get3A_962 = tpu.memref_squeeze %get3A_961 : memref<1x64x128xf32, #tpu.memory_space<vmem>> -> memref<64x128xf32, #tpu.memory_space<vmem>>
        %get3A_963 = arith.index_cast %scan3A_820 : i32 to index
        %get3A_964 = arith.constant 112 : index
        %get3A_965 = tpu.vector_load %get3A_962[%get3A_963, %get3A_964] {strides = array<i32>} : memref<64x128xf32, #tpu.memory_space<vmem>>, vector<1x16xf32>,
        %get3A_966 = vector.shape_cast %get3A_965 : vector<1x16xf32> to vector<16xf32>
        %mul3A_967 = arith.constant 11.3137083 : f32
        %mul3A_968 = vector.broadcast %mul3A_967 : f32 to vector<16xf32>
        %mul3A_969 = arith.mulf %get3A_966, %mul3A_968 : vector<16xf32>
        %swap3A_970 = arith.constant 0 : i32
        %swap3A_971 = arith.constant 0 : i32
        %swap3A_972 = tpu.memref_slice %arg6[%scan3A_786, %swap3A_970, %swap3A_971] : memref<10x64x128xf32, #tpu.memory_space<vmem>> -> memref<1x64x128xf32, #tpu.memory_space<vmem>>
        %swap3A_973 = tpu.memref_squeeze %swap3A_972 : memref<1x64x128xf32, #tpu.memory_space<vmem>> -> memref<64x128xf32, #tpu.memory_space<vmem>>
        %swap3A_974 = arith.index_cast %scan3A_820 : i32 to index
        %swap3A_975 = arith.constant 112 : index
        %swap3A_976 = tpu.vector_load %swap3A_973[%swap3A_974, %swap3A_975] {strides = array<i32>} : memref<64x128xf32, #tpu.memory_space<vmem>>, vector<1x16xf32>,
        %swap3A_977 = vector.shape_cast %swap3A_976 : vector<1x16xf32> to vector<16xf32>
        %swap3A_978 = vector.shape_cast %mul3A_969 : vector<16xf32> to vector<1x16xf32>
        tpu.vector_store %swap3A_973[%swap3A_974, %swap3A_975], %swap3A_978 {strides = array<i32>} : memref<64x128xf32, #tpu.memory_space<vmem>>, vector<1x16xf32>,
      }
      %scan3A_791 = arith.constant 64 : i32
      %mul3A_792 = arith.constant 64 : i32
      %mul3A_793 = arith.muli %add3A_769, %mul3A_792 : i32
      %add3A_794 = arith.addi %mul3A_2, %mul3A_793 : i32
      %dma_start3A_795 = arith.constant 9 : i32
      %dma_start3A_796 = arith.constant 9 : i32
      %dma_start3A_797 = arith.constant 0 : i32
      %dma_start3A_798 = arith.constant 0 : i32
      %dma_start3A_799 = tpu.memref_slice %arg6[%dma_start3A_795, %dma_start3A_797, %dma_start3A_798] : memref<10x64x128xf32, #tpu.memory_space<vmem>> -> memref<1x64x128xf32, #tpu.memory_space<vmem>>
      %dma_start3A_800 = tpu.memref_squeeze %dma_start3A_799 : memref<1x64x128xf32, #tpu.memory_space<vmem>> -> memref<64x128xf32, #tpu.memory_space<vmem>>
      %dma_start3A_801 = arith.constant 0 : i32
      %dma_start3A_802 = tpu.memref_slice %arg4[%add3A_794, %dma_start3A_801] : memref<204800x128xf32, #tpu.memory_space<hbm>> -> memref<64x128xf32, #tpu.memory_space<hbm>>
      %dma_start3A_803 = tpu.memref_slice %arg8[%dma_start3A_796] : memref<10x!tpu.dma_semaphore, #tpu.memory_space<semaphore_mem>> -> memref<1x!tpu.dma_semaphore, #tpu.memory_space<semaphore_mem>>
      %dma_start3A_804 = tpu.memref_squeeze %dma_start3A_803 : memref<1x!tpu.dma_semaphore, #tpu.memory_space<semaphore_mem>> -> memref<!tpu.dma_semaphore, #tpu.memory_space<semaphore_mem>>
      %dma_start3A_805 = arith.constant 0 : i32
      %dma_start3A_806 = tpu.memref_slice %arg4[%add3A_794, %dma_start3A_805] : memref<204800x128xf32, #tpu.memory_space<hbm>> -> memref<64x128xf32, #tpu.memory_space<hbm>>
      %dma_start3A_807 = arith.constant 0 : i32
      %dma_start3A_808 = arith.constant 0 : i32
      %dma_start3A_809 = tpu.memref_slice %arg6[%dma_start3A_795, %dma_start3A_807, %dma_start3A_808] : memref<10x64x128xf32, #tpu.memory_space<vmem>> -> memref<1x64x128xf32, #tpu.memory_space<vmem>>
      %dma_start3A_810 = tpu.memref_squeeze %dma_start3A_809 : memref<1x64x128xf32, #tpu.memory_space<vmem>> -> memref<64x128xf32, #tpu.memory_space<vmem>>
      tpu.enqueue_dma source(%dma_start3A_810 : memref<64x128xf32, #tpu.memory_space<vmem>>) target(%dma_start3A_806 : memref<64x128xf32, #tpu.memory_space<hbm>>) target_semaphore(%dma_start3A_804 : memref<!tpu.dma_semaphore, #tpu.memory_space<semaphore_mem>>)
      %add3A_811 = arith.constant 10 : i32
      %add3A_812 = arith.addi %add3A_769, %add3A_811 : i32
      %sub3A_813 = arith.constant 1 : i32
      %sub3A_814 = arith.subi %add3A_812, %sub3A_813 : i32
      %lt3A_815 = arith.constant 100 : i32
      %lt3A_816 = arith.cmpi slt, %sub3A_814, %lt3A_815 : i32
      %convert_element_type3A_817 = arith.extui %lt3A_816 : i1 to i32
      %cond3A_818 = arith.constant 0 : i32
      %cond3A_819 = arith.cmpi ne, %convert_element_type3A_817, %cond3A_818 : i32
      scf.if %cond3A_819 {
        %gt3A = arith.constant 0 : i32
        %gt3A_820 = arith.cmpi sgt, %add3A_769, %gt3A : i32
        %convert_element_type3A_821 = arith.extui %gt3A_820 : i1 to i32
        %cond3A_822 = arith.constant 0 : i32
        %cond3A_823 = arith.cmpi ne, %convert_element_type3A_821, %cond3A_822 : i32
        scf.if %cond3A_823 {
          %dma_wait3A_838 = arith.constant 8 : i32
          %dma_wait3A_839 = arith.constant 8 : i32
          %dma_wait3A_840 = arith.constant 0 : i32
          %dma_wait3A_841 = arith.constant 0 : i32
          %dma_wait3A_842 = tpu.memref_slice %arg6[%dma_wait3A_838, %dma_wait3A_840, %dma_wait3A_841] : memref<10x64x128xf32, #tpu.memory_space<vmem>> -> memref<1x64x128xf32, #tpu.memory_space<vmem>>
          %dma_wait3A_843 = tpu.memref_squeeze %dma_wait3A_842 : memref<1x64x128xf32, #tpu.memory_space<vmem>> -> memref<64x128xf32, #tpu.memory_space<vmem>>
          %dma_wait3A_844 = arith.constant 0 : i32
          %dma_wait3A_845 = tpu.memref_slice %arg4[%mul3A_2, %dma_wait3A_844] : memref<204800x128xf32, #tpu.memory_space<hbm>> -> memref<64x128xf32, #tpu.memory_space<hbm>>
          %dma_wait3A_846 = tpu.memref_slice %arg8[%dma_wait3A_839] : memref<10x!tpu.dma_semaphore, #tpu.memory_space<semaphore_mem>> -> memref<1x!tpu.dma_semaphore, #tpu.memory_space<semaphore_mem>>
          %dma_wait3A_847 = tpu.memref_squeeze %dma_wait3A_846 : memref<1x!tpu.dma_semaphore, #tpu.memory_space<semaphore_mem>> -> memref<!tpu.dma_semaphore, #tpu.memory_space<semaphore_mem>>
          %dma_wait3A_848 = arith.constant 0 : i32
          %dma_wait3A_849 = tpu.memref_slice %arg4[%mul3A_2, %dma_wait3A_848] : memref<204800x128xf32, #tpu.memory_space<hbm>> -> memref<64x128xf32, #tpu.memory_space<hbm>>
          %dma_wait3A_850 = arith.constant 0 : i32
          %dma_wait3A_851 = arith.constant 0 : i32
          %dma_wait3A_852 = tpu.memref_slice %arg6[%dma_wait3A_838, %dma_wait3A_850, %dma_wait3A_851] : memref<10x64x128xf32, #tpu.memory_space<vmem>> -> memref<1x64x128xf32, #tpu.memory_space<vmem>>
          %dma_wait3A_853 = tpu.memref_squeeze %dma_wait3A_852 : memref<1x64x128xf32, #tpu.memory_space<vmem>> -> memref<64x128xf32, #tpu.memory_space<vmem>>
          tpu.wait_dma2 semaphore(%dma_wait3A_847 : memref<!tpu.dma_semaphore, #tpu.memory_space<semaphore_mem>>) src(%dma_wait3A_853 : memref<64x128xf32, #tpu.memory_space<vmem>>) dst(%dma_wait3A_849 : memref<64x128xf32, #tpu.memory_space<hbm>>)
        } else {
        }
        %dma_start3A_824 = arith.constant 8 : i32
        %dma_start3A_825 = arith.constant 8 : i32
        %dma_start3A_826 = arith.constant 0 : i32
        %dma_start3A_827 = arith.constant 0 : i32
        %dma_start3A_828 = tpu.memref_slice %arg6[%dma_start3A_824, %dma_start3A_826, %dma_start3A_827] : memref<10x64x128xf32, #tpu.memory_space<vmem>> -> memref<1x64x128xf32, #tpu.memory_space<vmem>>
        %dma_start3A_829 = tpu.memref_squeeze %dma_start3A_828 : memref<1x64x128xf32, #tpu.memory_space<vmem>> -> memref<64x128xf32, #tpu.memory_space<vmem>>
        %dma_start3A_830 = arith.constant 0 : i32
        %dma_start3A_831 = tpu.memref_slice %arg5[%sub3A_814, %dma_start3A_830] : memref<100x64xi32, #tpu.memory_space<vmem>> -> memref<1x64xi32, #tpu.memory_space<vmem>>
        %dma_start3A_832 = tpu.memref_squeeze %dma_start3A_831 : memref<1x64xi32, #tpu.memory_space<vmem>> -> memref<64xi32, #tpu.memory_space<vmem>>
        %dma_start3A_833 = arith.constant 0 : i32
        %dma_start3A_834 = arith.constant 0 : i32
        %dma_start3A_835 = tpu.memref_slice %arg2[%dma_start3A_833, %dma_start3A_834] : memref<100000x128xf32, #tpu.memory_space<hbm>> -> memref<100000x128xf32, #tpu.memory_space<hbm>>
        %dma_start3A_836 = tpu.memref_slice %arg7[%dma_start3A_825] : memref<10x!tpu.dma_semaphore, #tpu.memory_space<semaphore_mem>> -> memref<1x!tpu.dma_semaphore, #tpu.memory_space<semaphore_mem>>
        %dma_start3A_837 = tpu.memref_squeeze %dma_start3A_836 : memref<1x!tpu.dma_semaphore, #tpu.memory_space<semaphore_mem>> -> memref<!tpu.dma_semaphore, #tpu.memory_space<semaphore_mem>>
        tpu.enqueue_indirect_dma source(%dma_start3A_835 : memref<100000x128xf32, #tpu.memory_space<hbm>>) target(%dma_start3A_829 : memref<64x128xf32, #tpu.memory_space<vmem>>) offsets(%dma_start3A_832 : memref<64xi32, #tpu.memory_space<vmem>>) semaphore(%dma_start3A_837 : memref<!tpu.dma_semaphore, #tpu.memory_space<semaphore_mem>>)
      } else {
      }
    }
    %scan3A_141 = arith.constant 10 : i32
    %dma_wait3A = arith.constant 0 : i32
    %dma_wait3A_142 = arith.constant 0 : i32
    %dma_wait3A_143 = arith.constant 0 : i32
    %dma_wait3A_144 = arith.constant 0 : i32
    %dma_wait3A_145 = tpu.memref_slice %arg6[%dma_wait3A, %dma_wait3A_143, %dma_wait3A_144] : memref<10x64x128xf32, #tpu.memory_space<vmem>> -> memref<1x64x128xf32, #tpu.memory_space<vmem>>
    %dma_wait3A_146 = tpu.memref_squeeze %dma_wait3A_145 : memref<1x64x128xf32, #tpu.memory_space<vmem>> -> memref<64x128xf32, #tpu.memory_space<vmem>>
    %dma_wait3A_147 = arith.constant 0 : i32
    %dma_wait3A_148 = tpu.memref_slice %arg4[%mul3A_2, %dma_wait3A_147] : memref<204800x128xf32, #tpu.memory_space<hbm>> -> memref<64x128xf32, #tpu.memory_space<hbm>>
    %dma_wait3A_149 = tpu.memref_slice %arg8[%dma_wait3A_142] : memref<10x!tpu.dma_semaphore, #tpu.memory_space<semaphore_mem>> -> memref<1x!tpu.dma_semaphore, #tpu.memory_space<semaphore_mem>>
    %dma_wait3A_150 = tpu.memref_squeeze %dma_wait3A_149 : memref<1x!tpu.dma_semaphore, #tpu.memory_space<semaphore_mem>> -> memref<!tpu.dma_semaphore, #tpu.memory_space<semaphore_mem>>
    %dma_wait3A_151 = arith.constant 0 : i32
    %dma_wait3A_152 = tpu.memref_slice %arg4[%mul3A_2, %dma_wait3A_151] : memref<204800x128xf32, #tpu.memory_space<hbm>> -> memref<64x128xf32, #tpu.memory_space<hbm>>
    %dma_wait3A_153 = arith.constant 0 : i32
    %dma_wait3A_154 = arith.constant 0 : i32
    %dma_wait3A_155 = tpu.memref_slice %arg6[%dma_wait3A, %dma_wait3A_153, %dma_wait3A_154] : memref<10x64x128xf32, #tpu.memory_space<vmem>> -> memref<1x64x128xf32, #tpu.memory_space<vmem>>
    %dma_wait3A_156 = tpu.memref_squeeze %dma_wait3A_155 : memref<1x64x128xf32, #tpu.memory_space<vmem>> -> memref<64x128xf32, #tpu.memory_space<vmem>>
    tpu.wait_dma2 semaphore(%dma_wait3A_150 : memref<!tpu.dma_semaphore, #tpu.memory_space<semaphore_mem>>) src(%dma_wait3A_156 : memref<64x128xf32, #tpu.memory_space<vmem>>) dst(%dma_wait3A_152 : memref<64x128xf32, #tpu.memory_space<hbm>>)
    %dma_wait3A_157 = arith.constant 1 : i32
    %dma_wait3A_158 = arith.constant 1 : i32
    %dma_wait3A_159 = arith.constant 0 : i32
    %dma_wait3A_160 = arith.constant 0 : i32
    %dma_wait3A_161 = tpu.memref_slice %arg6[%dma_wait3A_157, %dma_wait3A_159, %dma_wait3A_160] : memref<10x64x128xf32, #tpu.memory_space<vmem>> -> memref<1x64x128xf32, #tpu.memory_space<vmem>>
    %dma_wait3A_162 = tpu.memref_squeeze %dma_wait3A_161 : memref<1x64x128xf32, #tpu.memory_space<vmem>> -> memref<64x128xf32, #tpu.memory_space<vmem>>
    %dma_wait3A_163 = arith.constant 0 : i32
    %dma_wait3A_164 = tpu.memref_slice %arg4[%mul3A_2, %dma_wait3A_163] : memref<204800x128xf32, #tpu.memory_space<hbm>> -> memref<64x128xf32, #tpu.memory_space<hbm>>
    %dma_wait3A_165 = tpu.memref_slice %arg8[%dma_wait3A_158] : memref<10x!tpu.dma_semaphore, #tpu.memory_space<semaphore_mem>> -> memref<1x!tpu.dma_semaphore, #tpu.memory_space<semaphore_mem>>
    %dma_wait3A_166 = tpu.memref_squeeze %dma_wait3A_165 : memref<1x!tpu.dma_semaphore, #tpu.memory_space<semaphore_mem>> -> memref<!tpu.dma_semaphore, #tpu.memory_space<semaphore_mem>>
    %dma_wait3A_167 = arith.constant 0 : i32
    %dma_wait3A_168 = tpu.memref_slice %arg4[%mul3A_2, %dma_wait3A_167] : memref<204800x128xf32, #tpu.memory_space<hbm>> -> memref<64x128xf32, #tpu.memory_space<hbm>>
    %dma_wait3A_169 = arith.constant 0 : i32
    %dma_wait3A_170 = arith.constant 0 : i32
    %dma_wait3A_171 = tpu.memref_slice %arg6[%dma_wait3A_157, %dma_wait3A_169, %dma_wait3A_170] : memref<10x64x128xf32, #tpu.memory_space<vmem>> -> memref<1x64x128xf32, #tpu.memory_space<vmem>>
    %dma_wait3A_172 = tpu.memref_squeeze %dma_wait3A_171 : memref<1x64x128xf32, #tpu.memory_space<vmem>> -> memref<64x128xf32, #tpu.memory_space<vmem>>
    tpu.wait_dma2 semaphore(%dma_wait3A_166 : memref<!tpu.dma_semaphore, #tpu.memory_space<semaphore_mem>>) src(%dma_wait3A_172 : memref<64x128xf32, #tpu.memory_space<vmem>>) dst(%dma_wait3A_168 : memref<64x128xf32, #tpu.memory_space<hbm>>)
    %dma_wait3A_173 = arith.constant 2 : i32
    %dma_wait3A_174 = arith.constant 2 : i32
    %dma_wait3A_175 = arith.constant 0 : i32
    %dma_wait3A_176 = arith.constant 0 : i32
    %dma_wait3A_177 = tpu.memref_slice %arg6[%dma_wait3A_173, %dma_wait3A_175, %dma_wait3A_176] : memref<10x64x128xf32, #tpu.memory_space<vmem>> -> memref<1x64x128xf32, #tpu.memory_space<vmem>>
    %dma_wait3A_178 = tpu.memref_squeeze %dma_wait3A_177 : memref<1x64x128xf32, #tpu.memory_space<vmem>> -> memref<64x128xf32, #tpu.memory_space<vmem>>
    %dma_wait3A_179 = arith.constant 0 : i32
    %dma_wait3A_180 = tpu.memref_slice %arg4[%mul3A_2, %dma_wait3A_179] : memref<204800x128xf32, #tpu.memory_space<hbm>> -> memref<64x128xf32, #tpu.memory_space<hbm>>
    %dma_wait3A_181 = tpu.memref_slice %arg8[%dma_wait3A_174] : memref<10x!tpu.dma_semaphore, #tpu.memory_space<semaphore_mem>> -> memref<1x!tpu.dma_semaphore, #tpu.memory_space<semaphore_mem>>
    %dma_wait3A_182 = tpu.memref_squeeze %dma_wait3A_181 : memref<1x!tpu.dma_semaphore, #tpu.memory_space<semaphore_mem>> -> memref<!tpu.dma_semaphore, #tpu.memory_space<semaphore_mem>>
    %dma_wait3A_183 = arith.constant 0 : i32
    %dma_wait3A_184 = tpu.memref_slice %arg4[%mul3A_2, %dma_wait3A_183] : memref<204800x128xf32, #tpu.memory_space<hbm>> -> memref<64x128xf32, #tpu.memory_space<hbm>>
    %dma_wait3A_185 = arith.constant 0 : i32
    %dma_wait3A_186 = arith.constant 0 : i32
    %dma_wait3A_187 = tpu.memref_slice %arg6[%dma_wait3A_173, %dma_wait3A_185, %dma_wait3A_186] : memref<10x64x128xf32, #tpu.memory_space<vmem>> -> memref<1x64x128xf32, #tpu.memory_space<vmem>>
    %dma_wait3A_188 = tpu.memref_squeeze %dma_wait3A_187 : memref<1x64x128xf32, #tpu.memory_space<vmem>> -> memref<64x128xf32, #tpu.memory_space<vmem>>
    tpu.wait_dma2 semaphore(%dma_wait3A_182 : memref<!tpu.dma_semaphore, #tpu.memory_space<semaphore_mem>>) src(%dma_wait3A_188 : memref<64x128xf32, #tpu.memory_space<vmem>>) dst(%dma_wait3A_184 : memref<64x128xf32, #tpu.memory_space<hbm>>)
    %dma_wait3A_189 = arith.constant 3 : i32
    %dma_wait3A_190 = arith.constant 3 : i32
    %dma_wait3A_191 = arith.constant 0 : i32
    %dma_wait3A_192 = arith.constant 0 : i32
    %dma_wait3A_193 = tpu.memref_slice %arg6[%dma_wait3A_189, %dma_wait3A_191, %dma_wait3A_192] : memref<10x64x128xf32, #tpu.memory_space<vmem>> -> memref<1x64x128xf32, #tpu.memory_space<vmem>>
    %dma_wait3A_194 = tpu.memref_squeeze %dma_wait3A_193 : memref<1x64x128xf32, #tpu.memory_space<vmem>> -> memref<64x128xf32, #tpu.memory_space<vmem>>
    %dma_wait3A_195 = arith.constant 0 : i32
    %dma_wait3A_196 = tpu.memref_slice %arg4[%mul3A_2, %dma_wait3A_195] : memref<204800x128xf32, #tpu.memory_space<hbm>> -> memref<64x128xf32, #tpu.memory_space<hbm>>
    %dma_wait3A_197 = tpu.memref_slice %arg8[%dma_wait3A_190] : memref<10x!tpu.dma_semaphore, #tpu.memory_space<semaphore_mem>> -> memref<1x!tpu.dma_semaphore, #tpu.memory_space<semaphore_mem>>
    %dma_wait3A_198 = tpu.memref_squeeze %dma_wait3A_197 : memref<1x!tpu.dma_semaphore, #tpu.memory_space<semaphore_mem>> -> memref<!tpu.dma_semaphore, #tpu.memory_space<semaphore_mem>>
    %dma_wait3A_199 = arith.constant 0 : i32
    %dma_wait3A_200 = tpu.memref_slice %arg4[%mul3A_2, %dma_wait3A_199] : memref<204800x128xf32, #tpu.memory_space<hbm>> -> memref<64x128xf32, #tpu.memory_space<hbm>>
    %dma_wait3A_201 = arith.constant 0 : i32
    %dma_wait3A_202 = arith.constant 0 : i32
    %dma_wait3A_203 = tpu.memref_slice %arg6[%dma_wait3A_189, %dma_wait3A_201, %dma_wait3A_202] : memref<10x64x128xf32, #tpu.memory_space<vmem>> -> memref<1x64x128xf32, #tpu.memory_space<vmem>>
    %dma_wait3A_204 = tpu.memref_squeeze %dma_wait3A_203 : memref<1x64x128xf32, #tpu.memory_space<vmem>> -> memref<64x128xf32, #tpu.memory_space<vmem>>
    tpu.wait_dma2 semaphore(%dma_wait3A_198 : memref<!tpu.dma_semaphore, #tpu.memory_space<semaphore_mem>>) src(%dma_wait3A_204 : memref<64x128xf32, #tpu.memory_space<vmem>>) dst(%dma_wait3A_200 : memref<64x128xf32, #tpu.memory_space<hbm>>)
    %dma_wait3A_205 = arith.constant 4 : i32
    %dma_wait3A_206 = arith.constant 4 : i32
    %dma_wait3A_207 = arith.constant 0 : i32
    %dma_wait3A_208 = arith.constant 0 : i32
    %dma_wait3A_209 = tpu.memref_slice %arg6[%dma_wait3A_205, %dma_wait3A_207, %dma_wait3A_208] : memref<10x64x128xf32, #tpu.memory_space<vmem>> -> memref<1x64x128xf32, #tpu.memory_space<vmem>>
    %dma_wait3A_210 = tpu.memref_squeeze %dma_wait3A_209 : memref<1x64x128xf32, #tpu.memory_space<vmem>> -> memref<64x128xf32, #tpu.memory_space<vmem>>
    %dma_wait3A_211 = arith.constant 0 : i32
    %dma_wait3A_212 = tpu.memref_slice %arg4[%mul3A_2, %dma_wait3A_211] : memref<204800x128xf32, #tpu.memory_space<hbm>> -> memref<64x128xf32, #tpu.memory_space<hbm>>
    %dma_wait3A_213 = tpu.memref_slice %arg8[%dma_wait3A_206] : memref<10x!tpu.dma_semaphore, #tpu.memory_space<semaphore_mem>> -> memref<1x!tpu.dma_semaphore, #tpu.memory_space<semaphore_mem>>
    %dma_wait3A_214 = tpu.memref_squeeze %dma_wait3A_213 : memref<1x!tpu.dma_semaphore, #tpu.memory_space<semaphore_mem>> -> memref<!tpu.dma_semaphore, #tpu.memory_space<semaphore_mem>>
    %dma_wait3A_215 = arith.constant 0 : i32
    %dma_wait3A_216 = tpu.memref_slice %arg4[%mul3A_2, %dma_wait3A_215] : memref<204800x128xf32, #tpu.memory_space<hbm>> -> memref<64x128xf32, #tpu.memory_space<hbm>>
    %dma_wait3A_217 = arith.constant 0 : i32
    %dma_wait3A_218 = arith.constant 0 : i32
    %dma_wait3A_219 = tpu.memref_slice %arg6[%dma_wait3A_205, %dma_wait3A_217, %dma_wait3A_218] : memref<10x64x128xf32, #tpu.memory_space<vmem>> -> memref<1x64x128xf32, #tpu.memory_space<vmem>>
    %dma_wait3A_220 = tpu.memref_squeeze %dma_wait3A_219 : memref<1x64x128xf32, #tpu.memory_space<vmem>> -> memref<64x128xf32, #tpu.memory_space<vmem>>
    tpu.wait_dma2 semaphore(%dma_wait3A_214 : memref<!tpu.dma_semaphore, #tpu.memory_space<semaphore_mem>>) src(%dma_wait3A_220 : memref<64x128xf32, #tpu.memory_space<vmem>>) dst(%dma_wait3A_216 : memref<64x128xf32, #tpu.memory_space<hbm>>)
    %dma_wait3A_221 = arith.constant 5 : i32
    %dma_wait3A_222 = arith.constant 5 : i32
    %dma_wait3A_223 = arith.constant 0 : i32
    %dma_wait3A_224 = arith.constant 0 : i32
    %dma_wait3A_225 = tpu.memref_slice %arg6[%dma_wait3A_221, %dma_wait3A_223, %dma_wait3A_224] : memref<10x64x128xf32, #tpu.memory_space<vmem>> -> memref<1x64x128xf32, #tpu.memory_space<vmem>>
    %dma_wait3A_226 = tpu.memref_squeeze %dma_wait3A_225 : memref<1x64x128xf32, #tpu.memory_space<vmem>> -> memref<64x128xf32, #tpu.memory_space<vmem>>
    %dma_wait3A_227 = arith.constant 0 : i32
    %dma_wait3A_228 = tpu.memref_slice %arg4[%mul3A_2, %dma_wait3A_227] : memref<204800x128xf32, #tpu.memory_space<hbm>> -> memref<64x128xf32, #tpu.memory_space<hbm>>
    %dma_wait3A_229 = tpu.memref_slice %arg8[%dma_wait3A_222] : memref<10x!tpu.dma_semaphore, #tpu.memory_space<semaphore_mem>> -> memref<1x!tpu.dma_semaphore, #tpu.memory_space<semaphore_mem>>
    %dma_wait3A_230 = tpu.memref_squeeze %dma_wait3A_229 : memref<1x!tpu.dma_semaphore, #tpu.memory_space<semaphore_mem>> -> memref<!tpu.dma_semaphore, #tpu.memory_space<semaphore_mem>>
    %dma_wait3A_231 = arith.constant 0 : i32
    %dma_wait3A_232 = tpu.memref_slice %arg4[%mul3A_2, %dma_wait3A_231] : memref<204800x128xf32, #tpu.memory_space<hbm>> -> memref<64x128xf32, #tpu.memory_space<hbm>>
    %dma_wait3A_233 = arith.constant 0 : i32
    %dma_wait3A_234 = arith.constant 0 : i32
    %dma_wait3A_235 = tpu.memref_slice %arg6[%dma_wait3A_221, %dma_wait3A_233, %dma_wait3A_234] : memref<10x64x128xf32, #tpu.memory_space<vmem>> -> memref<1x64x128xf32, #tpu.memory_space<vmem>>
    %dma_wait3A_236 = tpu.memref_squeeze %dma_wait3A_235 : memref<1x64x128xf32, #tpu.memory_space<vmem>> -> memref<64x128xf32, #tpu.memory_space<vmem>>
    tpu.wait_dma2 semaphore(%dma_wait3A_230 : memref<!tpu.dma_semaphore, #tpu.memory_space<semaphore_mem>>) src(%dma_wait3A_236 : memref<64x128xf32, #tpu.memory_space<vmem>>) dst(%dma_wait3A_232 : memref<64x128xf32, #tpu.memory_space<hbm>>)
    %dma_wait3A_237 = arith.constant 6 : i32
    %dma_wait3A_238 = arith.constant 6 : i32
    %dma_wait3A_239 = arith.constant 0 : i32
    %dma_wait3A_240 = arith.constant 0 : i32
    %dma_wait3A_241 = tpu.memref_slice %arg6[%dma_wait3A_237, %dma_wait3A_239, %dma_wait3A_240] : memref<10x64x128xf32, #tpu.memory_space<vmem>> -> memref<1x64x128xf32, #tpu.memory_space<vmem>>
    %dma_wait3A_242 = tpu.memref_squeeze %dma_wait3A_241 : memref<1x64x128xf32, #tpu.memory_space<vmem>> -> memref<64x128xf32, #tpu.memory_space<vmem>>
    %dma_wait3A_243 = arith.constant 0 : i32
    %dma_wait3A_244 = tpu.memref_slice %arg4[%mul3A_2, %dma_wait3A_243] : memref<204800x128xf32, #tpu.memory_space<hbm>> -> memref<64x128xf32, #tpu.memory_space<hbm>>
    %dma_wait3A_245 = tpu.memref_slice %arg8[%dma_wait3A_238] : memref<10x!tpu.dma_semaphore, #tpu.memory_space<semaphore_mem>> -> memref<1x!tpu.dma_semaphore, #tpu.memory_space<semaphore_mem>>
    %dma_wait3A_246 = tpu.memref_squeeze %dma_wait3A_245 : memref<1x!tpu.dma_semaphore, #tpu.memory_space<semaphore_mem>> -> memref<!tpu.dma_semaphore, #tpu.memory_space<semaphore_mem>>
    %dma_wait3A_247 = arith.constant 0 : i32
    %dma_wait3A_248 = tpu.memref_slice %arg4[%mul3A_2, %dma_wait3A_247] : memref<204800x128xf32, #tpu.memory_space<hbm>> -> memref<64x128xf32, #tpu.memory_space<hbm>>
    %dma_wait3A_249 = arith.constant 0 : i32
    %dma_wait3A_250 = arith.constant 0 : i32
    %dma_wait3A_251 = tpu.memref_slice %arg6[%dma_wait3A_237, %dma_wait3A_249, %dma_wait3A_250] : memref<10x64x128xf32, #tpu.memory_space<vmem>> -> memref<1x64x128xf32, #tpu.memory_space<vmem>>
    %dma_wait3A_252 = tpu.memref_squeeze %dma_wait3A_251 : memref<1x64x128xf32, #tpu.memory_space<vmem>> -> memref<64x128xf32, #tpu.memory_space<vmem>>
    tpu.wait_dma2 semaphore(%dma_wait3A_246 : memref<!tpu.dma_semaphore, #tpu.memory_space<semaphore_mem>>) src(%dma_wait3A_252 : memref<64x128xf32, #tpu.memory_space<vmem>>) dst(%dma_wait3A_248 : memref<64x128xf32, #tpu.memory_space<hbm>>)
    %dma_wait3A_253 = arith.constant 7 : i32
    %dma_wait3A_254 = arith.constant 7 : i32
    %dma_wait3A_255 = arith.constant 0 : i32
    %dma_wait3A_256 = arith.constant 0 : i32
    %dma_wait3A_257 = tpu.memref_slice %arg6[%dma_wait3A_253, %dma_wait3A_255, %dma_wait3A_256] : memref<10x64x128xf32, #tpu.memory_space<vmem>> -> memref<1x64x128xf32, #tpu.memory_space<vmem>>
    %dma_wait3A_258 = tpu.memref_squeeze %dma_wait3A_257 : memref<1x64x128xf32, #tpu.memory_space<vmem>> -> memref<64x128xf32, #tpu.memory_space<vmem>>
    %dma_wait3A_259 = arith.constant 0 : i32
    %dma_wait3A_260 = tpu.memref_slice %arg4[%mul3A_2, %dma_wait3A_259] : memref<204800x128xf32, #tpu.memory_space<hbm>> -> memref<64x128xf32, #tpu.memory_space<hbm>>
    %dma_wait3A_261 = tpu.memref_slice %arg8[%dma_wait3A_254] : memref<10x!tpu.dma_semaphore, #tpu.memory_space<semaphore_mem>> -> memref<1x!tpu.dma_semaphore, #tpu.memory_space<semaphore_mem>>
    %dma_wait3A_262 = tpu.memref_squeeze %dma_wait3A_261 : memref<1x!tpu.dma_semaphore, #tpu.memory_space<semaphore_mem>> -> memref<!tpu.dma_semaphore, #tpu.memory_space<semaphore_mem>>
    %dma_wait3A_263 = arith.constant 0 : i32
    %dma_wait3A_264 = tpu.memref_slice %arg4[%mul3A_2, %dma_wait3A_263] : memref<204800x128xf32, #tpu.memory_space<hbm>> -> memref<64x128xf32, #tpu.memory_space<hbm>>
    %dma_wait3A_265 = arith.constant 0 : i32
    %dma_wait3A_266 = arith.constant 0 : i32
    %dma_wait3A_267 = tpu.memref_slice %arg6[%dma_wait3A_253, %dma_wait3A_265, %dma_wait3A_266] : memref<10x64x128xf32, #tpu.memory_space<vmem>> -> memref<1x64x128xf32, #tpu.memory_space<vmem>>
    %dma_wait3A_268 = tpu.memref_squeeze %dma_wait3A_267 : memref<1x64x128xf32, #tpu.memory_space<vmem>> -> memref<64x128xf32, #tpu.memory_space<vmem>>
    tpu.wait_dma2 semaphore(%dma_wait3A_262 : memref<!tpu.dma_semaphore, #tpu.memory_space<semaphore_mem>>) src(%dma_wait3A_268 : memref<64x128xf32, #tpu.memory_space<vmem>>) dst(%dma_wait3A_264 : memref<64x128xf32, #tpu.memory_space<hbm>>)
    %dma_wait3A_269 = arith.constant 8 : i32
    %dma_wait3A_270 = arith.constant 8 : i32
    %dma_wait3A_271 = arith.constant 0 : i32
    %dma_wait3A_272 = arith.constant 0 : i32
    %dma_wait3A_273 = tpu.memref_slice %arg6[%dma_wait3A_269, %dma_wait3A_271, %dma_wait3A_272] : memref<10x64x128xf32, #tpu.memory_space<vmem>> -> memref<1x64x128xf32, #tpu.memory_space<vmem>>
    %dma_wait3A_274 = tpu.memref_squeeze %dma_wait3A_273 : memref<1x64x128xf32, #tpu.memory_space<vmem>> -> memref<64x128xf32, #tpu.memory_space<vmem>>
    %dma_wait3A_275 = arith.constant 0 : i32
    %dma_wait3A_276 = tpu.memref_slice %arg4[%mul3A_2, %dma_wait3A_275] : memref<204800x128xf32, #tpu.memory_space<hbm>> -> memref<64x128xf32, #tpu.memory_space<hbm>>
    %dma_wait3A_277 = tpu.memref_slice %arg8[%dma_wait3A_270] : memref<10x!tpu.dma_semaphore, #tpu.memory_space<semaphore_mem>> -> memref<1x!tpu.dma_semaphore, #tpu.memory_space<semaphore_mem>>
    %dma_wait3A_278 = tpu.memref_squeeze %dma_wait3A_277 : memref<1x!tpu.dma_semaphore, #tpu.memory_space<semaphore_mem>> -> memref<!tpu.dma_semaphore, #tpu.memory_space<semaphore_mem>>
    %dma_wait3A_279 = arith.constant 0 : i32
    %dma_wait3A_280 = tpu.memref_slice %arg4[%mul3A_2, %dma_wait3A_279] : memref<204800x128xf32, #tpu.memory_space<hbm>> -> memref<64x128xf32, #tpu.memory_space<hbm>>
    %dma_wait3A_281 = arith.constant 0 : i32
    %dma_wait3A_282 = arith.constant 0 : i32
    %dma_wait3A_283 = tpu.memref_slice %arg6[%dma_wait3A_269, %dma_wait3A_281, %dma_wait3A_282] : memref<10x64x128xf32, #tpu.memory_space<vmem>> -> memref<1x64x128xf32, #tpu.memory_space<vmem>>
    %dma_wait3A_284 = tpu.memref_squeeze %dma_wait3A_283 : memref<1x64x128xf32, #tpu.memory_space<vmem>> -> memref<64x128xf32, #tpu.memory_space<vmem>>
    tpu.wait_dma2 semaphore(%dma_wait3A_278 : memref<!tpu.dma_semaphore, #tpu.memory_space<semaphore_mem>>) src(%dma_wait3A_284 : memref<64x128xf32, #tpu.memory_space<vmem>>) dst(%dma_wait3A_280 : memref<64x128xf32, #tpu.memory_space<hbm>>)
    %dma_wait3A_285 = arith.constant 9 : i32
    %dma_wait3A_286 = arith.constant 9 : i32
    %dma_wait3A_287 = arith.constant 0 : i32
    %dma_wait3A_288 = arith.constant 0 : i32
    %dma_wait3A_289 = tpu.memref_slice %arg6[%dma_wait3A_285, %dma_wait3A_287, %dma_wait3A_288] : memref<10x64x128xf32, #tpu.memory_space<vmem>> -> memref<1x64x128xf32, #tpu.memory_space<vmem>>
    %dma_wait3A_290 = tpu.memref_squeeze %dma_wait3A_289 : memref<1x64x128xf32, #tpu.memory_space<vmem>> -> memref<64x128xf32, #tpu.memory_space<vmem>>
    %dma_wait3A_291 = arith.constant 0 : i32
    %dma_wait3A_292 = tpu.memref_slice %arg4[%mul3A_2, %dma_wait3A_291] : memref<204800x128xf32, #tpu.memory_space<hbm>> -> memref<64x128xf32, #tpu.memory_space<hbm>>
    %dma_wait3A_293 = tpu.memref_slice %arg8[%dma_wait3A_286] : memref<10x!tpu.dma_semaphore, #tpu.memory_space<semaphore_mem>> -> memref<1x!tpu.dma_semaphore, #tpu.memory_space<semaphore_mem>>
    %dma_wait3A_294 = tpu.memref_squeeze %dma_wait3A_293 : memref<1x!tpu.dma_semaphore, #tpu.memory_space<semaphore_mem>> -> memref<!tpu.dma_semaphore, #tpu.memory_space<semaphore_mem>>
    %dma_wait3A_295 = arith.constant 0 : i32
    %dma_wait3A_296 = tpu.memref_slice %arg4[%mul3A_2, %dma_wait3A_295] : memref<204800x128xf32, #tpu.memory_space<hbm>> -> memref<64x128xf32, #tpu.memory_space<hbm>>
    %dma_wait3A_297 = arith.constant 0 : i32
    %dma_wait3A_298 = arith.constant 0 : i32
    %dma_wait3A_299 = tpu.memref_slice %arg6[%dma_wait3A_285, %dma_wait3A_297, %dma_wait3A_298] : memref<10x64x128xf32, #tpu.memory_space<vmem>> -> memref<1x64x128xf32, #tpu.memory_space<vmem>>
    %dma_wait3A_300 = tpu.memref_squeeze %dma_wait3A_299 : memref<1x64x128xf32, #tpu.memory_space<vmem>> -> memref<64x128xf32, #tpu.memory_space<vmem>>
    tpu.wait_dma2 semaphore(%dma_wait3A_294 : memref<!tpu.dma_semaphore, #tpu.memory_space<semaphore_mem>>) src(%dma_wait3A_300 : memref<64x128xf32, #tpu.memory_space<vmem>>) dst(%dma_wait3A_296 : memref<64x128xf32, #tpu.memory_space<hbm>>)
    return
  }
}

</mosaic_0001>

<sc_bundles>
// kernel: kernel.3.cloned.1.call-start
scs
__scs_entry_jumppad:
0x0: {  	(pc) =	sbr.rel $0x88, $3  }
0x1: {  	(tag) =	ssettag $0x0;
	lr =	simm.s32 $0x1  }
0x2: {  	[smem:$0x3F9F] =	sst lr;
	_ =	strace $0xD0000000  }
0x3: {  	_ = 	snop  }
0x4: {  	_ = 	snop  }
0x5: {  	_ = 	snop  }
0x6: {  	_ = 	snop  }
0x7: {  	_ = 	snop  }
__scs_overlays_trampoline_lowered:
0x8: {  	[smem:$0x3FAE] =	sst s0  }
0x9: {  	[smem:$0x3FAF] =	sst s1  }
0xa: {  	[smem:$0x3FB0] =	sst s2  }
0xb: {  	[smem:$0x3FB1] =	sst s3  }
0xc: {  	[smem:$0x3FB2] =	sst s4  }
0xd: {  	[smem:$0x3FB3] =	sst s5  }
0xe: {  	[smem:$0x3FB4] =	sst s6  }
0xf: {  	[smem:$0x3FB5] =	sst s7  }
0x10: {  	[smem:$0x3FB6] =	sst s8  }
0x11: {  	[smem:$0x3FB7] =	sst s9;
	s0 =	simm.s32 @!p0 $0x0  }
0x12: {  	s1 =	sld [smem:$0x3F9D];
	s0 =	simm.s32 @p0 $0x1  }
0x13: {  	[smem:$0x3FB8] =	sst s0;
	s0 =	simm.s32 @!p1 $0x0  }
0x14: {  	s2 =	sld [smem:$0x3F9C];
	s0 =	simm.s32 @p1 $0x1  }
0x15: {  	[smem:$0x3FB9] =	sst s0;
	s0 =	simm.s32 @!p2 $0x0  }
0x16: {  	s3 =	sld [smem:$0x3FDB];
	s0 =	simm.s32 @p2 $0x1  }
0x17: {  	s4 =	simm.s32 $0x1BF5;
	[smem:$0x3FBB] =	sst s0  }
0x18: {  	s0 =	sld [smem:$0x3F9E];
	_ =	swait.ge [sflag:s4], $0x0  }
0x19: {  	s7 =	sld [smem:$0x3F9F]  }
0x1a: {  	s8 =	sadd.s32 $0xFFFFE003, lr  }
0x1b: {  	s9 =	sadd.s32 $0xFFFFFEF7, lr;
	s5 =	simm.s32 $0xFFFFFFFF;
	p2 =	slt.u32 s8, $0xFFFFF086  }
0x1c: {  	p1 =	slt.u32 s9, $0xF7A;
	s5 =	simm.s32 @!p2 $0x0  }
0x1d: {  	s5 =	simm.s32 @p1 $0x1;
	p0 =	seq.s32 s7, s2  }
0x1e: {  	s7 =	smul.u32 @!p0 $0xF7A, s2;
	p2 =	seq.s32 @!p0 s5, $0x0  }
0x1f: {  	s9 =	smul.u32 $0xF7A, s1;
	s8 =	simm.s32 @!p0 $0x1BF5;
	p2 =	por !p2, p0  }
0x20: {  	[sflag:s8] =	ssyncset.s32 @!p0 $0xFFFFF086;
	s6 =	sadd.s32 @!p0 s3, s7;
	s7 =	simm.s32 @!p0 $0x108  }
0x21: {  	s3 =	sadd.s32 s3, s9;
	s6 =	sadd.s32 @!p0 $0x88, s6;
	s7 =	simm.s32 @p2 $0x1082  }
0x22: {  	[simem:s7], [sflag:s8] =	dma.local @!p0 [hbm:s6], $0xF7A  }
0x23: {  	s9 =	sor.u32 $0xD0000000, s2;
	s6 =	simm.s32 $0x108;
	_ =	swait.ge @!p0 [sflag:s8], $0x0  }
0x24: {  	s3 =	sadd.s32 $0x88, s3;
	s6 =	simm.s32 @!p1 $0x1082;
	[sflag:s4] =	ssyncset.s32 $0xFFFFF086  }
0x25: {  	[simem:s6], [sflag:s4] =	dma.local [hbm:s3], $0xF7A  }
0x26: {  	[smem:$0x3F9F] =	sst s1;
	(tag) =	ssettag s2;
	_ =	strace s9  }
0x27: {  	s1 =	sld [smem:$0x3FAF]  }
0x28: {  	s2 =	sld [smem:$0x3FB0]  }
0x29: {  	s4 =	sld [smem:$0x3FB2]  }
0x2a: {  	p0 =	seq.s32 s5, $0x0;
	s5 =	sld [smem:$0x3FB3]  }
0x2b: {  	s6 =	sld [smem:$0x3FB4]  }
0x2c: {  	s7 =	sld [smem:$0x3FB5]  }
0x2d: {  	s3 =	simm.s32 $0x108;
	s8 =	sld [smem:$0x3FB6]  }
0x2e: {  	s3 =	simm.s32 @!p0 $0x1082;
	s9 =	sld [smem:$0x3FB7]  }
0x2f: {  	lr =	sadd.s32 s0, s3;
	s0 =	sld [smem:$0x3FAE]  }
0x30: {  	s3 =	sld [smem:$0x3FB1]  }
0x31: {  	[smem:$0x3FBA] =	sst s10  }
0x32: {  	s10 =	sld [smem:$0x3FB8];
	_ =	sdelay $0x3  }
0x33: {  	p0 =	seq.s32 s10, $0x1;
	s10 =	sld [smem:$0x3FBA];
	_ =	sdelay $0x3  }
0x34: {  	[smem:$0x3FBA] =	sst s10  }
0x35: {  	s10 =	sld [smem:$0x3FB9];
	_ =	sdelay $0x3  }
0x36: {  	p1 =	seq.s32 s10, $0x1;
	s10 =	sld [smem:$0x3FBA];
	_ =	sdelay $0x3  }
0x37: {  	[smem:$0x3FBA] =	sst s10  }
0x38: {  	s10 =	sld [smem:$0x3FBB]  }
0x39: {  	_ = 	snop;
	(pc) =	sbr.ind lr, $3  }
0x3a: {  	_ = 	snop  }
0x3b: {  	_ = 	snop  }
0x3c: {  	p2 =	seq.s32 s10, $0x1;
	s10 =	sld [smem:$0x3FBA]  }
0x3d: {  	_ =	shalt  }
0x3e: {  	_ =	shalt  }
0x3f: {  	_ =	shalt  }
0x40: {  	_ =	shalt  }
0x41: {  	_ =	shalt  }
0x42: {  	_ =	shalt  }
0x43: {  	_ =	shalt  }
0x44: {  	_ =	shalt  }
0x45: {  	_ =	shalt  }
0x46: {  	_ =	shalt  }
0x47: {  	_ =	shalt  }
0x48: {  	_ =	shalt  }
0x49: {  	_ =	shalt  }
0x4a: {  	_ =	shalt  }
0x4b: {  	_ =	shalt  }
0x4c: {  	_ =	shalt  }
0x4d: {  	_ =	shalt  }
0x4e: {  	_ =	shalt  }
0x4f: {  	_ =	shalt  }
0x50: {  	_ =	shalt  }
0x51: {  	_ =	shalt  }
0x52: {  	_ =	shalt  }
0x53: {  	_ =	shalt  }
0x54: {  	_ =	shalt  }
0x55: {  	_ =	shalt  }
0x56: {  	_ =	shalt  }
0x57: {  	_ =	shalt  }
0x58: {  	_ =	shalt  }
0x59: {  	_ =	shalt  }
0x5a: {  	_ =	shalt  }
0x5b: {  	_ =	shalt  }
0x5c: {  	_ =	shalt  }
0x5d: {  	_ =	shalt  }
0x5e: {  	_ =	shalt  }
0x5f: {  	_ =	shalt  }
0x60: {  	_ =	shalt  }
0x61: {  	_ =	shalt  }
0x62: {  	_ =	shalt  }
0x63: {  	_ =	shalt  }
0x64: {  	_ =	shalt  }
0x65: {  	_ =	shalt  }
0x66: {  	_ =	shalt  }
0x67: {  	_ =	shalt  }
0x68: {  	_ =	shalt  }
0x69: {  	_ =	shalt  }
0x6a: {  	_ =	shalt  }
0x6b: {  	_ =	shalt  }
0x6c: {  	_ =	shalt  }
0x6d: {  	_ =	shalt  }
0x6e: {  	_ =	shalt  }
0x6f: {  	_ =	shalt  }
0x70: {  	_ =	shalt  }
0x71: {  	_ =	shalt  }
0x72: {  	_ =	shalt  }
0x73: {  	_ =	shalt  }
0x74: {  	_ =	shalt  }
0x75: {  	_ =	shalt  }
0x76: {  	_ =	shalt  }
0x77: {  	_ =	shalt  }
0x78: {  	_ =	shalt  }
0x79: {  	_ =	shalt  }
0x7a: {  	_ =	shalt  }
0x7b: {  	_ =	shalt  }
0x7c: {  	_ =	shalt  }
0x7d: {  	_ =	shalt  }
0x7e: {  	_ =	shalt  }
0x7f: {  	_ =	shalt  }
0x80: {  	_ =	shalt  }
0x81: {  	_ =	shalt  }
0x82: {  	_ =	shalt  }
0x83: {  	_ =	shalt  }
0x84: {  	_ =	shalt  }
0x85: {  	_ =	shalt  }
0x86: {  	_ =	shalt  }
0x87: {  	_ =	shalt  }
.Lfunc_end0:
.L_simem_size_0:
called_computation_lowered:
.L_overlay_start_0:
0x88: {  	s2 =	sld [smem:$0x3FD9]  }
0x89: {  	s3 =	sld [smem:$0x3FFE];
	_ =	sdelay $0x1  }
0x8a: {  	s1 =	srdreg.scid  }
0x8b: {  	s0 =	sand.u32 $0x1, s1  }
0x8c: {  	s17 =	sshll.u32 s0, $0xA;
	s2 =	sadd.s32 s3, s2  }
0x8d: {  	s2 =	sadd.s32 s2, s17  }
0x8e: {  	[smem:$0x3FC6] =	sst s2  }
0x8f: {  	_ = 	snop  }
0x90: {  	s2 =	sld [smem:$0x3FC8]  }
0x91: {  	s18 =	sld [smem:$0x3FD0];
	(tm) =	ssettm $0x1  }
0x92: {  	s4 =	sld [smem:$0x3FFB];
	_ =	sdelay $0x3  }
0x93: {  	_ =	strace s4  }
0x94: {  	s4 =	sld [smem:$0x3FFC];
	_ =	sdelay $0x3  }
0x95: {  	_ =	strace s4  }
0x96: {  	s4 =	sld [smem:$0x3FFD];
	_ =	sdelay $0x3  }
0x97: {  	_ =	strace s4  }
0x98: {  	_ =	strace $0x8FFFFFFF  }
0x99: {  	s19 =	sld [smem:$0x3FDB];
	_ =	sdelay $0x1  }
0x9a: {  	s5 =	simm.s32 $_scs_section_size  }
0x9b: {  	s6 =	simm.s32 $_size__tile_overlayer_lowered;
	s7 =	simm.s32 $_tile_overlayer_lowered  }
0x9c: {  	s22 =	simm.s32 $0x1BFF;
	s21 =	sshll.u32 s7, $0x1;
	s4 =	sadd.s32 s5, s19  }
0x9d: {  	s8 =	simm.s32 $0x0;
	s20 =	sshll.u32 s6, $0x1;
	s6 =	sadd.s32 s21, s4  }
0x9e: {  	[timem:s8], [sflag:s22] =	dma.local [hbm:s6], s20  }
0x9f: {  	_ =	swait.ge [sflag:s22], s20  }
0xa0: {  	s5 =	ssub.s32 $0x0, s20;
	[sflag:s22] =	ssyncset.done $0x0  }
0xa1: {  	[sflag:s22] =	ssyncadd.s32 s5;
	_ =	sdelay $0x1  }
0xa2: {  	s23 =	simm.s32 $0x1B8B  }
0xa3: {  	_ =	swait.ge [sflag:s23], $0x1  }
0xa4: {  	[sflag:s23] =	ssyncset.done $0x0  }
0xa5: {  	s25 =	simm.s32 $0x1B8E;
	s24 =	sld [smem:$0x3FFE];
	[sflag:s23] =	ssyncadd.s32 $0xFFFFFFFF  }
0xa6: {  	s26 =	simm.s32 $execute0_lowered;
	[smem:$0x3FD2] =	sst s25  }
0xa7: {  	s6 =	sshll.u32 s26, $0x1;
	_ =	strace $0x80000046;
	[dreg:$0x1] =	wrdreg $0xFFFFFFFF  }
0xa8: {  	s28 =	simm.s32 $_size_execute0_lowered;
	s4 =	sadd.s32 s4, s6;
	[dreg:$0x0] =	wrdreg $0x0  }
0xa9: {  	s6 =	sshll.u32 s28, $0x1;
	[dreg:$0x2] =	wrdreg s4  }
0xaa: {  	[dreg:$0x3] =	wrdreg s6  }
0xab: {  	[dreg:$0x4] =	wrdreg $0xC0  }
0xac: {  	_ =	task [dreg:s8], $0x5FFFF  }
0xad: {  	[dreg:$0x1] =	wrdreg $0xFFFFFFFF  }
0xae: {  	[dreg:$0x0] =	wrdreg $0x60  }
0xaf: {  	[dreg:$0x2] =	wrdreg s2  }
0xb0: {  	[dreg:$0x3] =	wrdreg s24  }
0xb1: {  	[dreg:$0x4] =	wrdreg s18  }
0xb2: {  	[dreg:$0x5] =	wrdreg $0x9  }
0xb3: {  	_ =	task.clear_ibuf [dreg:s8], $0x6FFFF;
	_ =	strace $0x90000046  }
0xb4: {  	s29 =	simm.s32 $0x9;
	_ =	strace $0x80000048  }
0xb5: {  	_ =	swait.ge [sflag:s29], $0x1  }
0xb6: {  	[sflag:s29] =	ssyncadd.s32 $0xFFFFFFFF  }
0xb7: {  	_ =	strace $0x90000048  }
0xb8: {  	_ =	sfence  }
0xb9: {  	s30 =	sld [smem:$0x0];
	_ =	sdelay $0x2  }
0xba: {  	s31 =	sshll.u32 s1, $0xD;
	s1 =	sshrl.u32 s1, $0x2  }
0xbb: {  	s3 =	sand.u32 $0x4000, s31;
	s1 =	sadd.s32 s1, s30  }
0xbc: {  	s0 =	sor.u32 s3, s0;
	s1 =	sshll.u32 s1, $0x11  }
0xbd: {  	s0 =	sor.u32 s1, s0  }
0xbe: {  	s0 =	sadd.s32 $0x8F2B, s0  }
0xbf: {  	[sflag:s0] =	ssyncadd.remote.s32 $0x1  }
0xc0: {  	_ =	sfence.sel $0xFFFF  }
0xc1: {  	[dreg:$0x0] =	wrdreg $0xFFFFFFFF;
	(pc) =	sbr.abs _section_cstart, $3  }
0xc2: {  	[dreg:$0x1] =	wrdreg $0xFFFFFFFF  }
0xc3: {  	_ =	task.clear_ibuf [dreg:s8], $0x2FFFF;
	_ =	strace $0x9FFFFFFF  }
0xc4: {  	(tm) =	ssettm $0x7FFFFFFF  }
0xc5: {  	_ =	shalt  }
tec
execute0_lowered:
.L_overlay_start_1:
0x0: {  	(tag) =	ssettag $0x1  }
0x1: {  	s1 =	rddreg [dreg:$0x0];
	s0 =	srdreg.scid  }
0x2: {  	s3 =	stileid.u32;
	s2 =	rddreg [dreg:$0x1]  }
0x3: {  	s19 =	simm.s32 $0x40;
	s28 =	simm.s32 $0x13400;
	s21 =	simm.s32 $0x15400  }
0x4: {  	s25 =	simm.s32 $0x2;
	s0 =	sand.u32 $0x1, s0;
	s4 =	sshll.u32 s3, $0x1  }
0x5: {  	s30 =	simm.s32 $0x3;
	s8 =	simm.s32 $0x5;
	s6 =	sor.u32 s0, s4  }
0x6: {  	s17 =	simm.s32 $0x6;
	s18 =	simm.s32 $0x7;
	s5 =	smul.u32 $0x3400, s6  }
0x7: {  	s20 =	simm.s32 $0x8;
	s3 =	rddreg [dreg:$0x2];
	s0 =	ssub.s32 $0x2, s0  }
0x8: {  	s4 =	simm.s32 $0x0;
	s7 =	sshrl.u32 s0, $0x1;
	s5 =	sshrl.u32 s5, $0x3  }
0x9: {  	s0 =	ssub.s32 s0, s7;
	s2 =	sadd.s32 s5, s2;
	s5 =	smul.u32 $0xC8000, s6  }
0xa: {  	[smem:$0x7FF] =	sst s4;
	s0 =	smax.u32 s0, $0x1;
	s6 =	smul.u32 $0x1900, s6  }
0xb: {  	s22 =	simm.s32 $0x9;
	_ =	strace $0x80000047;
	[dreg:$0x9] =	wrdreg s0  }
0xc: {  	s24 =	simm.s32 $0xA;
	s26 =	sadd.s32 $0x400, s2;
	[dreg:$0x4] =	wrdreg s6  }
0xd: {  	s9 =	simm.s32 $0x0;
	s2 =	sadd.s32 $0x500, s2;
	[dreg:$0x5] =	wrdreg s26  }
.Ltmp0:
0xe: {  	s7 =	simm.s32 $0x4;
	[dreg:$0x6] =	wrdreg s2;
	(pc) =	sbr.rel .LBB2_1-.Ltmp0, $4  }
0xf: {  	s29 =	sor.u32 $0x2000, s5;
	s31 =	sor.u32 $0x4000, s5;
	s11 =	sor.u32 $0x6000, s5  }
0x10: {  	s12 =	sadd.s32 $0x8000, s5;
	s13 =	sadd.s32 $0xA000, s5;
	s14 =	sadd.s32 $0xC000, s5  }
0x11: {  	s15 =	sadd.s32 $0xE000, s5;
	s16 =	sadd.s32 $0x10000, s5;
	[dreg:$0x7] =	wrdreg s29  }
0x12: {  	s2 =	simm.s32 $0x1;
	s26 =	simm.s32 $0x13;
	[dreg:$0x8] =	wrdreg s31  }
.LBB2_24:
0x13: {  	s0 =	simm.s32 $0xB  }
0x14: {  	_ =	swait.ge [sflag:s0], $0x2000  }
0x15: {  	[sflag:s0] =	ssyncset.done $0x0  }
0x16: {  	s29 =	simm.s32 $0xC;
	[sflag:s0] =	ssyncadd.s32 $0xFFFFE000  }
0x17: {  	_ =	swait.ge [sflag:s29], $0x2000  }
0x18: {  	[sflag:s29] =	ssyncset.done $0x0  }
0x19: {  	s31 =	simm.s32 $0xD;
	[sflag:s29] =	ssyncadd.s32 $0xFFFFE000  }
0x1a: {  	_ =	swait.ge [sflag:s31], $0x2000  }
0x1b: {  	[sflag:s31] =	ssyncset.done $0x0  }
0x1c: {  	s6 =	simm.s32 $0xE;
	[sflag:s31] =	ssyncadd.s32 $0xFFFFE000  }
0x1d: {  	_ =	swait.ge [sflag:s6], $0x2000  }
0x1e: {  	[sflag:s6] =	ssyncset.done $0x0  }
0x1f: {  	s9 =	simm.s32 $0xF;
	[sflag:s6] =	ssyncadd.s32 $0xFFFFE000  }
0x20: {  	_ =	swait.ge [sflag:s9], $0x2000  }
0x21: {  	[sflag:s9] =	ssyncset.done $0x0  }
0x22: {  	s10 =	simm.s32 $0x10;
	[sflag:s9] =	ssyncadd.s32 $0xFFFFE000  }
0x23: {  	_ =	swait.ge [sflag:s10], $0x2000  }
0x24: {  	[sflag:s10] =	ssyncset.done $0x0  }
0x25: {  	s23 =	simm.s32 $0x11;
	[sflag:s10] =	ssyncadd.s32 $0xFFFFE000  }
0x26: {  	_ =	swait.ge [sflag:s23], $0x2000  }
0x27: {  	[sflag:s23] =	ssyncset.done $0x0  }
0x28: {  	s29 =	simm.s32 $0x12;
	[sflag:s23] =	ssyncadd.s32 $0xFFFFE000  }
0x29: {  	_ =	swait.ge [sflag:s29], $0x2000  }
0x2a: {  	[sflag:s29] =	ssyncset.done $0x0  }
0x2b: {  	[sflag:s29] =	ssyncadd.s32 $0xFFFFE000  }
0x2c: {  	_ =	swait.ge [sflag:s26], $0x2000  }
0x2d: {  	[sflag:s26] =	ssyncset.done $0x0  }
0x2e: {  	s6 =	simm.s32 $0x14;
	[sflag:s26] =	ssyncadd.s32 $0xFFFFE000  }
0x2f: {  	_ =	swait.ge [sflag:s6], $0x2000  }
0x30: {  	s9 =	rddreg [dreg:$0xa]  }
0x31: {  	s31 =	rddreg [dreg:$0x9];
	s9 =	sadd.s32 $0x1, s9  }
0x32: {  	p0 =	sne.s32 s9, s31  }
.Ltmp1:
0x33: {  	_ = 	snop;
	(pc) =	sbr.rel @!p0 .LBB2_25-.Ltmp1, $3  }
0x34: {  	_ =	sdelay $0x1  }
0x35: {  	[sflag:s6] =	ssyncset.done $0x0  }
0x36: {  	[sflag:s6] =	ssyncadd.s32 $0xFFFFE000  }
.LBB2_1:
0x37: {  	[dreg:$0xa] =	wrdreg s9  }
0x38: {  	s0 =	rddreg [dreg:$0x5];
	s6 =	simm.s32 $0x15  }
0x39: {  	[tilespmem:s4], [sflag:$0x15] =	stream.linear.gather [hbm4b:s0+s4], $0x800, $0x38;
	[tilespmem:$0x17400] =	vst v63  }
0x3a: {  	_ =	swait.ge [sflag:s6], $0x800  }
0x3b: {  	[sflag:s6] =	ssyncset.done $0x0  }
0x3c: {  	s10 =	simm.s32 $0x3400;
	[sflag:s6] =	ssyncadd.s32 $0xFFFFF800  }
0x3d: {  	[tilespmem:s10], [sflag:$0x1] =	stream.indirect.gather [hbm4b:s1+s19], $0x80, s4, s19, $0xb8;
	[tilespmem:$0x17400] =	vst v63  }
0x3e: {  	s23 =	simm.s32 $0x80;
	s31 =	simm.s32 $0x5400  }
0x3f: {  	[tilespmem:s31], [sflag:$0x2] =	stream.indirect.gather [hbm4b:s1+s19], $0x80, s23, s19, $0xb8;
	[tilespmem:$0x17400] =	vst v63  }
0x40: {  	s9 =	simm.s32 $0x100;
	s10 =	simm.s32 $0x7400  }
0x41: {  	[tilespmem:s10], [sflag:$0x3] =	stream.indirect.gather [hbm4b:s1+s19], $0x80, s9, s19, $0xb8;
	[tilespmem:$0x17400] =	vst v63  }
0x42: {  	s23 =	simm.s32 $0x180;
	s31 =	simm.s32 $0x9400  }
0x43: {  	[tilespmem:s31], [sflag:$0x4] =	stream.indirect.gather [hbm4b:s1+s19], $0x80, s23, s19, $0xb8;
	[tilespmem:$0x17400] =	vst v63  }
0x44: {  	s9 =	simm.s32 $0x200;
	s10 =	simm.s32 $0xB400  }
0x45: {  	[tilespmem:s10], [sflag:$0x5] =	stream.indirect.gather [hbm4b:s1+s19], $0x80, s9, s19, $0xb8;
	[tilespmem:$0x17400] =	vst v63  }
0x46: {  	s23 =	simm.s32 $0x280;
	s31 =	simm.s32 $0xD400  }
0x47: {  	[tilespmem:s31], [sflag:$0x6] =	stream.indirect.gather [hbm4b:s1+s19], $0x80, s23, s19, $0xb8;
	[tilespmem:$0x17400] =	vst v63  }
0x48: {  	s9 =	simm.s32 $0x300;
	s10 =	simm.s32 $0xF400  }
0x49: {  	[tilespmem:s10], [sflag:$0x7] =	stream.indirect.gather [hbm4b:s1+s19], $0x80, s9, s19, $0xb8;
	[tilespmem:$0x17400] =	vst v63  }
0x4a: {  	s23 =	simm.s32 $0x380;
	s31 =	simm.s32 $0x11400  }
0x4b: {  	[tilespmem:s31], [sflag:$0x8] =	stream.indirect.gather [hbm4b:s1+s19], $0x80, s23, s19, $0xb8;
	[tilespmem:$0x17400] =	vst v63  }
0x4c: {  	s10 =	simm.s32 $0x400  }
0x4d: {  	[tilespmem:s28], [sflag:$0x9] =	stream.indirect.gather [hbm4b:s1+s19], $0x80, s10, s19, $0xb8;
	[tilespmem:$0x17400] =	vst v63  }
0x4e: {  	s23 =	rddreg [dreg:$0x6];
	s31 =	simm.s32 $0x800  }
0x4f: {  	[tilespmem:s31], [sflag:$0x15] =	stream.linear.gather [hbm4b:s23+s4], $0x2A00, $0x38;
	[tilespmem:$0x17400] =	vst v63  }
0x50: {  	_ =	swait.ge [sflag:s6], $0x2A00  }
0x51: {  	[sflag:s6] =	ssyncset.done $0x0  }
0x52: {  	s29 =	simm.s32 $0x0;
	[sflag:s6] =	ssyncadd.s32 $0xFFFFD600  }
.LBB2_2:
0x53: {  	_ =	swait.ge [sflag:s2], $0x2000  }
0x54: {  	[sflag:s2] =	ssyncset.done $0x0  }
0x55: {  	s0 =	simm.s32 $0x0;
	[sflag:s2] =	ssyncadd.s32 $0xFFFFE000  }
0x56: {  	v2 =	vld [tilespmem:s0+$0x3400]  }
0x57: {  	v5 =	vld [tilespmem:s0+$0x3410]  }
0x58: {  	v4 =	vld [tilespmem:s0+$0x3420]  }
0x59: {  	v3 =	vld [tilespmem:s0+$0x3430]  }
0x5a: {  	v0 =	vld [tilespmem:s0+$0x3440]  }
0x5b: {  	v1 =	vld [tilespmem:s0+$0x3450];
	v6 =	vmul.f32 $1.131370830e+01, v2  }
0x5c: {  	s6 =	simm.s32 $0x200;
	v5 =	vmul.f32 $1.131370830e+01, v5;
	v2 =	vld [tilespmem:s0+$0x3460]  }
.LBB2_3:
0x5d: {  	s9 =	sshra.s32 s6, $0x2;
	p0 =	sne.s32 s6, $0x7E00;
	[tilespmem:s0+$0x3400] =	vst v6;
	v4 =	vmul.f32 $1.131370830e+01, v4;
	v6 =	vld [tilespmem:s0+$0x3470]  }
0x5e: {  	v7 =	vld [tilespmem:s9+$0x3400];
	[tilespmem:s0+$0x3410] =	vst v5;
	v3 =	vmul.f32 $1.131370830e+01, v3  }
0x5f: {  	v5 =	vld [tilespmem:s9+$0x3410];
	[tilespmem:s0+$0x3420] =	vst v4;
	v0 =	vmul.f32 $1.131370830e+01, v0  }
.Ltmp2:
0x60: {  	v4 =	vld [tilespmem:s9+$0x3420];
	[tilespmem:s0+$0x3430] =	vst v3;
	v1 =	vmul.f32 $1.131370830e+01, v1;
	(pc) =	sbr.rel @p0 .LBB2_3-.Ltmp2, $4  }
0x61: {  	v3 =	vld [tilespmem:s9+$0x3430];
	[tilespmem:s0+$0x3440] =	vst v0;
	v2 =	vmul.f32 $1.131370830e+01, v2  }
0x62: {  	v0 =	vld [tilespmem:s9+$0x3440];
	[tilespmem:s0+$0x3450] =	vst v1;
	v8 =	vmul.f32 $1.131370830e+01, v6  }
0x63: {  	v6 =	vmul.f32 $1.131370830e+01, v7;
	v1 =	vld [tilespmem:s9+$0x3450];
	[tilespmem:s0+$0x3460] =	vst v2  }
0x64: {  	s6 =	sadd.s32 $0x200, s6;
	v5 =	vmul.f32 $1.131370830e+01, v5;
	v2 =	vld [tilespmem:s9+$0x3460];
	[tilespmem:s0+$0x3470] =	vst v8;
	s0 =	smov.u32 s9  }
0x65: {  	[tilespmem:s0+$0x3400] =	vst v6;
	v4 =	vmul.f32 $1.131370830e+01, v4;
	v6 =	vld [tilespmem:s0+$0x3470]  }
0x66: {  	[tilespmem:s0+$0x3410] =	vst v5;
	v3 =	vmul.f32 $1.131370830e+01, v3  }
0x67: {  	[tilespmem:s0+$0x3420] =	vst v4;
	v0 =	vmul.f32 $1.131370830e+01, v0  }
0x68: {  	s6 =	smul.u32 $0x280, s29;
	[tilespmem:s0+$0x3430] =	vst v3;
	v1 =	vmul.f32 $1.131370830e+01, v1  }
0x69: {  	s9 =	rddreg [dreg:$0x4];
	[tilespmem:s0+$0x3440] =	vst v0;
	v0 =	vmul.f32 $1.131370830e+01, v2  }
0x6a: {  	s6 =	sadd.s32 s9, s6;
	[tilespmem:s0+$0x3450] =	vst v1;
	v1 =	vmul.f32 $1.131370830e+01, v6  }
0x6b: {  	s10 =	simm.s32 $0x3400;
	p0 =	seq.s32 s29, $0x0;
	s6 =	sshll.u32 s6, $0x4;
	[tilespmem:s0+$0x3460] =	vst v0  }
0x6c: {  	s23 =	smul.u32 $0xA, s29;
	s9 =	sadd.s32 s3, s6;
	s6 =	simm.s32 @!p0 $0x14;
	[tilespmem:s0+$0x3470] =	vst v1  }
0x6d: {  	[hbm4b:s9+s4] =	stream.linear.scatter [tilespmem:s10], [sflag:$0xB], $0x2000, $0x38;
	[tilespmem:$0x17400] =	vst v63  }
0x6e: {  	s31 =	sadd.s32 $0x9, s23;
	_ =	swait.ge @!p0 [sflag:s6], $0x2000  }
0x6f: {  	s0 =	sshll.u32 s31, $0x7;
	[sflag:s6] =	ssyncset.done @!p0 $0x0  }
0x70: {  	s0 =	sand.u32 $0x3FFFFF80, s0;
	[sflag:s6] =	ssyncadd.s32 @!p0 $0xFFFFE000  }
0x71: {  	[tilespmem:s21], [sflag:$0xA] =	stream.indirect.gather [hbm4b:s1+s19], $0x80, s0, s19, $0xb8;
	[tilespmem:$0x17400] =	vst v63  }
0x72: {  	_ =	swait.ge [sflag:s25], $0x2000  }
0x73: {  	[sflag:s25] =	ssyncset.done $0x0  }
0x74: {  	s23 =	simm.s32 $0x0;
	[sflag:s25] =	ssyncadd.s32 $0xFFFFE000  }
0x75: {  	v2 =	vld [tilespmem:s23+$0x5400]  }
0x76: {  	v5 =	vld [tilespmem:s23+$0x5410]  }
0x77: {  	v4 =	vld [tilespmem:s23+$0x5420]  }
0x78: {  	v3 =	vld [tilespmem:s23+$0x5430]  }
0x79: {  	v0 =	vld [tilespmem:s23+$0x5440]  }
0x7a: {  	v1 =	vld [tilespmem:s23+$0x5450];
	v6 =	vmul.f32 $1.131370830e+01, v2  }
0x7b: {  	s0 =	simm.s32 $0x200;
	v5 =	vmul.f32 $1.131370830e+01, v5;
	v2 =	vld [tilespmem:s23+$0x5460]  }
.LBB2_5:
0x7c: {  	s6 =	sshra.s32 s0, $0x2;
	p0 =	sne.s32 s0, $0x7E00;
	[tilespmem:s23+$0x5400] =	vst v6;
	v4 =	vmul.f32 $1.131370830e+01, v4;
	v6 =	vld [tilespmem:s23+$0x5470]  }
0x7d: {  	v7 =	vld [tilespmem:s6+$0x5400];
	[tilespmem:s23+$0x5410] =	vst v5;
	v3 =	vmul.f32 $1.131370830e+01, v3  }
0x7e: {  	v5 =	vld [tilespmem:s6+$0x5410];
	[tilespmem:s23+$0x5420] =	vst v4;
	v0 =	vmul.f32 $1.131370830e+01, v0  }
.Ltmp3:
0x7f: {  	v4 =	vld [tilespmem:s6+$0x5420];
	[tilespmem:s23+$0x5430] =	vst v3;
	v1 =	vmul.f32 $1.131370830e+01, v1;
	(pc) =	sbr.rel @p0 .LBB2_5-.Ltmp3, $4  }
0x80: {  	v3 =	vld [tilespmem:s6+$0x5430];
	[tilespmem:s23+$0x5440] =	vst v0;
	v2 =	vmul.f32 $1.131370830e+01, v2  }
0x81: {  	v0 =	vld [tilespmem:s6+$0x5440];
	[tilespmem:s23+$0x5450] =	vst v1;
	v8 =	vmul.f32 $1.131370830e+01, v6  }
0x82: {  	v6 =	vmul.f32 $1.131370830e+01, v7;
	v1 =	vld [tilespmem:s6+$0x5450];
	[tilespmem:s23+$0x5460] =	vst v2  }
0x83: {  	s0 =	sadd.s32 $0x200, s0;
	v5 =	vmul.f32 $1.131370830e+01, v5;
	v2 =	vld [tilespmem:s6+$0x5460];
	[tilespmem:s23+$0x5470] =	vst v8;
	s23 =	smov.u32 s6  }
0x84: {  	[tilespmem:s23+$0x5400] =	vst v6;
	v4 =	vmul.f32 $1.131370830e+01, v4;
	v6 =	vld [tilespmem:s23+$0x5470]  }
0x85: {  	[tilespmem:s23+$0x5410] =	vst v5;
	v3 =	vmul.f32 $1.131370830e+01, v3  }
0x86: {  	[tilespmem:s23+$0x5420] =	vst v4;
	v0 =	vmul.f32 $1.131370830e+01, v0  }
0x87: {  	s0 =	smul.u32 $0x14000, s29;
	[tilespmem:s23+$0x5430] =	vst v3;
	v1 =	vmul.f32 $1.131370830e+01, v1  }
0x88: {  	s6 =	rddreg [dreg:$0x7];
	[tilespmem:s23+$0x5440] =	vst v0;
	v0 =	vmul.f32 $1.131370830e+01, v2  }
0x89: {  	s6 =	sadd.s32 s6, s0;
	[tilespmem:s23+$0x5450] =	vst v1;
	v1 =	vmul.f32 $1.131370830e+01, v6  }
0x8a: {  	s6 =	sshrl.u32 s6, $0x3;
	[tilespmem:s23+$0x5460] =	vst v0  }
0x8b: {  	s9 =	simm.s32 $0x5400;
	p0 =	seq.s32 s29, $0x9;
	s6 =	sadd.s32 s3, s6;
	[tilespmem:s23+$0x5470] =	vst v1  }
0x8c: {  	[hbm4b:s6+s4] =	stream.linear.scatter [tilespmem:s9], [sflag:$0xC], $0x2000, $0x38;
	[tilespmem:$0x17400] =	vst v63  }
0x8d: {  	s6 =	simm.s32 @!p0 $0xB;
	s9 =	smul.u32 @!p0 $0x1400, s29  }
0x8e: {  	_ =	swait.ge @!p0 [sflag:s6], $0x2000  }
0x8f: {  	s10 =	simm.s32 @!p0 $0x3400;
	[sflag:s6] =	ssyncset.done @!p0 $0x0;
	s23 =	sshra.s32 @!p0 s9, $0x2  }
0x90: {  	s9 =	simm.s32 @!p0 $0x40;
	[sflag:s6] =	ssyncadd.s32 @!p0 $0xFFFFE000;
	s6 =	sadd.s32 @!p0 $0x500, s23  }
0x91: {  	[tilespmem:s10], [sflag:$0x1] =	stream.indirect.gather @!p0 [hbm4b:s1+s9], $0x80, s6, s9, $0xb8;
	[tilespmem:$0x17400] =	vst v63  }
0x92: {  	_ =	swait.ge [sflag:s30], $0x2000  }
0x93: {  	[sflag:s30] =	ssyncset.done $0x0  }
0x94: {  	s6 =	simm.s32 $0x0;
	[sflag:s30] =	ssyncadd.s32 $0xFFFFE000  }
0x95: {  	v3 =	vld [tilespmem:s6+$0x7400]  }
0x96: {  	v5 =	vld [tilespmem:s6+$0x7410]  }
0x97: {  	v4 =	vld [tilespmem:s6+$0x7420]  }
0x98: {  	v2 =	vld [tilespmem:s6+$0x7430]  }
0x99: {  	v0 =	vld [tilespmem:s6+$0x7440]  }
0x9a: {  	v1 =	vld [tilespmem:s6+$0x7450];
	v6 =	vmul.f32 $1.131370830e+01, v3  }
0x9b: {  	s9 =	simm.s32 $0x200;
	v5 =	vmul.f32 $1.131370830e+01, v5;
	v3 =	vld [tilespmem:s6+$0x7460]  }
.LBB2_7:
0x9c: {  	s10 =	sshra.s32 s9, $0x2;
	p1 =	sne.s32 s9, $0x7E00;
	[tilespmem:s6+$0x7400] =	vst v6;
	v4 =	vmul.f32 $1.131370830e+01, v4;
	v6 =	vld [tilespmem:s6+$0x7470]  }
0x9d: {  	v7 =	vld [tilespmem:s10+$0x7400];
	[tilespmem:s6+$0x7410] =	vst v5;
	v2 =	vmul.f32 $1.131370830e+01, v2  }
0x9e: {  	v5 =	vld [tilespmem:s10+$0x7410];
	[tilespmem:s6+$0x7420] =	vst v4;
	v0 =	vmul.f32 $1.131370830e+01, v0  }
.Ltmp4:
0x9f: {  	v4 =	vld [tilespmem:s10+$0x7420];
	[tilespmem:s6+$0x7430] =	vst v2;
	v1 =	vmul.f32 $1.131370830e+01, v1;
	(pc) =	sbr.rel @p1 .LBB2_7-.Ltmp4, $4  }
0xa0: {  	v2 =	vld [tilespmem:s10+$0x7430];
	[tilespmem:s6+$0x7440] =	vst v0;
	v3 =	vmul.f32 $1.131370830e+01, v3  }
0xa1: {  	v0 =	vld [tilespmem:s10+$0x7440];
	[tilespmem:s6+$0x7450] =	vst v1;
	v8 =	vmul.f32 $1.131370830e+01, v6  }
0xa2: {  	v6 =	vmul.f32 $1.131370830e+01, v7;
	v1 =	vld [tilespmem:s10+$0x7450];
	[tilespmem:s6+$0x7460] =	vst v3  }
0xa3: {  	s9 =	sadd.s32 $0x200, s9;
	v5 =	vmul.f32 $1.131370830e+01, v5;
	v3 =	vld [tilespmem:s10+$0x7460];
	[tilespmem:s6+$0x7470] =	vst v8;
	s6 =	smov.u32 s10  }
0xa4: {  	[tilespmem:s6+$0x7400] =	vst v6;
	v4 =	vmul.f32 $1.131370830e+01, v4;
	v6 =	vld [tilespmem:s6+$0x7470]  }
0xa5: {  	[tilespmem:s6+$0x7410] =	vst v5;
	v2 =	vmul.f32 $1.131370830e+01, v2  }
0xa6: {  	[tilespmem:s6+$0x7420] =	vst v4;
	v0 =	vmul.f32 $1.131370830e+01, v0  }
0xa7: {  	[tilespmem:s6+$0x7430] =	vst v2;
	v1 =	vmul.f32 $1.131370830e+01, v1  }
0xa8: {  	s9 =	rddreg [dreg:$0x8];
	[tilespmem:s6+$0x7440] =	vst v0;
	v0 =	vmul.f32 $1.131370830e+01, v3  }
0xa9: {  	s9 =	sadd.s32 s9, s0;
	[tilespmem:s6+$0x7450] =	vst v1;
	v1 =	vmul.f32 $1.131370830e+01, v6  }
0xaa: {  	s9 =	sshrl.u32 s9, $0x3;
	[tilespmem:s6+$0x7460] =	vst v0  }
0xab: {  	s10 =	simm.s32 $0x7400;
	s9 =	sadd.s32 s3, s9;
	[tilespmem:s6+$0x7470] =	vst v1;
	s6 =	simm.s32 @!p0 $0xC  }
0xac: {  	[hbm4b:s9+s4] =	stream.linear.scatter [tilespmem:s10], [sflag:$0xD], $0x2000, $0x38;
	[tilespmem:$0x17400] =	vst v63  }
0xad: {  	_ =	swait.ge @!p0 [sflag:s6], $0x2000  }
0xae: {  	s9 =	simm.s32 @!p0 $0x40;
	[sflag:s6] =	ssyncset.done @!p0 $0x0  }
0xaf: {  	s10 =	simm.s32 @!p0 $0x5400;
	[sflag:s6] =	ssyncadd.s32 @!p0 $0xFFFFE000;
	s6 =	sadd.s32 @!p0 $0x580, s23  }
0xb0: {  	[tilespmem:s10], [sflag:$0x2] =	stream.indirect.gather @!p0 [hbm4b:s1+s9], $0x80, s6, s9, $0xb8;
	[tilespmem:$0x17400] =	vst v63  }
0xb1: {  	_ =	swait.ge [sflag:s7], $0x2000  }
0xb2: {  	[sflag:s7] =	ssyncset.done $0x0  }
0xb3: {  	s6 =	simm.s32 $0x0;
	[sflag:s7] =	ssyncadd.s32 $0xFFFFE000  }
0xb4: {  	v3 =	vld [tilespmem:s6+$0x9400]  }
0xb5: {  	v5 =	vld [tilespmem:s6+$0x9410]  }
0xb6: {  	v4 =	vld [tilespmem:s6+$0x9420]  }
0xb7: {  	v2 =	vld [tilespmem:s6+$0x9430]  }
0xb8: {  	v0 =	vld [tilespmem:s6+$0x9440]  }
0xb9: {  	v1 =	vld [tilespmem:s6+$0x9450];
	v6 =	vmul.f32 $1.131370830e+01, v3  }
0xba: {  	s9 =	simm.s32 $0x200;
	v5 =	vmul.f32 $1.131370830e+01, v5;
	v3 =	vld [tilespmem:s6+$0x9460]  }
.LBB2_9:
0xbb: {  	s10 =	sshra.s32 s9, $0x2;
	p1 =	sne.s32 s9, $0x7E00;
	[tilespmem:s6+$0x9400] =	vst v6;
	v4 =	vmul.f32 $1.131370830e+01, v4;
	v6 =	vld [tilespmem:s6+$0x9470]  }
0xbc: {  	v7 =	vld [tilespmem:s10+$0x9400];
	[tilespmem:s6+$0x9410] =	vst v5;
	v2 =	vmul.f32 $1.131370830e+01, v2  }
0xbd: {  	v5 =	vld [tilespmem:s10+$0x9410];
	[tilespmem:s6+$0x9420] =	vst v4;
	v0 =	vmul.f32 $1.131370830e+01, v0  }
.Ltmp5:
0xbe: {  	v4 =	vld [tilespmem:s10+$0x9420];
	[tilespmem:s6+$0x9430] =	vst v2;
	v1 =	vmul.f32 $1.131370830e+01, v1;
	(pc) =	sbr.rel @p1 .LBB2_9-.Ltmp5, $4  }
0xbf: {  	v2 =	vld [tilespmem:s10+$0x9430];
	[tilespmem:s6+$0x9440] =	vst v0;
	v3 =	vmul.f32 $1.131370830e+01, v3  }
0xc0: {  	v0 =	vld [tilespmem:s10+$0x9440];
	[tilespmem:s6+$0x9450] =	vst v1;
	v8 =	vmul.f32 $1.131370830e+01, v6  }
0xc1: {  	v6 =	vmul.f32 $1.131370830e+01, v7;
	v1 =	vld [tilespmem:s10+$0x9450];
	[tilespmem:s6+$0x9460] =	vst v3  }
0xc2: {  	s9 =	sadd.s32 $0x200, s9;
	v5 =	vmul.f32 $1.131370830e+01, v5;
	v3 =	vld [tilespmem:s10+$0x9460];
	[tilespmem:s6+$0x9470] =	vst v8;
	s6 =	smov.u32 s10  }
0xc3: {  	[tilespmem:s6+$0x9400] =	vst v6;
	v4 =	vmul.f32 $1.131370830e+01, v4;
	v6 =	vld [tilespmem:s6+$0x9470]  }
0xc4: {  	[tilespmem:s6+$0x9410] =	vst v5;
	v2 =	vmul.f32 $1.131370830e+01, v2  }
0xc5: {  	[tilespmem:s6+$0x9420] =	vst v4;
	v0 =	vmul.f32 $1.131370830e+01, v0  }
0xc6: {  	[tilespmem:s6+$0x9430] =	vst v2;
	v1 =	vmul.f32 $1.131370830e+01, v1  }
0xc7: {  	[tilespmem:s6+$0x9440] =	vst v0;
	v0 =	vmul.f32 $1.131370830e+01, v3  }
0xc8: {  	s9 =	sadd.s32 s11, s0;
	[tilespmem:s6+$0x9450] =	vst v1;
	v1 =	vmul.f32 $1.131370830e+01, v6  }
0xc9: {  	s9 =	sshrl.u32 s9, $0x3;
	[tilespmem:s6+$0x9460] =	vst v0  }
0xca: {  	s10 =	simm.s32 $0x9400;
	s9 =	sadd.s32 s3, s9;
	[tilespmem:s6+$0x9470] =	vst v1;
	s6 =	simm.s32 @!p0 $0xD  }
0xcb: {  	[hbm4b:s9+s4] =	stream.linear.scatter [tilespmem:s10], [sflag:$0xE], $0x2000, $0x38;
	[tilespmem:$0x17400] =	vst v63  }
0xcc: {  	_ =	swait.ge @!p0 [sflag:s6], $0x2000  }
0xcd: {  	s9 =	simm.s32 @!p0 $0x40;
	[sflag:s6] =	ssyncset.done @!p0 $0x0  }
0xce: {  	s10 =	simm.s32 @!p0 $0x7400;
	[sflag:s6] =	ssyncadd.s32 @!p0 $0xFFFFE000;
	s6 =	sadd.s32 @!p0 $0x600, s23  }
0xcf: {  	[tilespmem:s10], [sflag:$0x3] =	stream.indirect.gather @!p0 [hbm4b:s1+s9], $0x80, s6, s9, $0xb8;
	[tilespmem:$0x17400] =	vst v63  }
0xd0: {  	_ =	swait.ge [sflag:s8], $0x2000  }
0xd1: {  	[sflag:s8] =	ssyncset.done $0x0  }
0xd2: {  	s6 =	simm.s32 $0x0;
	[sflag:s8] =	ssyncadd.s32 $0xFFFFE000  }
0xd3: {  	v3 =	vld [tilespmem:s6+$0xB400]  }
0xd4: {  	v5 =	vld [tilespmem:s6+$0xB410]  }
0xd5: {  	v4 =	vld [tilespmem:s6+$0xB420]  }
0xd6: {  	v2 =	vld [tilespmem:s6+$0xB430]  }
0xd7: {  	v0 =	vld [tilespmem:s6+$0xB440]  }
0xd8: {  	v1 =	vld [tilespmem:s6+$0xB450];
	v6 =	vmul.f32 $1.131370830e+01, v3  }
0xd9: {  	s9 =	simm.s32 $0x200;
	v5 =	vmul.f32 $1.131370830e+01, v5;
	v3 =	vld [tilespmem:s6+$0xB460]  }
.LBB2_11:
0xda: {  	s10 =	sshra.s32 s9, $0x2;
	p1 =	sne.s32 s9, $0x7E00;
	[tilespmem:s6+$0xB400] =	vst v6;
	v4 =	vmul.f32 $1.131370830e+01, v4;
	v6 =	vld [tilespmem:s6+$0xB470]  }
0xdb: {  	v7 =	vld [tilespmem:s10+$0xB400];
	[tilespmem:s6+$0xB410] =	vst v5;
	v2 =	vmul.f32 $1.131370830e+01, v2  }
0xdc: {  	v5 =	vld [tilespmem:s10+$0xB410];
	[tilespmem:s6+$0xB420] =	vst v4;
	v0 =	vmul.f32 $1.131370830e+01, v0  }
.Ltmp6:
0xdd: {  	v4 =	vld [tilespmem:s10+$0xB420];
	[tilespmem:s6+$0xB430] =	vst v2;
	v1 =	vmul.f32 $1.131370830e+01, v1;
	(pc) =	sbr.rel @p1 .LBB2_11-.Ltmp6, $4  }
0xde: {  	v2 =	vld [tilespmem:s10+$0xB430];
	[tilespmem:s6+$0xB440] =	vst v0;
	v3 =	vmul.f32 $1.131370830e+01, v3  }
0xdf: {  	v0 =	vld [tilespmem:s10+$0xB440];
	[tilespmem:s6+$0xB450] =	vst v1;
	v8 =	vmul.f32 $1.131370830e+01, v6  }
0xe0: {  	v6 =	vmul.f32 $1.131370830e+01, v7;
	v1 =	vld [tilespmem:s10+$0xB450];
	[tilespmem:s6+$0xB460] =	vst v3  }
0xe1: {  	s9 =	sadd.s32 $0x200, s9;
	v5 =	vmul.f32 $1.131370830e+01, v5;
	v3 =	vld [tilespmem:s10+$0xB460];
	[tilespmem:s6+$0xB470] =	vst v8;
	s6 =	smov.u32 s10  }
0xe2: {  	[tilespmem:s6+$0xB400] =	vst v6;
	v4 =	vmul.f32 $1.131370830e+01, v4;
	v6 =	vld [tilespmem:s6+$0xB470]  }
0xe3: {  	[tilespmem:s6+$0xB410] =	vst v5;
	v2 =	vmul.f32 $1.131370830e+01, v2  }
0xe4: {  	[tilespmem:s6+$0xB420] =	vst v4;
	v0 =	vmul.f32 $1.131370830e+01, v0  }
0xe5: {  	[tilespmem:s6+$0xB430] =	vst v2;
	v1 =	vmul.f32 $1.131370830e+01, v1  }
0xe6: {  	[tilespmem:s6+$0xB440] =	vst v0;
	v0 =	vmul.f32 $1.131370830e+01, v3  }
0xe7: {  	s9 =	sadd.s32 s12, s0;
	[tilespmem:s6+$0xB450] =	vst v1;
	v1 =	vmul.f32 $1.131370830e+01, v6  }
0xe8: {  	s9 =	sshrl.u32 s9, $0x3;
	[tilespmem:s6+$0xB460] =	vst v0  }
0xe9: {  	s10 =	simm.s32 $0xB400;
	s9 =	sadd.s32 s3, s9;
	[tilespmem:s6+$0xB470] =	vst v1;
	s6 =	simm.s32 @!p0 $0xE  }
0xea: {  	[hbm4b:s9+s4] =	stream.linear.scatter [tilespmem:s10], [sflag:$0xF], $0x2000, $0x38;
	[tilespmem:$0x17400] =	vst v63  }
0xeb: {  	_ =	swait.ge @!p0 [sflag:s6], $0x2000  }
0xec: {  	s9 =	simm.s32 @!p0 $0x40;
	[sflag:s6] =	ssyncset.done @!p0 $0x0  }
0xed: {  	s10 =	simm.s32 @!p0 $0x9400;
	[sflag:s6] =	ssyncadd.s32 @!p0 $0xFFFFE000;
	s6 =	sadd.s32 @!p0 $0x680, s23  }
0xee: {  	[tilespmem:s10], [sflag:$0x4] =	stream.indirect.gather @!p0 [hbm4b:s1+s9], $0x80, s6, s9, $0xb8;
	[tilespmem:$0x17400] =	vst v63  }
0xef: {  	_ =	swait.ge [sflag:s17], $0x2000  }
0xf0: {  	[sflag:s17] =	ssyncset.done $0x0  }
0xf1: {  	s6 =	simm.s32 $0x0;
	[sflag:s17] =	ssyncadd.s32 $0xFFFFE000  }
0xf2: {  	v3 =	vld [tilespmem:s6+$0xD400]  }
0xf3: {  	v5 =	vld [tilespmem:s6+$0xD410]  }
0xf4: {  	v4 =	vld [tilespmem:s6+$0xD420]  }
0xf5: {  	v2 =	vld [tilespmem:s6+$0xD430]  }
0xf6: {  	v0 =	vld [tilespmem:s6+$0xD440]  }
0xf7: {  	v1 =	vld [tilespmem:s6+$0xD450];
	v6 =	vmul.f32 $1.131370830e+01, v3  }
0xf8: {  	s9 =	simm.s32 $0x200;
	v5 =	vmul.f32 $1.131370830e+01, v5;
	v3 =	vld [tilespmem:s6+$0xD460]  }
.LBB2_13:
0xf9: {  	s10 =	sshra.s32 s9, $0x2;
	p1 =	sne.s32 s9, $0x7E00;
	[tilespmem:s6+$0xD400] =	vst v6;
	v4 =	vmul.f32 $1.131370830e+01, v4;
	v6 =	vld [tilespmem:s6+$0xD470]  }
0xfa: {  	v7 =	vld [tilespmem:s10+$0xD400];
	[tilespmem:s6+$0xD410] =	vst v5;
	v2 =	vmul.f32 $1.131370830e+01, v2  }
0xfb: {  	v5 =	vld [tilespmem:s10+$0xD410];
	[tilespmem:s6+$0xD420] =	vst v4;
	v0 =	vmul.f32 $1.131370830e+01, v0  }
.Ltmp7:
0xfc: {  	v4 =	vld [tilespmem:s10+$0xD420];
	[tilespmem:s6+$0xD430] =	vst v2;
	v1 =	vmul.f32 $1.131370830e+01, v1;
	(pc) =	sbr.rel @p1 .LBB2_13-.Ltmp7, $4  }
0xfd: {  	v2 =	vld [tilespmem:s10+$0xD430];
	[tilespmem:s6+$0xD440] =	vst v0;
	v3 =	vmul.f32 $1.131370830e+01, v3  }
0xfe: {  	v0 =	vld [tilespmem:s10+$0xD440];
	[tilespmem:s6+$0xD450] =	vst v1;
	v8 =	vmul.f32 $1.131370830e+01, v6  }
0xff: {  	v6 =	vmul.f32 $1.131370830e+01, v7;
	v1 =	vld [tilespmem:s10+$0xD450];
	[tilespmem:s6+$0xD460] =	vst v3  }
0x100: {  	s9 =	sadd.s32 $0x200, s9;
	v5 =	vmul.f32 $1.131370830e+01, v5;
	v3 =	vld [tilespmem:s10+$0xD460];
	[tilespmem:s6+$0xD470] =	vst v8;
	s6 =	smov.u32 s10  }
0x101: {  	[tilespmem:s6+$0xD400] =	vst v6;
	v4 =	vmul.f32 $1.131370830e+01, v4;
	v6 =	vld [tilespmem:s6+$0xD470]  }
0x102: {  	[tilespmem:s6+$0xD410] =	vst v5;
	v2 =	vmul.f32 $1.131370830e+01, v2  }
0x103: {  	[tilespmem:s6+$0xD420] =	vst v4;
	v0 =	vmul.f32 $1.131370830e+01, v0  }
0x104: {  	[tilespmem:s6+$0xD430] =	vst v2;
	v1 =	vmul.f32 $1.131370830e+01, v1  }
0x105: {  	[tilespmem:s6+$0xD440] =	vst v0;
	v0 =	vmul.f32 $1.131370830e+01, v3  }
0x106: {  	s9 =	sadd.s32 s13, s0;
	[tilespmem:s6+$0xD450] =	vst v1;
	v1 =	vmul.f32 $1.131370830e+01, v6  }
0x107: {  	s9 =	sshrl.u32 s9, $0x3;
	[tilespmem:s6+$0xD460] =	vst v0  }
0x108: {  	s10 =	simm.s32 $0xD400;
	s9 =	sadd.s32 s3, s9;
	[tilespmem:s6+$0xD470] =	vst v1;
	s6 =	simm.s32 @!p0 $0xF  }
0x109: {  	[hbm4b:s9+s4] =	stream.linear.scatter [tilespmem:s10], [sflag:$0x10], $0x2000, $0x38;
	[tilespmem:$0x17400] =	vst v63  }
0x10a: {  	_ =	swait.ge @!p0 [sflag:s6], $0x2000  }
0x10b: {  	s9 =	simm.s32 @!p0 $0x40;
	[sflag:s6] =	ssyncset.done @!p0 $0x0  }
0x10c: {  	s10 =	simm.s32 @!p0 $0xB400;
	[sflag:s6] =	ssyncadd.s32 @!p0 $0xFFFFE000;
	s6 =	sadd.s32 @!p0 $0x700, s23  }
0x10d: {  	[tilespmem:s10], [sflag:$0x5] =	stream.indirect.gather @!p0 [hbm4b:s1+s9], $0x80, s6, s9, $0xb8;
	[tilespmem:$0x17400] =	vst v63  }
0x10e: {  	_ =	swait.ge [sflag:s18], $0x2000  }
0x10f: {  	[sflag:s18] =	ssyncset.done $0x0  }
0x110: {  	s6 =	simm.s32 $0x0;
	[sflag:s18] =	ssyncadd.s32 $0xFFFFE000  }
0x111: {  	v3 =	vld [tilespmem:s6+$0xF400]  }
0x112: {  	v5 =	vld [tilespmem:s6+$0xF410]  }
0x113: {  	v4 =	vld [tilespmem:s6+$0xF420]  }
0x114: {  	v2 =	vld [tilespmem:s6+$0xF430]  }
0x115: {  	v0 =	vld [tilespmem:s6+$0xF440]  }
0x116: {  	v1 =	vld [tilespmem:s6+$0xF450];
	v6 =	vmul.f32 $1.131370830e+01, v3  }
0x117: {  	s9 =	simm.s32 $0x200;
	v5 =	vmul.f32 $1.131370830e+01, v5;
	v3 =	vld [tilespmem:s6+$0xF460]  }
.LBB2_15:
0x118: {  	s10 =	sshra.s32 s9, $0x2;
	p1 =	sne.s32 s9, $0x7E00;
	[tilespmem:s6+$0xF400] =	vst v6;
	v4 =	vmul.f32 $1.131370830e+01, v4;
	v6 =	vld [tilespmem:s6+$0xF470]  }
0x119: {  	v7 =	vld [tilespmem:s10+$0xF400];
	[tilespmem:s6+$0xF410] =	vst v5;
	v2 =	vmul.f32 $1.131370830e+01, v2  }
0x11a: {  	v5 =	vld [tilespmem:s10+$0xF410];
	[tilespmem:s6+$0xF420] =	vst v4;
	v0 =	vmul.f32 $1.131370830e+01, v0  }
.Ltmp8:
0x11b: {  	v4 =	vld [tilespmem:s10+$0xF420];
	[tilespmem:s6+$0xF430] =	vst v2;
	v1 =	vmul.f32 $1.131370830e+01, v1;
	(pc) =	sbr.rel @p1 .LBB2_15-.Ltmp8, $4  }
0x11c: {  	v2 =	vld [tilespmem:s10+$0xF430];
	[tilespmem:s6+$0xF440] =	vst v0;
	v3 =	vmul.f32 $1.131370830e+01, v3  }
0x11d: {  	v0 =	vld [tilespmem:s10+$0xF440];
	[tilespmem:s6+$0xF450] =	vst v1;
	v8 =	vmul.f32 $1.131370830e+01, v6  }
0x11e: {  	v6 =	vmul.f32 $1.131370830e+01, v7;
	v1 =	vld [tilespmem:s10+$0xF450];
	[tilespmem:s6+$0xF460] =	vst v3  }
0x11f: {  	s9 =	sadd.s32 $0x200, s9;
	v5 =	vmul.f32 $1.131370830e+01, v5;
	v3 =	vld [tilespmem:s10+$0xF460];
	[tilespmem:s6+$0xF470] =	vst v8;
	s6 =	smov.u32 s10  }
0x120: {  	[tilespmem:s6+$0xF400] =	vst v6;
	v4 =	vmul.f32 $1.131370830e+01, v4;
	v6 =	vld [tilespmem:s6+$0xF470]  }
0x121: {  	[tilespmem:s6+$0xF410] =	vst v5;
	v2 =	vmul.f32 $1.131370830e+01, v2  }
0x122: {  	[tilespmem:s6+$0xF420] =	vst v4;
	v0 =	vmul.f32 $1.131370830e+01, v0  }
0x123: {  	[tilespmem:s6+$0xF430] =	vst v2;
	v1 =	vmul.f32 $1.131370830e+01, v1  }
0x124: {  	[tilespmem:s6+$0xF440] =	vst v0;
	v0 =	vmul.f32 $1.131370830e+01, v3  }
0x125: {  	s9 =	sadd.s32 s14, s0;
	[tilespmem:s6+$0xF450] =	vst v1;
	v1 =	vmul.f32 $1.131370830e+01, v6  }
0x126: {  	s9 =	sshrl.u32 s9, $0x3;
	[tilespmem:s6+$0xF460] =	vst v0  }
0x127: {  	s10 =	simm.s32 $0xF400;
	s9 =	sadd.s32 s3, s9;
	[tilespmem:s6+$0xF470] =	vst v1;
	s6 =	simm.s32 @!p0 $0x10  }
0x128: {  	[hbm4b:s9+s4] =	stream.linear.scatter [tilespmem:s10], [sflag:$0x11], $0x2000, $0x38;
	[tilespmem:$0x17400] =	vst v63  }
0x129: {  	_ =	swait.ge @!p0 [sflag:s6], $0x2000  }
0x12a: {  	s9 =	simm.s32 @!p0 $0x40;
	[sflag:s6] =	ssyncset.done @!p0 $0x0  }
0x12b: {  	s10 =	simm.s32 @!p0 $0xD400;
	[sflag:s6] =	ssyncadd.s32 @!p0 $0xFFFFE000;
	s6 =	sadd.s32 @!p0 $0x780, s23  }
0x12c: {  	[tilespmem:s10], [sflag:$0x6] =	stream.indirect.gather @!p0 [hbm4b:s1+s9], $0x80, s6, s9, $0xb8;
	[tilespmem:$0x17400] =	vst v63  }
0x12d: {  	_ =	swait.ge [sflag:s20], $0x2000  }
0x12e: {  	[sflag:s20] =	ssyncset.done $0x0  }
0x12f: {  	s6 =	simm.s32 $0x0;
	[sflag:s20] =	ssyncadd.s32 $0xFFFFE000  }
0x130: {  	v3 =	vld [tilespmem:s6+$0x11400]  }
0x131: {  	v5 =	vld [tilespmem:s6+$0x11410]  }
0x132: {  	v4 =	vld [tilespmem:s6+$0x11420]  }
0x133: {  	v2 =	vld [tilespmem:s6+$0x11430]  }
0x134: {  	v0 =	vld [tilespmem:s6+$0x11440]  }
0x135: {  	v1 =	vld [tilespmem:s6+$0x11450];
	v6 =	vmul.f32 $1.131370830e+01, v3  }
0x136: {  	s9 =	simm.s32 $0x200;
	v5 =	vmul.f32 $1.131370830e+01, v5;
	v3 =	vld [tilespmem:s6+$0x11460]  }
.LBB2_17:
0x137: {  	s10 =	sshra.s32 s9, $0x2;
	p1 =	sne.s32 s9, $0x7E00;
	[tilespmem:s6+$0x11400] =	vst v6;
	v4 =	vmul.f32 $1.131370830e+01, v4;
	v6 =	vld [tilespmem:s6+$0x11470]  }
0x138: {  	v7 =	vld [tilespmem:s10+$0x11400];
	[tilespmem:s6+$0x11410] =	vst v5;
	v2 =	vmul.f32 $1.131370830e+01, v2  }
0x139: {  	v5 =	vld [tilespmem:s10+$0x11410];
	[tilespmem:s6+$0x11420] =	vst v4;
	v0 =	vmul.f32 $1.131370830e+01, v0  }
.Ltmp9:
0x13a: {  	v4 =	vld [tilespmem:s10+$0x11420];
	[tilespmem:s6+$0x11430] =	vst v2;
	v1 =	vmul.f32 $1.131370830e+01, v1;
	(pc) =	sbr.rel @p1 .LBB2_17-.Ltmp9, $4  }
0x13b: {  	v2 =	vld [tilespmem:s10+$0x11430];
	[tilespmem:s6+$0x11440] =	vst v0;
	v3 =	vmul.f32 $1.131370830e+01, v3  }
0x13c: {  	v0 =	vld [tilespmem:s10+$0x11440];
	[tilespmem:s6+$0x11450] =	vst v1;
	v8 =	vmul.f32 $1.131370830e+01, v6  }
0x13d: {  	v6 =	vmul.f32 $1.131370830e+01, v7;
	v1 =	vld [tilespmem:s10+$0x11450];
	[tilespmem:s6+$0x11460] =	vst v3  }
0x13e: {  	s9 =	sadd.s32 $0x200, s9;
	v5 =	vmul.f32 $1.131370830e+01, v5;
	v3 =	vld [tilespmem:s10+$0x11460];
	[tilespmem:s6+$0x11470] =	vst v8;
	s6 =	smov.u32 s10  }
0x13f: {  	[tilespmem:s6+$0x11400] =	vst v6;
	v4 =	vmul.f32 $1.131370830e+01, v4;
	v6 =	vld [tilespmem:s6+$0x11470]  }
0x140: {  	[tilespmem:s6+$0x11410] =	vst v5;
	v2 =	vmul.f32 $1.131370830e+01, v2  }
0x141: {  	[tilespmem:s6+$0x11420] =	vst v4;
	v0 =	vmul.f32 $1.131370830e+01, v0  }
0x142: {  	[tilespmem:s6+$0x11430] =	vst v2;
	v1 =	vmul.f32 $1.131370830e+01, v1  }
0x143: {  	[tilespmem:s6+$0x11440] =	vst v0;
	v0 =	vmul.f32 $1.131370830e+01, v3  }
0x144: {  	s9 =	sadd.s32 s15, s0;
	[tilespmem:s6+$0x11450] =	vst v1;
	v1 =	vmul.f32 $1.131370830e+01, v6  }
0x145: {  	s9 =	sshrl.u32 s9, $0x3;
	[tilespmem:s6+$0x11460] =	vst v0  }
0x146: {  	s10 =	simm.s32 $0x11400;
	s9 =	sadd.s32 s3, s9;
	[tilespmem:s6+$0x11470] =	vst v1;
	s6 =	simm.s32 @!p0 $0x11  }
0x147: {  	[hbm4b:s9+s4] =	stream.linear.scatter [tilespmem:s10], [sflag:$0x12], $0x2000, $0x38;
	[tilespmem:$0x17400] =	vst v63  }
0x148: {  	_ =	swait.ge @!p0 [sflag:s6], $0x2000  }
0x149: {  	s9 =	simm.s32 @!p0 $0x40;
	[sflag:s6] =	ssyncset.done @!p0 $0x0  }
0x14a: {  	s10 =	simm.s32 @!p0 $0xF400;
	[sflag:s6] =	ssyncadd.s32 @!p0 $0xFFFFE000;
	s6 =	sadd.s32 @!p0 $0x800, s23  }
0x14b: {  	[tilespmem:s10], [sflag:$0x7] =	stream.indirect.gather @!p0 [hbm4b:s1+s9], $0x80, s6, s9, $0xb8;
	[tilespmem:$0x17400] =	vst v63  }
0x14c: {  	_ =	swait.ge [sflag:s22], $0x2000  }
0x14d: {  	[sflag:s22] =	ssyncset.done $0x0  }
0x14e: {  	s6 =	simm.s32 $0x0;
	[sflag:s22] =	ssyncadd.s32 $0xFFFFE000  }
0x14f: {  	v3 =	vld [tilespmem:s6+$0x13400]  }
0x150: {  	v5 =	vld [tilespmem:s6+$0x13410]  }
0x151: {  	v4 =	vld [tilespmem:s6+$0x13420]  }
0x152: {  	v2 =	vld [tilespmem:s6+$0x13430]  }
0x153: {  	v0 =	vld [tilespmem:s6+$0x13440]  }
0x154: {  	v1 =	vld [tilespmem:s6+$0x13450];
	v6 =	vmul.f32 $1.131370830e+01, v3  }
0x155: {  	s9 =	simm.s32 $0x200;
	v5 =	vmul.f32 $1.131370830e+01, v5;
	v3 =	vld [tilespmem:s6+$0x13460]  }
.LBB2_19:
0x156: {  	s10 =	sshra.s32 s9, $0x2;
	p1 =	sne.s32 s9, $0x7E00;
	[tilespmem:s6+$0x13400] =	vst v6;
	v4 =	vmul.f32 $1.131370830e+01, v4;
	v6 =	vld [tilespmem:s6+$0x13470]  }
0x157: {  	v7 =	vld [tilespmem:s10+$0x13400];
	[tilespmem:s6+$0x13410] =	vst v5;
	v2 =	vmul.f32 $1.131370830e+01, v2  }
0x158: {  	v5 =	vld [tilespmem:s10+$0x13410];
	[tilespmem:s6+$0x13420] =	vst v4;
	v0 =	vmul.f32 $1.131370830e+01, v0  }
.Ltmp10:
0x159: {  	v4 =	vld [tilespmem:s10+$0x13420];
	[tilespmem:s6+$0x13430] =	vst v2;
	v1 =	vmul.f32 $1.131370830e+01, v1;
	(pc) =	sbr.rel @p1 .LBB2_19-.Ltmp10, $4  }
0x15a: {  	v2 =	vld [tilespmem:s10+$0x13430];
	[tilespmem:s6+$0x13440] =	vst v0;
	v3 =	vmul.f32 $1.131370830e+01, v3  }
0x15b: {  	v0 =	vld [tilespmem:s10+$0x13440];
	[tilespmem:s6+$0x13450] =	vst v1;
	v8 =	vmul.f32 $1.131370830e+01, v6  }
0x15c: {  	v6 =	vmul.f32 $1.131370830e+01, v7;
	v1 =	vld [tilespmem:s10+$0x13450];
	[tilespmem:s6+$0x13460] =	vst v3  }
0x15d: {  	s9 =	sadd.s32 $0x200, s9;
	v5 =	vmul.f32 $1.131370830e+01, v5;
	v3 =	vld [tilespmem:s10+$0x13460];
	[tilespmem:s6+$0x13470] =	vst v8;
	s6 =	smov.u32 s10  }
0x15e: {  	[tilespmem:s6+$0x13400] =	vst v6;
	v4 =	vmul.f32 $1.131370830e+01, v4;
	v6 =	vld [tilespmem:s6+$0x13470]  }
0x15f: {  	[tilespmem:s6+$0x13410] =	vst v5;
	v2 =	vmul.f32 $1.131370830e+01, v2  }
0x160: {  	[tilespmem:s6+$0x13420] =	vst v4;
	v0 =	vmul.f32 $1.131370830e+01, v0  }
0x161: {  	[tilespmem:s6+$0x13430] =	vst v2;
	v1 =	vmul.f32 $1.131370830e+01, v1  }
0x162: {  	[tilespmem:s6+$0x13440] =	vst v0;
	v0 =	vmul.f32 $1.131370830e+01, v3  }
0x163: {  	s0 =	sadd.s32 s16, s0;
	[tilespmem:s6+$0x13450] =	vst v1;
	v1 =	vmul.f32 $1.131370830e+01, v6  }
0x164: {  	s0 =	sshrl.u32 s0, $0x3;
	[tilespmem:s6+$0x13460] =	vst v0  }
0x165: {  	s0 =	sadd.s32 s3, s0;
	[tilespmem:s6+$0x13470] =	vst v1  }
0x166: {  	[hbm4b:s0+s4] =	stream.linear.scatter [tilespmem:s28], [sflag:$0x13], $0x2000, $0x38;
	[tilespmem:$0x17400] =	vst v63  }
0x167: {  	s0 =	simm.s32 @!p0 $0x12  }
0x168: {  	_ =	swait.ge @!p0 [sflag:s0], $0x2000  }
0x169: {  	s9 =	simm.s32 @!p0 $0x11400;
	[sflag:s0] =	ssyncset.done @!p0 $0x0  }
0x16a: {  	s6 =	simm.s32 @!p0 $0x40;
	[sflag:s0] =	ssyncadd.s32 @!p0 $0xFFFFE000;
	s0 =	sadd.s32 @!p0 $0x880, s23  }
0x16b: {  	[tilespmem:s9], [sflag:$0x8] =	stream.indirect.gather @!p0 [hbm4b:s1+s6], $0x80, s0, s6, $0xb8;
	[tilespmem:$0x17400] =	vst v63  }
0x16c: {  	_ =	swait.ge [sflag:s24], $0x2000  }
0x16d: {  	[sflag:s24] =	ssyncset.done $0x0  }
0x16e: {  	s0 =	simm.s32 $0x0;
	[sflag:s24] =	ssyncadd.s32 $0xFFFFE000  }
0x16f: {  	v3 =	vld [tilespmem:s0+$0x15400]  }
0x170: {  	v5 =	vld [tilespmem:s0+$0x15410]  }
0x171: {  	v4 =	vld [tilespmem:s0+$0x15420]  }
0x172: {  	v2 =	vld [tilespmem:s0+$0x15430]  }
0x173: {  	v0 =	vld [tilespmem:s0+$0x15440]  }
0x174: {  	v1 =	vld [tilespmem:s0+$0x15450];
	v6 =	vmul.f32 $1.131370830e+01, v3  }
0x175: {  	s6 =	simm.s32 $0x200;
	v5 =	vmul.f32 $1.131370830e+01, v5;
	v3 =	vld [tilespmem:s0+$0x15460]  }
.LBB2_21:
0x176: {  	s9 =	sshra.s32 s6, $0x2;
	p1 =	sne.s32 s6, $0x7E00;
	[tilespmem:s0+$0x15400] =	vst v6;
	v4 =	vmul.f32 $1.131370830e+01, v4;
	v6 =	vld [tilespmem:s0+$0x15470]  }
0x177: {  	v7 =	vld [tilespmem:s9+$0x15400];
	[tilespmem:s0+$0x15410] =	vst v5;
	v2 =	vmul.f32 $1.131370830e+01, v2  }
0x178: {  	v5 =	vld [tilespmem:s9+$0x15410];
	[tilespmem:s0+$0x15420] =	vst v4;
	v0 =	vmul.f32 $1.131370830e+01, v0  }
.Ltmp11:
0x179: {  	v4 =	vld [tilespmem:s9+$0x15420];
	[tilespmem:s0+$0x15430] =	vst v2;
	v1 =	vmul.f32 $1.131370830e+01, v1;
	(pc) =	sbr.rel @p1 .LBB2_21-.Ltmp11, $4  }
0x17a: {  	v2 =	vld [tilespmem:s9+$0x15430];
	[tilespmem:s0+$0x15440] =	vst v0;
	v3 =	vmul.f32 $1.131370830e+01, v3  }
0x17b: {  	v0 =	vld [tilespmem:s9+$0x15440];
	[tilespmem:s0+$0x15450] =	vst v1;
	v8 =	vmul.f32 $1.131370830e+01, v6  }
0x17c: {  	v6 =	vmul.f32 $1.131370830e+01, v7;
	v1 =	vld [tilespmem:s9+$0x15450];
	[tilespmem:s0+$0x15460] =	vst v3  }
0x17d: {  	s6 =	sadd.s32 $0x200, s6;
	v5 =	vmul.f32 $1.131370830e+01, v5;
	v3 =	vld [tilespmem:s9+$0x15460];
	[tilespmem:s0+$0x15470] =	vst v8;
	s0 =	smov.u32 s9  }
0x17e: {  	[tilespmem:s0+$0x15400] =	vst v6;
	v4 =	vmul.f32 $1.131370830e+01, v4;
	v61 =	vld [tilespmem:s0+$0x15470]  }
0x17f: {  	[tilespmem:s0+$0x15410] =	vst v5;
	v2 =	vmul.f32 $1.131370830e+01, v2  }
0x180: {  	[tilespmem:s0+$0x15420] =	vst v4;
	v0 =	vmul.f32 $1.131370830e+01, v0  }
0x181: {  	[tilespmem:s0+$0x15430] =	vst v2;
	v1 =	vmul.f32 $1.131370830e+01, v1  }
.Ltmp12:
0x182: {  	s6 =	sshll.u32 s31, $0xD;
	[tilespmem:s0+$0x15440] =	vst v0;
	v62 =	vmul.f32 $1.131370830e+01, v3;
	(pc) =	sbr.rel @p0 .LBB2_24-.Ltmp12, $4  }
0x183: {  	s6 =	sadd.s32 s5, s6;
	[tilespmem:s0+$0x15450] =	vst v1;
	v63 =	vmul.f32 $1.131370830e+01, v61  }
0x184: {  	s6 =	sshrl.u32 s6, $0x3;
	[tilespmem:s0+$0x15460] =	vst v62  }
0x185: {  	s31 =	sadd.s32 s3, s6;
	[tilespmem:s0+$0x15470] =	vst v63  }
0x186: {  	[hbm4b:s31+s4] =	stream.linear.scatter [tilespmem:s21], [sflag:$0x14], $0x2000, $0x38;
	[tilespmem:$0x17400] =	vst v63  }
0x187: {  	s0 =	smul.u32 $0x1400, s29  }
.Ltmp13:
0x188: {  	_ = 	snop;
	(pc) =	sbr.rel .LBB2_2-.Ltmp13, $4  }
0x189: {  	_ =	swait.ge [sflag:s26], $0x2000  }
0x18a: {  	[sflag:s26] =	ssyncset.done $0x0;
	s0 =	sshra.s32 s0, $0x2  }
0x18b: {  	s29 =	sadd.s32 $0x1, s29;
	[sflag:s26] =	ssyncadd.s32 $0xFFFFE000;
	s0 =	sadd.s32 $0x900, s0  }
0x18c: {  	[tilespmem:s28], [sflag:$0x9] =	stream.indirect.gather [hbm4b:s1+s19], $0x80, s0, s19, $0xb8;
	[tilespmem:$0x17400] =	vst v63  }
.LBB2_25:
0x18d: {  	_ =	sfence.sel $0x180000  }
0x18e: {  	[bflag:$0x0] =	sbarrier.arrive $0xFFFF  }
0x18f: {  	_ =	strace $0x90000047  }
0x190: {  	s0 =	stileid.u32;
	[bflag:$0x2] =	sbarrier.arrive $0xFFFF  }
0x191: {  	p0 =	sne.s32 s0, $0x0;
	s0 =	rddreg [dreg:$0x3]  }
0x192: {  	s0 =	sadd.s32 @!p0 $0x100000, s0  }
0x193: {  	[sflag:s0] =	ssyncadd.tile.s32 @!p0 $0x1;
	_ =	shalt  }
.Lfunc_end2:
_tile_overlayer_lowered:
.L_overlay_start_2:
0x194: {  	(tag) =	ssettag $0x2  }
0x195: {  	s0 =	rddreg [dreg:$0x0];
	s2 =	stileid.u32  }
0x196: {  	s1 =	rddreg [dreg:$0x1];
	p0 =	sne.s32 s2, $0x0  }
0x197: {  	s3 =	rddreg [dreg:$0x2];
	[bflag:$0x3] =	sbarrier.arrive $0xFFFF;
	s2 =	simm.s32 @!p0 $0x1C15  }
0x198: {  	[timem:s3], [sflag:s2] =	dma.local @!p0 [hbm:s0], s1  }
0x199: {  	s0 =	simm.s32 @!p0 $0x15  }
0x19a: {  	_ =	swait.ge @!p0 [sflag:s0], s1  }
0x19b: {  	s1 =	ssub.s32 @!p0 $0x0, s1;
	[sflag:s0] =	ssyncset.done @!p0 $0x0  }
0x19c: {  	[sflag:s0] =	ssyncadd.s32 @!p0 s1  }
0x19d: {  	[bflag:$0x3] =	sbarrier.arrive $0xFFFF  }
0x19e: {  	_ =	shalt  }

</sc_bundles>
